<compile_context>
chip_gen: v7x
topology: tpu7x:2x2x1
jax: 0.10.2.dev20260603
libtpu: 0.0.44.dev20260713+nightly
codegen_flags: <defaults>
</compile_context>

<pallas_src>
import functools

import jax
import jax.numpy as jnp
from jax import lax
from jax.experimental import pallas as pl
from jax.experimental.pallas import tpu as pltpu
from jax.experimental.pallas import tpu_sc as plsc

N = 10000
E = 320000
D = 128
G = 16
NUM_EXPERTS = 4

NC = 2
NS = 16
NW = NC * NS
K = 128
EPW = 10240
EPAD = NW * EPW
ITERS = EPW // K
NROWS = 10240
RPT = NROWS // NS
DUMMY_ROW = N + 64
HALVES = 2
CPH = EPW // K // HALVES
CHUNKS = EPAD // K
BLK = 40
C_SLOW = 0
C_FAST = (CHUNKS - NS * C_SLOW) // NS


_MESH = plsc.VectorSubcoreMesh(
    core_axis_name="c", subcore_axis_name="s", num_cores=NC, num_subcores=NS)


def _sc_segment_pass():

  def body(x_hbm, src_hbm, dst_hbm, zs_hbm, s_out,
           srcb_v, dstb_v, rows0, rows1, s_sh, gs0, gs1, ss0, ss1):
    c = lax.axis_index("c")
    s = lax.axis_index("s")
    w = c * NS + s
    row0 = s * RPT
    pltpu.sync_copy(zs_hbm.at[pl.ds(row0, RPT)], s_sh.at[pl.ds(row0, RPT)])
    plsc.subcore_barrier()

    count = jnp.where(c == 0, C_SLOW, C_FAST)
    start = jnp.where(c == 0, s * C_SLOW, NS * C_SLOW + s * C_FAST)

    def blk(bi, carry):
      b0 = start + bi * BLK
      pltpu.sync_copy(src_hbm.at[pl.ds(b0, BLK)], srcb_v)
      pltpu.sync_copy(dst_hbm.at[pl.ds(b0, BLK)], dstb_v)

      def pair(j, carry2):
        g0 = pltpu.async_copy(x_hbm.at[srcb_v.at[2 * j]], rows0, gs0)
        g1 = pltpu.async_copy(x_hbm.at[srcb_v.at[2 * j + 1]], rows1, gs1)
        g0.wait()
        s0 = pltpu.async_copy(rows0, s_sh.at[dstb_v.at[2 * j]], ss0, add=True)
        g1.wait()
        s1 = pltpu.async_copy(rows1, s_sh.at[dstb_v.at[2 * j + 1]], ss1,
                              add=True)
        s0.wait()
        s1.wait()
        return carry2

      lax.fori_loop(0, BLK // 2, pair, 0)
      return carry

    lax.fori_loop(0, count // BLK, blk, 0)
    plsc.subcore_barrier()
    pltpu.sync_copy(s_sh.at[pl.ds(row0, RPT)], s_out.at[c, pl.ds(row0, RPT)])

  return pl.kernel(
      body,
      out_type=jax.ShapeDtypeStruct((NC, NROWS, D), jnp.float32),
      mesh=_MESH,
      scratch_types=[
          pltpu.VMEM((BLK, K), jnp.int32),
          pltpu.VMEM((BLK, K), jnp.int32),
          pltpu.VMEM((K, D), jnp.float32),
          pltpu.VMEM((K, D), jnp.float32),
          pltpu.VMEM_SHARED((NROWS, D), jnp.float32),
          pltpu.SemaphoreType.DMA,
          pltpu.SemaphoreType.DMA,
          pltpu.SemaphoreType.DMA,
          pltpu.SemaphoreType.DMA,
      ])


FR = NROWS * 8 // 128
NCH = FR // 128
FR_PT = FR // NS


def _sc_ea_pass():

  def body(eaf_hbm, dst_hbm, zf_hbm, ident_hbm, a_out,
           dst_v, eaf_v, a_acc, ident_v, a_sh):
    c = lax.axis_index("c")
    s = lax.axis_index("s")
    w = c * NS + s
    row0 = s * FR_PT
    pltpu.sync_copy(zf_hbm.at[pl.ds(row0, FR_PT)],
                    a_sh.at[pl.ds(row0, FR_PT)])
    pltpu.sync_copy(zf_hbm, a_acc)
    pltpu.sync_copy(ident_hbm, ident_v)
    plsc.subcore_barrier()
    iota = lax.iota(jnp.int32, 16)
    cols = jnp.bitwise_and(iota, 7)
    mlow = iota < 8
    mhigh = jnp.logical_not(mlow)

    def step(i, carry):
      b = w * EPW + i * K
      pltpu.sync_copy(dst_hbm.at[pl.ds(b, K)], dst_v)
      pltpu.sync_copy(eaf_hbm.at[pl.ds(b * 8, K * 8)], eaf_v)
      for q in range(K * 8 // 16):
        eidx = lax.shift_right_logical(q * 16 + iota, 3)
        rows = plsc.load_gather(dst_v, [eidx])
        flat = rows * 8 + cols
        frow = lax.shift_right_logical(flat, 7)
        fcol = jnp.bitwise_and(flat, 127)
        vals = eaf_v[pl.ds(q * 16, 16)]
        plsc.addupdate_scatter(a_acc, [frow, fcol], vals, mask=mlow)
        plsc.addupdate_scatter(a_acc, [frow, fcol], vals, mask=mhigh)
      return carry

    lax.fori_loop(0, ITERS, step, 0)
    plsc.subcore_barrier()
    for j in range(NCH):
      pltpu.sync_copy(a_acc.at[pl.ds(j * 128, 128)],
                      a_sh.at[ident_v.at[j]], add=True)
    plsc.subcore_barrier()
    pltpu.sync_copy(a_sh.at[pl.ds(row0, FR_PT)],
                    a_out.at[c, pl.ds(row0, FR_PT)])

  return pl.kernel(
      body,
      out_type=jax.ShapeDtypeStruct((NC, FR, 128), jnp.float32),
      mesh=_MESH,
      scratch_types=[
          pltpu.VMEM((K,), jnp.int32),
          pltpu.VMEM((K * 8,), jnp.float32),
          pltpu.VMEM((FR, 128), jnp.float32),
          pltpu.VMEM((NCH, 128), jnp.int32),
          pltpu.VMEM_SHARED((FR, 128), jnp.float32),
      ],
      compiler_params=pltpu.CompilerParams(needs_layout_passes=False))


_TCB = 1000
_TCG = N // _TCB


def _gru_body(sg, xr, ar, emwt, embr, wiht, whht, bihr, bhhr, out):
  x = xr[...]
  a = ar[0] + ar[1]
  cmat = jnp.dot(a[:, :4], emwt[...], preferred_element_type=jnp.float32)
  m = sg[0] + sg[1] + x + cmat + (a[:, 4:5] + 1.0) * embr[...]
  gi = jnp.dot(m, wiht[...], preferred_element_type=jnp.float32) + bihr[...]
  gh = jnp.dot(x, whht[...], preferred_element_type=jnp.float32) + bhhr[...]
  r = jax.nn.sigmoid(gi[:, :D] + gh[:, :D])
  z = jax.nn.sigmoid(gi[:, D:2 * D] + gh[:, D:2 * D])
  nn_ = jnp.tanh(gi[:, 2 * D:] + r * gh[:, 2 * D:])
  out[...] = jnp.maximum((1.0 - z) * nn_ + z * x, 0.0)


def _gru_layer(sg, x, a_aug, emwt, emb_r, wiht, whht, bih_r, bhh_r):
  return pl.pallas_call(
      _gru_body,
      grid=(_TCG,),
      in_specs=[
          pl.BlockSpec((NC, _TCB, D), lambda i: (0, i, 0)),
          pl.BlockSpec((_TCB, D), lambda i: (i, 0)),
          pl.BlockSpec((NC, _TCB, 8), lambda i: (0, i, 0)),
          pl.BlockSpec((4, D), lambda i: (0, 0)),
          pl.BlockSpec((1, D), lambda i: (0, 0)),
          pl.BlockSpec((D, 3 * D), lambda i: (0, 0)),
          pl.BlockSpec((D, 3 * D), lambda i: (0, 0)),
          pl.BlockSpec((1, 3 * D), lambda i: (0, 0)),
          pl.BlockSpec((1, 3 * D), lambda i: (0, 0)),
      ],
      out_specs=pl.BlockSpec((_TCB, D), lambda i: (i, 0)),
      out_shape=jax.ShapeDtypeStruct((N, D), jnp.float32),
  )(sg, x, a_aug, emwt, emb_r, wiht, whht, bih_r, bhh_r)


def _moe_pool_body(h2r, batchr, gwt, gbr, ewt, ebr, outr):
  h2 = h2r[...]
  g = jnp.dot(h2, gwt[...], preferred_element_type=jnp.float32) + gbr[...]
  g = g - jnp.max(g, axis=1, keepdims=True)
  eg = jnp.exp(g)
  gw = eg / jnp.sum(eg, axis=1, keepdims=True)
  acc = jnp.zeros((_TCB, D), jnp.float32)
  for e in range(NUM_EXPERTS):
    ye = jnp.dot(h2, ewt[e], preferred_element_type=jnp.float32) + ebr[e][None, :]
    acc = acc + gw[:, e:e + 1] * jnp.maximum(ye, 0.0)
  bt = batchr[0, 0, :]
  gidx = lax.broadcasted_iota(jnp.int32, (G, _TCB), 0)
  onehot_t = (gidx == bt[None, :]).astype(jnp.float32)
  s_part = jnp.dot(onehot_t, acc, preferred_element_type=jnp.float32)
  c_part = jnp.dot(onehot_t, jnp.ones((_TCB, D), jnp.float32),
                   preferred_element_type=jnp.float32)

  @pl.when(pl.program_id(0) == 0)
  def _():
    outr[...] = jnp.zeros((2 * G, D), jnp.float32)

  outr[0:G, :] += s_part
  outr[G:2 * G, :] += c_part


def _moe_pool(h2, batch3, gwt, gb_r, ewt, eb):
  return pl.pallas_call(
      _moe_pool_body,
      grid=(_TCG,),
      in_specs=[
          pl.BlockSpec((_TCB, D), lambda i: (i, 0)),
          pl.BlockSpec((1, 1, _TCB), lambda i: (i, 0, 0)),
          pl.BlockSpec((D, NUM_EXPERTS), lambda i: (0, 0)),
          pl.BlockSpec((1, NUM_EXPERTS), lambda i: (0, 0)),
          pl.BlockSpec((NUM_EXPERTS, D, D), lambda i: (0, 0, 0)),
          pl.BlockSpec((NUM_EXPERTS, D), lambda i: (0, 0)),
      ],
      out_specs=pl.BlockSpec((2 * G, D), lambda i: (0, 0)),
      out_shape=jax.ShapeDtypeStruct((2 * G, D), jnp.float32),
  )(h2, batch3, gwt, gb_r, ewt, eb)


def _final_body(pr, flr, pwr, pbr, w1r, w2r, fbr, ger, lor):
  s = pr[0:G, :]
  cnt = pr[G:2 * G, :]
  ge = s / jnp.maximum(cnt, 1.0)
  ldxb = flr[:, 0:1] * pwr[...] + pbr[...]
  logits = (jnp.dot(ldxb, w1r[...], preferred_element_type=jnp.float32)
            + jnp.dot(ge, w2r[...], preferred_element_type=jnp.float32)
            + fbr[...])
  ger[...] = ge
  lor[...] = logits


def _final(pooled, flag_b, pjw_r, pjb_r, w1t, w2t, fcb_r):
  return pl.pallas_call(
      _final_body,
      out_shape=(jax.ShapeDtypeStruct((G, D), jnp.float32),
                 jax.ShapeDtypeStruct((G, D), jnp.float32)),
  )(pooled, flag_b, pjw_r, pjb_r, w1t, w2t, fcb_r)


def kernel(x, edge_index, edge_attr, batch, prob_dist, ldxb_flag, c1_emW,
           c1_emb, c1_Wih, c1_Whh, c1_bih, c1_bhh, c2_emW, c2_emb, c2_Wih,
           c2_Whh, c2_bih, c2_bhh, gateW, gateb, expW, expb, projW, projb,
           fcW, fcb):
  f32 = jnp.float32
  pad = EPAD - E
  src = jnp.concatenate(
      [edge_index[0].astype(jnp.int32), jnp.zeros((pad,), jnp.int32)])
  dst = jnp.concatenate(
      [edge_index[1].astype(jnp.int32),
       jnp.full((pad,), DUMMY_ROW, jnp.int32)])
  ea_aug = jnp.concatenate(
      [edge_attr.astype(f32),
       jnp.ones((E, 1), f32),
       jnp.zeros((E, 3), f32)], axis=1)
  ea_aug = jnp.concatenate([ea_aug, jnp.zeros((pad, 8), f32)], axis=0)
  zs = jnp.zeros((NROWS, D), f32)
  zf = jnp.zeros((FR, D), f32)
  ident = jnp.arange(FR, dtype=jnp.int32).reshape(NCH, 128)

  src4 = src.reshape(CHUNKS, K)
  dst4 = dst.reshape(CHUNKS, K)

  a_flat = _sc_ea_pass()(ea_aug.reshape(-1), dst, zf, ident)
  a_aug = a_flat.reshape(NC, NROWS, 8)
  s1 = _sc_segment_pass()(x.astype(f32), src4, dst4, zs)

  emwt1 = c1_emW.T.astype(f32)
  emwt2 = c2_emW.T.astype(f32)
  h1 = _gru_layer(s1, x.astype(f32), a_aug, emwt1, c1_emb[None, :],
                  c1_Wih.T, c1_Whh.T, c1_bih[None, :], c1_bhh[None, :])

  s2 = _sc_segment_pass()(h1, src4, dst4, zs)
  h2 = _gru_layer(s2, h1, a_aug, emwt2, c2_emb[None, :],
                  c2_Wih.T, c2_Whh.T, c2_bih[None, :], c2_bhh[None, :])

  batch3 = batch.astype(jnp.int32).reshape(_TCG, 1, _TCB)
  pooled = _moe_pool(h2, batch3, gateW.T, gateb[None, :],
                     jnp.transpose(expW, (0, 2, 1)), expb)

  flag_b = jnp.broadcast_to(ldxb_flag.astype(f32)[:, None], (G, D))
  pjw_r = jnp.zeros((1, D), f32).at[0, :100].set(projW[:, 0])
  pjb_r = jnp.zeros((1, D), f32).at[0, :100].set(projb)
  w1t = jnp.zeros((D, D), f32).at[:100, :].set(fcW[:, :100].T)
  w2t = fcW[:, 100:].T
  ge, logits = _final(pooled, flag_b, pjw_r, pjb_r, w1t, w2t, fcb[None, :])
  return (ge, ge, logits)

# --- scband reference (transcript-rebuilt; emitter-appended) ---
"""Pipeline reference for scband-gnnwith-mo-e-79061757984894 (READ-ONLY COPY).

The authoritative reference and input builder live on the scoring server;
editing this copy changes nothing except your own understanding.
"""

import jax, jax.numpy as jnp
import numpy as np

N = 10000
E = 320000
D = 128
H = 128
EDGE_DIM = 4
NUM_EXPERTS = 4
NUM_CLASSES = 128
G = 16

def _linear(x, W, b):
    return x @ W.T + b

def _ggnn_layer(x, edge_index, edge_attr, emW, emb, Wih, Whh, bih, bhh):
    n = x.shape[0]
    loops = jnp.arange(n)
    src = jnp.concatenate([edge_index[0], loops])
    dst = jnp.concatenate([edge_index[1], loops])
    ea = jnp.concatenate([edge_attr, jnp.zeros((n, edge_attr.shape[1]), edge_attr.dtype)], axis=0)
    ea = _linear(ea, emW, emb)
    msg = x[src] + ea
    m = jax.ops.segment_sum(msg, dst, num_segments=n)
    gi = _linear(m, Wih, bih)
    gh = _linear(x, Whh, bhh)
    h = x.shape[1]
    r = jax.nn.sigmoid(gi[:, :h] + gh[:, :h])
    z = jax.nn.sigmoid(gi[:, h:2 * h] + gh[:, h:2 * h])
    nn_ = jnp.tanh(gi[:, 2 * h:] + r * gh[:, 2 * h:])
    return (1.0 - z) * nn_ + z * x

def _moe(x, gateW, gateb, expW, expb):
    gw = jax.nn.softmax(_linear(x, gateW, gateb), axis=1)
    eo = jax.nn.relu(jnp.einsum('nh,eoh->neo', x, expW) + expb[None, :, :])
    return jnp.einsum('ne,neo->no', gw, eo)

def setup_inputs(seed: int = 0):
    key = jax.random.key(seed)
    k = lambda i: jax.random.fold_in(key, i)
    inp = {}
    inp['x'] = jax.random.normal(k(0), (N, D), jnp.float32)
    inp['edge_index'] = jax.random.randint(k(1), (2, E), 0, N)
    inp['edge_attr'] = jax.random.normal(k(2), (E, EDGE_DIM), jnp.float32)
    inp['batch'] = jnp.sort(jax.random.randint(k(3), (N,), 0, G))
    inp['prob_dist'] = jax.random.uniform(k(4), (G, NUM_CLASSES), jnp.float32)
    inp['ldxb_flag'] = jax.random.normal(k(5), (G,), jnp.float32)
    inp['c1_emW'] = jax.random.normal(k(6), (D, EDGE_DIM), jnp.float32) * 0.1
    inp['c1_emb'] = jnp.zeros((D,), jnp.float32)
    inp['c1_Wih'] = jax.random.normal(k(7), (3 * H, D), jnp.float32) * 0.05
    inp['c1_Whh'] = jax.random.normal(k(8), (3 * H, H), jnp.float32) * 0.05
    inp['c1_bih'] = jnp.zeros((3 * H,), jnp.float32)
    inp['c1_bhh'] = jnp.zeros((3 * H,), jnp.float32)
    inp['c2_emW'] = jax.random.normal(k(9), (H, EDGE_DIM), jnp.float32) * 0.1
    inp['c2_emb'] = jnp.zeros((H,), jnp.float32)
    inp['c2_Wih'] = jax.random.normal(k(10), (3 * H, H), jnp.float32) * 0.05
    inp['c2_Whh'] = jax.random.normal(k(11), (3 * H, H), jnp.float32) * 0.05
    inp['c2_bih'] = jnp.zeros((3 * H,), jnp.float32)
    inp['c2_bhh'] = jnp.zeros((3 * H,), jnp.float32)
    inp['gateW'] = jax.random.normal(k(12), (NUM_EXPERTS, H), jnp.float32) * 0.05
    inp['gateb'] = jnp.zeros((NUM_EXPERTS,), jnp.float32)
    inp['expW'] = jax.random.normal(k(13), (NUM_EXPERTS, H, H), jnp.float32) * 0.05
    inp['expb'] = jnp.zeros((NUM_EXPERTS, H), jnp.float32)
    inp['projW'] = jax.random.normal(k(14), (100, 1), jnp.float32) * 0.5
    inp['projb'] = jnp.zeros((100,), jnp.float32)
    inp['fcW'] = jax.random.normal(k(15), (NUM_CLASSES, H + 100), jnp.float32) * 0.05
    inp['fcb'] = jnp.zeros((NUM_CLASSES,), jnp.float32)
    return inp

def reference(x, edge_index, edge_attr, batch, prob_dist, ldxb_flag, c1_emW, c1_emb, c1_Wih, c1_Whh, c1_bih, c1_bhh, c2_emW, c2_emb, c2_Wih, c2_Whh, c2_bih, c2_bhh, gateW, gateb, expW, expb, projW, projb, fcW, fcb):
    ldxb = _linear(ldxb_flag[:, None], projW, projb)
    h1 = jax.nn.relu(_ggnn_layer(x, edge_index, edge_attr, c1_emW, c1_emb, c1_Wih, c1_Whh, c1_bih, c1_bhh))
    h2 = jax.nn.relu(_ggnn_layer(h1, edge_index, edge_attr, c2_emW, c2_emb, c2_Wih, c2_Whh, c2_bih, c2_bhh))
    h3 = _moe(h2, gateW, gateb, expW, expb)
    s = jax.ops.segment_sum(h3, batch, num_segments=G)
    cnt = jax.ops.segment_sum(jnp.ones((h3.shape[0],), h3.dtype), batch, num_segments=G)
    graph_emb = s / jnp.maximum(cnt, 1.0)[:, None]
    logits = _linear(jnp.concatenate([ldxb, graph_emb], axis=1), fcW, fcb)
    return (graph_emb, graph_emb, logits)

if __name__ == "__main__":
    import jax
    _d = setup_inputs()
    print(jax.jit(kernel)(*tuple(_d.values())))

</pallas_src>

<mosaic_0001>
#map = affine_map<(d0, d1) -> (0)>
#map1 = affine_map<(d0, d1) -> (0, 0)>
#map2 = affine_map<(d0, d1) -> (0, 0, 0)>
module attributes {stable_mosaic.version = 14 : i64} {
  func.func @body(%arg0: i32, %arg1: i32, %arg2: memref<2621440xf32, #tpu.memory_space<hbm>>, %arg3: memref<327680xi32, #tpu.memory_space<hbm>>, %arg4: memref<640x128xf32, #tpu.memory_space<hbm>>, %arg5: memref<5x128xi32, #tpu.memory_space<hbm>>, %arg6: memref<2x640x128xf32, #tpu.memory_space<hbm>>, %arg7: memref<128xi32, #tpu.memory_space<vmem>>, %arg8: memref<1024xf32, #tpu.memory_space<vmem>>, %arg9: memref<640x128xf32, #tpu.memory_space<vmem>>, %arg10: memref<5x128xi32, #tpu.memory_space<vmem>>, %arg11: memref<640x128xf32, #tpu.memory_space<vmem_shared>>) attributes {dimension_semantics = [#tpu.dimension_semantics<core_parallel>, #tpu.dimension_semantics<subcore_parallel>], iteration_bounds = array<i64: 2, 16>, scalar_prefetch = 0 : i64, scratch_operands = 5 : i64, tpu.core_type = #tpu.core_type<sc_vector_subcore>, window_params = [{transform_indices = #map}, {transform_indices = #map}, {transform_indices = #map1}, {transform_indices = #map1}, {transform_indices = #map2}]} {
    %mul3A = arith.constant 16 : i32
    %mul3A_0 = arith.muli %arg0, %mul3A : i32
    %add3A = arith.addi %mul3A_0, %arg1 : i32
    %mul3A_1 = arith.constant 40 : i32
    %mul3A_2 = arith.muli %arg1, %mul3A_1 : i32
    "tpu.region"() ({
      %run_scoped3A_19 = tpu.sem_alloc : memref<!tpu.dma_semaphore, #tpu.memory_space<semaphore_mem>>
      %dma_start3A = arith.constant 0 : i32
      %dma_start3A_20 = tpu.memref_slice %arg11[%mul3A_2, %dma_start3A] : memref<640x128xf32, #tpu.memory_space<vmem_shared>> -> memref<40x128xf32, #tpu.memory_space<vmem_shared>>
      %dma_start3A_21 = arith.constant 0 : i32
      %dma_start3A_22 = tpu.memref_slice %arg4[%mul3A_2, %dma_start3A_21] : memref<640x128xf32, #tpu.memory_space<hbm>> -> memref<40x128xf32, #tpu.memory_space<hbm>>
      tpu.enqueue_dma source(%dma_start3A_22 : memref<40x128xf32, #tpu.memory_space<hbm>>) target(%dma_start3A_20 : memref<40x128xf32, #tpu.memory_space<vmem_shared>>) target_semaphore(%run_scoped3A_19 : memref<!tpu.dma_semaphore, #tpu.memory_space<semaphore_mem>>)
      %dma_wait3A = arith.constant 0 : i32
      %dma_wait3A_23 = tpu.memref_slice %arg11[%mul3A_2, %dma_wait3A] : memref<640x128xf32, #tpu.memory_space<vmem_shared>> -> memref<40x128xf32, #tpu.memory_space<vmem_shared>>
      %dma_wait3A_24 = arith.constant 0 : i32
      %dma_wait3A_25 = tpu.memref_slice %arg4[%mul3A_2, %dma_wait3A_24] : memref<640x128xf32, #tpu.memory_space<hbm>> -> memref<40x128xf32, #tpu.memory_space<hbm>>
      tpu.wait_dma2 semaphore(%run_scoped3A_19 : memref<!tpu.dma_semaphore, #tpu.memory_space<semaphore_mem>>) src(%dma_wait3A_25 : memref<40x128xf32, #tpu.memory_space<hbm>>) dst(%dma_wait3A_23 : memref<40x128xf32, #tpu.memory_space<vmem_shared>>)
      tpu.yield
    }) : () -> ()
    "tpu.region"() ({
      %run_scoped3A_19 = tpu.sem_alloc : memref<!tpu.dma_semaphore, #tpu.memory_space<semaphore_mem>>
      tpu.enqueue_dma source(%arg4 : memref<640x128xf32, #tpu.memory_space<hbm>>) target(%arg9 : memref<640x128xf32, #tpu.memory_space<vmem>>) target_semaphore(%run_scoped3A_19 : memref<!tpu.dma_semaphore, #tpu.memory_space<semaphore_mem>>)
      tpu.wait_dma2 semaphore(%run_scoped3A_19 : memref<!tpu.dma_semaphore, #tpu.memory_space<semaphore_mem>>) src(%arg4 : memref<640x128xf32, #tpu.memory_space<hbm>>) dst(%arg9 : memref<640x128xf32, #tpu.memory_space<vmem>>)
      tpu.yield
    }) : () -> ()
    "tpu.region"() ({
      %run_scoped3A_19 = tpu.sem_alloc : memref<!tpu.dma_semaphore, #tpu.memory_space<semaphore_mem>>
      tpu.enqueue_dma source(%arg5 : memref<5x128xi32, #tpu.memory_space<hbm>>) target(%arg10 : memref<5x128xi32, #tpu.memory_space<vmem>>) target_semaphore(%run_scoped3A_19 : memref<!tpu.dma_semaphore, #tpu.memory_space<semaphore_mem>>)
      tpu.wait_dma2 semaphore(%run_scoped3A_19 : memref<!tpu.dma_semaphore, #tpu.memory_space<semaphore_mem>>) src(%arg5 : memref<5x128xi32, #tpu.memory_space<hbm>>) dst(%arg10 : memref<5x128xi32, #tpu.memory_space<vmem>>)
      tpu.yield
    }) : () -> ()
    %barrier3A = arith.constant 0 : index
    tpu.barrier barrier_id(%barrier3A)
    %iota3A = tpu.iota {dimensions = array<i32: 0>} : vector<16xi32>
    %and3A = arith.constant 7 : i32
    %and3A_3 = vector.broadcast %and3A : i32 to vector<16xi32>
    %and3A_4 = arith.andi %iota3A, %and3A_3 : vector<16xi32>
    %lt3A = arith.constant 8 : i32
    %lt3A_5 = vector.broadcast %lt3A : i32 to vector<16xi32>
    %lt3A_6 = arith.cmpi slt, %iota3A, %lt3A_5 : vector<16xi32>
    %not3A = arith.constant dense<true> : vector<16xi1>
    %not3A_7 = arith.xori %lt3A_6, %not3A : vector<16xi1>
    %scan3A = arith.constant 0 : i32
    %scan3A_8 = arith.constant 0 : i32
    %scan3A_9 = arith.constant 80 : i32
    %scan3A_10 = arith.addi %scan3A_8, %scan3A_9 : i32
    %scan3A_11 = arith.constant 1 : i32
    scf.for %scan3A_19 = %scan3A_8 to %scan3A_10 step %scan3A_11  : i32 {
      %mul3A_20 = arith.constant 10240 : i32
      %mul3A_21 = arith.muli %add3A, %mul3A_20 : i32
      %mul3A_22 = arith.constant 128 : i32
      %mul3A_23 = arith.muli %scan3A_19, %mul3A_22 : i32
      %add3A_24 = arith.addi %mul3A_21, %mul3A_23 : i32
      "tpu.region"() ({
        %run_scoped3A_1240 = tpu.sem_alloc : memref<!tpu.dma_semaphore, #tpu.memory_space<semaphore_mem>>
        %dma_start3A = tpu.memref_slice %arg3[%add3A_24] : memref<327680xi32, #tpu.memory_space<hbm>> -> memref<128xi32, #tpu.memory_space<hbm>>
        %dma_start3A_1241 = tpu.memref_slice %arg3[%add3A_24] : memref<327680xi32, #tpu.memory_space<hbm>> -> memref<128xi32, #tpu.memory_space<hbm>>
        tpu.enqueue_dma source(%dma_start3A_1241 : memref<128xi32, #tpu.memory_space<hbm>>) target(%arg7 : memref<128xi32, #tpu.memory_space<vmem>>) target_semaphore(%run_scoped3A_1240 : memref<!tpu.dma_semaphore, #tpu.memory_space<semaphore_mem>>)
        %dma_wait3A = tpu.memref_slice %arg3[%add3A_24] : memref<327680xi32, #tpu.memory_space<hbm>> -> memref<128xi32, #tpu.memory_space<hbm>>
        %dma_wait3A_1242 = tpu.memref_slice %arg3[%add3A_24] : memref<327680xi32, #tpu.memory_space<hbm>> -> memref<128xi32, #tpu.memory_space<hbm>>
        tpu.wait_dma2 semaphore(%run_scoped3A_1240 : memref<!tpu.dma_semaphore, #tpu.memory_space<semaphore_mem>>) src(%dma_wait3A_1242 : memref<128xi32, #tpu.memory_space<hbm>>) dst(%arg7 : memref<128xi32, #tpu.memory_space<vmem>>)
        tpu.yield
      }) : () -> ()
      %mul3A_25 = arith.constant 8 : i32
      %mul3A_26 = arith.muli %add3A_24, %mul3A_25 : i32
      "tpu.region"() ({
        %run_scoped3A_1240 = tpu.sem_alloc : memref<!tpu.dma_semaphore, #tpu.memory_space<semaphore_mem>>
        %dma_start3A = tpu.memref_slice %arg2[%mul3A_26] : memref<2621440xf32, #tpu.memory_space<hbm>> -> memref<1024xf32, #tpu.memory_space<hbm>>
        %dma_start3A_1241 = tpu.memref_slice %arg2[%mul3A_26] : memref<2621440xf32, #tpu.memory_space<hbm>> -> memref<1024xf32, #tpu.memory_space<hbm>>
        tpu.enqueue_dma source(%dma_start3A_1241 : memref<1024xf32, #tpu.memory_space<hbm>>) target(%arg8 : memref<1024xf32, #tpu.memory_space<vmem>>) target_semaphore(%run_scoped3A_1240 : memref<!tpu.dma_semaphore, #tpu.memory_space<semaphore_mem>>)
        %dma_wait3A = tpu.memref_slice %arg2[%mul3A_26] : memref<2621440xf32, #tpu.memory_space<hbm>> -> memref<1024xf32, #tpu.memory_space<hbm>>
        %dma_wait3A_1242 = tpu.memref_slice %arg2[%mul3A_26] : memref<2621440xf32, #tpu.memory_space<hbm>> -> memref<1024xf32, #tpu.memory_space<hbm>>
        tpu.wait_dma2 semaphore(%run_scoped3A_1240 : memref<!tpu.dma_semaphore, #tpu.memory_space<semaphore_mem>>) src(%dma_wait3A_1242 : memref<1024xf32, #tpu.memory_space<hbm>>) dst(%arg8 : memref<1024xf32, #tpu.memory_space<vmem>>)
        tpu.yield
      }) : () -> ()
      %add3A_27 = arith.constant 0 : i32
      %add3A_28 = vector.broadcast %add3A_27 : i32 to vector<16xi32>
      %add3A_29 = arith.addi %add3A_28, %iota3A : vector<16xi32>
      %shift_right_logical3A = arith.constant 3 : i32
      %shift_right_logical3A_30 = vector.broadcast %shift_right_logical3A : i32 to vector<16xi32>
      %shift_right_logical3A_31 = arith.shrui %add3A_29, %shift_right_logical3A_30 : vector<16xi32>
      %gather3A = tpu.vector_load_idx %arg7[%shift_right_logical3A_31] : memref<128xi32, #tpu.memory_space<vmem>>[vector<16xi32>], vector<16xi32>,
      %mul3A_32 = arith.constant 8 : i32
      %mul3A_33 = vector.broadcast %mul3A_32 : i32 to vector<16xi32>
      %mul3A_34 = arith.muli %gather3A, %mul3A_33 : vector<16xi32>
      %add3A_35 = arith.addi %mul3A_34, %and3A_4 : vector<16xi32>
      %shift_right_logical3A_36 = arith.constant 7 : i32
      %shift_right_logical3A_37 = vector.broadcast %shift_right_logical3A_36 : i32 to vector<16xi32>
      %shift_right_logical3A_38 = arith.shrui %add3A_35, %shift_right_logical3A_37 : vector<16xi32>
      %and3A_39 = arith.constant 127 : i32
      %and3A_40 = vector.broadcast %and3A_39 : i32 to vector<16xi32>
      %and3A_41 = arith.andi %add3A_35, %and3A_40 : vector<16xi32>
      %get3A = arith.constant 0 : index
      %get3A_42 = tpu.vector_load %arg8[%get3A] {strides = array<i32>} : memref<1024xf32, #tpu.memory_space<vmem>>, vector<16xf32>,
      tpu.vector_store_idx %arg9[%shift_right_logical3A_38, %and3A_41], %get3A_42 masked %lt3A_6 {add = true} : memref<640x128xf32, #tpu.memory_space<vmem>>[vector<16xi32>, vector<16xi32>], vector<16xf32>, vector<16xi1>
      tpu.vector_store_idx %arg9[%shift_right_logical3A_38, %and3A_41], %get3A_42 masked %not3A_7 {add = true} : memref<640x128xf32, #tpu.memory_space<vmem>>[vector<16xi32>, vector<16xi32>], vector<16xf32>, vector<16xi1>
      %add3A_43 = arith.constant 16 : i32
      %add3A_44 = vector.broadcast %add3A_43 : i32 to vector<16xi32>
      %add3A_45 = arith.addi %add3A_44, %iota3A : vector<16xi32>
      %shift_right_logical3A_46 = arith.constant 3 : i32
      %shift_right_logical3A_47 = vector.broadcast %shift_right_logical3A_46 : i32 to vector<16xi32>
      %shift_right_logical3A_48 = arith.shrui %add3A_45, %shift_right_logical3A_47 : vector<16xi32>
      %gather3A_49 = tpu.vector_load_idx %arg7[%shift_right_logical3A_48] : memref<128xi32, #tpu.memory_space<vmem>>[vector<16xi32>], vector<16xi32>,
      %mul3A_50 = arith.constant 8 : i32
      %mul3A_51 = vector.broadcast %mul3A_50 : i32 to vector<16xi32>
      %mul3A_52 = arith.muli %gather3A_49, %mul3A_51 : vector<16xi32>
      %add3A_53 = arith.addi %mul3A_52, %and3A_4 : vector<16xi32>
      %shift_right_logical3A_54 = arith.constant 7 : i32
      %shift_right_logical3A_55 = vector.broadcast %shift_right_logical3A_54 : i32 to vector<16xi32>
      %shift_right_logical3A_56 = arith.shrui %add3A_53, %shift_right_logical3A_55 : vector<16xi32>
      %and3A_57 = arith.constant 127 : i32
      %and3A_58 = vector.broadcast %and3A_57 : i32 to vector<16xi32>
      %and3A_59 = arith.andi %add3A_53, %and3A_58 : vector<16xi32>
      %get3A_60 = arith.constant 16 : index
      %get3A_61 = tpu.vector_load %arg8[%get3A_60] {strides = array<i32>} : memref<1024xf32, #tpu.memory_space<vmem>>, vector<16xf32>,
      tpu.vector_store_idx %arg9[%shift_right_logical3A_56, %and3A_59], %get3A_61 masked %lt3A_6 {add = true} : memref<640x128xf32, #tpu.memory_space<vmem>>[vector<16xi32>, vector<16xi32>], vector<16xf32>, vector<16xi1>
      tpu.vector_store_idx %arg9[%shift_right_logical3A_56, %and3A_59], %get3A_61 masked %not3A_7 {add = true} : memref<640x128xf32, #tpu.memory_space<vmem>>[vector<16xi32>, vector<16xi32>], vector<16xf32>, vector<16xi1>
      %add3A_62 = arith.constant 32 : i32
      %add3A_63 = vector.broadcast %add3A_62 : i32 to vector<16xi32>
      %add3A_64 = arith.addi %add3A_63, %iota3A : vector<16xi32>
      %shift_right_logical3A_65 = arith.constant 3 : i32
      %shift_right_logical3A_66 = vector.broadcast %shift_right_logical3A_65 : i32 to vector<16xi32>
      %shift_right_logical3A_67 = arith.shrui %add3A_64, %shift_right_logical3A_66 : vector<16xi32>
      %gather3A_68 = tpu.vector_load_idx %arg7[%shift_right_logical3A_67] : memref<128xi32, #tpu.memory_space<vmem>>[vector<16xi32>], vector<16xi32>,
      %mul3A_69 = arith.constant 8 : i32
      %mul3A_70 = vector.broadcast %mul3A_69 : i32 to vector<16xi32>
      %mul3A_71 = arith.muli %gather3A_68, %mul3A_70 : vector<16xi32>
      %add3A_72 = arith.addi %mul3A_71, %and3A_4 : vector<16xi32>
      %shift_right_logical3A_73 = arith.constant 7 : i32
      %shift_right_logical3A_74 = vector.broadcast %shift_right_logical3A_73 : i32 to vector<16xi32>
      %shift_right_logical3A_75 = arith.shrui %add3A_72, %shift_right_logical3A_74 : vector<16xi32>
      %and3A_76 = arith.constant 127 : i32
      %and3A_77 = vector.broadcast %and3A_76 : i32 to vector<16xi32>
      %and3A_78 = arith.andi %add3A_72, %and3A_77 : vector<16xi32>
      %get3A_79 = arith.constant 32 : index
      %get3A_80 = tpu.vector_load %arg8[%get3A_79] {strides = array<i32>} : memref<1024xf32, #tpu.memory_space<vmem>>, vector<16xf32>,
      tpu.vector_store_idx %arg9[%shift_right_logical3A_75, %and3A_78], %get3A_80 masked %lt3A_6 {add = true} : memref<640x128xf32, #tpu.memory_space<vmem>>[vector<16xi32>, vector<16xi32>], vector<16xf32>, vector<16xi1>
      tpu.vector_store_idx %arg9[%shift_right_logical3A_75, %and3A_78], %get3A_80 masked %not3A_7 {add = true} : memref<640x128xf32, #tpu.memory_space<vmem>>[vector<16xi32>, vector<16xi32>], vector<16xf32>, vector<16xi1>
      %add3A_81 = arith.constant 48 : i32
      %add3A_82 = vector.broadcast %add3A_81 : i32 to vector<16xi32>
      %add3A_83 = arith.addi %add3A_82, %iota3A : vector<16xi32>
      %shift_right_logical3A_84 = arith.constant 3 : i32
      %shift_right_logical3A_85 = vector.broadcast %shift_right_logical3A_84 : i32 to vector<16xi32>
      %shift_right_logical3A_86 = arith.shrui %add3A_83, %shift_right_logical3A_85 : vector<16xi32>
      %gather3A_87 = tpu.vector_load_idx %arg7[%shift_right_logical3A_86] : memref<128xi32, #tpu.memory_space<vmem>>[vector<16xi32>], vector<16xi32>,
      %mul3A_88 = arith.constant 8 : i32
      %mul3A_89 = vector.broadcast %mul3A_88 : i32 to vector<16xi32>
      %mul3A_90 = arith.muli %gather3A_87, %mul3A_89 : vector<16xi32>
      %add3A_91 = arith.addi %mul3A_90, %and3A_4 : vector<16xi32>
      %shift_right_logical3A_92 = arith.constant 7 : i32
      %shift_right_logical3A_93 = vector.broadcast %shift_right_logical3A_92 : i32 to vector<16xi32>
      %shift_right_logical3A_94 = arith.shrui %add3A_91, %shift_right_logical3A_93 : vector<16xi32>
      %and3A_95 = arith.constant 127 : i32
      %and3A_96 = vector.broadcast %and3A_95 : i32 to vector<16xi32>
      %and3A_97 = arith.andi %add3A_91, %and3A_96 : vector<16xi32>
      %get3A_98 = arith.constant 48 : index
      %get3A_99 = tpu.vector_load %arg8[%get3A_98] {strides = array<i32>} : memref<1024xf32, #tpu.memory_space<vmem>>, vector<16xf32>,
      tpu.vector_store_idx %arg9[%shift_right_logical3A_94, %and3A_97], %get3A_99 masked %lt3A_6 {add = true} : memref<640x128xf32, #tpu.memory_space<vmem>>[vector<16xi32>, vector<16xi32>], vector<16xf32>, vector<16xi1>
      tpu.vector_store_idx %arg9[%shift_right_logical3A_94, %and3A_97], %get3A_99 masked %not3A_7 {add = true} : memref<640x128xf32, #tpu.memory_space<vmem>>[vector<16xi32>, vector<16xi32>], vector<16xf32>, vector<16xi1>
      %add3A_100 = arith.constant 64 : i32
      %add3A_101 = vector.broadcast %add3A_100 : i32 to vector<16xi32>
      %add3A_102 = arith.addi %add3A_101, %iota3A : vector<16xi32>
      %shift_right_logical3A_103 = arith.constant 3 : i32
      %shift_right_logical3A_104 = vector.broadcast %shift_right_logical3A_103 : i32 to vector<16xi32>
      %shift_right_logical3A_105 = arith.shrui %add3A_102, %shift_right_logical3A_104 : vector<16xi32>
      %gather3A_106 = tpu.vector_load_idx %arg7[%shift_right_logical3A_105] : memref<128xi32, #tpu.memory_space<vmem>>[vector<16xi32>], vector<16xi32>,
      %mul3A_107 = arith.constant 8 : i32
      %mul3A_108 = vector.broadcast %mul3A_107 : i32 to vector<16xi32>
      %mul3A_109 = arith.muli %gather3A_106, %mul3A_108 : vector<16xi32>
      %add3A_110 = arith.addi %mul3A_109, %and3A_4 : vector<16xi32>
      %shift_right_logical3A_111 = arith.constant 7 : i32
      %shift_right_logical3A_112 = vector.broadcast %shift_right_logical3A_111 : i32 to vector<16xi32>
      %shift_right_logical3A_113 = arith.shrui %add3A_110, %shift_right_logical3A_112 : vector<16xi32>
      %and3A_114 = arith.constant 127 : i32
      %and3A_115 = vector.broadcast %and3A_114 : i32 to vector<16xi32>
      %and3A_116 = arith.andi %add3A_110, %and3A_115 : vector<16xi32>
      %get3A_117 = arith.constant 64 : index
      %get3A_118 = tpu.vector_load %arg8[%get3A_117] {strides = array<i32>} : memref<1024xf32, #tpu.memory_space<vmem>>, vector<16xf32>,
      tpu.vector_store_idx %arg9[%shift_right_logical3A_113, %and3A_116], %get3A_118 masked %lt3A_6 {add = true} : memref<640x128xf32, #tpu.memory_space<vmem>>[vector<16xi32>, vector<16xi32>], vector<16xf32>, vector<16xi1>
      tpu.vector_store_idx %arg9[%shift_right_logical3A_113, %and3A_116], %get3A_118 masked %not3A_7 {add = true} : memref<640x128xf32, #tpu.memory_space<vmem>>[vector<16xi32>, vector<16xi32>], vector<16xf32>, vector<16xi1>
      %add3A_119 = arith.constant 80 : i32
      %add3A_120 = vector.broadcast %add3A_119 : i32 to vector<16xi32>
      %add3A_121 = arith.addi %add3A_120, %iota3A : vector<16xi32>
      %shift_right_logical3A_122 = arith.constant 3 : i32
      %shift_right_logical3A_123 = vector.broadcast %shift_right_logical3A_122 : i32 to vector<16xi32>
      %shift_right_logical3A_124 = arith.shrui %add3A_121, %shift_right_logical3A_123 : vector<16xi32>
      %gather3A_125 = tpu.vector_load_idx %arg7[%shift_right_logical3A_124] : memref<128xi32, #tpu.memory_space<vmem>>[vector<16xi32>], vector<16xi32>,
      %mul3A_126 = arith.constant 8 : i32
      %mul3A_127 = vector.broadcast %mul3A_126 : i32 to vector<16xi32>
      %mul3A_128 = arith.muli %gather3A_125, %mul3A_127 : vector<16xi32>
      %add3A_129 = arith.addi %mul3A_128, %and3A_4 : vector<16xi32>
      %shift_right_logical3A_130 = arith.constant 7 : i32
      %shift_right_logical3A_131 = vector.broadcast %shift_right_logical3A_130 : i32 to vector<16xi32>
      %shift_right_logical3A_132 = arith.shrui %add3A_129, %shift_right_logical3A_131 : vector<16xi32>
      %and3A_133 = arith.constant 127 : i32
      %and3A_134 = vector.broadcast %and3A_133 : i32 to vector<16xi32>
      %and3A_135 = arith.andi %add3A_129, %and3A_134 : vector<16xi32>
      %get3A_136 = arith.constant 80 : index
      %get3A_137 = tpu.vector_load %arg8[%get3A_136] {strides = array<i32>} : memref<1024xf32, #tpu.memory_space<vmem>>, vector<16xf32>,
      tpu.vector_store_idx %arg9[%shift_right_logical3A_132, %and3A_135], %get3A_137 masked %lt3A_6 {add = true} : memref<640x128xf32, #tpu.memory_space<vmem>>[vector<16xi32>, vector<16xi32>], vector<16xf32>, vector<16xi1>
      tpu.vector_store_idx %arg9[%shift_right_logical3A_132, %and3A_135], %get3A_137 masked %not3A_7 {add = true} : memref<640x128xf32, #tpu.memory_space<vmem>>[vector<16xi32>, vector<16xi32>], vector<16xf32>, vector<16xi1>
      %add3A_138 = arith.constant 96 : i32
      %add3A_139 = vector.broadcast %add3A_138 : i32 to vector<16xi32>
      %add3A_140 = arith.addi %add3A_139, %iota3A : vector<16xi32>
      %shift_right_logical3A_141 = arith.constant 3 : i32
      %shift_right_logical3A_142 = vector.broadcast %shift_right_logical3A_141 : i32 to vector<16xi32>
      %shift_right_logical3A_143 = arith.shrui %add3A_140, %shift_right_logical3A_142 : vector<16xi32>
      %gather3A_144 = tpu.vector_load_idx %arg7[%shift_right_logical3A_143] : memref<128xi32, #tpu.memory_space<vmem>>[vector<16xi32>], vector<16xi32>,
      %mul3A_145 = arith.constant 8 : i32
      %mul3A_146 = vector.broadcast %mul3A_145 : i32 to vector<16xi32>
      %mul3A_147 = arith.muli %gather3A_144, %mul3A_146 : vector<16xi32>
      %add3A_148 = arith.addi %mul3A_147, %and3A_4 : vector<16xi32>
      %shift_right_logical3A_149 = arith.constant 7 : i32
      %shift_right_logical3A_150 = vector.broadcast %shift_right_logical3A_149 : i32 to vector<16xi32>
      %shift_right_logical3A_151 = arith.shrui %add3A_148, %shift_right_logical3A_150 : vector<16xi32>
      %and3A_152 = arith.constant 127 : i32
      %and3A_153 = vector.broadcast %and3A_152 : i32 to vector<16xi32>
      %and3A_154 = arith.andi %add3A_148, %and3A_153 : vector<16xi32>
      %get3A_155 = arith.constant 96 : index
      %get3A_156 = tpu.vector_load %arg8[%get3A_155] {strides = array<i32>} : memref<1024xf32, #tpu.memory_space<vmem>>, vector<16xf32>,
      tpu.vector_store_idx %arg9[%shift_right_logical3A_151, %and3A_154], %get3A_156 masked %lt3A_6 {add = true} : memref<640x128xf32, #tpu.memory_space<vmem>>[vector<16xi32>, vector<16xi32>], vector<16xf32>, vector<16xi1>
      tpu.vector_store_idx %arg9[%shift_right_logical3A_151, %and3A_154], %get3A_156 masked %not3A_7 {add = true} : memref<640x128xf32, #tpu.memory_space<vmem>>[vector<16xi32>, vector<16xi32>], vector<16xf32>, vector<16xi1>
      %add3A_157 = arith.constant 112 : i32
      %add3A_158 = vector.broadcast %add3A_157 : i32 to vector<16xi32>
      %add3A_159 = arith.addi %add3A_158, %iota3A : vector<16xi32>
      %shift_right_logical3A_160 = arith.constant 3 : i32
      %shift_right_logical3A_161 = vector.broadcast %shift_right_logical3A_160 : i32 to vector<16xi32>
      %shift_right_logical3A_162 = arith.shrui %add3A_159, %shift_right_logical3A_161 : vector<16xi32>
      %gather3A_163 = tpu.vector_load_idx %arg7[%shift_right_logical3A_162] : memref<128xi32, #tpu.memory_space<vmem>>[vector<16xi32>], vector<16xi32>,
      %mul3A_164 = arith.constant 8 : i32
      %mul3A_165 = vector.broadcast %mul3A_164 : i32 to vector<16xi32>
      %mul3A_166 = arith.muli %gather3A_163, %mul3A_165 : vector<16xi32>
      %add3A_167 = arith.addi %mul3A_166, %and3A_4 : vector<16xi32>
      %shift_right_logical3A_168 = arith.constant 7 : i32
      %shift_right_logical3A_169 = vector.broadcast %shift_right_logical3A_168 : i32 to vector<16xi32>
      %shift_right_logical3A_170 = arith.shrui %add3A_167, %shift_right_logical3A_169 : vector<16xi32>
      %and3A_171 = arith.constant 127 : i32
      %and3A_172 = vector.broadcast %and3A_171 : i32 to vector<16xi32>
      %and3A_173 = arith.andi %add3A_167, %and3A_172 : vector<16xi32>
      %get3A_174 = arith.constant 112 : index
      %get3A_175 = tpu.vector_load %arg8[%get3A_174] {strides = array<i32>} : memref<1024xf32, #tpu.memory_space<vmem>>, vector<16xf32>,
      tpu.vector_store_idx %arg9[%shift_right_logical3A_170, %and3A_173], %get3A_175 masked %lt3A_6 {add = true} : memref<640x128xf32, #tpu.memory_space<vmem>>[vector<16xi32>, vector<16xi32>], vector<16xf32>, vector<16xi1>
      tpu.vector_store_idx %arg9[%shift_right_logical3A_170, %and3A_173], %get3A_175 masked %not3A_7 {add = true} : memref<640x128xf32, #tpu.memory_space<vmem>>[vector<16xi32>, vector<16xi32>], vector<16xf32>, vector<16xi1>
      %add3A_176 = arith.constant 128 : i32
      %add3A_177 = vector.broadcast %add3A_176 : i32 to vector<16xi32>
      %add3A_178 = arith.addi %add3A_177, %iota3A : vector<16xi32>
      %shift_right_logical3A_179 = arith.constant 3 : i32
      %shift_right_logical3A_180 = vector.broadcast %shift_right_logical3A_179 : i32 to vector<16xi32>
      %shift_right_logical3A_181 = arith.shrui %add3A_178, %shift_right_logical3A_180 : vector<16xi32>
      %gather3A_182 = tpu.vector_load_idx %arg7[%shift_right_logical3A_181] : memref<128xi32, #tpu.memory_space<vmem>>[vector<16xi32>], vector<16xi32>,
      %mul3A_183 = arith.constant 8 : i32
      %mul3A_184 = vector.broadcast %mul3A_183 : i32 to vector<16xi32>
      %mul3A_185 = arith.muli %gather3A_182, %mul3A_184 : vector<16xi32>
      %add3A_186 = arith.addi %mul3A_185, %and3A_4 : vector<16xi32>
      %shift_right_logical3A_187 = arith.constant 7 : i32
      %shift_right_logical3A_188 = vector.broadcast %shift_right_logical3A_187 : i32 to vector<16xi32>
      %shift_right_logical3A_189 = arith.shrui %add3A_186, %shift_right_logical3A_188 : vector<16xi32>
      %and3A_190 = arith.constant 127 : i32
      %and3A_191 = vector.broadcast %and3A_190 : i32 to vector<16xi32>
      %and3A_192 = arith.andi %add3A_186, %and3A_191 : vector<16xi32>
      %get3A_193 = arith.constant 128 : index
      %get3A_194 = tpu.vector_load %arg8[%get3A_193] {strides = array<i32>} : memref<1024xf32, #tpu.memory_space<vmem>>, vector<16xf32>,
      tpu.vector_store_idx %arg9[%shift_right_logical3A_189, %and3A_192], %get3A_194 masked %lt3A_6 {add = true} : memref<640x128xf32, #tpu.memory_space<vmem>>[vector<16xi32>, vector<16xi32>], vector<16xf32>, vector<16xi1>
      tpu.vector_store_idx %arg9[%shift_right_logical3A_189, %and3A_192], %get3A_194 masked %not3A_7 {add = true} : memref<640x128xf32, #tpu.memory_space<vmem>>[vector<16xi32>, vector<16xi32>], vector<16xf32>, vector<16xi1>
      %add3A_195 = arith.constant 144 : i32
      %add3A_196 = vector.broadcast %add3A_195 : i32 to vector<16xi32>
      %add3A_197 = arith.addi %add3A_196, %iota3A : vector<16xi32>
      %shift_right_logical3A_198 = arith.constant 3 : i32
      %shift_right_logical3A_199 = vector.broadcast %shift_right_logical3A_198 : i32 to vector<16xi32>
      %shift_right_logical3A_200 = arith.shrui %add3A_197, %shift_right_logical3A_199 : vector<16xi32>
      %gather3A_201 = tpu.vector_load_idx %arg7[%shift_right_logical3A_200] : memref<128xi32, #tpu.memory_space<vmem>>[vector<16xi32>], vector<16xi32>,
      %mul3A_202 = arith.constant 8 : i32
      %mul3A_203 = vector.broadcast %mul3A_202 : i32 to vector<16xi32>
      %mul3A_204 = arith.muli %gather3A_201, %mul3A_203 : vector<16xi32>
      %add3A_205 = arith.addi %mul3A_204, %and3A_4 : vector<16xi32>
      %shift_right_logical3A_206 = arith.constant 7 : i32
      %shift_right_logical3A_207 = vector.broadcast %shift_right_logical3A_206 : i32 to vector<16xi32>
      %shift_right_logical3A_208 = arith.shrui %add3A_205, %shift_right_logical3A_207 : vector<16xi32>
      %and3A_209 = arith.constant 127 : i32
      %and3A_210 = vector.broadcast %and3A_209 : i32 to vector<16xi32>
      %and3A_211 = arith.andi %add3A_205, %and3A_210 : vector<16xi32>
      %get3A_212 = arith.constant 144 : index
      %get3A_213 = tpu.vector_load %arg8[%get3A_212] {strides = array<i32>} : memref<1024xf32, #tpu.memory_space<vmem>>, vector<16xf32>,
      tpu.vector_store_idx %arg9[%shift_right_logical3A_208, %and3A_211], %get3A_213 masked %lt3A_6 {add = true} : memref<640x128xf32, #tpu.memory_space<vmem>>[vector<16xi32>, vector<16xi32>], vector<16xf32>, vector<16xi1>
      tpu.vector_store_idx %arg9[%shift_right_logical3A_208, %and3A_211], %get3A_213 masked %not3A_7 {add = true} : memref<640x128xf32, #tpu.memory_space<vmem>>[vector<16xi32>, vector<16xi32>], vector<16xf32>, vector<16xi1>
      %add3A_214 = arith.constant 160 : i32
      %add3A_215 = vector.broadcast %add3A_214 : i32 to vector<16xi32>
      %add3A_216 = arith.addi %add3A_215, %iota3A : vector<16xi32>
      %shift_right_logical3A_217 = arith.constant 3 : i32
      %shift_right_logical3A_218 = vector.broadcast %shift_right_logical3A_217 : i32 to vector<16xi32>
      %shift_right_logical3A_219 = arith.shrui %add3A_216, %shift_right_logical3A_218 : vector<16xi32>
      %gather3A_220 = tpu.vector_load_idx %arg7[%shift_right_logical3A_219] : memref<128xi32, #tpu.memory_space<vmem>>[vector<16xi32>], vector<16xi32>,
      %mul3A_221 = arith.constant 8 : i32
      %mul3A_222 = vector.broadcast %mul3A_221 : i32 to vector<16xi32>
      %mul3A_223 = arith.muli %gather3A_220, %mul3A_222 : vector<16xi32>
      %add3A_224 = arith.addi %mul3A_223, %and3A_4 : vector<16xi32>
      %shift_right_logical3A_225 = arith.constant 7 : i32
      %shift_right_logical3A_226 = vector.broadcast %shift_right_logical3A_225 : i32 to vector<16xi32>
      %shift_right_logical3A_227 = arith.shrui %add3A_224, %shift_right_logical3A_226 : vector<16xi32>
      %and3A_228 = arith.constant 127 : i32
      %and3A_229 = vector.broadcast %and3A_228 : i32 to vector<16xi32>
      %and3A_230 = arith.andi %add3A_224, %and3A_229 : vector<16xi32>
      %get3A_231 = arith.constant 160 : index
      %get3A_232 = tpu.vector_load %arg8[%get3A_231] {strides = array<i32>} : memref<1024xf32, #tpu.memory_space<vmem>>, vector<16xf32>,
      tpu.vector_store_idx %arg9[%shift_right_logical3A_227, %and3A_230], %get3A_232 masked %lt3A_6 {add = true} : memref<640x128xf32, #tpu.memory_space<vmem>>[vector<16xi32>, vector<16xi32>], vector<16xf32>, vector<16xi1>
      tpu.vector_store_idx %arg9[%shift_right_logical3A_227, %and3A_230], %get3A_232 masked %not3A_7 {add = true} : memref<640x128xf32, #tpu.memory_space<vmem>>[vector<16xi32>, vector<16xi32>], vector<16xf32>, vector<16xi1>
      %add3A_233 = arith.constant 176 : i32
      %add3A_234 = vector.broadcast %add3A_233 : i32 to vector<16xi32>
      %add3A_235 = arith.addi %add3A_234, %iota3A : vector<16xi32>
      %shift_right_logical3A_236 = arith.constant 3 : i32
      %shift_right_logical3A_237 = vector.broadcast %shift_right_logical3A_236 : i32 to vector<16xi32>
      %shift_right_logical3A_238 = arith.shrui %add3A_235, %shift_right_logical3A_237 : vector<16xi32>
      %gather3A_239 = tpu.vector_load_idx %arg7[%shift_right_logical3A_238] : memref<128xi32, #tpu.memory_space<vmem>>[vector<16xi32>], vector<16xi32>,
      %mul3A_240 = arith.constant 8 : i32
      %mul3A_241 = vector.broadcast %mul3A_240 : i32 to vector<16xi32>
      %mul3A_242 = arith.muli %gather3A_239, %mul3A_241 : vector<16xi32>
      %add3A_243 = arith.addi %mul3A_242, %and3A_4 : vector<16xi32>
      %shift_right_logical3A_244 = arith.constant 7 : i32
      %shift_right_logical3A_245 = vector.broadcast %shift_right_logical3A_244 : i32 to vector<16xi32>
      %shift_right_logical3A_246 = arith.shrui %add3A_243, %shift_right_logical3A_245 : vector<16xi32>
      %and3A_247 = arith.constant 127 : i32
      %and3A_248 = vector.broadcast %and3A_247 : i32 to vector<16xi32>
      %and3A_249 = arith.andi %add3A_243, %and3A_248 : vector<16xi32>
      %get3A_250 = arith.constant 176 : index
      %get3A_251 = tpu.vector_load %arg8[%get3A_250] {strides = array<i32>} : memref<1024xf32, #tpu.memory_space<vmem>>, vector<16xf32>,
      tpu.vector_store_idx %arg9[%shift_right_logical3A_246, %and3A_249], %get3A_251 masked %lt3A_6 {add = true} : memref<640x128xf32, #tpu.memory_space<vmem>>[vector<16xi32>, vector<16xi32>], vector<16xf32>, vector<16xi1>
      tpu.vector_store_idx %arg9[%shift_right_logical3A_246, %and3A_249], %get3A_251 masked %not3A_7 {add = true} : memref<640x128xf32, #tpu.memory_space<vmem>>[vector<16xi32>, vector<16xi32>], vector<16xf32>, vector<16xi1>
      %add3A_252 = arith.constant 192 : i32
      %add3A_253 = vector.broadcast %add3A_252 : i32 to vector<16xi32>
      %add3A_254 = arith.addi %add3A_253, %iota3A : vector<16xi32>
      %shift_right_logical3A_255 = arith.constant 3 : i32
      %shift_right_logical3A_256 = vector.broadcast %shift_right_logical3A_255 : i32 to vector<16xi32>
      %shift_right_logical3A_257 = arith.shrui %add3A_254, %shift_right_logical3A_256 : vector<16xi32>
      %gather3A_258 = tpu.vector_load_idx %arg7[%shift_right_logical3A_257] : memref<128xi32, #tpu.memory_space<vmem>>[vector<16xi32>], vector<16xi32>,
      %mul3A_259 = arith.constant 8 : i32
      %mul3A_260 = vector.broadcast %mul3A_259 : i32 to vector<16xi32>
      %mul3A_261 = arith.muli %gather3A_258, %mul3A_260 : vector<16xi32>
      %add3A_262 = arith.addi %mul3A_261, %and3A_4 : vector<16xi32>
      %shift_right_logical3A_263 = arith.constant 7 : i32
      %shift_right_logical3A_264 = vector.broadcast %shift_right_logical3A_263 : i32 to vector<16xi32>
      %shift_right_logical3A_265 = arith.shrui %add3A_262, %shift_right_logical3A_264 : vector<16xi32>
      %and3A_266 = arith.constant 127 : i32
      %and3A_267 = vector.broadcast %and3A_266 : i32 to vector<16xi32>
      %and3A_268 = arith.andi %add3A_262, %and3A_267 : vector<16xi32>
      %get3A_269 = arith.constant 192 : index
      %get3A_270 = tpu.vector_load %arg8[%get3A_269] {strides = array<i32>} : memref<1024xf32, #tpu.memory_space<vmem>>, vector<16xf32>,
      tpu.vector_store_idx %arg9[%shift_right_logical3A_265, %and3A_268], %get3A_270 masked %lt3A_6 {add = true} : memref<640x128xf32, #tpu.memory_space<vmem>>[vector<16xi32>, vector<16xi32>], vector<16xf32>, vector<16xi1>
      tpu.vector_store_idx %arg9[%shift_right_logical3A_265, %and3A_268], %get3A_270 masked %not3A_7 {add = true} : memref<640x128xf32, #tpu.memory_space<vmem>>[vector<16xi32>, vector<16xi32>], vector<16xf32>, vector<16xi1>
      %add3A_271 = arith.constant 208 : i32
      %add3A_272 = vector.broadcast %add3A_271 : i32 to vector<16xi32>
      %add3A_273 = arith.addi %add3A_272, %iota3A : vector<16xi32>
      %shift_right_logical3A_274 = arith.constant 3 : i32
      %shift_right_logical3A_275 = vector.broadcast %shift_right_logical3A_274 : i32 to vector<16xi32>
      %shift_right_logical3A_276 = arith.shrui %add3A_273, %shift_right_logical3A_275 : vector<16xi32>
      %gather3A_277 = tpu.vector_load_idx %arg7[%shift_right_logical3A_276] : memref<128xi32, #tpu.memory_space<vmem>>[vector<16xi32>], vector<16xi32>,
      %mul3A_278 = arith.constant 8 : i32
      %mul3A_279 = vector.broadcast %mul3A_278 : i32 to vector<16xi32>
      %mul3A_280 = arith.muli %gather3A_277, %mul3A_279 : vector<16xi32>
      %add3A_281 = arith.addi %mul3A_280, %and3A_4 : vector<16xi32>
      %shift_right_logical3A_282 = arith.constant 7 : i32
      %shift_right_logical3A_283 = vector.broadcast %shift_right_logical3A_282 : i32 to vector<16xi32>
      %shift_right_logical3A_284 = arith.shrui %add3A_281, %shift_right_logical3A_283 : vector<16xi32>
      %and3A_285 = arith.constant 127 : i32
      %and3A_286 = vector.broadcast %and3A_285 : i32 to vector<16xi32>
      %and3A_287 = arith.andi %add3A_281, %and3A_286 : vector<16xi32>
      %get3A_288 = arith.constant 208 : index
      %get3A_289 = tpu.vector_load %arg8[%get3A_288] {strides = array<i32>} : memref<1024xf32, #tpu.memory_space<vmem>>, vector<16xf32>,
      tpu.vector_store_idx %arg9[%shift_right_logical3A_284, %and3A_287], %get3A_289 masked %lt3A_6 {add = true} : memref<640x128xf32, #tpu.memory_space<vmem>>[vector<16xi32>, vector<16xi32>], vector<16xf32>, vector<16xi1>
      tpu.vector_store_idx %arg9[%shift_right_logical3A_284, %and3A_287], %get3A_289 masked %not3A_7 {add = true} : memref<640x128xf32, #tpu.memory_space<vmem>>[vector<16xi32>, vector<16xi32>], vector<16xf32>, vector<16xi1>
      %add3A_290 = arith.constant 224 : i32
      %add3A_291 = vector.broadcast %add3A_290 : i32 to vector<16xi32>
      %add3A_292 = arith.addi %add3A_291, %iota3A : vector<16xi32>
      %shift_right_logical3A_293 = arith.constant 3 : i32
      %shift_right_logical3A_294 = vector.broadcast %shift_right_logical3A_293 : i32 to vector<16xi32>
      %shift_right_logical3A_295 = arith.shrui %add3A_292, %shift_right_logical3A_294 : vector<16xi32>
      %gather3A_296 = tpu.vector_load_idx %arg7[%shift_right_logical3A_295] : memref<128xi32, #tpu.memory_space<vmem>>[vector<16xi32>], vector<16xi32>,
      %mul3A_297 = arith.constant 8 : i32
      %mul3A_298 = vector.broadcast %mul3A_297 : i32 to vector<16xi32>
      %mul3A_299 = arith.muli %gather3A_296, %mul3A_298 : vector<16xi32>
      %add3A_300 = arith.addi %mul3A_299, %and3A_4 : vector<16xi32>
      %shift_right_logical3A_301 = arith.constant 7 : i32
      %shift_right_logical3A_302 = vector.broadcast %shift_right_logical3A_301 : i32 to vector<16xi32>
      %shift_right_logical3A_303 = arith.shrui %add3A_300, %shift_right_logical3A_302 : vector<16xi32>
      %and3A_304 = arith.constant 127 : i32
      %and3A_305 = vector.broadcast %and3A_304 : i32 to vector<16xi32>
      %and3A_306 = arith.andi %add3A_300, %and3A_305 : vector<16xi32>
      %get3A_307 = arith.constant 224 : index
      %get3A_308 = tpu.vector_load %arg8[%get3A_307] {strides = array<i32>} : memref<1024xf32, #tpu.memory_space<vmem>>, vector<16xf32>,
      tpu.vector_store_idx %arg9[%shift_right_logical3A_303, %and3A_306], %get3A_308 masked %lt3A_6 {add = true} : memref<640x128xf32, #tpu.memory_space<vmem>>[vector<16xi32>, vector<16xi32>], vector<16xf32>, vector<16xi1>
      tpu.vector_store_idx %arg9[%shift_right_logical3A_303, %and3A_306], %get3A_308 masked %not3A_7 {add = true} : memref<640x128xf32, #tpu.memory_space<vmem>>[vector<16xi32>, vector<16xi32>], vector<16xf32>, vector<16xi1>
      %add3A_309 = arith.constant 240 : i32
      %add3A_310 = vector.broadcast %add3A_309 : i32 to vector<16xi32>
      %add3A_311 = arith.addi %add3A_310, %iota3A : vector<16xi32>
      %shift_right_logical3A_312 = arith.constant 3 : i32
      %shift_right_logical3A_313 = vector.broadcast %shift_right_logical3A_312 : i32 to vector<16xi32>
      %shift_right_logical3A_314 = arith.shrui %add3A_311, %shift_right_logical3A_313 : vector<16xi32>
      %gather3A_315 = tpu.vector_load_idx %arg7[%shift_right_logical3A_314] : memref<128xi32, #tpu.memory_space<vmem>>[vector<16xi32>], vector<16xi32>,
      %mul3A_316 = arith.constant 8 : i32
      %mul3A_317 = vector.broadcast %mul3A_316 : i32 to vector<16xi32>
      %mul3A_318 = arith.muli %gather3A_315, %mul3A_317 : vector<16xi32>
      %add3A_319 = arith.addi %mul3A_318, %and3A_4 : vector<16xi32>
      %shift_right_logical3A_320 = arith.constant 7 : i32
      %shift_right_logical3A_321 = vector.broadcast %shift_right_logical3A_320 : i32 to vector<16xi32>
      %shift_right_logical3A_322 = arith.shrui %add3A_319, %shift_right_logical3A_321 : vector<16xi32>
      %and3A_323 = arith.constant 127 : i32
      %and3A_324 = vector.broadcast %and3A_323 : i32 to vector<16xi32>
      %and3A_325 = arith.andi %add3A_319, %and3A_324 : vector<16xi32>
      %get3A_326 = arith.constant 240 : index
      %get3A_327 = tpu.vector_load %arg8[%get3A_326] {strides = array<i32>} : memref<1024xf32, #tpu.memory_space<vmem>>, vector<16xf32>,
      tpu.vector_store_idx %arg9[%shift_right_logical3A_322, %and3A_325], %get3A_327 masked %lt3A_6 {add = true} : memref<640x128xf32, #tpu.memory_space<vmem>>[vector<16xi32>, vector<16xi32>], vector<16xf32>, vector<16xi1>
      tpu.vector_store_idx %arg9[%shift_right_logical3A_322, %and3A_325], %get3A_327 masked %not3A_7 {add = true} : memref<640x128xf32, #tpu.memory_space<vmem>>[vector<16xi32>, vector<16xi32>], vector<16xf32>, vector<16xi1>
      %add3A_328 = arith.constant 256 : i32
      %add3A_329 = vector.broadcast %add3A_328 : i32 to vector<16xi32>
      %add3A_330 = arith.addi %add3A_329, %iota3A : vector<16xi32>
      %shift_right_logical3A_331 = arith.constant 3 : i32
      %shift_right_logical3A_332 = vector.broadcast %shift_right_logical3A_331 : i32 to vector<16xi32>
      %shift_right_logical3A_333 = arith.shrui %add3A_330, %shift_right_logical3A_332 : vector<16xi32>
      %gather3A_334 = tpu.vector_load_idx %arg7[%shift_right_logical3A_333] : memref<128xi32, #tpu.memory_space<vmem>>[vector<16xi32>], vector<16xi32>,
      %mul3A_335 = arith.constant 8 : i32
      %mul3A_336 = vector.broadcast %mul3A_335 : i32 to vector<16xi32>
      %mul3A_337 = arith.muli %gather3A_334, %mul3A_336 : vector<16xi32>
      %add3A_338 = arith.addi %mul3A_337, %and3A_4 : vector<16xi32>
      %shift_right_logical3A_339 = arith.constant 7 : i32
      %shift_right_logical3A_340 = vector.broadcast %shift_right_logical3A_339 : i32 to vector<16xi32>
      %shift_right_logical3A_341 = arith.shrui %add3A_338, %shift_right_logical3A_340 : vector<16xi32>
      %and3A_342 = arith.constant 127 : i32
      %and3A_343 = vector.broadcast %and3A_342 : i32 to vector<16xi32>
      %and3A_344 = arith.andi %add3A_338, %and3A_343 : vector<16xi32>
      %get3A_345 = arith.constant 256 : index
      %get3A_346 = tpu.vector_load %arg8[%get3A_345] {strides = array<i32>} : memref<1024xf32, #tpu.memory_space<vmem>>, vector<16xf32>,
      tpu.vector_store_idx %arg9[%shift_right_logical3A_341, %and3A_344], %get3A_346 masked %lt3A_6 {add = true} : memref<640x128xf32, #tpu.memory_space<vmem>>[vector<16xi32>, vector<16xi32>], vector<16xf32>, vector<16xi1>
      tpu.vector_store_idx %arg9[%shift_right_logical3A_341, %and3A_344], %get3A_346 masked %not3A_7 {add = true} : memref<640x128xf32, #tpu.memory_space<vmem>>[vector<16xi32>, vector<16xi32>], vector<16xf32>, vector<16xi1>
      %add3A_347 = arith.constant 272 : i32
      %add3A_348 = vector.broadcast %add3A_347 : i32 to vector<16xi32>
      %add3A_349 = arith.addi %add3A_348, %iota3A : vector<16xi32>
      %shift_right_logical3A_350 = arith.constant 3 : i32
      %shift_right_logical3A_351 = vector.broadcast %shift_right_logical3A_350 : i32 to vector<16xi32>
      %shift_right_logical3A_352 = arith.shrui %add3A_349, %shift_right_logical3A_351 : vector<16xi32>
      %gather3A_353 = tpu.vector_load_idx %arg7[%shift_right_logical3A_352] : memref<128xi32, #tpu.memory_space<vmem>>[vector<16xi32>], vector<16xi32>,
      %mul3A_354 = arith.constant 8 : i32
      %mul3A_355 = vector.broadcast %mul3A_354 : i32 to vector<16xi32>
      %mul3A_356 = arith.muli %gather3A_353, %mul3A_355 : vector<16xi32>
      %add3A_357 = arith.addi %mul3A_356, %and3A_4 : vector<16xi32>
      %shift_right_logical3A_358 = arith.constant 7 : i32
      %shift_right_logical3A_359 = vector.broadcast %shift_right_logical3A_358 : i32 to vector<16xi32>
      %shift_right_logical3A_360 = arith.shrui %add3A_357, %shift_right_logical3A_359 : vector<16xi32>
      %and3A_361 = arith.constant 127 : i32
      %and3A_362 = vector.broadcast %and3A_361 : i32 to vector<16xi32>
      %and3A_363 = arith.andi %add3A_357, %and3A_362 : vector<16xi32>
      %get3A_364 = arith.constant 272 : index
      %get3A_365 = tpu.vector_load %arg8[%get3A_364] {strides = array<i32>} : memref<1024xf32, #tpu.memory_space<vmem>>, vector<16xf32>,
      tpu.vector_store_idx %arg9[%shift_right_logical3A_360, %and3A_363], %get3A_365 masked %lt3A_6 {add = true} : memref<640x128xf32, #tpu.memory_space<vmem>>[vector<16xi32>, vector<16xi32>], vector<16xf32>, vector<16xi1>
      tpu.vector_store_idx %arg9[%shift_right_logical3A_360, %and3A_363], %get3A_365 masked %not3A_7 {add = true} : memref<640x128xf32, #tpu.memory_space<vmem>>[vector<16xi32>, vector<16xi32>], vector<16xf32>, vector<16xi1>
      %add3A_366 = arith.constant 288 : i32
      %add3A_367 = vector.broadcast %add3A_366 : i32 to vector<16xi32>
      %add3A_368 = arith.addi %add3A_367, %iota3A : vector<16xi32>
      %shift_right_logical3A_369 = arith.constant 3 : i32
      %shift_right_logical3A_370 = vector.broadcast %shift_right_logical3A_369 : i32 to vector<16xi32>
      %shift_right_logical3A_371 = arith.shrui %add3A_368, %shift_right_logical3A_370 : vector<16xi32>
      %gather3A_372 = tpu.vector_load_idx %arg7[%shift_right_logical3A_371] : memref<128xi32, #tpu.memory_space<vmem>>[vector<16xi32>], vector<16xi32>,
      %mul3A_373 = arith.constant 8 : i32
      %mul3A_374 = vector.broadcast %mul3A_373 : i32 to vector<16xi32>
      %mul3A_375 = arith.muli %gather3A_372, %mul3A_374 : vector<16xi32>
      %add3A_376 = arith.addi %mul3A_375, %and3A_4 : vector<16xi32>
      %shift_right_logical3A_377 = arith.constant 7 : i32
      %shift_right_logical3A_378 = vector.broadcast %shift_right_logical3A_377 : i32 to vector<16xi32>
      %shift_right_logical3A_379 = arith.shrui %add3A_376, %shift_right_logical3A_378 : vector<16xi32>
      %and3A_380 = arith.constant 127 : i32
      %and3A_381 = vector.broadcast %and3A_380 : i32 to vector<16xi32>
      %and3A_382 = arith.andi %add3A_376, %and3A_381 : vector<16xi32>
      %get3A_383 = arith.constant 288 : index
      %get3A_384 = tpu.vector_load %arg8[%get3A_383] {strides = array<i32>} : memref<1024xf32, #tpu.memory_space<vmem>>, vector<16xf32>,
      tpu.vector_store_idx %arg9[%shift_right_logical3A_379, %and3A_382], %get3A_384 masked %lt3A_6 {add = true} : memref<640x128xf32, #tpu.memory_space<vmem>>[vector<16xi32>, vector<16xi32>], vector<16xf32>, vector<16xi1>
      tpu.vector_store_idx %arg9[%shift_right_logical3A_379, %and3A_382], %get3A_384 masked %not3A_7 {add = true} : memref<640x128xf32, #tpu.memory_space<vmem>>[vector<16xi32>, vector<16xi32>], vector<16xf32>, vector<16xi1>
      %add3A_385 = arith.constant 304 : i32
      %add3A_386 = vector.broadcast %add3A_385 : i32 to vector<16xi32>
      %add3A_387 = arith.addi %add3A_386, %iota3A : vector<16xi32>
      %shift_right_logical3A_388 = arith.constant 3 : i32
      %shift_right_logical3A_389 = vector.broadcast %shift_right_logical3A_388 : i32 to vector<16xi32>
      %shift_right_logical3A_390 = arith.shrui %add3A_387, %shift_right_logical3A_389 : vector<16xi32>
      %gather3A_391 = tpu.vector_load_idx %arg7[%shift_right_logical3A_390] : memref<128xi32, #tpu.memory_space<vmem>>[vector<16xi32>], vector<16xi32>,
      %mul3A_392 = arith.constant 8 : i32
      %mul3A_393 = vector.broadcast %mul3A_392 : i32 to vector<16xi32>
      %mul3A_394 = arith.muli %gather3A_391, %mul3A_393 : vector<16xi32>
      %add3A_395 = arith.addi %mul3A_394, %and3A_4 : vector<16xi32>
      %shift_right_logical3A_396 = arith.constant 7 : i32
      %shift_right_logical3A_397 = vector.broadcast %shift_right_logical3A_396 : i32 to vector<16xi32>
      %shift_right_logical3A_398 = arith.shrui %add3A_395, %shift_right_logical3A_397 : vector<16xi32>
      %and3A_399 = arith.constant 127 : i32
      %and3A_400 = vector.broadcast %and3A_399 : i32 to vector<16xi32>
      %and3A_401 = arith.andi %add3A_395, %and3A_400 : vector<16xi32>
      %get3A_402 = arith.constant 304 : index
      %get3A_403 = tpu.vector_load %arg8[%get3A_402] {strides = array<i32>} : memref<1024xf32, #tpu.memory_space<vmem>>, vector<16xf32>,
      tpu.vector_store_idx %arg9[%shift_right_logical3A_398, %and3A_401], %get3A_403 masked %lt3A_6 {add = true} : memref<640x128xf32, #tpu.memory_space<vmem>>[vector<16xi32>, vector<16xi32>], vector<16xf32>, vector<16xi1>
      tpu.vector_store_idx %arg9[%shift_right_logical3A_398, %and3A_401], %get3A_403 masked %not3A_7 {add = true} : memref<640x128xf32, #tpu.memory_space<vmem>>[vector<16xi32>, vector<16xi32>], vector<16xf32>, vector<16xi1>
      %add3A_404 = arith.constant 320 : i32
      %add3A_405 = vector.broadcast %add3A_404 : i32 to vector<16xi32>
      %add3A_406 = arith.addi %add3A_405, %iota3A : vector<16xi32>
      %shift_right_logical3A_407 = arith.constant 3 : i32
      %shift_right_logical3A_408 = vector.broadcast %shift_right_logical3A_407 : i32 to vector<16xi32>
      %shift_right_logical3A_409 = arith.shrui %add3A_406, %shift_right_logical3A_408 : vector<16xi32>
      %gather3A_410 = tpu.vector_load_idx %arg7[%shift_right_logical3A_409] : memref<128xi32, #tpu.memory_space<vmem>>[vector<16xi32>], vector<16xi32>,
      %mul3A_411 = arith.constant 8 : i32
      %mul3A_412 = vector.broadcast %mul3A_411 : i32 to vector<16xi32>
      %mul3A_413 = arith.muli %gather3A_410, %mul3A_412 : vector<16xi32>
      %add3A_414 = arith.addi %mul3A_413, %and3A_4 : vector<16xi32>
      %shift_right_logical3A_415 = arith.constant 7 : i32
      %shift_right_logical3A_416 = vector.broadcast %shift_right_logical3A_415 : i32 to vector<16xi32>
      %shift_right_logical3A_417 = arith.shrui %add3A_414, %shift_right_logical3A_416 : vector<16xi32>
      %and3A_418 = arith.constant 127 : i32
      %and3A_419 = vector.broadcast %and3A_418 : i32 to vector<16xi32>
      %and3A_420 = arith.andi %add3A_414, %and3A_419 : vector<16xi32>
      %get3A_421 = arith.constant 320 : index
      %get3A_422 = tpu.vector_load %arg8[%get3A_421] {strides = array<i32>} : memref<1024xf32, #tpu.memory_space<vmem>>, vector<16xf32>,
      tpu.vector_store_idx %arg9[%shift_right_logical3A_417, %and3A_420], %get3A_422 masked %lt3A_6 {add = true} : memref<640x128xf32, #tpu.memory_space<vmem>>[vector<16xi32>, vector<16xi32>], vector<16xf32>, vector<16xi1>
      tpu.vector_store_idx %arg9[%shift_right_logical3A_417, %and3A_420], %get3A_422 masked %not3A_7 {add = true} : memref<640x128xf32, #tpu.memory_space<vmem>>[vector<16xi32>, vector<16xi32>], vector<16xf32>, vector<16xi1>
      %add3A_423 = arith.constant 336 : i32
      %add3A_424 = vector.broadcast %add3A_423 : i32 to vector<16xi32>
      %add3A_425 = arith.addi %add3A_424, %iota3A : vector<16xi32>
      %shift_right_logical3A_426 = arith.constant 3 : i32
      %shift_right_logical3A_427 = vector.broadcast %shift_right_logical3A_426 : i32 to vector<16xi32>
      %shift_right_logical3A_428 = arith.shrui %add3A_425, %shift_right_logical3A_427 : vector<16xi32>
      %gather3A_429 = tpu.vector_load_idx %arg7[%shift_right_logical3A_428] : memref<128xi32, #tpu.memory_space<vmem>>[vector<16xi32>], vector<16xi32>,
      %mul3A_430 = arith.constant 8 : i32
      %mul3A_431 = vector.broadcast %mul3A_430 : i32 to vector<16xi32>
      %mul3A_432 = arith.muli %gather3A_429, %mul3A_431 : vector<16xi32>
      %add3A_433 = arith.addi %mul3A_432, %and3A_4 : vector<16xi32>
      %shift_right_logical3A_434 = arith.constant 7 : i32
      %shift_right_logical3A_435 = vector.broadcast %shift_right_logical3A_434 : i32 to vector<16xi32>
      %shift_right_logical3A_436 = arith.shrui %add3A_433, %shift_right_logical3A_435 : vector<16xi32>
      %and3A_437 = arith.constant 127 : i32
      %and3A_438 = vector.broadcast %and3A_437 : i32 to vector<16xi32>
      %and3A_439 = arith.andi %add3A_433, %and3A_438 : vector<16xi32>
      %get3A_440 = arith.constant 336 : index
      %get3A_441 = tpu.vector_load %arg8[%get3A_440] {strides = array<i32>} : memref<1024xf32, #tpu.memory_space<vmem>>, vector<16xf32>,
      tpu.vector_store_idx %arg9[%shift_right_logical3A_436, %and3A_439], %get3A_441 masked %lt3A_6 {add = true} : memref<640x128xf32, #tpu.memory_space<vmem>>[vector<16xi32>, vector<16xi32>], vector<16xf32>, vector<16xi1>
      tpu.vector_store_idx %arg9[%shift_right_logical3A_436, %and3A_439], %get3A_441 masked %not3A_7 {add = true} : memref<640x128xf32, #tpu.memory_space<vmem>>[vector<16xi32>, vector<16xi32>], vector<16xf32>, vector<16xi1>
      %add3A_442 = arith.constant 352 : i32
      %add3A_443 = vector.broadcast %add3A_442 : i32 to vector<16xi32>
      %add3A_444 = arith.addi %add3A_443, %iota3A : vector<16xi32>
      %shift_right_logical3A_445 = arith.constant 3 : i32
      %shift_right_logical3A_446 = vector.broadcast %shift_right_logical3A_445 : i32 to vector<16xi32>
      %shift_right_logical3A_447 = arith.shrui %add3A_444, %shift_right_logical3A_446 : vector<16xi32>
      %gather3A_448 = tpu.vector_load_idx %arg7[%shift_right_logical3A_447] : memref<128xi32, #tpu.memory_space<vmem>>[vector<16xi32>], vector<16xi32>,
      %mul3A_449 = arith.constant 8 : i32
      %mul3A_450 = vector.broadcast %mul3A_449 : i32 to vector<16xi32>
      %mul3A_451 = arith.muli %gather3A_448, %mul3A_450 : vector<16xi32>
      %add3A_452 = arith.addi %mul3A_451, %and3A_4 : vector<16xi32>
      %shift_right_logical3A_453 = arith.constant 7 : i32
      %shift_right_logical3A_454 = vector.broadcast %shift_right_logical3A_453 : i32 to vector<16xi32>
      %shift_right_logical3A_455 = arith.shrui %add3A_452, %shift_right_logical3A_454 : vector<16xi32>
      %and3A_456 = arith.constant 127 : i32
      %and3A_457 = vector.broadcast %and3A_456 : i32 to vector<16xi32>
      %and3A_458 = arith.andi %add3A_452, %and3A_457 : vector<16xi32>
      %get3A_459 = arith.constant 352 : index
      %get3A_460 = tpu.vector_load %arg8[%get3A_459] {strides = array<i32>} : memref<1024xf32, #tpu.memory_space<vmem>>, vector<16xf32>,
      tpu.vector_store_idx %arg9[%shift_right_logical3A_455, %and3A_458], %get3A_460 masked %lt3A_6 {add = true} : memref<640x128xf32, #tpu.memory_space<vmem>>[vector<16xi32>, vector<16xi32>], vector<16xf32>, vector<16xi1>
      tpu.vector_store_idx %arg9[%shift_right_logical3A_455, %and3A_458], %get3A_460 masked %not3A_7 {add = true} : memref<640x128xf32, #tpu.memory_space<vmem>>[vector<16xi32>, vector<16xi32>], vector<16xf32>, vector<16xi1>
      %add3A_461 = arith.constant 368 : i32
      %add3A_462 = vector.broadcast %add3A_461 : i32 to vector<16xi32>
      %add3A_463 = arith.addi %add3A_462, %iota3A : vector<16xi32>
      %shift_right_logical3A_464 = arith.constant 3 : i32
      %shift_right_logical3A_465 = vector.broadcast %shift_right_logical3A_464 : i32 to vector<16xi32>
      %shift_right_logical3A_466 = arith.shrui %add3A_463, %shift_right_logical3A_465 : vector<16xi32>
      %gather3A_467 = tpu.vector_load_idx %arg7[%shift_right_logical3A_466] : memref<128xi32, #tpu.memory_space<vmem>>[vector<16xi32>], vector<16xi32>,
      %mul3A_468 = arith.constant 8 : i32
      %mul3A_469 = vector.broadcast %mul3A_468 : i32 to vector<16xi32>
      %mul3A_470 = arith.muli %gather3A_467, %mul3A_469 : vector<16xi32>
      %add3A_471 = arith.addi %mul3A_470, %and3A_4 : vector<16xi32>
      %shift_right_logical3A_472 = arith.constant 7 : i32
      %shift_right_logical3A_473 = vector.broadcast %shift_right_logical3A_472 : i32 to vector<16xi32>
      %shift_right_logical3A_474 = arith.shrui %add3A_471, %shift_right_logical3A_473 : vector<16xi32>
      %and3A_475 = arith.constant 127 : i32
      %and3A_476 = vector.broadcast %and3A_475 : i32 to vector<16xi32>
      %and3A_477 = arith.andi %add3A_471, %and3A_476 : vector<16xi32>
      %get3A_478 = arith.constant 368 : index
      %get3A_479 = tpu.vector_load %arg8[%get3A_478] {strides = array<i32>} : memref<1024xf32, #tpu.memory_space<vmem>>, vector<16xf32>,
      tpu.vector_store_idx %arg9[%shift_right_logical3A_474, %and3A_477], %get3A_479 masked %lt3A_6 {add = true} : memref<640x128xf32, #tpu.memory_space<vmem>>[vector<16xi32>, vector<16xi32>], vector<16xf32>, vector<16xi1>
      tpu.vector_store_idx %arg9[%shift_right_logical3A_474, %and3A_477], %get3A_479 masked %not3A_7 {add = true} : memref<640x128xf32, #tpu.memory_space<vmem>>[vector<16xi32>, vector<16xi32>], vector<16xf32>, vector<16xi1>
      %add3A_480 = arith.constant 384 : i32
      %add3A_481 = vector.broadcast %add3A_480 : i32 to vector<16xi32>
      %add3A_482 = arith.addi %add3A_481, %iota3A : vector<16xi32>
      %shift_right_logical3A_483 = arith.constant 3 : i32
      %shift_right_logical3A_484 = vector.broadcast %shift_right_logical3A_483 : i32 to vector<16xi32>
      %shift_right_logical3A_485 = arith.shrui %add3A_482, %shift_right_logical3A_484 : vector<16xi32>
      %gather3A_486 = tpu.vector_load_idx %arg7[%shift_right_logical3A_485] : memref<128xi32, #tpu.memory_space<vmem>>[vector<16xi32>], vector<16xi32>,
      %mul3A_487 = arith.constant 8 : i32
      %mul3A_488 = vector.broadcast %mul3A_487 : i32 to vector<16xi32>
      %mul3A_489 = arith.muli %gather3A_486, %mul3A_488 : vector<16xi32>
      %add3A_490 = arith.addi %mul3A_489, %and3A_4 : vector<16xi32>
      %shift_right_logical3A_491 = arith.constant 7 : i32
      %shift_right_logical3A_492 = vector.broadcast %shift_right_logical3A_491 : i32 to vector<16xi32>
      %shift_right_logical3A_493 = arith.shrui %add3A_490, %shift_right_logical3A_492 : vector<16xi32>
      %and3A_494 = arith.constant 127 : i32
      %and3A_495 = vector.broadcast %and3A_494 : i32 to vector<16xi32>
      %and3A_496 = arith.andi %add3A_490, %and3A_495 : vector<16xi32>
      %get3A_497 = arith.constant 384 : index
      %get3A_498 = tpu.vector_load %arg8[%get3A_497] {strides = array<i32>} : memref<1024xf32, #tpu.memory_space<vmem>>, vector<16xf32>,
      tpu.vector_store_idx %arg9[%shift_right_logical3A_493, %and3A_496], %get3A_498 masked %lt3A_6 {add = true} : memref<640x128xf32, #tpu.memory_space<vmem>>[vector<16xi32>, vector<16xi32>], vector<16xf32>, vector<16xi1>
      tpu.vector_store_idx %arg9[%shift_right_logical3A_493, %and3A_496], %get3A_498 masked %not3A_7 {add = true} : memref<640x128xf32, #tpu.memory_space<vmem>>[vector<16xi32>, vector<16xi32>], vector<16xf32>, vector<16xi1>
      %add3A_499 = arith.constant 400 : i32
      %add3A_500 = vector.broadcast %add3A_499 : i32 to vector<16xi32>
      %add3A_501 = arith.addi %add3A_500, %iota3A : vector<16xi32>
      %shift_right_logical3A_502 = arith.constant 3 : i32
      %shift_right_logical3A_503 = vector.broadcast %shift_right_logical3A_502 : i32 to vector<16xi32>
      %shift_right_logical3A_504 = arith.shrui %add3A_501, %shift_right_logical3A_503 : vector<16xi32>
      %gather3A_505 = tpu.vector_load_idx %arg7[%shift_right_logical3A_504] : memref<128xi32, #tpu.memory_space<vmem>>[vector<16xi32>], vector<16xi32>,
      %mul3A_506 = arith.constant 8 : i32
      %mul3A_507 = vector.broadcast %mul3A_506 : i32 to vector<16xi32>
      %mul3A_508 = arith.muli %gather3A_505, %mul3A_507 : vector<16xi32>
      %add3A_509 = arith.addi %mul3A_508, %and3A_4 : vector<16xi32>
      %shift_right_logical3A_510 = arith.constant 7 : i32
      %shift_right_logical3A_511 = vector.broadcast %shift_right_logical3A_510 : i32 to vector<16xi32>
      %shift_right_logical3A_512 = arith.shrui %add3A_509, %shift_right_logical3A_511 : vector<16xi32>
      %and3A_513 = arith.constant 127 : i32
      %and3A_514 = vector.broadcast %and3A_513 : i32 to vector<16xi32>
      %and3A_515 = arith.andi %add3A_509, %and3A_514 : vector<16xi32>
      %get3A_516 = arith.constant 400 : index
      %get3A_517 = tpu.vector_load %arg8[%get3A_516] {strides = array<i32>} : memref<1024xf32, #tpu.memory_space<vmem>>, vector<16xf32>,
      tpu.vector_store_idx %arg9[%shift_right_logical3A_512, %and3A_515], %get3A_517 masked %lt3A_6 {add = true} : memref<640x128xf32, #tpu.memory_space<vmem>>[vector<16xi32>, vector<16xi32>], vector<16xf32>, vector<16xi1>
      tpu.vector_store_idx %arg9[%shift_right_logical3A_512, %and3A_515], %get3A_517 masked %not3A_7 {add = true} : memref<640x128xf32, #tpu.memory_space<vmem>>[vector<16xi32>, vector<16xi32>], vector<16xf32>, vector<16xi1>
      %add3A_518 = arith.constant 416 : i32
      %add3A_519 = vector.broadcast %add3A_518 : i32 to vector<16xi32>
      %add3A_520 = arith.addi %add3A_519, %iota3A : vector<16xi32>
      %shift_right_logical3A_521 = arith.constant 3 : i32
      %shift_right_logical3A_522 = vector.broadcast %shift_right_logical3A_521 : i32 to vector<16xi32>
      %shift_right_logical3A_523 = arith.shrui %add3A_520, %shift_right_logical3A_522 : vector<16xi32>
      %gather3A_524 = tpu.vector_load_idx %arg7[%shift_right_logical3A_523] : memref<128xi32, #tpu.memory_space<vmem>>[vector<16xi32>], vector<16xi32>,
      %mul3A_525 = arith.constant 8 : i32
      %mul3A_526 = vector.broadcast %mul3A_525 : i32 to vector<16xi32>
      %mul3A_527 = arith.muli %gather3A_524, %mul3A_526 : vector<16xi32>
      %add3A_528 = arith.addi %mul3A_527, %and3A_4 : vector<16xi32>
      %shift_right_logical3A_529 = arith.constant 7 : i32
      %shift_right_logical3A_530 = vector.broadcast %shift_right_logical3A_529 : i32 to vector<16xi32>
      %shift_right_logical3A_531 = arith.shrui %add3A_528, %shift_right_logical3A_530 : vector<16xi32>
      %and3A_532 = arith.constant 127 : i32
      %and3A_533 = vector.broadcast %and3A_532 : i32 to vector<16xi32>
      %and3A_534 = arith.andi %add3A_528, %and3A_533 : vector<16xi32>
      %get3A_535 = arith.constant 416 : index
      %get3A_536 = tpu.vector_load %arg8[%get3A_535] {strides = array<i32>} : memref<1024xf32, #tpu.memory_space<vmem>>, vector<16xf32>,
      tpu.vector_store_idx %arg9[%shift_right_logical3A_531, %and3A_534], %get3A_536 masked %lt3A_6 {add = true} : memref<640x128xf32, #tpu.memory_space<vmem>>[vector<16xi32>, vector<16xi32>], vector<16xf32>, vector<16xi1>
      tpu.vector_store_idx %arg9[%shift_right_logical3A_531, %and3A_534], %get3A_536 masked %not3A_7 {add = true} : memref<640x128xf32, #tpu.memory_space<vmem>>[vector<16xi32>, vector<16xi32>], vector<16xf32>, vector<16xi1>
      %add3A_537 = arith.constant 432 : i32
      %add3A_538 = vector.broadcast %add3A_537 : i32 to vector<16xi32>
      %add3A_539 = arith.addi %add3A_538, %iota3A : vector<16xi32>
      %shift_right_logical3A_540 = arith.constant 3 : i32
      %shift_right_logical3A_541 = vector.broadcast %shift_right_logical3A_540 : i32 to vector<16xi32>
      %shift_right_logical3A_542 = arith.shrui %add3A_539, %shift_right_logical3A_541 : vector<16xi32>
      %gather3A_543 = tpu.vector_load_idx %arg7[%shift_right_logical3A_542] : memref<128xi32, #tpu.memory_space<vmem>>[vector<16xi32>], vector<16xi32>,
      %mul3A_544 = arith.constant 8 : i32
      %mul3A_545 = vector.broadcast %mul3A_544 : i32 to vector<16xi32>
      %mul3A_546 = arith.muli %gather3A_543, %mul3A_545 : vector<16xi32>
      %add3A_547 = arith.addi %mul3A_546, %and3A_4 : vector<16xi32>
      %shift_right_logical3A_548 = arith.constant 7 : i32
      %shift_right_logical3A_549 = vector.broadcast %shift_right_logical3A_548 : i32 to vector<16xi32>
      %shift_right_logical3A_550 = arith.shrui %add3A_547, %shift_right_logical3A_549 : vector<16xi32>
      %and3A_551 = arith.constant 127 : i32
      %and3A_552 = vector.broadcast %and3A_551 : i32 to vector<16xi32>
      %and3A_553 = arith.andi %add3A_547, %and3A_552 : vector<16xi32>
      %get3A_554 = arith.constant 432 : index
      %get3A_555 = tpu.vector_load %arg8[%get3A_554] {strides = array<i32>} : memref<1024xf32, #tpu.memory_space<vmem>>, vector<16xf32>,
      tpu.vector_store_idx %arg9[%shift_right_logical3A_550, %and3A_553], %get3A_555 masked %lt3A_6 {add = true} : memref<640x128xf32, #tpu.memory_space<vmem>>[vector<16xi32>, vector<16xi32>], vector<16xf32>, vector<16xi1>
      tpu.vector_store_idx %arg9[%shift_right_logical3A_550, %and3A_553], %get3A_555 masked %not3A_7 {add = true} : memref<640x128xf32, #tpu.memory_space<vmem>>[vector<16xi32>, vector<16xi32>], vector<16xf32>, vector<16xi1>
      %add3A_556 = arith.constant 448 : i32
      %add3A_557 = vector.broadcast %add3A_556 : i32 to vector<16xi32>
      %add3A_558 = arith.addi %add3A_557, %iota3A : vector<16xi32>
      %shift_right_logical3A_559 = arith.constant 3 : i32
      %shift_right_logical3A_560 = vector.broadcast %shift_right_logical3A_559 : i32 to vector<16xi32>
      %shift_right_logical3A_561 = arith.shrui %add3A_558, %shift_right_logical3A_560 : vector<16xi32>
      %gather3A_562 = tpu.vector_load_idx %arg7[%shift_right_logical3A_561] : memref<128xi32, #tpu.memory_space<vmem>>[vector<16xi32>], vector<16xi32>,
      %mul3A_563 = arith.constant 8 : i32
      %mul3A_564 = vector.broadcast %mul3A_563 : i32 to vector<16xi32>
      %mul3A_565 = arith.muli %gather3A_562, %mul3A_564 : vector<16xi32>
      %add3A_566 = arith.addi %mul3A_565, %and3A_4 : vector<16xi32>
      %shift_right_logical3A_567 = arith.constant 7 : i32
      %shift_right_logical3A_568 = vector.broadcast %shift_right_logical3A_567 : i32 to vector<16xi32>
      %shift_right_logical3A_569 = arith.shrui %add3A_566, %shift_right_logical3A_568 : vector<16xi32>
      %and3A_570 = arith.constant 127 : i32
      %and3A_571 = vector.broadcast %and3A_570 : i32 to vector<16xi32>
      %and3A_572 = arith.andi %add3A_566, %and3A_571 : vector<16xi32>
      %get3A_573 = arith.constant 448 : index
      %get3A_574 = tpu.vector_load %arg8[%get3A_573] {strides = array<i32>} : memref<1024xf32, #tpu.memory_space<vmem>>, vector<16xf32>,
      tpu.vector_store_idx %arg9[%shift_right_logical3A_569, %and3A_572], %get3A_574 masked %lt3A_6 {add = true} : memref<640x128xf32, #tpu.memory_space<vmem>>[vector<16xi32>, vector<16xi32>], vector<16xf32>, vector<16xi1>
      tpu.vector_store_idx %arg9[%shift_right_logical3A_569, %and3A_572], %get3A_574 masked %not3A_7 {add = true} : memref<640x128xf32, #tpu.memory_space<vmem>>[vector<16xi32>, vector<16xi32>], vector<16xf32>, vector<16xi1>
      %add3A_575 = arith.constant 464 : i32
      %add3A_576 = vector.broadcast %add3A_575 : i32 to vector<16xi32>
      %add3A_577 = arith.addi %add3A_576, %iota3A : vector<16xi32>
      %shift_right_logical3A_578 = arith.constant 3 : i32
      %shift_right_logical3A_579 = vector.broadcast %shift_right_logical3A_578 : i32 to vector<16xi32>
      %shift_right_logical3A_580 = arith.shrui %add3A_577, %shift_right_logical3A_579 : vector<16xi32>
      %gather3A_581 = tpu.vector_load_idx %arg7[%shift_right_logical3A_580] : memref<128xi32, #tpu.memory_space<vmem>>[vector<16xi32>], vector<16xi32>,
      %mul3A_582 = arith.constant 8 : i32
      %mul3A_583 = vector.broadcast %mul3A_582 : i32 to vector<16xi32>
      %mul3A_584 = arith.muli %gather3A_581, %mul3A_583 : vector<16xi32>
      %add3A_585 = arith.addi %mul3A_584, %and3A_4 : vector<16xi32>
      %shift_right_logical3A_586 = arith.constant 7 : i32
      %shift_right_logical3A_587 = vector.broadcast %shift_right_logical3A_586 : i32 to vector<16xi32>
      %shift_right_logical3A_588 = arith.shrui %add3A_585, %shift_right_logical3A_587 : vector<16xi32>
      %and3A_589 = arith.constant 127 : i32
      %and3A_590 = vector.broadcast %and3A_589 : i32 to vector<16xi32>
      %and3A_591 = arith.andi %add3A_585, %and3A_590 : vector<16xi32>
      %get3A_592 = arith.constant 464 : index
      %get3A_593 = tpu.vector_load %arg8[%get3A_592] {strides = array<i32>} : memref<1024xf32, #tpu.memory_space<vmem>>, vector<16xf32>,
      tpu.vector_store_idx %arg9[%shift_right_logical3A_588, %and3A_591], %get3A_593 masked %lt3A_6 {add = true} : memref<640x128xf32, #tpu.memory_space<vmem>>[vector<16xi32>, vector<16xi32>], vector<16xf32>, vector<16xi1>
      tpu.vector_store_idx %arg9[%shift_right_logical3A_588, %and3A_591], %get3A_593 masked %not3A_7 {add = true} : memref<640x128xf32, #tpu.memory_space<vmem>>[vector<16xi32>, vector<16xi32>], vector<16xf32>, vector<16xi1>
      %add3A_594 = arith.constant 480 : i32
      %add3A_595 = vector.broadcast %add3A_594 : i32 to vector<16xi32>
      %add3A_596 = arith.addi %add3A_595, %iota3A : vector<16xi32>
      %shift_right_logical3A_597 = arith.constant 3 : i32
      %shift_right_logical3A_598 = vector.broadcast %shift_right_logical3A_597 : i32 to vector<16xi32>
      %shift_right_logical3A_599 = arith.shrui %add3A_596, %shift_right_logical3A_598 : vector<16xi32>
      %gather3A_600 = tpu.vector_load_idx %arg7[%shift_right_logical3A_599] : memref<128xi32, #tpu.memory_space<vmem>>[vector<16xi32>], vector<16xi32>,
      %mul3A_601 = arith.constant 8 : i32
      %mul3A_602 = vector.broadcast %mul3A_601 : i32 to vector<16xi32>
      %mul3A_603 = arith.muli %gather3A_600, %mul3A_602 : vector<16xi32>
      %add3A_604 = arith.addi %mul3A_603, %and3A_4 : vector<16xi32>
      %shift_right_logical3A_605 = arith.constant 7 : i32
      %shift_right_logical3A_606 = vector.broadcast %shift_right_logical3A_605 : i32 to vector<16xi32>
      %shift_right_logical3A_607 = arith.shrui %add3A_604, %shift_right_logical3A_606 : vector<16xi32>
      %and3A_608 = arith.constant 127 : i32
      %and3A_609 = vector.broadcast %and3A_608 : i32 to vector<16xi32>
      %and3A_610 = arith.andi %add3A_604, %and3A_609 : vector<16xi32>
      %get3A_611 = arith.constant 480 : index
      %get3A_612 = tpu.vector_load %arg8[%get3A_611] {strides = array<i32>} : memref<1024xf32, #tpu.memory_space<vmem>>, vector<16xf32>,
      tpu.vector_store_idx %arg9[%shift_right_logical3A_607, %and3A_610], %get3A_612 masked %lt3A_6 {add = true} : memref<640x128xf32, #tpu.memory_space<vmem>>[vector<16xi32>, vector<16xi32>], vector<16xf32>, vector<16xi1>
      tpu.vector_store_idx %arg9[%shift_right_logical3A_607, %and3A_610], %get3A_612 masked %not3A_7 {add = true} : memref<640x128xf32, #tpu.memory_space<vmem>>[vector<16xi32>, vector<16xi32>], vector<16xf32>, vector<16xi1>
      %add3A_613 = arith.constant 496 : i32
      %add3A_614 = vector.broadcast %add3A_613 : i32 to vector<16xi32>
      %add3A_615 = arith.addi %add3A_614, %iota3A : vector<16xi32>
      %shift_right_logical3A_616 = arith.constant 3 : i32
      %shift_right_logical3A_617 = vector.broadcast %shift_right_logical3A_616 : i32 to vector<16xi32>
      %shift_right_logical3A_618 = arith.shrui %add3A_615, %shift_right_logical3A_617 : vector<16xi32>
      %gather3A_619 = tpu.vector_load_idx %arg7[%shift_right_logical3A_618] : memref<128xi32, #tpu.memory_space<vmem>>[vector<16xi32>], vector<16xi32>,
      %mul3A_620 = arith.constant 8 : i32
      %mul3A_621 = vector.broadcast %mul3A_620 : i32 to vector<16xi32>
      %mul3A_622 = arith.muli %gather3A_619, %mul3A_621 : vector<16xi32>
      %add3A_623 = arith.addi %mul3A_622, %and3A_4 : vector<16xi32>
      %shift_right_logical3A_624 = arith.constant 7 : i32
      %shift_right_logical3A_625 = vector.broadcast %shift_right_logical3A_624 : i32 to vector<16xi32>
      %shift_right_logical3A_626 = arith.shrui %add3A_623, %shift_right_logical3A_625 : vector<16xi32>
      %and3A_627 = arith.constant 127 : i32
      %and3A_628 = vector.broadcast %and3A_627 : i32 to vector<16xi32>
      %and3A_629 = arith.andi %add3A_623, %and3A_628 : vector<16xi32>
      %get3A_630 = arith.constant 496 : index
      %get3A_631 = tpu.vector_load %arg8[%get3A_630] {strides = array<i32>} : memref<1024xf32, #tpu.memory_space<vmem>>, vector<16xf32>,
      tpu.vector_store_idx %arg9[%shift_right_logical3A_626, %and3A_629], %get3A_631 masked %lt3A_6 {add = true} : memref<640x128xf32, #tpu.memory_space<vmem>>[vector<16xi32>, vector<16xi32>], vector<16xf32>, vector<16xi1>
      tpu.vector_store_idx %arg9[%shift_right_logical3A_626, %and3A_629], %get3A_631 masked %not3A_7 {add = true} : memref<640x128xf32, #tpu.memory_space<vmem>>[vector<16xi32>, vector<16xi32>], vector<16xf32>, vector<16xi1>
      %add3A_632 = arith.constant 512 : i32
      %add3A_633 = vector.broadcast %add3A_632 : i32 to vector<16xi32>
      %add3A_634 = arith.addi %add3A_633, %iota3A : vector<16xi32>
      %shift_right_logical3A_635 = arith.constant 3 : i32
      %shift_right_logical3A_636 = vector.broadcast %shift_right_logical3A_635 : i32 to vector<16xi32>
      %shift_right_logical3A_637 = arith.shrui %add3A_634, %shift_right_logical3A_636 : vector<16xi32>
      %gather3A_638 = tpu.vector_load_idx %arg7[%shift_right_logical3A_637] : memref<128xi32, #tpu.memory_space<vmem>>[vector<16xi32>], vector<16xi32>,
      %mul3A_639 = arith.constant 8 : i32
      %mul3A_640 = vector.broadcast %mul3A_639 : i32 to vector<16xi32>
      %mul3A_641 = arith.muli %gather3A_638, %mul3A_640 : vector<16xi32>
      %add3A_642 = arith.addi %mul3A_641, %and3A_4 : vector<16xi32>
      %shift_right_logical3A_643 = arith.constant 7 : i32
      %shift_right_logical3A_644 = vector.broadcast %shift_right_logical3A_643 : i32 to vector<16xi32>
      %shift_right_logical3A_645 = arith.shrui %add3A_642, %shift_right_logical3A_644 : vector<16xi32>
      %and3A_646 = arith.constant 127 : i32
      %and3A_647 = vector.broadcast %and3A_646 : i32 to vector<16xi32>
      %and3A_648 = arith.andi %add3A_642, %and3A_647 : vector<16xi32>
      %get3A_649 = arith.constant 512 : index
      %get3A_650 = tpu.vector_load %arg8[%get3A_649] {strides = array<i32>} : memref<1024xf32, #tpu.memory_space<vmem>>, vector<16xf32>,
      tpu.vector_store_idx %arg9[%shift_right_logical3A_645, %and3A_648], %get3A_650 masked %lt3A_6 {add = true} : memref<640x128xf32, #tpu.memory_space<vmem>>[vector<16xi32>, vector<16xi32>], vector<16xf32>, vector<16xi1>
      tpu.vector_store_idx %arg9[%shift_right_logical3A_645, %and3A_648], %get3A_650 masked %not3A_7 {add = true} : memref<640x128xf32, #tpu.memory_space<vmem>>[vector<16xi32>, vector<16xi32>], vector<16xf32>, vector<16xi1>
      %add3A_651 = arith.constant 528 : i32
      %add3A_652 = vector.broadcast %add3A_651 : i32 to vector<16xi32>
      %add3A_653 = arith.addi %add3A_652, %iota3A : vector<16xi32>
      %shift_right_logical3A_654 = arith.constant 3 : i32
      %shift_right_logical3A_655 = vector.broadcast %shift_right_logical3A_654 : i32 to vector<16xi32>
      %shift_right_logical3A_656 = arith.shrui %add3A_653, %shift_right_logical3A_655 : vector<16xi32>
      %gather3A_657 = tpu.vector_load_idx %arg7[%shift_right_logical3A_656] : memref<128xi32, #tpu.memory_space<vmem>>[vector<16xi32>], vector<16xi32>,
      %mul3A_658 = arith.constant 8 : i32
      %mul3A_659 = vector.broadcast %mul3A_658 : i32 to vector<16xi32>
      %mul3A_660 = arith.muli %gather3A_657, %mul3A_659 : vector<16xi32>
      %add3A_661 = arith.addi %mul3A_660, %and3A_4 : vector<16xi32>
      %shift_right_logical3A_662 = arith.constant 7 : i32
      %shift_right_logical3A_663 = vector.broadcast %shift_right_logical3A_662 : i32 to vector<16xi32>
      %shift_right_logical3A_664 = arith.shrui %add3A_661, %shift_right_logical3A_663 : vector<16xi32>
      %and3A_665 = arith.constant 127 : i32
      %and3A_666 = vector.broadcast %and3A_665 : i32 to vector<16xi32>
      %and3A_667 = arith.andi %add3A_661, %and3A_666 : vector<16xi32>
      %get3A_668 = arith.constant 528 : index
      %get3A_669 = tpu.vector_load %arg8[%get3A_668] {strides = array<i32>} : memref<1024xf32, #tpu.memory_space<vmem>>, vector<16xf32>,
      tpu.vector_store_idx %arg9[%shift_right_logical3A_664, %and3A_667], %get3A_669 masked %lt3A_6 {add = true} : memref<640x128xf32, #tpu.memory_space<vmem>>[vector<16xi32>, vector<16xi32>], vector<16xf32>, vector<16xi1>
      tpu.vector_store_idx %arg9[%shift_right_logical3A_664, %and3A_667], %get3A_669 masked %not3A_7 {add = true} : memref<640x128xf32, #tpu.memory_space<vmem>>[vector<16xi32>, vector<16xi32>], vector<16xf32>, vector<16xi1>
      %add3A_670 = arith.constant 544 : i32
      %add3A_671 = vector.broadcast %add3A_670 : i32 to vector<16xi32>
      %add3A_672 = arith.addi %add3A_671, %iota3A : vector<16xi32>
      %shift_right_logical3A_673 = arith.constant 3 : i32
      %shift_right_logical3A_674 = vector.broadcast %shift_right_logical3A_673 : i32 to vector<16xi32>
      %shift_right_logical3A_675 = arith.shrui %add3A_672, %shift_right_logical3A_674 : vector<16xi32>
      %gather3A_676 = tpu.vector_load_idx %arg7[%shift_right_logical3A_675] : memref<128xi32, #tpu.memory_space<vmem>>[vector<16xi32>], vector<16xi32>,
      %mul3A_677 = arith.constant 8 : i32
      %mul3A_678 = vector.broadcast %mul3A_677 : i32 to vector<16xi32>
      %mul3A_679 = arith.muli %gather3A_676, %mul3A_678 : vector<16xi32>
      %add3A_680 = arith.addi %mul3A_679, %and3A_4 : vector<16xi32>
      %shift_right_logical3A_681 = arith.constant 7 : i32
      %shift_right_logical3A_682 = vector.broadcast %shift_right_logical3A_681 : i32 to vector<16xi32>
      %shift_right_logical3A_683 = arith.shrui %add3A_680, %shift_right_logical3A_682 : vector<16xi32>
      %and3A_684 = arith.constant 127 : i32
      %and3A_685 = vector.broadcast %and3A_684 : i32 to vector<16xi32>
      %and3A_686 = arith.andi %add3A_680, %and3A_685 : vector<16xi32>
      %get3A_687 = arith.constant 544 : index
      %get3A_688 = tpu.vector_load %arg8[%get3A_687] {strides = array<i32>} : memref<1024xf32, #tpu.memory_space<vmem>>, vector<16xf32>,
      tpu.vector_store_idx %arg9[%shift_right_logical3A_683, %and3A_686], %get3A_688 masked %lt3A_6 {add = true} : memref<640x128xf32, #tpu.memory_space<vmem>>[vector<16xi32>, vector<16xi32>], vector<16xf32>, vector<16xi1>
      tpu.vector_store_idx %arg9[%shift_right_logical3A_683, %and3A_686], %get3A_688 masked %not3A_7 {add = true} : memref<640x128xf32, #tpu.memory_space<vmem>>[vector<16xi32>, vector<16xi32>], vector<16xf32>, vector<16xi1>
      %add3A_689 = arith.constant 560 : i32
      %add3A_690 = vector.broadcast %add3A_689 : i32 to vector<16xi32>
      %add3A_691 = arith.addi %add3A_690, %iota3A : vector<16xi32>
      %shift_right_logical3A_692 = arith.constant 3 : i32
      %shift_right_logical3A_693 = vector.broadcast %shift_right_logical3A_692 : i32 to vector<16xi32>
      %shift_right_logical3A_694 = arith.shrui %add3A_691, %shift_right_logical3A_693 : vector<16xi32>
      %gather3A_695 = tpu.vector_load_idx %arg7[%shift_right_logical3A_694] : memref<128xi32, #tpu.memory_space<vmem>>[vector<16xi32>], vector<16xi32>,
      %mul3A_696 = arith.constant 8 : i32
      %mul3A_697 = vector.broadcast %mul3A_696 : i32 to vector<16xi32>
      %mul3A_698 = arith.muli %gather3A_695, %mul3A_697 : vector<16xi32>
      %add3A_699 = arith.addi %mul3A_698, %and3A_4 : vector<16xi32>
      %shift_right_logical3A_700 = arith.constant 7 : i32
      %shift_right_logical3A_701 = vector.broadcast %shift_right_logical3A_700 : i32 to vector<16xi32>
      %shift_right_logical3A_702 = arith.shrui %add3A_699, %shift_right_logical3A_701 : vector<16xi32>
      %and3A_703 = arith.constant 127 : i32
      %and3A_704 = vector.broadcast %and3A_703 : i32 to vector<16xi32>
      %and3A_705 = arith.andi %add3A_699, %and3A_704 : vector<16xi32>
      %get3A_706 = arith.constant 560 : index
      %get3A_707 = tpu.vector_load %arg8[%get3A_706] {strides = array<i32>} : memref<1024xf32, #tpu.memory_space<vmem>>, vector<16xf32>,
      tpu.vector_store_idx %arg9[%shift_right_logical3A_702, %and3A_705], %get3A_707 masked %lt3A_6 {add = true} : memref<640x128xf32, #tpu.memory_space<vmem>>[vector<16xi32>, vector<16xi32>], vector<16xf32>, vector<16xi1>
      tpu.vector_store_idx %arg9[%shift_right_logical3A_702, %and3A_705], %get3A_707 masked %not3A_7 {add = true} : memref<640x128xf32, #tpu.memory_space<vmem>>[vector<16xi32>, vector<16xi32>], vector<16xf32>, vector<16xi1>
      %add3A_708 = arith.constant 576 : i32
      %add3A_709 = vector.broadcast %add3A_708 : i32 to vector<16xi32>
      %add3A_710 = arith.addi %add3A_709, %iota3A : vector<16xi32>
      %shift_right_logical3A_711 = arith.constant 3 : i32
      %shift_right_logical3A_712 = vector.broadcast %shift_right_logical3A_711 : i32 to vector<16xi32>
      %shift_right_logical3A_713 = arith.shrui %add3A_710, %shift_right_logical3A_712 : vector<16xi32>
      %gather3A_714 = tpu.vector_load_idx %arg7[%shift_right_logical3A_713] : memref<128xi32, #tpu.memory_space<vmem>>[vector<16xi32>], vector<16xi32>,
      %mul3A_715 = arith.constant 8 : i32
      %mul3A_716 = vector.broadcast %mul3A_715 : i32 to vector<16xi32>
      %mul3A_717 = arith.muli %gather3A_714, %mul3A_716 : vector<16xi32>
      %add3A_718 = arith.addi %mul3A_717, %and3A_4 : vector<16xi32>
      %shift_right_logical3A_719 = arith.constant 7 : i32
      %shift_right_logical3A_720 = vector.broadcast %shift_right_logical3A_719 : i32 to vector<16xi32>
      %shift_right_logical3A_721 = arith.shrui %add3A_718, %shift_right_logical3A_720 : vector<16xi32>
      %and3A_722 = arith.constant 127 : i32
      %and3A_723 = vector.broadcast %and3A_722 : i32 to vector<16xi32>
      %and3A_724 = arith.andi %add3A_718, %and3A_723 : vector<16xi32>
      %get3A_725 = arith.constant 576 : index
      %get3A_726 = tpu.vector_load %arg8[%get3A_725] {strides = array<i32>} : memref<1024xf32, #tpu.memory_space<vmem>>, vector<16xf32>,
      tpu.vector_store_idx %arg9[%shift_right_logical3A_721, %and3A_724], %get3A_726 masked %lt3A_6 {add = true} : memref<640x128xf32, #tpu.memory_space<vmem>>[vector<16xi32>, vector<16xi32>], vector<16xf32>, vector<16xi1>
      tpu.vector_store_idx %arg9[%shift_right_logical3A_721, %and3A_724], %get3A_726 masked %not3A_7 {add = true} : memref<640x128xf32, #tpu.memory_space<vmem>>[vector<16xi32>, vector<16xi32>], vector<16xf32>, vector<16xi1>
      %add3A_727 = arith.constant 592 : i32
      %add3A_728 = vector.broadcast %add3A_727 : i32 to vector<16xi32>
      %add3A_729 = arith.addi %add3A_728, %iota3A : vector<16xi32>
      %shift_right_logical3A_730 = arith.constant 3 : i32
      %shift_right_logical3A_731 = vector.broadcast %shift_right_logical3A_730 : i32 to vector<16xi32>
      %shift_right_logical3A_732 = arith.shrui %add3A_729, %shift_right_logical3A_731 : vector<16xi32>
      %gather3A_733 = tpu.vector_load_idx %arg7[%shift_right_logical3A_732] : memref<128xi32, #tpu.memory_space<vmem>>[vector<16xi32>], vector<16xi32>,
      %mul3A_734 = arith.constant 8 : i32
      %mul3A_735 = vector.broadcast %mul3A_734 : i32 to vector<16xi32>
      %mul3A_736 = arith.muli %gather3A_733, %mul3A_735 : vector<16xi32>
      %add3A_737 = arith.addi %mul3A_736, %and3A_4 : vector<16xi32>
      %shift_right_logical3A_738 = arith.constant 7 : i32
      %shift_right_logical3A_739 = vector.broadcast %shift_right_logical3A_738 : i32 to vector<16xi32>
      %shift_right_logical3A_740 = arith.shrui %add3A_737, %shift_right_logical3A_739 : vector<16xi32>
      %and3A_741 = arith.constant 127 : i32
      %and3A_742 = vector.broadcast %and3A_741 : i32 to vector<16xi32>
      %and3A_743 = arith.andi %add3A_737, %and3A_742 : vector<16xi32>
      %get3A_744 = arith.constant 592 : index
      %get3A_745 = tpu.vector_load %arg8[%get3A_744] {strides = array<i32>} : memref<1024xf32, #tpu.memory_space<vmem>>, vector<16xf32>,
      tpu.vector_store_idx %arg9[%shift_right_logical3A_740, %and3A_743], %get3A_745 masked %lt3A_6 {add = true} : memref<640x128xf32, #tpu.memory_space<vmem>>[vector<16xi32>, vector<16xi32>], vector<16xf32>, vector<16xi1>
      tpu.vector_store_idx %arg9[%shift_right_logical3A_740, %and3A_743], %get3A_745 masked %not3A_7 {add = true} : memref<640x128xf32, #tpu.memory_space<vmem>>[vector<16xi32>, vector<16xi32>], vector<16xf32>, vector<16xi1>
      %add3A_746 = arith.constant 608 : i32
      %add3A_747 = vector.broadcast %add3A_746 : i32 to vector<16xi32>
      %add3A_748 = arith.addi %add3A_747, %iota3A : vector<16xi32>
      %shift_right_logical3A_749 = arith.constant 3 : i32
      %shift_right_logical3A_750 = vector.broadcast %shift_right_logical3A_749 : i32 to vector<16xi32>
      %shift_right_logical3A_751 = arith.shrui %add3A_748, %shift_right_logical3A_750 : vector<16xi32>
      %gather3A_752 = tpu.vector_load_idx %arg7[%shift_right_logical3A_751] : memref<128xi32, #tpu.memory_space<vmem>>[vector<16xi32>], vector<16xi32>,
      %mul3A_753 = arith.constant 8 : i32
      %mul3A_754 = vector.broadcast %mul3A_753 : i32 to vector<16xi32>
      %mul3A_755 = arith.muli %gather3A_752, %mul3A_754 : vector<16xi32>
      %add3A_756 = arith.addi %mul3A_755, %and3A_4 : vector<16xi32>
      %shift_right_logical3A_757 = arith.constant 7 : i32
      %shift_right_logical3A_758 = vector.broadcast %shift_right_logical3A_757 : i32 to vector<16xi32>
      %shift_right_logical3A_759 = arith.shrui %add3A_756, %shift_right_logical3A_758 : vector<16xi32>
      %and3A_760 = arith.constant 127 : i32
      %and3A_761 = vector.broadcast %and3A_760 : i32 to vector<16xi32>
      %and3A_762 = arith.andi %add3A_756, %and3A_761 : vector<16xi32>
      %get3A_763 = arith.constant 608 : index
      %get3A_764 = tpu.vector_load %arg8[%get3A_763] {strides = array<i32>} : memref<1024xf32, #tpu.memory_space<vmem>>, vector<16xf32>,
      tpu.vector_store_idx %arg9[%shift_right_logical3A_759, %and3A_762], %get3A_764 masked %lt3A_6 {add = true} : memref<640x128xf32, #tpu.memory_space<vmem>>[vector<16xi32>, vector<16xi32>], vector<16xf32>, vector<16xi1>
      tpu.vector_store_idx %arg9[%shift_right_logical3A_759, %and3A_762], %get3A_764 masked %not3A_7 {add = true} : memref<640x128xf32, #tpu.memory_space<vmem>>[vector<16xi32>, vector<16xi32>], vector<16xf32>, vector<16xi1>
      %add3A_765 = arith.constant 624 : i32
      %add3A_766 = vector.broadcast %add3A_765 : i32 to vector<16xi32>
      %add3A_767 = arith.addi %add3A_766, %iota3A : vector<16xi32>
      %shift_right_logical3A_768 = arith.constant 3 : i32
      %shift_right_logical3A_769 = vector.broadcast %shift_right_logical3A_768 : i32 to vector<16xi32>
      %shift_right_logical3A_770 = arith.shrui %add3A_767, %shift_right_logical3A_769 : vector<16xi32>
      %gather3A_771 = tpu.vector_load_idx %arg7[%shift_right_logical3A_770] : memref<128xi32, #tpu.memory_space<vmem>>[vector<16xi32>], vector<16xi32>,
      %mul3A_772 = arith.constant 8 : i32
      %mul3A_773 = vector.broadcast %mul3A_772 : i32 to vector<16xi32>
      %mul3A_774 = arith.muli %gather3A_771, %mul3A_773 : vector<16xi32>
      %add3A_775 = arith.addi %mul3A_774, %and3A_4 : vector<16xi32>
      %shift_right_logical3A_776 = arith.constant 7 : i32
      %shift_right_logical3A_777 = vector.broadcast %shift_right_logical3A_776 : i32 to vector<16xi32>
      %shift_right_logical3A_778 = arith.shrui %add3A_775, %shift_right_logical3A_777 : vector<16xi32>
      %and3A_779 = arith.constant 127 : i32
      %and3A_780 = vector.broadcast %and3A_779 : i32 to vector<16xi32>
      %and3A_781 = arith.andi %add3A_775, %and3A_780 : vector<16xi32>
      %get3A_782 = arith.constant 624 : index
      %get3A_783 = tpu.vector_load %arg8[%get3A_782] {strides = array<i32>} : memref<1024xf32, #tpu.memory_space<vmem>>, vector<16xf32>,
      tpu.vector_store_idx %arg9[%shift_right_logical3A_778, %and3A_781], %get3A_783 masked %lt3A_6 {add = true} : memref<640x128xf32, #tpu.memory_space<vmem>>[vector<16xi32>, vector<16xi32>], vector<16xf32>, vector<16xi1>
      tpu.vector_store_idx %arg9[%shift_right_logical3A_778, %and3A_781], %get3A_783 masked %not3A_7 {add = true} : memref<640x128xf32, #tpu.memory_space<vmem>>[vector<16xi32>, vector<16xi32>], vector<16xf32>, vector<16xi1>
      %add3A_784 = arith.constant 640 : i32
      %add3A_785 = vector.broadcast %add3A_784 : i32 to vector<16xi32>
      %add3A_786 = arith.addi %add3A_785, %iota3A : vector<16xi32>
      %shift_right_logical3A_787 = arith.constant 3 : i32
      %shift_right_logical3A_788 = vector.broadcast %shift_right_logical3A_787 : i32 to vector<16xi32>
      %shift_right_logical3A_789 = arith.shrui %add3A_786, %shift_right_logical3A_788 : vector<16xi32>
      %gather3A_790 = tpu.vector_load_idx %arg7[%shift_right_logical3A_789] : memref<128xi32, #tpu.memory_space<vmem>>[vector<16xi32>], vector<16xi32>,
      %mul3A_791 = arith.constant 8 : i32
      %mul3A_792 = vector.broadcast %mul3A_791 : i32 to vector<16xi32>
      %mul3A_793 = arith.muli %gather3A_790, %mul3A_792 : vector<16xi32>
      %add3A_794 = arith.addi %mul3A_793, %and3A_4 : vector<16xi32>
      %shift_right_logical3A_795 = arith.constant 7 : i32
      %shift_right_logical3A_796 = vector.broadcast %shift_right_logical3A_795 : i32 to vector<16xi32>
      %shift_right_logical3A_797 = arith.shrui %add3A_794, %shift_right_logical3A_796 : vector<16xi32>
      %and3A_798 = arith.constant 127 : i32
      %and3A_799 = vector.broadcast %and3A_798 : i32 to vector<16xi32>
      %and3A_800 = arith.andi %add3A_794, %and3A_799 : vector<16xi32>
      %get3A_801 = arith.constant 640 : index
      %get3A_802 = tpu.vector_load %arg8[%get3A_801] {strides = array<i32>} : memref<1024xf32, #tpu.memory_space<vmem>>, vector<16xf32>,
      tpu.vector_store_idx %arg9[%shift_right_logical3A_797, %and3A_800], %get3A_802 masked %lt3A_6 {add = true} : memref<640x128xf32, #tpu.memory_space<vmem>>[vector<16xi32>, vector<16xi32>], vector<16xf32>, vector<16xi1>
      tpu.vector_store_idx %arg9[%shift_right_logical3A_797, %and3A_800], %get3A_802 masked %not3A_7 {add = true} : memref<640x128xf32, #tpu.memory_space<vmem>>[vector<16xi32>, vector<16xi32>], vector<16xf32>, vector<16xi1>
      %add3A_803 = arith.constant 656 : i32
      %add3A_804 = vector.broadcast %add3A_803 : i32 to vector<16xi32>
      %add3A_805 = arith.addi %add3A_804, %iota3A : vector<16xi32>
      %shift_right_logical3A_806 = arith.constant 3 : i32
      %shift_right_logical3A_807 = vector.broadcast %shift_right_logical3A_806 : i32 to vector<16xi32>
      %shift_right_logical3A_808 = arith.shrui %add3A_805, %shift_right_logical3A_807 : vector<16xi32>
      %gather3A_809 = tpu.vector_load_idx %arg7[%shift_right_logical3A_808] : memref<128xi32, #tpu.memory_space<vmem>>[vector<16xi32>], vector<16xi32>,
      %mul3A_810 = arith.constant 8 : i32
      %mul3A_811 = vector.broadcast %mul3A_810 : i32 to vector<16xi32>
      %mul3A_812 = arith.muli %gather3A_809, %mul3A_811 : vector<16xi32>
      %add3A_813 = arith.addi %mul3A_812, %and3A_4 : vector<16xi32>
      %shift_right_logical3A_814 = arith.constant 7 : i32
      %shift_right_logical3A_815 = vector.broadcast %shift_right_logical3A_814 : i32 to vector<16xi32>
      %shift_right_logical3A_816 = arith.shrui %add3A_813, %shift_right_logical3A_815 : vector<16xi32>
      %and3A_817 = arith.constant 127 : i32
      %and3A_818 = vector.broadcast %and3A_817 : i32 to vector<16xi32>
      %and3A_819 = arith.andi %add3A_813, %and3A_818 : vector<16xi32>
      %get3A_820 = arith.constant 656 : index
      %get3A_821 = tpu.vector_load %arg8[%get3A_820] {strides = array<i32>} : memref<1024xf32, #tpu.memory_space<vmem>>, vector<16xf32>,
      tpu.vector_store_idx %arg9[%shift_right_logical3A_816, %and3A_819], %get3A_821 masked %lt3A_6 {add = true} : memref<640x128xf32, #tpu.memory_space<vmem>>[vector<16xi32>, vector<16xi32>], vector<16xf32>, vector<16xi1>
      tpu.vector_store_idx %arg9[%shift_right_logical3A_816, %and3A_819], %get3A_821 masked %not3A_7 {add = true} : memref<640x128xf32, #tpu.memory_space<vmem>>[vector<16xi32>, vector<16xi32>], vector<16xf32>, vector<16xi1>
      %add3A_822 = arith.constant 672 : i32
      %add3A_823 = vector.broadcast %add3A_822 : i32 to vector<16xi32>
      %add3A_824 = arith.addi %add3A_823, %iota3A : vector<16xi32>
      %shift_right_logical3A_825 = arith.constant 3 : i32
      %shift_right_logical3A_826 = vector.broadcast %shift_right_logical3A_825 : i32 to vector<16xi32>
      %shift_right_logical3A_827 = arith.shrui %add3A_824, %shift_right_logical3A_826 : vector<16xi32>
      %gather3A_828 = tpu.vector_load_idx %arg7[%shift_right_logical3A_827] : memref<128xi32, #tpu.memory_space<vmem>>[vector<16xi32>], vector<16xi32>,
      %mul3A_829 = arith.constant 8 : i32
      %mul3A_830 = vector.broadcast %mul3A_829 : i32 to vector<16xi32>
      %mul3A_831 = arith.muli %gather3A_828, %mul3A_830 : vector<16xi32>
      %add3A_832 = arith.addi %mul3A_831, %and3A_4 : vector<16xi32>
      %shift_right_logical3A_833 = arith.constant 7 : i32
      %shift_right_logical3A_834 = vector.broadcast %shift_right_logical3A_833 : i32 to vector<16xi32>
      %shift_right_logical3A_835 = arith.shrui %add3A_832, %shift_right_logical3A_834 : vector<16xi32>
      %and3A_836 = arith.constant 127 : i32
      %and3A_837 = vector.broadcast %and3A_836 : i32 to vector<16xi32>
      %and3A_838 = arith.andi %add3A_832, %and3A_837 : vector<16xi32>
      %get3A_839 = arith.constant 672 : index
      %get3A_840 = tpu.vector_load %arg8[%get3A_839] {strides = array<i32>} : memref<1024xf32, #tpu.memory_space<vmem>>, vector<16xf32>,
      tpu.vector_store_idx %arg9[%shift_right_logical3A_835, %and3A_838], %get3A_840 masked %lt3A_6 {add = true} : memref<640x128xf32, #tpu.memory_space<vmem>>[vector<16xi32>, vector<16xi32>], vector<16xf32>, vector<16xi1>
      tpu.vector_store_idx %arg9[%shift_right_logical3A_835, %and3A_838], %get3A_840 masked %not3A_7 {add = true} : memref<640x128xf32, #tpu.memory_space<vmem>>[vector<16xi32>, vector<16xi32>], vector<16xf32>, vector<16xi1>
      %add3A_841 = arith.constant 688 : i32
      %add3A_842 = vector.broadcast %add3A_841 : i32 to vector<16xi32>
      %add3A_843 = arith.addi %add3A_842, %iota3A : vector<16xi32>
      %shift_right_logical3A_844 = arith.constant 3 : i32
      %shift_right_logical3A_845 = vector.broadcast %shift_right_logical3A_844 : i32 to vector<16xi32>
      %shift_right_logical3A_846 = arith.shrui %add3A_843, %shift_right_logical3A_845 : vector<16xi32>
      %gather3A_847 = tpu.vector_load_idx %arg7[%shift_right_logical3A_846] : memref<128xi32, #tpu.memory_space<vmem>>[vector<16xi32>], vector<16xi32>,
      %mul3A_848 = arith.constant 8 : i32
      %mul3A_849 = vector.broadcast %mul3A_848 : i32 to vector<16xi32>
      %mul3A_850 = arith.muli %gather3A_847, %mul3A_849 : vector<16xi32>
      %add3A_851 = arith.addi %mul3A_850, %and3A_4 : vector<16xi32>
      %shift_right_logical3A_852 = arith.constant 7 : i32
      %shift_right_logical3A_853 = vector.broadcast %shift_right_logical3A_852 : i32 to vector<16xi32>
      %shift_right_logical3A_854 = arith.shrui %add3A_851, %shift_right_logical3A_853 : vector<16xi32>
      %and3A_855 = arith.constant 127 : i32
      %and3A_856 = vector.broadcast %and3A_855 : i32 to vector<16xi32>
      %and3A_857 = arith.andi %add3A_851, %and3A_856 : vector<16xi32>
      %get3A_858 = arith.constant 688 : index
      %get3A_859 = tpu.vector_load %arg8[%get3A_858] {strides = array<i32>} : memref<1024xf32, #tpu.memory_space<vmem>>, vector<16xf32>,
      tpu.vector_store_idx %arg9[%shift_right_logical3A_854, %and3A_857], %get3A_859 masked %lt3A_6 {add = true} : memref<640x128xf32, #tpu.memory_space<vmem>>[vector<16xi32>, vector<16xi32>], vector<16xf32>, vector<16xi1>
      tpu.vector_store_idx %arg9[%shift_right_logical3A_854, %and3A_857], %get3A_859 masked %not3A_7 {add = true} : memref<640x128xf32, #tpu.memory_space<vmem>>[vector<16xi32>, vector<16xi32>], vector<16xf32>, vector<16xi1>
      %add3A_860 = arith.constant 704 : i32
      %add3A_861 = vector.broadcast %add3A_860 : i32 to vector<16xi32>
      %add3A_862 = arith.addi %add3A_861, %iota3A : vector<16xi32>
      %shift_right_logical3A_863 = arith.constant 3 : i32
      %shift_right_logical3A_864 = vector.broadcast %shift_right_logical3A_863 : i32 to vector<16xi32>
      %shift_right_logical3A_865 = arith.shrui %add3A_862, %shift_right_logical3A_864 : vector<16xi32>
      %gather3A_866 = tpu.vector_load_idx %arg7[%shift_right_logical3A_865] : memref<128xi32, #tpu.memory_space<vmem>>[vector<16xi32>], vector<16xi32>,
      %mul3A_867 = arith.constant 8 : i32
      %mul3A_868 = vector.broadcast %mul3A_867 : i32 to vector<16xi32>
      %mul3A_869 = arith.muli %gather3A_866, %mul3A_868 : vector<16xi32>
      %add3A_870 = arith.addi %mul3A_869, %and3A_4 : vector<16xi32>
      %shift_right_logical3A_871 = arith.constant 7 : i32
      %shift_right_logical3A_872 = vector.broadcast %shift_right_logical3A_871 : i32 to vector<16xi32>
      %shift_right_logical3A_873 = arith.shrui %add3A_870, %shift_right_logical3A_872 : vector<16xi32>
      %and3A_874 = arith.constant 127 : i32
      %and3A_875 = vector.broadcast %and3A_874 : i32 to vector<16xi32>
      %and3A_876 = arith.andi %add3A_870, %and3A_875 : vector<16xi32>
      %get3A_877 = arith.constant 704 : index
      %get3A_878 = tpu.vector_load %arg8[%get3A_877] {strides = array<i32>} : memref<1024xf32, #tpu.memory_space<vmem>>, vector<16xf32>,
      tpu.vector_store_idx %arg9[%shift_right_logical3A_873, %and3A_876], %get3A_878 masked %lt3A_6 {add = true} : memref<640x128xf32, #tpu.memory_space<vmem>>[vector<16xi32>, vector<16xi32>], vector<16xf32>, vector<16xi1>
      tpu.vector_store_idx %arg9[%shift_right_logical3A_873, %and3A_876], %get3A_878 masked %not3A_7 {add = true} : memref<640x128xf32, #tpu.memory_space<vmem>>[vector<16xi32>, vector<16xi32>], vector<16xf32>, vector<16xi1>
      %add3A_879 = arith.constant 720 : i32
      %add3A_880 = vector.broadcast %add3A_879 : i32 to vector<16xi32>
      %add3A_881 = arith.addi %add3A_880, %iota3A : vector<16xi32>
      %shift_right_logical3A_882 = arith.constant 3 : i32
      %shift_right_logical3A_883 = vector.broadcast %shift_right_logical3A_882 : i32 to vector<16xi32>
      %shift_right_logical3A_884 = arith.shrui %add3A_881, %shift_right_logical3A_883 : vector<16xi32>
      %gather3A_885 = tpu.vector_load_idx %arg7[%shift_right_logical3A_884] : memref<128xi32, #tpu.memory_space<vmem>>[vector<16xi32>], vector<16xi32>,
      %mul3A_886 = arith.constant 8 : i32
      %mul3A_887 = vector.broadcast %mul3A_886 : i32 to vector<16xi32>
      %mul3A_888 = arith.muli %gather3A_885, %mul3A_887 : vector<16xi32>
      %add3A_889 = arith.addi %mul3A_888, %and3A_4 : vector<16xi32>
      %shift_right_logical3A_890 = arith.constant 7 : i32
      %shift_right_logical3A_891 = vector.broadcast %shift_right_logical3A_890 : i32 to vector<16xi32>
      %shift_right_logical3A_892 = arith.shrui %add3A_889, %shift_right_logical3A_891 : vector<16xi32>
      %and3A_893 = arith.constant 127 : i32
      %and3A_894 = vector.broadcast %and3A_893 : i32 to vector<16xi32>
      %and3A_895 = arith.andi %add3A_889, %and3A_894 : vector<16xi32>
      %get3A_896 = arith.constant 720 : index
      %get3A_897 = tpu.vector_load %arg8[%get3A_896] {strides = array<i32>} : memref<1024xf32, #tpu.memory_space<vmem>>, vector<16xf32>,
      tpu.vector_store_idx %arg9[%shift_right_logical3A_892, %and3A_895], %get3A_897 masked %lt3A_6 {add = true} : memref<640x128xf32, #tpu.memory_space<vmem>>[vector<16xi32>, vector<16xi32>], vector<16xf32>, vector<16xi1>
      tpu.vector_store_idx %arg9[%shift_right_logical3A_892, %and3A_895], %get3A_897 masked %not3A_7 {add = true} : memref<640x128xf32, #tpu.memory_space<vmem>>[vector<16xi32>, vector<16xi32>], vector<16xf32>, vector<16xi1>
      %add3A_898 = arith.constant 736 : i32
      %add3A_899 = vector.broadcast %add3A_898 : i32 to vector<16xi32>
      %add3A_900 = arith.addi %add3A_899, %iota3A : vector<16xi32>
      %shift_right_logical3A_901 = arith.constant 3 : i32
      %shift_right_logical3A_902 = vector.broadcast %shift_right_logical3A_901 : i32 to vector<16xi32>
      %shift_right_logical3A_903 = arith.shrui %add3A_900, %shift_right_logical3A_902 : vector<16xi32>
      %gather3A_904 = tpu.vector_load_idx %arg7[%shift_right_logical3A_903] : memref<128xi32, #tpu.memory_space<vmem>>[vector<16xi32>], vector<16xi32>,
      %mul3A_905 = arith.constant 8 : i32
      %mul3A_906 = vector.broadcast %mul3A_905 : i32 to vector<16xi32>
      %mul3A_907 = arith.muli %gather3A_904, %mul3A_906 : vector<16xi32>
      %add3A_908 = arith.addi %mul3A_907, %and3A_4 : vector<16xi32>
      %shift_right_logical3A_909 = arith.constant 7 : i32
      %shift_right_logical3A_910 = vector.broadcast %shift_right_logical3A_909 : i32 to vector<16xi32>
      %shift_right_logical3A_911 = arith.shrui %add3A_908, %shift_right_logical3A_910 : vector<16xi32>
      %and3A_912 = arith.constant 127 : i32
      %and3A_913 = vector.broadcast %and3A_912 : i32 to vector<16xi32>
      %and3A_914 = arith.andi %add3A_908, %and3A_913 : vector<16xi32>
      %get3A_915 = arith.constant 736 : index
      %get3A_916 = tpu.vector_load %arg8[%get3A_915] {strides = array<i32>} : memref<1024xf32, #tpu.memory_space<vmem>>, vector<16xf32>,
      tpu.vector_store_idx %arg9[%shift_right_logical3A_911, %and3A_914], %get3A_916 masked %lt3A_6 {add = true} : memref<640x128xf32, #tpu.memory_space<vmem>>[vector<16xi32>, vector<16xi32>], vector<16xf32>, vector<16xi1>
      tpu.vector_store_idx %arg9[%shift_right_logical3A_911, %and3A_914], %get3A_916 masked %not3A_7 {add = true} : memref<640x128xf32, #tpu.memory_space<vmem>>[vector<16xi32>, vector<16xi32>], vector<16xf32>, vector<16xi1>
      %add3A_917 = arith.constant 752 : i32
      %add3A_918 = vector.broadcast %add3A_917 : i32 to vector<16xi32>
      %add3A_919 = arith.addi %add3A_918, %iota3A : vector<16xi32>
      %shift_right_logical3A_920 = arith.constant 3 : i32
      %shift_right_logical3A_921 = vector.broadcast %shift_right_logical3A_920 : i32 to vector<16xi32>
      %shift_right_logical3A_922 = arith.shrui %add3A_919, %shift_right_logical3A_921 : vector<16xi32>
      %gather3A_923 = tpu.vector_load_idx %arg7[%shift_right_logical3A_922] : memref<128xi32, #tpu.memory_space<vmem>>[vector<16xi32>], vector<16xi32>,
      %mul3A_924 = arith.constant 8 : i32
      %mul3A_925 = vector.broadcast %mul3A_924 : i32 to vector<16xi32>
      %mul3A_926 = arith.muli %gather3A_923, %mul3A_925 : vector<16xi32>
      %add3A_927 = arith.addi %mul3A_926, %and3A_4 : vector<16xi32>
      %shift_right_logical3A_928 = arith.constant 7 : i32
      %shift_right_logical3A_929 = vector.broadcast %shift_right_logical3A_928 : i32 to vector<16xi32>
      %shift_right_logical3A_930 = arith.shrui %add3A_927, %shift_right_logical3A_929 : vector<16xi32>
      %and3A_931 = arith.constant 127 : i32
      %and3A_932 = vector.broadcast %and3A_931 : i32 to vector<16xi32>
      %and3A_933 = arith.andi %add3A_927, %and3A_932 : vector<16xi32>
      %get3A_934 = arith.constant 752 : index
      %get3A_935 = tpu.vector_load %arg8[%get3A_934] {strides = array<i32>} : memref<1024xf32, #tpu.memory_space<vmem>>, vector<16xf32>,
      tpu.vector_store_idx %arg9[%shift_right_logical3A_930, %and3A_933], %get3A_935 masked %lt3A_6 {add = true} : memref<640x128xf32, #tpu.memory_space<vmem>>[vector<16xi32>, vector<16xi32>], vector<16xf32>, vector<16xi1>
      tpu.vector_store_idx %arg9[%shift_right_logical3A_930, %and3A_933], %get3A_935 masked %not3A_7 {add = true} : memref<640x128xf32, #tpu.memory_space<vmem>>[vector<16xi32>, vector<16xi32>], vector<16xf32>, vector<16xi1>
      %add3A_936 = arith.constant 768 : i32
      %add3A_937 = vector.broadcast %add3A_936 : i32 to vector<16xi32>
      %add3A_938 = arith.addi %add3A_937, %iota3A : vector<16xi32>
      %shift_right_logical3A_939 = arith.constant 3 : i32
      %shift_right_logical3A_940 = vector.broadcast %shift_right_logical3A_939 : i32 to vector<16xi32>
      %shift_right_logical3A_941 = arith.shrui %add3A_938, %shift_right_logical3A_940 : vector<16xi32>
      %gather3A_942 = tpu.vector_load_idx %arg7[%shift_right_logical3A_941] : memref<128xi32, #tpu.memory_space<vmem>>[vector<16xi32>], vector<16xi32>,
      %mul3A_943 = arith.constant 8 : i32
      %mul3A_944 = vector.broadcast %mul3A_943 : i32 to vector<16xi32>
      %mul3A_945 = arith.muli %gather3A_942, %mul3A_944 : vector<16xi32>
      %add3A_946 = arith.addi %mul3A_945, %and3A_4 : vector<16xi32>
      %shift_right_logical3A_947 = arith.constant 7 : i32
      %shift_right_logical3A_948 = vector.broadcast %shift_right_logical3A_947 : i32 to vector<16xi32>
      %shift_right_logical3A_949 = arith.shrui %add3A_946, %shift_right_logical3A_948 : vector<16xi32>
      %and3A_950 = arith.constant 127 : i32
      %and3A_951 = vector.broadcast %and3A_950 : i32 to vector<16xi32>
      %and3A_952 = arith.andi %add3A_946, %and3A_951 : vector<16xi32>
      %get3A_953 = arith.constant 768 : index
      %get3A_954 = tpu.vector_load %arg8[%get3A_953] {strides = array<i32>} : memref<1024xf32, #tpu.memory_space<vmem>>, vector<16xf32>,
      tpu.vector_store_idx %arg9[%shift_right_logical3A_949, %and3A_952], %get3A_954 masked %lt3A_6 {add = true} : memref<640x128xf32, #tpu.memory_space<vmem>>[vector<16xi32>, vector<16xi32>], vector<16xf32>, vector<16xi1>
      tpu.vector_store_idx %arg9[%shift_right_logical3A_949, %and3A_952], %get3A_954 masked %not3A_7 {add = true} : memref<640x128xf32, #tpu.memory_space<vmem>>[vector<16xi32>, vector<16xi32>], vector<16xf32>, vector<16xi1>
      %add3A_955 = arith.constant 784 : i32
      %add3A_956 = vector.broadcast %add3A_955 : i32 to vector<16xi32>
      %add3A_957 = arith.addi %add3A_956, %iota3A : vector<16xi32>
      %shift_right_logical3A_958 = arith.constant 3 : i32
      %shift_right_logical3A_959 = vector.broadcast %shift_right_logical3A_958 : i32 to vector<16xi32>
      %shift_right_logical3A_960 = arith.shrui %add3A_957, %shift_right_logical3A_959 : vector<16xi32>
      %gather3A_961 = tpu.vector_load_idx %arg7[%shift_right_logical3A_960] : memref<128xi32, #tpu.memory_space<vmem>>[vector<16xi32>], vector<16xi32>,
      %mul3A_962 = arith.constant 8 : i32
      %mul3A_963 = vector.broadcast %mul3A_962 : i32 to vector<16xi32>
      %mul3A_964 = arith.muli %gather3A_961, %mul3A_963 : vector<16xi32>
      %add3A_965 = arith.addi %mul3A_964, %and3A_4 : vector<16xi32>
      %shift_right_logical3A_966 = arith.constant 7 : i32
      %shift_right_logical3A_967 = vector.broadcast %shift_right_logical3A_966 : i32 to vector<16xi32>
      %shift_right_logical3A_968 = arith.shrui %add3A_965, %shift_right_logical3A_967 : vector<16xi32>
      %and3A_969 = arith.constant 127 : i32
      %and3A_970 = vector.broadcast %and3A_969 : i32 to vector<16xi32>
      %and3A_971 = arith.andi %add3A_965, %and3A_970 : vector<16xi32>
      %get3A_972 = arith.constant 784 : index
      %get3A_973 = tpu.vector_load %arg8[%get3A_972] {strides = array<i32>} : memref<1024xf32, #tpu.memory_space<vmem>>, vector<16xf32>,
      tpu.vector_store_idx %arg9[%shift_right_logical3A_968, %and3A_971], %get3A_973 masked %lt3A_6 {add = true} : memref<640x128xf32, #tpu.memory_space<vmem>>[vector<16xi32>, vector<16xi32>], vector<16xf32>, vector<16xi1>
      tpu.vector_store_idx %arg9[%shift_right_logical3A_968, %and3A_971], %get3A_973 masked %not3A_7 {add = true} : memref<640x128xf32, #tpu.memory_space<vmem>>[vector<16xi32>, vector<16xi32>], vector<16xf32>, vector<16xi1>
      %add3A_974 = arith.constant 800 : i32
      %add3A_975 = vector.broadcast %add3A_974 : i32 to vector<16xi32>
      %add3A_976 = arith.addi %add3A_975, %iota3A : vector<16xi32>
      %shift_right_logical3A_977 = arith.constant 3 : i32
      %shift_right_logical3A_978 = vector.broadcast %shift_right_logical3A_977 : i32 to vector<16xi32>
      %shift_right_logical3A_979 = arith.shrui %add3A_976, %shift_right_logical3A_978 : vector<16xi32>
      %gather3A_980 = tpu.vector_load_idx %arg7[%shift_right_logical3A_979] : memref<128xi32, #tpu.memory_space<vmem>>[vector<16xi32>], vector<16xi32>,
      %mul3A_981 = arith.constant 8 : i32
      %mul3A_982 = vector.broadcast %mul3A_981 : i32 to vector<16xi32>
      %mul3A_983 = arith.muli %gather3A_980, %mul3A_982 : vector<16xi32>
      %add3A_984 = arith.addi %mul3A_983, %and3A_4 : vector<16xi32>
      %shift_right_logical3A_985 = arith.constant 7 : i32
      %shift_right_logical3A_986 = vector.broadcast %shift_right_logical3A_985 : i32 to vector<16xi32>
      %shift_right_logical3A_987 = arith.shrui %add3A_984, %shift_right_logical3A_986 : vector<16xi32>
      %and3A_988 = arith.constant 127 : i32
      %and3A_989 = vector.broadcast %and3A_988 : i32 to vector<16xi32>
      %and3A_990 = arith.andi %add3A_984, %and3A_989 : vector<16xi32>
      %get3A_991 = arith.constant 800 : index
      %get3A_992 = tpu.vector_load %arg8[%get3A_991] {strides = array<i32>} : memref<1024xf32, #tpu.memory_space<vmem>>, vector<16xf32>,
      tpu.vector_store_idx %arg9[%shift_right_logical3A_987, %and3A_990], %get3A_992 masked %lt3A_6 {add = true} : memref<640x128xf32, #tpu.memory_space<vmem>>[vector<16xi32>, vector<16xi32>], vector<16xf32>, vector<16xi1>
      tpu.vector_store_idx %arg9[%shift_right_logical3A_987, %and3A_990], %get3A_992 masked %not3A_7 {add = true} : memref<640x128xf32, #tpu.memory_space<vmem>>[vector<16xi32>, vector<16xi32>], vector<16xf32>, vector<16xi1>
      %add3A_993 = arith.constant 816 : i32
      %add3A_994 = vector.broadcast %add3A_993 : i32 to vector<16xi32>
      %add3A_995 = arith.addi %add3A_994, %iota3A : vector<16xi32>
      %shift_right_logical3A_996 = arith.constant 3 : i32
      %shift_right_logical3A_997 = vector.broadcast %shift_right_logical3A_996 : i32 to vector<16xi32>
      %shift_right_logical3A_998 = arith.shrui %add3A_995, %shift_right_logical3A_997 : vector<16xi32>
      %gather3A_999 = tpu.vector_load_idx %arg7[%shift_right_logical3A_998] : memref<128xi32, #tpu.memory_space<vmem>>[vector<16xi32>], vector<16xi32>,
      %mul3A_1000 = arith.constant 8 : i32
      %mul3A_1001 = vector.broadcast %mul3A_1000 : i32 to vector<16xi32>
      %mul3A_1002 = arith.muli %gather3A_999, %mul3A_1001 : vector<16xi32>
      %add3A_1003 = arith.addi %mul3A_1002, %and3A_4 : vector<16xi32>
      %shift_right_logical3A_1004 = arith.constant 7 : i32
      %shift_right_logical3A_1005 = vector.broadcast %shift_right_logical3A_1004 : i32 to vector<16xi32>
      %shift_right_logical3A_1006 = arith.shrui %add3A_1003, %shift_right_logical3A_1005 : vector<16xi32>
      %and3A_1007 = arith.constant 127 : i32
      %and3A_1008 = vector.broadcast %and3A_1007 : i32 to vector<16xi32>
      %and3A_1009 = arith.andi %add3A_1003, %and3A_1008 : vector<16xi32>
      %get3A_1010 = arith.constant 816 : index
      %get3A_1011 = tpu.vector_load %arg8[%get3A_1010] {strides = array<i32>} : memref<1024xf32, #tpu.memory_space<vmem>>, vector<16xf32>,
      tpu.vector_store_idx %arg9[%shift_right_logical3A_1006, %and3A_1009], %get3A_1011 masked %lt3A_6 {add = true} : memref<640x128xf32, #tpu.memory_space<vmem>>[vector<16xi32>, vector<16xi32>], vector<16xf32>, vector<16xi1>
      tpu.vector_store_idx %arg9[%shift_right_logical3A_1006, %and3A_1009], %get3A_1011 masked %not3A_7 {add = true} : memref<640x128xf32, #tpu.memory_space<vmem>>[vector<16xi32>, vector<16xi32>], vector<16xf32>, vector<16xi1>
      %add3A_1012 = arith.constant 832 : i32
      %add3A_1013 = vector.broadcast %add3A_1012 : i32 to vector<16xi32>
      %add3A_1014 = arith.addi %add3A_1013, %iota3A : vector<16xi32>
      %shift_right_logical3A_1015 = arith.constant 3 : i32
      %shift_right_logical3A_1016 = vector.broadcast %shift_right_logical3A_1015 : i32 to vector<16xi32>
      %shift_right_logical3A_1017 = arith.shrui %add3A_1014, %shift_right_logical3A_1016 : vector<16xi32>
      %gather3A_1018 = tpu.vector_load_idx %arg7[%shift_right_logical3A_1017] : memref<128xi32, #tpu.memory_space<vmem>>[vector<16xi32>], vector<16xi32>,
      %mul3A_1019 = arith.constant 8 : i32
      %mul3A_1020 = vector.broadcast %mul3A_1019 : i32 to vector<16xi32>
      %mul3A_1021 = arith.muli %gather3A_1018, %mul3A_1020 : vector<16xi32>
      %add3A_1022 = arith.addi %mul3A_1021, %and3A_4 : vector<16xi32>
      %shift_right_logical3A_1023 = arith.constant 7 : i32
      %shift_right_logical3A_1024 = vector.broadcast %shift_right_logical3A_1023 : i32 to vector<16xi32>
      %shift_right_logical3A_1025 = arith.shrui %add3A_1022, %shift_right_logical3A_1024 : vector<16xi32>
      %and3A_1026 = arith.constant 127 : i32
      %and3A_1027 = vector.broadcast %and3A_1026 : i32 to vector<16xi32>
      %and3A_1028 = arith.andi %add3A_1022, %and3A_1027 : vector<16xi32>
      %get3A_1029 = arith.constant 832 : index
      %get3A_1030 = tpu.vector_load %arg8[%get3A_1029] {strides = array<i32>} : memref<1024xf32, #tpu.memory_space<vmem>>, vector<16xf32>,
      tpu.vector_store_idx %arg9[%shift_right_logical3A_1025, %and3A_1028], %get3A_1030 masked %lt3A_6 {add = true} : memref<640x128xf32, #tpu.memory_space<vmem>>[vector<16xi32>, vector<16xi32>], vector<16xf32>, vector<16xi1>
      tpu.vector_store_idx %arg9[%shift_right_logical3A_1025, %and3A_1028], %get3A_1030 masked %not3A_7 {add = true} : memref<640x128xf32, #tpu.memory_space<vmem>>[vector<16xi32>, vector<16xi32>], vector<16xf32>, vector<16xi1>
      %add3A_1031 = arith.constant 848 : i32
      %add3A_1032 = vector.broadcast %add3A_1031 : i32 to vector<16xi32>
      %add3A_1033 = arith.addi %add3A_1032, %iota3A : vector<16xi32>
      %shift_right_logical3A_1034 = arith.constant 3 : i32
      %shift_right_logical3A_1035 = vector.broadcast %shift_right_logical3A_1034 : i32 to vector<16xi32>
      %shift_right_logical3A_1036 = arith.shrui %add3A_1033, %shift_right_logical3A_1035 : vector<16xi32>
      %gather3A_1037 = tpu.vector_load_idx %arg7[%shift_right_logical3A_1036] : memref<128xi32, #tpu.memory_space<vmem>>[vector<16xi32>], vector<16xi32>,
      %mul3A_1038 = arith.constant 8 : i32
      %mul3A_1039 = vector.broadcast %mul3A_1038 : i32 to vector<16xi32>
      %mul3A_1040 = arith.muli %gather3A_1037, %mul3A_1039 : vector<16xi32>
      %add3A_1041 = arith.addi %mul3A_1040, %and3A_4 : vector<16xi32>
      %shift_right_logical3A_1042 = arith.constant 7 : i32
      %shift_right_logical3A_1043 = vector.broadcast %shift_right_logical3A_1042 : i32 to vector<16xi32>
      %shift_right_logical3A_1044 = arith.shrui %add3A_1041, %shift_right_logical3A_1043 : vector<16xi32>
      %and3A_1045 = arith.constant 127 : i32
      %and3A_1046 = vector.broadcast %and3A_1045 : i32 to vector<16xi32>
      %and3A_1047 = arith.andi %add3A_1041, %and3A_1046 : vector<16xi32>
      %get3A_1048 = arith.constant 848 : index
      %get3A_1049 = tpu.vector_load %arg8[%get3A_1048] {strides = array<i32>} : memref<1024xf32, #tpu.memory_space<vmem>>, vector<16xf32>,
      tpu.vector_store_idx %arg9[%shift_right_logical3A_1044, %and3A_1047], %get3A_1049 masked %lt3A_6 {add = true} : memref<640x128xf32, #tpu.memory_space<vmem>>[vector<16xi32>, vector<16xi32>], vector<16xf32>, vector<16xi1>
      tpu.vector_store_idx %arg9[%shift_right_logical3A_1044, %and3A_1047], %get3A_1049 masked %not3A_7 {add = true} : memref<640x128xf32, #tpu.memory_space<vmem>>[vector<16xi32>, vector<16xi32>], vector<16xf32>, vector<16xi1>
      %add3A_1050 = arith.constant 864 : i32
      %add3A_1051 = vector.broadcast %add3A_1050 : i32 to vector<16xi32>
      %add3A_1052 = arith.addi %add3A_1051, %iota3A : vector<16xi32>
      %shift_right_logical3A_1053 = arith.constant 3 : i32
      %shift_right_logical3A_1054 = vector.broadcast %shift_right_logical3A_1053 : i32 to vector<16xi32>
      %shift_right_logical3A_1055 = arith.shrui %add3A_1052, %shift_right_logical3A_1054 : vector<16xi32>
      %gather3A_1056 = tpu.vector_load_idx %arg7[%shift_right_logical3A_1055] : memref<128xi32, #tpu.memory_space<vmem>>[vector<16xi32>], vector<16xi32>,
      %mul3A_1057 = arith.constant 8 : i32
      %mul3A_1058 = vector.broadcast %mul3A_1057 : i32 to vector<16xi32>
      %mul3A_1059 = arith.muli %gather3A_1056, %mul3A_1058 : vector<16xi32>
      %add3A_1060 = arith.addi %mul3A_1059, %and3A_4 : vector<16xi32>
      %shift_right_logical3A_1061 = arith.constant 7 : i32
      %shift_right_logical3A_1062 = vector.broadcast %shift_right_logical3A_1061 : i32 to vector<16xi32>
      %shift_right_logical3A_1063 = arith.shrui %add3A_1060, %shift_right_logical3A_1062 : vector<16xi32>
      %and3A_1064 = arith.constant 127 : i32
      %and3A_1065 = vector.broadcast %and3A_1064 : i32 to vector<16xi32>
      %and3A_1066 = arith.andi %add3A_1060, %and3A_1065 : vector<16xi32>
      %get3A_1067 = arith.constant 864 : index
      %get3A_1068 = tpu.vector_load %arg8[%get3A_1067] {strides = array<i32>} : memref<1024xf32, #tpu.memory_space<vmem>>, vector<16xf32>,
      tpu.vector_store_idx %arg9[%shift_right_logical3A_1063, %and3A_1066], %get3A_1068 masked %lt3A_6 {add = true} : memref<640x128xf32, #tpu.memory_space<vmem>>[vector<16xi32>, vector<16xi32>], vector<16xf32>, vector<16xi1>
      tpu.vector_store_idx %arg9[%shift_right_logical3A_1063, %and3A_1066], %get3A_1068 masked %not3A_7 {add = true} : memref<640x128xf32, #tpu.memory_space<vmem>>[vector<16xi32>, vector<16xi32>], vector<16xf32>, vector<16xi1>
      %add3A_1069 = arith.constant 880 : i32
      %add3A_1070 = vector.broadcast %add3A_1069 : i32 to vector<16xi32>
      %add3A_1071 = arith.addi %add3A_1070, %iota3A : vector<16xi32>
      %shift_right_logical3A_1072 = arith.constant 3 : i32
      %shift_right_logical3A_1073 = vector.broadcast %shift_right_logical3A_1072 : i32 to vector<16xi32>
      %shift_right_logical3A_1074 = arith.shrui %add3A_1071, %shift_right_logical3A_1073 : vector<16xi32>
      %gather3A_1075 = tpu.vector_load_idx %arg7[%shift_right_logical3A_1074] : memref<128xi32, #tpu.memory_space<vmem>>[vector<16xi32>], vector<16xi32>,
      %mul3A_1076 = arith.constant 8 : i32
      %mul3A_1077 = vector.broadcast %mul3A_1076 : i32 to vector<16xi32>
      %mul3A_1078 = arith.muli %gather3A_1075, %mul3A_1077 : vector<16xi32>
      %add3A_1079 = arith.addi %mul3A_1078, %and3A_4 : vector<16xi32>
      %shift_right_logical3A_1080 = arith.constant 7 : i32
      %shift_right_logical3A_1081 = vector.broadcast %shift_right_logical3A_1080 : i32 to vector<16xi32>
      %shift_right_logical3A_1082 = arith.shrui %add3A_1079, %shift_right_logical3A_1081 : vector<16xi32>
      %and3A_1083 = arith.constant 127 : i32
      %and3A_1084 = vector.broadcast %and3A_1083 : i32 to vector<16xi32>
      %and3A_1085 = arith.andi %add3A_1079, %and3A_1084 : vector<16xi32>
      %get3A_1086 = arith.constant 880 : index
      %get3A_1087 = tpu.vector_load %arg8[%get3A_1086] {strides = array<i32>} : memref<1024xf32, #tpu.memory_space<vmem>>, vector<16xf32>,
      tpu.vector_store_idx %arg9[%shift_right_logical3A_1082, %and3A_1085], %get3A_1087 masked %lt3A_6 {add = true} : memref<640x128xf32, #tpu.memory_space<vmem>>[vector<16xi32>, vector<16xi32>], vector<16xf32>, vector<16xi1>
      tpu.vector_store_idx %arg9[%shift_right_logical3A_1082, %and3A_1085], %get3A_1087 masked %not3A_7 {add = true} : memref<640x128xf32, #tpu.memory_space<vmem>>[vector<16xi32>, vector<16xi32>], vector<16xf32>, vector<16xi1>
      %add3A_1088 = arith.constant 896 : i32
      %add3A_1089 = vector.broadcast %add3A_1088 : i32 to vector<16xi32>
      %add3A_1090 = arith.addi %add3A_1089, %iota3A : vector<16xi32>
      %shift_right_logical3A_1091 = arith.constant 3 : i32
      %shift_right_logical3A_1092 = vector.broadcast %shift_right_logical3A_1091 : i32 to vector<16xi32>
      %shift_right_logical3A_1093 = arith.shrui %add3A_1090, %shift_right_logical3A_1092 : vector<16xi32>
      %gather3A_1094 = tpu.vector_load_idx %arg7[%shift_right_logical3A_1093] : memref<128xi32, #tpu.memory_space<vmem>>[vector<16xi32>], vector<16xi32>,
      %mul3A_1095 = arith.constant 8 : i32
      %mul3A_1096 = vector.broadcast %mul3A_1095 : i32 to vector<16xi32>
      %mul3A_1097 = arith.muli %gather3A_1094, %mul3A_1096 : vector<16xi32>
      %add3A_1098 = arith.addi %mul3A_1097, %and3A_4 : vector<16xi32>
      %shift_right_logical3A_1099 = arith.constant 7 : i32
      %shift_right_logical3A_1100 = vector.broadcast %shift_right_logical3A_1099 : i32 to vector<16xi32>
      %shift_right_logical3A_1101 = arith.shrui %add3A_1098, %shift_right_logical3A_1100 : vector<16xi32>
      %and3A_1102 = arith.constant 127 : i32
      %and3A_1103 = vector.broadcast %and3A_1102 : i32 to vector<16xi32>
      %and3A_1104 = arith.andi %add3A_1098, %and3A_1103 : vector<16xi32>
      %get3A_1105 = arith.constant 896 : index
      %get3A_1106 = tpu.vector_load %arg8[%get3A_1105] {strides = array<i32>} : memref<1024xf32, #tpu.memory_space<vmem>>, vector<16xf32>,
      tpu.vector_store_idx %arg9[%shift_right_logical3A_1101, %and3A_1104], %get3A_1106 masked %lt3A_6 {add = true} : memref<640x128xf32, #tpu.memory_space<vmem>>[vector<16xi32>, vector<16xi32>], vector<16xf32>, vector<16xi1>
      tpu.vector_store_idx %arg9[%shift_right_logical3A_1101, %and3A_1104], %get3A_1106 masked %not3A_7 {add = true} : memref<640x128xf32, #tpu.memory_space<vmem>>[vector<16xi32>, vector<16xi32>], vector<16xf32>, vector<16xi1>
      %add3A_1107 = arith.constant 912 : i32
      %add3A_1108 = vector.broadcast %add3A_1107 : i32 to vector<16xi32>
      %add3A_1109 = arith.addi %add3A_1108, %iota3A : vector<16xi32>
      %shift_right_logical3A_1110 = arith.constant 3 : i32
      %shift_right_logical3A_1111 = vector.broadcast %shift_right_logical3A_1110 : i32 to vector<16xi32>
      %shift_right_logical3A_1112 = arith.shrui %add3A_1109, %shift_right_logical3A_1111 : vector<16xi32>
      %gather3A_1113 = tpu.vector_load_idx %arg7[%shift_right_logical3A_1112] : memref<128xi32, #tpu.memory_space<vmem>>[vector<16xi32>], vector<16xi32>,
      %mul3A_1114 = arith.constant 8 : i32
      %mul3A_1115 = vector.broadcast %mul3A_1114 : i32 to vector<16xi32>
      %mul3A_1116 = arith.muli %gather3A_1113, %mul3A_1115 : vector<16xi32>
      %add3A_1117 = arith.addi %mul3A_1116, %and3A_4 : vector<16xi32>
      %shift_right_logical3A_1118 = arith.constant 7 : i32
      %shift_right_logical3A_1119 = vector.broadcast %shift_right_logical3A_1118 : i32 to vector<16xi32>
      %shift_right_logical3A_1120 = arith.shrui %add3A_1117, %shift_right_logical3A_1119 : vector<16xi32>
      %and3A_1121 = arith.constant 127 : i32
      %and3A_1122 = vector.broadcast %and3A_1121 : i32 to vector<16xi32>
      %and3A_1123 = arith.andi %add3A_1117, %and3A_1122 : vector<16xi32>
      %get3A_1124 = arith.constant 912 : index
      %get3A_1125 = tpu.vector_load %arg8[%get3A_1124] {strides = array<i32>} : memref<1024xf32, #tpu.memory_space<vmem>>, vector<16xf32>,
      tpu.vector_store_idx %arg9[%shift_right_logical3A_1120, %and3A_1123], %get3A_1125 masked %lt3A_6 {add = true} : memref<640x128xf32, #tpu.memory_space<vmem>>[vector<16xi32>, vector<16xi32>], vector<16xf32>, vector<16xi1>
      tpu.vector_store_idx %arg9[%shift_right_logical3A_1120, %and3A_1123], %get3A_1125 masked %not3A_7 {add = true} : memref<640x128xf32, #tpu.memory_space<vmem>>[vector<16xi32>, vector<16xi32>], vector<16xf32>, vector<16xi1>
      %add3A_1126 = arith.constant 928 : i32
      %add3A_1127 = vector.broadcast %add3A_1126 : i32 to vector<16xi32>
      %add3A_1128 = arith.addi %add3A_1127, %iota3A : vector<16xi32>
      %shift_right_logical3A_1129 = arith.constant 3 : i32
      %shift_right_logical3A_1130 = vector.broadcast %shift_right_logical3A_1129 : i32 to vector<16xi32>
      %shift_right_logical3A_1131 = arith.shrui %add3A_1128, %shift_right_logical3A_1130 : vector<16xi32>
      %gather3A_1132 = tpu.vector_load_idx %arg7[%shift_right_logical3A_1131] : memref<128xi32, #tpu.memory_space<vmem>>[vector<16xi32>], vector<16xi32>,
      %mul3A_1133 = arith.constant 8 : i32
      %mul3A_1134 = vector.broadcast %mul3A_1133 : i32 to vector<16xi32>
      %mul3A_1135 = arith.muli %gather3A_1132, %mul3A_1134 : vector<16xi32>
      %add3A_1136 = arith.addi %mul3A_1135, %and3A_4 : vector<16xi32>
      %shift_right_logical3A_1137 = arith.constant 7 : i32
      %shift_right_logical3A_1138 = vector.broadcast %shift_right_logical3A_1137 : i32 to vector<16xi32>
      %shift_right_logical3A_1139 = arith.shrui %add3A_1136, %shift_right_logical3A_1138 : vector<16xi32>
      %and3A_1140 = arith.constant 127 : i32
      %and3A_1141 = vector.broadcast %and3A_1140 : i32 to vector<16xi32>
      %and3A_1142 = arith.andi %add3A_1136, %and3A_1141 : vector<16xi32>
      %get3A_1143 = arith.constant 928 : index
      %get3A_1144 = tpu.vector_load %arg8[%get3A_1143] {strides = array<i32>} : memref<1024xf32, #tpu.memory_space<vmem>>, vector<16xf32>,
      tpu.vector_store_idx %arg9[%shift_right_logical3A_1139, %and3A_1142], %get3A_1144 masked %lt3A_6 {add = true} : memref<640x128xf32, #tpu.memory_space<vmem>>[vector<16xi32>, vector<16xi32>], vector<16xf32>, vector<16xi1>
      tpu.vector_store_idx %arg9[%shift_right_logical3A_1139, %and3A_1142], %get3A_1144 masked %not3A_7 {add = true} : memref<640x128xf32, #tpu.memory_space<vmem>>[vector<16xi32>, vector<16xi32>], vector<16xf32>, vector<16xi1>
      %add3A_1145 = arith.constant 944 : i32
      %add3A_1146 = vector.broadcast %add3A_1145 : i32 to vector<16xi32>
      %add3A_1147 = arith.addi %add3A_1146, %iota3A : vector<16xi32>
      %shift_right_logical3A_1148 = arith.constant 3 : i32
      %shift_right_logical3A_1149 = vector.broadcast %shift_right_logical3A_1148 : i32 to vector<16xi32>
      %shift_right_logical3A_1150 = arith.shrui %add3A_1147, %shift_right_logical3A_1149 : vector<16xi32>
      %gather3A_1151 = tpu.vector_load_idx %arg7[%shift_right_logical3A_1150] : memref<128xi32, #tpu.memory_space<vmem>>[vector<16xi32>], vector<16xi32>,
      %mul3A_1152 = arith.constant 8 : i32
      %mul3A_1153 = vector.broadcast %mul3A_1152 : i32 to vector<16xi32>
      %mul3A_1154 = arith.muli %gather3A_1151, %mul3A_1153 : vector<16xi32>
      %add3A_1155 = arith.addi %mul3A_1154, %and3A_4 : vector<16xi32>
      %shift_right_logical3A_1156 = arith.constant 7 : i32
      %shift_right_logical3A_1157 = vector.broadcast %shift_right_logical3A_1156 : i32 to vector<16xi32>
      %shift_right_logical3A_1158 = arith.shrui %add3A_1155, %shift_right_logical3A_1157 : vector<16xi32>
      %and3A_1159 = arith.constant 127 : i32
      %and3A_1160 = vector.broadcast %and3A_1159 : i32 to vector<16xi32>
      %and3A_1161 = arith.andi %add3A_1155, %and3A_1160 : vector<16xi32>
      %get3A_1162 = arith.constant 944 : index
      %get3A_1163 = tpu.vector_load %arg8[%get3A_1162] {strides = array<i32>} : memref<1024xf32, #tpu.memory_space<vmem>>, vector<16xf32>,
      tpu.vector_store_idx %arg9[%shift_right_logical3A_1158, %and3A_1161], %get3A_1163 masked %lt3A_6 {add = true} : memref<640x128xf32, #tpu.memory_space<vmem>>[vector<16xi32>, vector<16xi32>], vector<16xf32>, vector<16xi1>
      tpu.vector_store_idx %arg9[%shift_right_logical3A_1158, %and3A_1161], %get3A_1163 masked %not3A_7 {add = true} : memref<640x128xf32, #tpu.memory_space<vmem>>[vector<16xi32>, vector<16xi32>], vector<16xf32>, vector<16xi1>
      %add3A_1164 = arith.constant 960 : i32
      %add3A_1165 = vector.broadcast %add3A_1164 : i32 to vector<16xi32>
      %add3A_1166 = arith.addi %add3A_1165, %iota3A : vector<16xi32>
      %shift_right_logical3A_1167 = arith.constant 3 : i32
      %shift_right_logical3A_1168 = vector.broadcast %shift_right_logical3A_1167 : i32 to vector<16xi32>
      %shift_right_logical3A_1169 = arith.shrui %add3A_1166, %shift_right_logical3A_1168 : vector<16xi32>
      %gather3A_1170 = tpu.vector_load_idx %arg7[%shift_right_logical3A_1169] : memref<128xi32, #tpu.memory_space<vmem>>[vector<16xi32>], vector<16xi32>,
      %mul3A_1171 = arith.constant 8 : i32
      %mul3A_1172 = vector.broadcast %mul3A_1171 : i32 to vector<16xi32>
      %mul3A_1173 = arith.muli %gather3A_1170, %mul3A_1172 : vector<16xi32>
      %add3A_1174 = arith.addi %mul3A_1173, %and3A_4 : vector<16xi32>
      %shift_right_logical3A_1175 = arith.constant 7 : i32
      %shift_right_logical3A_1176 = vector.broadcast %shift_right_logical3A_1175 : i32 to vector<16xi32>
      %shift_right_logical3A_1177 = arith.shrui %add3A_1174, %shift_right_logical3A_1176 : vector<16xi32>
      %and3A_1178 = arith.constant 127 : i32
      %and3A_1179 = vector.broadcast %and3A_1178 : i32 to vector<16xi32>
      %and3A_1180 = arith.andi %add3A_1174, %and3A_1179 : vector<16xi32>
      %get3A_1181 = arith.constant 960 : index
      %get3A_1182 = tpu.vector_load %arg8[%get3A_1181] {strides = array<i32>} : memref<1024xf32, #tpu.memory_space<vmem>>, vector<16xf32>,
      tpu.vector_store_idx %arg9[%shift_right_logical3A_1177, %and3A_1180], %get3A_1182 masked %lt3A_6 {add = true} : memref<640x128xf32, #tpu.memory_space<vmem>>[vector<16xi32>, vector<16xi32>], vector<16xf32>, vector<16xi1>
      tpu.vector_store_idx %arg9[%shift_right_logical3A_1177, %and3A_1180], %get3A_1182 masked %not3A_7 {add = true} : memref<640x128xf32, #tpu.memory_space<vmem>>[vector<16xi32>, vector<16xi32>], vector<16xf32>, vector<16xi1>
      %add3A_1183 = arith.constant 976 : i32
      %add3A_1184 = vector.broadcast %add3A_1183 : i32 to vector<16xi32>
      %add3A_1185 = arith.addi %add3A_1184, %iota3A : vector<16xi32>
      %shift_right_logical3A_1186 = arith.constant 3 : i32
      %shift_right_logical3A_1187 = vector.broadcast %shift_right_logical3A_1186 : i32 to vector<16xi32>
      %shift_right_logical3A_1188 = arith.shrui %add3A_1185, %shift_right_logical3A_1187 : vector<16xi32>
      %gather3A_1189 = tpu.vector_load_idx %arg7[%shift_right_logical3A_1188] : memref<128xi32, #tpu.memory_space<vmem>>[vector<16xi32>], vector<16xi32>,
      %mul3A_1190 = arith.constant 8 : i32
      %mul3A_1191 = vector.broadcast %mul3A_1190 : i32 to vector<16xi32>
      %mul3A_1192 = arith.muli %gather3A_1189, %mul3A_1191 : vector<16xi32>
      %add3A_1193 = arith.addi %mul3A_1192, %and3A_4 : vector<16xi32>
      %shift_right_logical3A_1194 = arith.constant 7 : i32
      %shift_right_logical3A_1195 = vector.broadcast %shift_right_logical3A_1194 : i32 to vector<16xi32>
      %shift_right_logical3A_1196 = arith.shrui %add3A_1193, %shift_right_logical3A_1195 : vector<16xi32>
      %and3A_1197 = arith.constant 127 : i32
      %and3A_1198 = vector.broadcast %and3A_1197 : i32 to vector<16xi32>
      %and3A_1199 = arith.andi %add3A_1193, %and3A_1198 : vector<16xi32>
      %get3A_1200 = arith.constant 976 : index
      %get3A_1201 = tpu.vector_load %arg8[%get3A_1200] {strides = array<i32>} : memref<1024xf32, #tpu.memory_space<vmem>>, vector<16xf32>,
      tpu.vector_store_idx %arg9[%shift_right_logical3A_1196, %and3A_1199], %get3A_1201 masked %lt3A_6 {add = true} : memref<640x128xf32, #tpu.memory_space<vmem>>[vector<16xi32>, vector<16xi32>], vector<16xf32>, vector<16xi1>
      tpu.vector_store_idx %arg9[%shift_right_logical3A_1196, %and3A_1199], %get3A_1201 masked %not3A_7 {add = true} : memref<640x128xf32, #tpu.memory_space<vmem>>[vector<16xi32>, vector<16xi32>], vector<16xf32>, vector<16xi1>
      %add3A_1202 = arith.constant 992 : i32
      %add3A_1203 = vector.broadcast %add3A_1202 : i32 to vector<16xi32>
      %add3A_1204 = arith.addi %add3A_1203, %iota3A : vector<16xi32>
      %shift_right_logical3A_1205 = arith.constant 3 : i32
      %shift_right_logical3A_1206 = vector.broadcast %shift_right_logical3A_1205 : i32 to vector<16xi32>
      %shift_right_logical3A_1207 = arith.shrui %add3A_1204, %shift_right_logical3A_1206 : vector<16xi32>
      %gather3A_1208 = tpu.vector_load_idx %arg7[%shift_right_logical3A_1207] : memref<128xi32, #tpu.memory_space<vmem>>[vector<16xi32>], vector<16xi32>,
      %mul3A_1209 = arith.constant 8 : i32
      %mul3A_1210 = vector.broadcast %mul3A_1209 : i32 to vector<16xi32>
      %mul3A_1211 = arith.muli %gather3A_1208, %mul3A_1210 : vector<16xi32>
      %add3A_1212 = arith.addi %mul3A_1211, %and3A_4 : vector<16xi32>
      %shift_right_logical3A_1213 = arith.constant 7 : i32
      %shift_right_logical3A_1214 = vector.broadcast %shift_right_logical3A_1213 : i32 to vector<16xi32>
      %shift_right_logical3A_1215 = arith.shrui %add3A_1212, %shift_right_logical3A_1214 : vector<16xi32>
      %and3A_1216 = arith.constant 127 : i32
      %and3A_1217 = vector.broadcast %and3A_1216 : i32 to vector<16xi32>
      %and3A_1218 = arith.andi %add3A_1212, %and3A_1217 : vector<16xi32>
      %get3A_1219 = arith.constant 992 : index
      %get3A_1220 = tpu.vector_load %arg8[%get3A_1219] {strides = array<i32>} : memref<1024xf32, #tpu.memory_space<vmem>>, vector<16xf32>,
      tpu.vector_store_idx %arg9[%shift_right_logical3A_1215, %and3A_1218], %get3A_1220 masked %lt3A_6 {add = true} : memref<640x128xf32, #tpu.memory_space<vmem>>[vector<16xi32>, vector<16xi32>], vector<16xf32>, vector<16xi1>
      tpu.vector_store_idx %arg9[%shift_right_logical3A_1215, %and3A_1218], %get3A_1220 masked %not3A_7 {add = true} : memref<640x128xf32, #tpu.memory_space<vmem>>[vector<16xi32>, vector<16xi32>], vector<16xf32>, vector<16xi1>
      %add3A_1221 = arith.constant 1008 : i32
      %add3A_1222 = vector.broadcast %add3A_1221 : i32 to vector<16xi32>
      %add3A_1223 = arith.addi %add3A_1222, %iota3A : vector<16xi32>
      %shift_right_logical3A_1224 = arith.constant 3 : i32
      %shift_right_logical3A_1225 = vector.broadcast %shift_right_logical3A_1224 : i32 to vector<16xi32>
      %shift_right_logical3A_1226 = arith.shrui %add3A_1223, %shift_right_logical3A_1225 : vector<16xi32>
      %gather3A_1227 = tpu.vector_load_idx %arg7[%shift_right_logical3A_1226] : memref<128xi32, #tpu.memory_space<vmem>>[vector<16xi32>], vector<16xi32>,
      %mul3A_1228 = arith.constant 8 : i32
      %mul3A_1229 = vector.broadcast %mul3A_1228 : i32 to vector<16xi32>
      %mul3A_1230 = arith.muli %gather3A_1227, %mul3A_1229 : vector<16xi32>
      %add3A_1231 = arith.addi %mul3A_1230, %and3A_4 : vector<16xi32>
      %shift_right_logical3A_1232 = arith.constant 7 : i32
      %shift_right_logical3A_1233 = vector.broadcast %shift_right_logical3A_1232 : i32 to vector<16xi32>
      %shift_right_logical3A_1234 = arith.shrui %add3A_1231, %shift_right_logical3A_1233 : vector<16xi32>
      %and3A_1235 = arith.constant 127 : i32
      %and3A_1236 = vector.broadcast %and3A_1235 : i32 to vector<16xi32>
      %and3A_1237 = arith.andi %add3A_1231, %and3A_1236 : vector<16xi32>
      %get3A_1238 = arith.constant 1008 : index
      %get3A_1239 = tpu.vector_load %arg8[%get3A_1238] {strides = array<i32>} : memref<1024xf32, #tpu.memory_space<vmem>>, vector<16xf32>,
      tpu.vector_store_idx %arg9[%shift_right_logical3A_1234, %and3A_1237], %get3A_1239 masked %lt3A_6 {add = true} : memref<640x128xf32, #tpu.memory_space<vmem>>[vector<16xi32>, vector<16xi32>], vector<16xf32>, vector<16xi1>
      tpu.vector_store_idx %arg9[%shift_right_logical3A_1234, %and3A_1237], %get3A_1239 masked %not3A_7 {add = true} : memref<640x128xf32, #tpu.memory_space<vmem>>[vector<16xi32>, vector<16xi32>], vector<16xf32>, vector<16xi1>
    }
    %scan3A_12 = arith.constant 80 : i32
    %barrier3A_13 = arith.constant 0 : index
    tpu.barrier barrier_id(%barrier3A_13)
    %run_scoped3A = arith.constant 0 : i32
    "tpu.region"() ({
      %run_scoped3A_19 = tpu.sem_alloc : memref<!tpu.dma_semaphore, #tpu.memory_space<semaphore_mem>>
      %dma_start3A = arith.constant 0 : i32
      %dma_start3A_20 = arith.constant 0 : i32
      %dma_start3A_21 = tpu.memref_slice %arg9[%dma_start3A, %dma_start3A_20] : memref<640x128xf32, #tpu.memory_space<vmem>> -> memref<128x128xf32, #tpu.memory_space<vmem>>
      %dma_start3A_22 = arith.constant 0 : i32
      %dma_start3A_23 = tpu.memref_slice %arg10[%run_scoped3A, %dma_start3A_22] : memref<5x128xi32, #tpu.memory_space<vmem>> -> memref<1x128xi32, #tpu.memory_space<vmem>>
      %dma_start3A_24 = tpu.memref_squeeze %dma_start3A_23 : memref<1x128xi32, #tpu.memory_space<vmem>> -> memref<128xi32, #tpu.memory_space<vmem>>
      %dma_start3A_25 = arith.constant 0 : i32
      %dma_start3A_26 = arith.constant 0 : i32
      %dma_start3A_27 = tpu.memref_slice %arg11[%dma_start3A_25, %dma_start3A_26] : memref<640x128xf32, #tpu.memory_space<vmem_shared>> -> memref<640x128xf32, #tpu.memory_space<vmem_shared>>
      tpu.enqueue_indirect_dma source(%dma_start3A_21 : memref<128x128xf32, #tpu.memory_space<vmem>>) target(%dma_start3A_27 : memref<640x128xf32, #tpu.memory_space<vmem_shared>>) offsets(%dma_start3A_24 : memref<128xi32, #tpu.memory_space<vmem>>) semaphore(%run_scoped3A_19 : memref<!tpu.dma_semaphore, #tpu.memory_space<semaphore_mem>>) {add = true}
      %dma_wait3A = arith.constant 0 : i32
      %dma_wait3A_28 = arith.constant 0 : i32
      %dma_wait3A_29 = tpu.memref_slice %arg9[%dma_wait3A, %dma_wait3A_28] : memref<640x128xf32, #tpu.memory_space<vmem>> -> memref<128x128xf32, #tpu.memory_space<vmem>>
      %dma_wait3A_30 = arith.constant 0 : i32
      %dma_wait3A_31 = tpu.memref_slice %arg10[%run_scoped3A, %dma_wait3A_30] : memref<5x128xi32, #tpu.memory_space<vmem>> -> memref<1x128xi32, #tpu.memory_space<vmem>>
      %dma_wait3A_32 = tpu.memref_squeeze %dma_wait3A_31 : memref<1x128xi32, #tpu.memory_space<vmem>> -> memref<128xi32, #tpu.memory_space<vmem>>
      %dma_wait3A_33 = arith.constant 0 : i32
      %dma_wait3A_34 = arith.constant 0 : i32
      %dma_wait3A_35 = tpu.memref_slice %arg11[%dma_wait3A_33, %dma_wait3A_34] : memref<640x128xf32, #tpu.memory_space<vmem_shared>> -> memref<640x128xf32, #tpu.memory_space<vmem_shared>>
      tpu.wait_indirect_dma semaphore(%run_scoped3A_19 : memref<!tpu.dma_semaphore, #tpu.memory_space<semaphore_mem>>) src(%dma_wait3A_29 : memref<128x128xf32, #tpu.memory_space<vmem>>) dst(%dma_wait3A_35 : memref<640x128xf32, #tpu.memory_space<vmem_shared>>)
      tpu.yield
    }) : () -> ()
    %run_scoped3A_14 = arith.constant 1 : i32
    "tpu.region"() ({
      %run_scoped3A_19 = tpu.sem_alloc : memref<!tpu.dma_semaphore, #tpu.memory_space<semaphore_mem>>
      %dma_start3A = arith.constant 128 : i32
      %dma_start3A_20 = arith.constant 0 : i32
      %dma_start3A_21 = tpu.memref_slice %arg9[%dma_start3A, %dma_start3A_20] : memref<640x128xf32, #tpu.memory_space<vmem>> -> memref<128x128xf32, #tpu.memory_space<vmem>>
      %dma_start3A_22 = arith.constant 0 : i32
      %dma_start3A_23 = tpu.memref_slice %arg10[%run_scoped3A_14, %dma_start3A_22] : memref<5x128xi32, #tpu.memory_space<vmem>> -> memref<1x128xi32, #tpu.memory_space<vmem>>
      %dma_start3A_24 = tpu.memref_squeeze %dma_start3A_23 : memref<1x128xi32, #tpu.memory_space<vmem>> -> memref<128xi32, #tpu.memory_space<vmem>>
      %dma_start3A_25 = arith.constant 0 : i32
      %dma_start3A_26 = arith.constant 0 : i32
      %dma_start3A_27 = tpu.memref_slice %arg11[%dma_start3A_25, %dma_start3A_26] : memref<640x128xf32, #tpu.memory_space<vmem_shared>> -> memref<640x128xf32, #tpu.memory_space<vmem_shared>>
      tpu.enqueue_indirect_dma source(%dma_start3A_21 : memref<128x128xf32, #tpu.memory_space<vmem>>) target(%dma_start3A_27 : memref<640x128xf32, #tpu.memory_space<vmem_shared>>) offsets(%dma_start3A_24 : memref<128xi32, #tpu.memory_space<vmem>>) semaphore(%run_scoped3A_19 : memref<!tpu.dma_semaphore, #tpu.memory_space<semaphore_mem>>) {add = true}
      %dma_wait3A = arith.constant 128 : i32
      %dma_wait3A_28 = arith.constant 0 : i32
      %dma_wait3A_29 = tpu.memref_slice %arg9[%dma_wait3A, %dma_wait3A_28] : memref<640x128xf32, #tpu.memory_space<vmem>> -> memref<128x128xf32, #tpu.memory_space<vmem>>
      %dma_wait3A_30 = arith.constant 0 : i32
      %dma_wait3A_31 = tpu.memref_slice %arg10[%run_scoped3A_14, %dma_wait3A_30] : memref<5x128xi32, #tpu.memory_space<vmem>> -> memref<1x128xi32, #tpu.memory_space<vmem>>
      %dma_wait3A_32 = tpu.memref_squeeze %dma_wait3A_31 : memref<1x128xi32, #tpu.memory_space<vmem>> -> memref<128xi32, #tpu.memory_space<vmem>>
      %dma_wait3A_33 = arith.constant 0 : i32
      %dma_wait3A_34 = arith.constant 0 : i32
      %dma_wait3A_35 = tpu.memref_slice %arg11[%dma_wait3A_33, %dma_wait3A_34] : memref<640x128xf32, #tpu.memory_space<vmem_shared>> -> memref<640x128xf32, #tpu.memory_space<vmem_shared>>
      tpu.wait_indirect_dma semaphore(%run_scoped3A_19 : memref<!tpu.dma_semaphore, #tpu.memory_space<semaphore_mem>>) src(%dma_wait3A_29 : memref<128x128xf32, #tpu.memory_space<vmem>>) dst(%dma_wait3A_35 : memref<640x128xf32, #tpu.memory_space<vmem_shared>>)
      tpu.yield
    }) : () -> ()
    %run_scoped3A_15 = arith.constant 2 : i32
    "tpu.region"() ({
      %run_scoped3A_19 = tpu.sem_alloc : memref<!tpu.dma_semaphore, #tpu.memory_space<semaphore_mem>>
      %dma_start3A = arith.constant 256 : i32
      %dma_start3A_20 = arith.constant 0 : i32
      %dma_start3A_21 = tpu.memref_slice %arg9[%dma_start3A, %dma_start3A_20] : memref<640x128xf32, #tpu.memory_space<vmem>> -> memref<128x128xf32, #tpu.memory_space<vmem>>
      %dma_start3A_22 = arith.constant 0 : i32
      %dma_start3A_23 = tpu.memref_slice %arg10[%run_scoped3A_15, %dma_start3A_22] : memref<5x128xi32, #tpu.memory_space<vmem>> -> memref<1x128xi32, #tpu.memory_space<vmem>>
      %dma_start3A_24 = tpu.memref_squeeze %dma_start3A_23 : memref<1x128xi32, #tpu.memory_space<vmem>> -> memref<128xi32, #tpu.memory_space<vmem>>
      %dma_start3A_25 = arith.constant 0 : i32
      %dma_start3A_26 = arith.constant 0 : i32
      %dma_start3A_27 = tpu.memref_slice %arg11[%dma_start3A_25, %dma_start3A_26] : memref<640x128xf32, #tpu.memory_space<vmem_shared>> -> memref<640x128xf32, #tpu.memory_space<vmem_shared>>
      tpu.enqueue_indirect_dma source(%dma_start3A_21 : memref<128x128xf32, #tpu.memory_space<vmem>>) target(%dma_start3A_27 : memref<640x128xf32, #tpu.memory_space<vmem_shared>>) offsets(%dma_start3A_24 : memref<128xi32, #tpu.memory_space<vmem>>) semaphore(%run_scoped3A_19 : memref<!tpu.dma_semaphore, #tpu.memory_space<semaphore_mem>>) {add = true}
      %dma_wait3A = arith.constant 256 : i32
      %dma_wait3A_28 = arith.constant 0 : i32
      %dma_wait3A_29 = tpu.memref_slice %arg9[%dma_wait3A, %dma_wait3A_28] : memref<640x128xf32, #tpu.memory_space<vmem>> -> memref<128x128xf32, #tpu.memory_space<vmem>>
      %dma_wait3A_30 = arith.constant 0 : i32
      %dma_wait3A_31 = tpu.memref_slice %arg10[%run_scoped3A_15, %dma_wait3A_30] : memref<5x128xi32, #tpu.memory_space<vmem>> -> memref<1x128xi32, #tpu.memory_space<vmem>>
      %dma_wait3A_32 = tpu.memref_squeeze %dma_wait3A_31 : memref<1x128xi32, #tpu.memory_space<vmem>> -> memref<128xi32, #tpu.memory_space<vmem>>
      %dma_wait3A_33 = arith.constant 0 : i32
      %dma_wait3A_34 = arith.constant 0 : i32
      %dma_wait3A_35 = tpu.memref_slice %arg11[%dma_wait3A_33, %dma_wait3A_34] : memref<640x128xf32, #tpu.memory_space<vmem_shared>> -> memref<640x128xf32, #tpu.memory_space<vmem_shared>>
      tpu.wait_indirect_dma semaphore(%run_scoped3A_19 : memref<!tpu.dma_semaphore, #tpu.memory_space<semaphore_mem>>) src(%dma_wait3A_29 : memref<128x128xf32, #tpu.memory_space<vmem>>) dst(%dma_wait3A_35 : memref<640x128xf32, #tpu.memory_space<vmem_shared>>)
      tpu.yield
    }) : () -> ()
    %run_scoped3A_16 = arith.constant 3 : i32
    "tpu.region"() ({
      %run_scoped3A_19 = tpu.sem_alloc : memref<!tpu.dma_semaphore, #tpu.memory_space<semaphore_mem>>
      %dma_start3A = arith.constant 384 : i32
      %dma_start3A_20 = arith.constant 0 : i32
      %dma_start3A_21 = tpu.memref_slice %arg9[%dma_start3A, %dma_start3A_20] : memref<640x128xf32, #tpu.memory_space<vmem>> -> memref<128x128xf32, #tpu.memory_space<vmem>>
      %dma_start3A_22 = arith.constant 0 : i32
      %dma_start3A_23 = tpu.memref_slice %arg10[%run_scoped3A_16, %dma_start3A_22] : memref<5x128xi32, #tpu.memory_space<vmem>> -> memref<1x128xi32, #tpu.memory_space<vmem>>
      %dma_start3A_24 = tpu.memref_squeeze %dma_start3A_23 : memref<1x128xi32, #tpu.memory_space<vmem>> -> memref<128xi32, #tpu.memory_space<vmem>>
      %dma_start3A_25 = arith.constant 0 : i32
      %dma_start3A_26 = arith.constant 0 : i32
      %dma_start3A_27 = tpu.memref_slice %arg11[%dma_start3A_25, %dma_start3A_26] : memref<640x128xf32, #tpu.memory_space<vmem_shared>> -> memref<640x128xf32, #tpu.memory_space<vmem_shared>>
      tpu.enqueue_indirect_dma source(%dma_start3A_21 : memref<128x128xf32, #tpu.memory_space<vmem>>) target(%dma_start3A_27 : memref<640x128xf32, #tpu.memory_space<vmem_shared>>) offsets(%dma_start3A_24 : memref<128xi32, #tpu.memory_space<vmem>>) semaphore(%run_scoped3A_19 : memref<!tpu.dma_semaphore, #tpu.memory_space<semaphore_mem>>) {add = true}
      %dma_wait3A = arith.constant 384 : i32
      %dma_wait3A_28 = arith.constant 0 : i32
      %dma_wait3A_29 = tpu.memref_slice %arg9[%dma_wait3A, %dma_wait3A_28] : memref<640x128xf32, #tpu.memory_space<vmem>> -> memref<128x128xf32, #tpu.memory_space<vmem>>
      %dma_wait3A_30 = arith.constant 0 : i32
      %dma_wait3A_31 = tpu.memref_slice %arg10[%run_scoped3A_16, %dma_wait3A_30] : memref<5x128xi32, #tpu.memory_space<vmem>> -> memref<1x128xi32, #tpu.memory_space<vmem>>
      %dma_wait3A_32 = tpu.memref_squeeze %dma_wait3A_31 : memref<1x128xi32, #tpu.memory_space<vmem>> -> memref<128xi32, #tpu.memory_space<vmem>>
      %dma_wait3A_33 = arith.constant 0 : i32
      %dma_wait3A_34 = arith.constant 0 : i32
      %dma_wait3A_35 = tpu.memref_slice %arg11[%dma_wait3A_33, %dma_wait3A_34] : memref<640x128xf32, #tpu.memory_space<vmem_shared>> -> memref<640x128xf32, #tpu.memory_space<vmem_shared>>
      tpu.wait_indirect_dma semaphore(%run_scoped3A_19 : memref<!tpu.dma_semaphore, #tpu.memory_space<semaphore_mem>>) src(%dma_wait3A_29 : memref<128x128xf32, #tpu.memory_space<vmem>>) dst(%dma_wait3A_35 : memref<640x128xf32, #tpu.memory_space<vmem_shared>>)
      tpu.yield
    }) : () -> ()
    %run_scoped3A_17 = arith.constant 4 : i32
    "tpu.region"() ({
      %run_scoped3A_19 = tpu.sem_alloc : memref<!tpu.dma_semaphore, #tpu.memory_space<semaphore_mem>>
      %dma_start3A = arith.constant 512 : i32
      %dma_start3A_20 = arith.constant 0 : i32
      %dma_start3A_21 = tpu.memref_slice %arg9[%dma_start3A, %dma_start3A_20] : memref<640x128xf32, #tpu.memory_space<vmem>> -> memref<128x128xf32, #tpu.memory_space<vmem>>
      %dma_start3A_22 = arith.constant 0 : i32
      %dma_start3A_23 = tpu.memref_slice %arg10[%run_scoped3A_17, %dma_start3A_22] : memref<5x128xi32, #tpu.memory_space<vmem>> -> memref<1x128xi32, #tpu.memory_space<vmem>>
      %dma_start3A_24 = tpu.memref_squeeze %dma_start3A_23 : memref<1x128xi32, #tpu.memory_space<vmem>> -> memref<128xi32, #tpu.memory_space<vmem>>
      %dma_start3A_25 = arith.constant 0 : i32
      %dma_start3A_26 = arith.constant 0 : i32
      %dma_start3A_27 = tpu.memref_slice %arg11[%dma_start3A_25, %dma_start3A_26] : memref<640x128xf32, #tpu.memory_space<vmem_shared>> -> memref<640x128xf32, #tpu.memory_space<vmem_shared>>
      tpu.enqueue_indirect_dma source(%dma_start3A_21 : memref<128x128xf32, #tpu.memory_space<vmem>>) target(%dma_start3A_27 : memref<640x128xf32, #tpu.memory_space<vmem_shared>>) offsets(%dma_start3A_24 : memref<128xi32, #tpu.memory_space<vmem>>) semaphore(%run_scoped3A_19 : memref<!tpu.dma_semaphore, #tpu.memory_space<semaphore_mem>>) {add = true}
      %dma_wait3A = arith.constant 512 : i32
      %dma_wait3A_28 = arith.constant 0 : i32
      %dma_wait3A_29 = tpu.memref_slice %arg9[%dma_wait3A, %dma_wait3A_28] : memref<640x128xf32, #tpu.memory_space<vmem>> -> memref<128x128xf32, #tpu.memory_space<vmem>>
      %dma_wait3A_30 = arith.constant 0 : i32
      %dma_wait3A_31 = tpu.memref_slice %arg10[%run_scoped3A_17, %dma_wait3A_30] : memref<5x128xi32, #tpu.memory_space<vmem>> -> memref<1x128xi32, #tpu.memory_space<vmem>>
      %dma_wait3A_32 = tpu.memref_squeeze %dma_wait3A_31 : memref<1x128xi32, #tpu.memory_space<vmem>> -> memref<128xi32, #tpu.memory_space<vmem>>
      %dma_wait3A_33 = arith.constant 0 : i32
      %dma_wait3A_34 = arith.constant 0 : i32
      %dma_wait3A_35 = tpu.memref_slice %arg11[%dma_wait3A_33, %dma_wait3A_34] : memref<640x128xf32, #tpu.memory_space<vmem_shared>> -> memref<640x128xf32, #tpu.memory_space<vmem_shared>>
      tpu.wait_indirect_dma semaphore(%run_scoped3A_19 : memref<!tpu.dma_semaphore, #tpu.memory_space<semaphore_mem>>) src(%dma_wait3A_29 : memref<128x128xf32, #tpu.memory_space<vmem>>) dst(%dma_wait3A_35 : memref<640x128xf32, #tpu.memory_space<vmem_shared>>)
      tpu.yield
    }) : () -> ()
    %barrier3A_18 = arith.constant 0 : index
    tpu.barrier barrier_id(%barrier3A_18)
    "tpu.region"() ({
      %run_scoped3A_19 = tpu.sem_alloc : memref<!tpu.dma_semaphore, #tpu.memory_space<semaphore_mem>>
      %dma_start3A = arith.constant 0 : i32
      %dma_start3A_20 = tpu.memref_slice %arg6[%arg0, %mul3A_2, %dma_start3A] : memref<2x640x128xf32, #tpu.memory_space<hbm>> -> memref<1x40x128xf32, #tpu.memory_space<hbm>>
      %dma_start3A_21 = tpu.memref_squeeze %dma_start3A_20 : memref<1x40x128xf32, #tpu.memory_space<hbm>> -> memref<40x128xf32, #tpu.memory_space<hbm>>
      %dma_start3A_22 = arith.constant 0 : i32
      %dma_start3A_23 = tpu.memref_slice %arg11[%mul3A_2, %dma_start3A_22] : memref<640x128xf32, #tpu.memory_space<vmem_shared>> -> memref<40x128xf32, #tpu.memory_space<vmem_shared>>
      tpu.enqueue_dma source(%dma_start3A_23 : memref<40x128xf32, #tpu.memory_space<vmem_shared>>) target(%dma_start3A_21 : memref<40x128xf32, #tpu.memory_space<hbm>>) target_semaphore(%run_scoped3A_19 : memref<!tpu.dma_semaphore, #tpu.memory_space<semaphore_mem>>)
      %dma_wait3A = arith.constant 0 : i32
      %dma_wait3A_24 = tpu.memref_slice %arg6[%arg0, %mul3A_2, %dma_wait3A] : memref<2x640x128xf32, #tpu.memory_space<hbm>> -> memref<1x40x128xf32, #tpu.memory_space<hbm>>
      %dma_wait3A_25 = tpu.memref_squeeze %dma_wait3A_24 : memref<1x40x128xf32, #tpu.memory_space<hbm>> -> memref<40x128xf32, #tpu.memory_space<hbm>>
      %dma_wait3A_26 = arith.constant 0 : i32
      %dma_wait3A_27 = tpu.memref_slice %arg11[%mul3A_2, %dma_wait3A_26] : memref<640x128xf32, #tpu.memory_space<vmem_shared>> -> memref<40x128xf32, #tpu.memory_space<vmem_shared>>
      tpu.wait_dma2 semaphore(%run_scoped3A_19 : memref<!tpu.dma_semaphore, #tpu.memory_space<semaphore_mem>>) src(%dma_wait3A_27 : memref<40x128xf32, #tpu.memory_space<vmem_shared>>) dst(%dma_wait3A_25 : memref<40x128xf32, #tpu.memory_space<hbm>>)
      tpu.yield
    }) : () -> ()
    return
  }
}

#map = affine_map<(d0, d1) -> (0, 0)>
#map1 = affine_map<(d0, d1) -> (0, 0, 0)>
module attributes {stable_mosaic.version = 14 : i64} {
  func.func @body(%arg0: i32, %arg1: i32, %arg2: memref<10000x128xf32, #tpu.memory_space<hbm>>, %arg3: memref<2560x128xi32, #tpu.memory_space<hbm>>, %arg4: memref<2560x128xi32, #tpu.memory_space<hbm>>, %arg5: memref<10240x128xf32, #tpu.memory_space<hbm>>, %arg6: memref<2x10240x128xf32, #tpu.memory_space<hbm>>, %arg7: memref<40x128xi32, #tpu.memory_space<vmem>>, %arg8: memref<40x128xi32, #tpu.memory_space<vmem>>, %arg9: memref<128x128xf32, #tpu.memory_space<vmem>>, %arg10: memref<128x128xf32, #tpu.memory_space<vmem>>, %arg11: memref<10240x128xf32, #tpu.memory_space<vmem_shared>>, %arg12: memref<!tpu.dma_semaphore, #tpu.memory_space<semaphore_mem>>, %arg13: memref<!tpu.dma_semaphore, #tpu.memory_space<semaphore_mem>>, %arg14: memref<!tpu.dma_semaphore, #tpu.memory_space<semaphore_mem>>, %arg15: memref<!tpu.dma_semaphore, #tpu.memory_space<semaphore_mem>>) attributes {dimension_semantics = [#tpu.dimension_semantics<core_parallel>, #tpu.dimension_semantics<subcore_parallel>], iteration_bounds = array<i64: 2, 16>, scalar_prefetch = 0 : i64, scratch_operands = 9 : i64, tpu.core_type = #tpu.core_type<sc_vector_subcore>, window_params = [{transform_indices = #map}, {transform_indices = #map}, {transform_indices = #map}, {transform_indices = #map}, {transform_indices = #map1}]} {
    %mul3A = arith.constant 16 : i32
    %mul3A_0 = arith.muli %arg0, %mul3A : i32
    %add3A = arith.addi %mul3A_0, %arg1 : i32
    %mul3A_1 = arith.constant 640 : i32
    %mul3A_2 = arith.muli %arg1, %mul3A_1 : i32
    "tpu.region"() ({
      %run_scoped3A = tpu.sem_alloc : memref<!tpu.dma_semaphore, #tpu.memory_space<semaphore_mem>>
      %dma_start3A = arith.constant 0 : i32
      %dma_start3A_42 = tpu.memref_slice %arg11[%mul3A_2, %dma_start3A] : memref<10240x128xf32, #tpu.memory_space<vmem_shared>> -> memref<640x128xf32, #tpu.memory_space<vmem_shared>>
      %dma_start3A_43 = arith.constant 0 : i32
      %dma_start3A_44 = tpu.memref_slice %arg5[%mul3A_2, %dma_start3A_43] : memref<10240x128xf32, #tpu.memory_space<hbm>> -> memref<640x128xf32, #tpu.memory_space<hbm>>
      tpu.enqueue_dma source(%dma_start3A_44 : memref<640x128xf32, #tpu.memory_space<hbm>>) target(%dma_start3A_42 : memref<640x128xf32, #tpu.memory_space<vmem_shared>>) target_semaphore(%run_scoped3A : memref<!tpu.dma_semaphore, #tpu.memory_space<semaphore_mem>>)
      %dma_wait3A = arith.constant 0 : i32
      %dma_wait3A_45 = tpu.memref_slice %arg11[%mul3A_2, %dma_wait3A] : memref<10240x128xf32, #tpu.memory_space<vmem_shared>> -> memref<640x128xf32, #tpu.memory_space<vmem_shared>>
      %dma_wait3A_46 = arith.constant 0 : i32
      %dma_wait3A_47 = tpu.memref_slice %arg5[%mul3A_2, %dma_wait3A_46] : memref<10240x128xf32, #tpu.memory_space<hbm>> -> memref<640x128xf32, #tpu.memory_space<hbm>>
      tpu.wait_dma2 semaphore(%run_scoped3A : memref<!tpu.dma_semaphore, #tpu.memory_space<semaphore_mem>>) src(%dma_wait3A_47 : memref<640x128xf32, #tpu.memory_space<hbm>>) dst(%dma_wait3A_45 : memref<640x128xf32, #tpu.memory_space<vmem_shared>>)
      tpu.yield
    }) : () -> ()
    %barrier3A = arith.constant 0 : index
    tpu.barrier barrier_id(%barrier3A)
    %eq3A = arith.constant 0 : i32
    %eq3A_3 = arith.cmpi eq, %arg0, %eq3A : i32
    %jit3A = arith.constant 0 : i32
    %jit3A_4 = arith.constant 160 : i32
    %select_n3A = arith.select %eq3A_3, %jit3A, %jit3A_4 : i32
    %eq3A_5 = arith.constant 0 : i32
    %eq3A_6 = arith.cmpi eq, %arg0, %eq3A_5 : i32
    %mul3A_7 = arith.constant 0 : i32
    %mul3A_8 = arith.muli %arg1, %mul3A_7 : i32
    %mul3A_9 = arith.constant 160 : i32
    %mul3A_10 = arith.muli %arg1, %mul3A_9 : i32
    %add3A_11 = arith.constant 0 : i32
    %add3A_12 = arith.addi %add3A_11, %mul3A_10 : i32
    %select_n3A_13 = arith.select %eq3A_6, %mul3A_8, %add3A_12 : i32
    %jit3A_14 = arith.constant 40 : i32
    %div3A = arith.divsi %select_n3A, %jit3A_14 : i32
    %sign3A = arith.constant 0 : i32
    %sign3A_15 = arith.cmpi sgt, %select_n3A, %sign3A : i32
    %sign3A_16 = arith.extui %sign3A_15 : i1 to i32
    %sign3A_17 = arith.constant 0 : i32
    %sign3A_18 = arith.cmpi slt, %select_n3A, %sign3A_17 : i32
    %sign3A_19 = arith.extui %sign3A_18 : i1 to i32
    %sign3A_20 = arith.subi %sign3A_16, %sign3A_19 : i32
    %sign3A_21 = arith.constant 0 : i32
    %sign3A_22 = arith.cmpi sgt, %jit3A_14, %sign3A_21 : i32
    %sign3A_23 = arith.extui %sign3A_22 : i1 to i32
    %sign3A_24 = arith.constant 0 : i32
    %sign3A_25 = arith.cmpi slt, %jit3A_14, %sign3A_24 : i32
    %sign3A_26 = arith.extui %sign3A_25 : i1 to i32
    %sign3A_27 = arith.subi %sign3A_23, %sign3A_26 : i32
    %ne3A = arith.cmpi ne, %sign3A_20, %sign3A_27 : i32
    %rem3A = arith.remsi %select_n3A, %jit3A_14 : i32
    %ne3A_28 = arith.constant 0 : i32
    %ne3A_29 = arith.cmpi ne, %rem3A, %ne3A_28 : i32
    %and3A = arith.andi %ne3A, %ne3A_29 : i1
    %sub3A = arith.constant 1 : i32
    %sub3A_30 = arith.subi %div3A, %sub3A : i32
    %select_n3A_31 = arith.select %and3A, %sub3A_30, %div3A : i32
    %while3A = arith.constant 0 : i32
    %while3A_32 = arith.constant 0 : i32
    %while3A_33 = arith.subi %select_n3A_31, %while3A_32 : i32
    %while3A_34 = arith.addi %while3A_32, %while3A_33 : i32
    %while3A_35 = arith.constant 1 : i32
    %while3A_36 = arith.divsi %while3A_33, %while3A_35 : i32
    %while3A_37 = arith.muli %while3A_36, %while3A_35 : i32
    %while3A_38 = arith.addi %while3A_32, %while3A_37 : i32
    %while3A_39 = arith.constant 1 : i32
    scf.for %while3A_42 = %while3A_32 to %while3A_38 step %while3A_39  : i32 {
      %mul3A_43 = arith.constant 40 : i32
      %mul3A_44 = arith.muli %while3A_42, %mul3A_43 : i32
      %add3A_45 = arith.addi %select_n3A_13, %mul3A_44 : i32
      "tpu.region"() ({
        %run_scoped3A = tpu.sem_alloc : memref<!tpu.dma_semaphore, #tpu.memory_space<semaphore_mem>>
        %dma_start3A = arith.constant 0 : i32
        %dma_start3A_51 = tpu.memref_slice %arg3[%add3A_45, %dma_start3A] : memref<2560x128xi32, #tpu.memory_space<hbm>> -> memref<40x128xi32, #tpu.memory_space<hbm>>
        %dma_start3A_52 = arith.constant 0 : i32
        %dma_start3A_53 = tpu.memref_slice %arg3[%add3A_45, %dma_start3A_52] : memref<2560x128xi32, #tpu.memory_space<hbm>> -> memref<40x128xi32, #tpu.memory_space<hbm>>
        tpu.enqueue_dma source(%dma_start3A_53 : memref<40x128xi32, #tpu.memory_space<hbm>>) target(%arg7 : memref<40x128xi32, #tpu.memory_space<vmem>>) target_semaphore(%run_scoped3A : memref<!tpu.dma_semaphore, #tpu.memory_space<semaphore_mem>>)
        %dma_wait3A = arith.constant 0 : i32
        %dma_wait3A_54 = tpu.memref_slice %arg3[%add3A_45, %dma_wait3A] : memref<2560x128xi32, #tpu.memory_space<hbm>> -> memref<40x128xi32, #tpu.memory_space<hbm>>
        %dma_wait3A_55 = arith.constant 0 : i32
        %dma_wait3A_56 = tpu.memref_slice %arg3[%add3A_45, %dma_wait3A_55] : memref<2560x128xi32, #tpu.memory_space<hbm>> -> memref<40x128xi32, #tpu.memory_space<hbm>>
        tpu.wait_dma2 semaphore(%run_scoped3A : memref<!tpu.dma_semaphore, #tpu.memory_space<semaphore_mem>>) src(%dma_wait3A_56 : memref<40x128xi32, #tpu.memory_space<hbm>>) dst(%arg7 : memref<40x128xi32, #tpu.memory_space<vmem>>)
        tpu.yield
      }) : () -> ()
      "tpu.region"() ({
        %run_scoped3A = tpu.sem_alloc : memref<!tpu.dma_semaphore, #tpu.memory_space<semaphore_mem>>
        %dma_start3A = arith.constant 0 : i32
        %dma_start3A_51 = tpu.memref_slice %arg4[%add3A_45, %dma_start3A] : memref<2560x128xi32, #tpu.memory_space<hbm>> -> memref<40x128xi32, #tpu.memory_space<hbm>>
        %dma_start3A_52 = arith.constant 0 : i32
        %dma_start3A_53 = tpu.memref_slice %arg4[%add3A_45, %dma_start3A_52] : memref<2560x128xi32, #tpu.memory_space<hbm>> -> memref<40x128xi32, #tpu.memory_space<hbm>>
        tpu.enqueue_dma source(%dma_start3A_53 : memref<40x128xi32, #tpu.memory_space<hbm>>) target(%arg8 : memref<40x128xi32, #tpu.memory_space<vmem>>) target_semaphore(%run_scoped3A : memref<!tpu.dma_semaphore, #tpu.memory_space<semaphore_mem>>)
        %dma_wait3A = arith.constant 0 : i32
        %dma_wait3A_54 = tpu.memref_slice %arg4[%add3A_45, %dma_wait3A] : memref<2560x128xi32, #tpu.memory_space<hbm>> -> memref<40x128xi32, #tpu.memory_space<hbm>>
        %dma_wait3A_55 = arith.constant 0 : i32
        %dma_wait3A_56 = tpu.memref_slice %arg4[%add3A_45, %dma_wait3A_55] : memref<2560x128xi32, #tpu.memory_space<hbm>> -> memref<40x128xi32, #tpu.memory_space<hbm>>
        tpu.wait_dma2 semaphore(%run_scoped3A : memref<!tpu.dma_semaphore, #tpu.memory_space<semaphore_mem>>) src(%dma_wait3A_56 : memref<40x128xi32, #tpu.memory_space<hbm>>) dst(%arg8 : memref<40x128xi32, #tpu.memory_space<vmem>>)
        tpu.yield
      }) : () -> ()
      %scan3A = arith.constant 0 : i32
      %scan3A_46 = arith.constant 0 : i32
      %scan3A_47 = arith.constant 20 : i32
      %scan3A_48 = arith.addi %scan3A_46, %scan3A_47 : i32
      %scan3A_49 = arith.constant 1 : i32
      scf.for %scan3A_51 = %scan3A_46 to %scan3A_48 step %scan3A_49  : i32 {
        %mul3A_52 = arith.constant 2 : i32
        %mul3A_53 = arith.muli %mul3A_52, %scan3A_51 : i32
        %dma_start3A = arith.constant 0 : i32
        %dma_start3A_54 = tpu.memref_slice %arg7[%mul3A_53, %dma_start3A] : memref<40x128xi32, #tpu.memory_space<vmem>> -> memref<1x128xi32, #tpu.memory_space<vmem>>
        %dma_start3A_55 = tpu.memref_squeeze %dma_start3A_54 : memref<1x128xi32, #tpu.memory_space<vmem>> -> memref<128xi32, #tpu.memory_space<vmem>>
        %dma_start3A_56 = arith.constant 0 : i32
        %dma_start3A_57 = arith.constant 0 : i32
        %dma_start3A_58 = tpu.memref_slice %arg2[%dma_start3A_56, %dma_start3A_57] : memref<10000x128xf32, #tpu.memory_space<hbm>> -> memref<10000x128xf32, #tpu.memory_space<hbm>>
        tpu.enqueue_indirect_dma source(%dma_start3A_58 : memref<10000x128xf32, #tpu.memory_space<hbm>>) target(%arg9 : memref<128x128xf32, #tpu.memory_space<vmem>>) offsets(%dma_start3A_55 : memref<128xi32, #tpu.memory_space<vmem>>) semaphore(%arg12 : memref<!tpu.dma_semaphore, #tpu.memory_space<semaphore_mem>>)
        %mul3A_59 = arith.constant 2 : i32
        %mul3A_60 = arith.muli %mul3A_59, %scan3A_51 : i32
        %add3A_61 = arith.constant 1 : i32
        %add3A_62 = arith.addi %mul3A_60, %add3A_61 : i32
        %dma_start3A_63 = arith.constant 0 : i32
        %dma_start3A_64 = tpu.memref_slice %arg7[%add3A_62, %dma_start3A_63] : memref<40x128xi32, #tpu.memory_space<vmem>> -> memref<1x128xi32, #tpu.memory_space<vmem>>
        %dma_start3A_65 = tpu.memref_squeeze %dma_start3A_64 : memref<1x128xi32, #tpu.memory_space<vmem>> -> memref<128xi32, #tpu.memory_space<vmem>>
        %dma_start3A_66 = arith.constant 0 : i32
        %dma_start3A_67 = arith.constant 0 : i32
        %dma_start3A_68 = tpu.memref_slice %arg2[%dma_start3A_66, %dma_start3A_67] : memref<10000x128xf32, #tpu.memory_space<hbm>> -> memref<10000x128xf32, #tpu.memory_space<hbm>>
        tpu.enqueue_indirect_dma source(%dma_start3A_68 : memref<10000x128xf32, #tpu.memory_space<hbm>>) target(%arg10 : memref<128x128xf32, #tpu.memory_space<vmem>>) offsets(%dma_start3A_65 : memref<128xi32, #tpu.memory_space<vmem>>) semaphore(%arg13 : memref<!tpu.dma_semaphore, #tpu.memory_space<semaphore_mem>>)
        %dma_wait3A = arith.constant 0 : i32
        %dma_wait3A_69 = tpu.memref_slice %arg7[%mul3A_53, %dma_wait3A] : memref<40x128xi32, #tpu.memory_space<vmem>> -> memref<1x128xi32, #tpu.memory_space<vmem>>
        %dma_wait3A_70 = tpu.memref_squeeze %dma_wait3A_69 : memref<1x128xi32, #tpu.memory_space<vmem>> -> memref<128xi32, #tpu.memory_space<vmem>>
        %dma_wait3A_71 = arith.constant 0 : i32
        %dma_wait3A_72 = arith.constant 0 : i32
        %dma_wait3A_73 = tpu.memref_slice %arg2[%dma_wait3A_71, %dma_wait3A_72] : memref<10000x128xf32, #tpu.memory_space<hbm>> -> memref<10000x128xf32, #tpu.memory_space<hbm>>
        tpu.wait_indirect_dma semaphore(%arg12 : memref<!tpu.dma_semaphore, #tpu.memory_space<semaphore_mem>>) src(%dma_wait3A_73 : memref<10000x128xf32, #tpu.memory_space<hbm>>) dst(%arg9 : memref<128x128xf32, #tpu.memory_space<vmem>>)
        %mul3A_74 = arith.constant 2 : i32
        %mul3A_75 = arith.muli %mul3A_74, %scan3A_51 : i32
        %dma_start3A_76 = arith.constant 0 : i32
        %dma_start3A_77 = tpu.memref_slice %arg8[%mul3A_75, %dma_start3A_76] : memref<40x128xi32, #tpu.memory_space<vmem>> -> memref<1x128xi32, #tpu.memory_space<vmem>>
        %dma_start3A_78 = tpu.memref_squeeze %dma_start3A_77 : memref<1x128xi32, #tpu.memory_space<vmem>> -> memref<128xi32, #tpu.memory_space<vmem>>
        %dma_start3A_79 = arith.constant 0 : i32
        %dma_start3A_80 = arith.constant 0 : i32
        %dma_start3A_81 = tpu.memref_slice %arg11[%dma_start3A_79, %dma_start3A_80] : memref<10240x128xf32, #tpu.memory_space<vmem_shared>> -> memref<10240x128xf32, #tpu.memory_space<vmem_shared>>
        tpu.enqueue_indirect_dma source(%arg9 : memref<128x128xf32, #tpu.memory_space<vmem>>) target(%dma_start3A_81 : memref<10240x128xf32, #tpu.memory_space<vmem_shared>>) offsets(%dma_start3A_78 : memref<128xi32, #tpu.memory_space<vmem>>) semaphore(%arg14 : memref<!tpu.dma_semaphore, #tpu.memory_space<semaphore_mem>>) {add = true}
        %dma_wait3A_82 = arith.constant 0 : i32
        %dma_wait3A_83 = tpu.memref_slice %arg7[%add3A_62, %dma_wait3A_82] : memref<40x128xi32, #tpu.memory_space<vmem>> -> memref<1x128xi32, #tpu.memory_space<vmem>>
        %dma_wait3A_84 = tpu.memref_squeeze %dma_wait3A_83 : memref<1x128xi32, #tpu.memory_space<vmem>> -> memref<128xi32, #tpu.memory_space<vmem>>
        %dma_wait3A_85 = arith.constant 0 : i32
        %dma_wait3A_86 = arith.constant 0 : i32
        %dma_wait3A_87 = tpu.memref_slice %arg2[%dma_wait3A_85, %dma_wait3A_86] : memref<10000x128xf32, #tpu.memory_space<hbm>> -> memref<10000x128xf32, #tpu.memory_space<hbm>>
        tpu.wait_indirect_dma semaphore(%arg13 : memref<!tpu.dma_semaphore, #tpu.memory_space<semaphore_mem>>) src(%dma_wait3A_87 : memref<10000x128xf32, #tpu.memory_space<hbm>>) dst(%arg10 : memref<128x128xf32, #tpu.memory_space<vmem>>)
        %mul3A_88 = arith.constant 2 : i32
        %mul3A_89 = arith.muli %mul3A_88, %scan3A_51 : i32
        %add3A_90 = arith.constant 1 : i32
        %add3A_91 = arith.addi %mul3A_89, %add3A_90 : i32
        %dma_start3A_92 = arith.constant 0 : i32
        %dma_start3A_93 = tpu.memref_slice %arg8[%add3A_91, %dma_start3A_92] : memref<40x128xi32, #tpu.memory_space<vmem>> -> memref<1x128xi32, #tpu.memory_space<vmem>>
        %dma_start3A_94 = tpu.memref_squeeze %dma_start3A_93 : memref<1x128xi32, #tpu.memory_space<vmem>> -> memref<128xi32, #tpu.memory_space<vmem>>
        %dma_start3A_95 = arith.constant 0 : i32
        %dma_start3A_96 = arith.constant 0 : i32
        %dma_start3A_97 = tpu.memref_slice %arg11[%dma_start3A_95, %dma_start3A_96] : memref<10240x128xf32, #tpu.memory_space<vmem_shared>> -> memref<10240x128xf32, #tpu.memory_space<vmem_shared>>
        tpu.enqueue_indirect_dma source(%arg10 : memref<128x128xf32, #tpu.memory_space<vmem>>) target(%dma_start3A_97 : memref<10240x128xf32, #tpu.memory_space<vmem_shared>>) offsets(%dma_start3A_94 : memref<128xi32, #tpu.memory_space<vmem>>) semaphore(%arg15 : memref<!tpu.dma_semaphore, #tpu.memory_space<semaphore_mem>>) {add = true}
        %dma_wait3A_98 = arith.constant 0 : i32
        %dma_wait3A_99 = tpu.memref_slice %arg8[%mul3A_75, %dma_wait3A_98] : memref<40x128xi32, #tpu.memory_space<vmem>> -> memref<1x128xi32, #tpu.memory_space<vmem>>
        %dma_wait3A_100 = tpu.memref_squeeze %dma_wait3A_99 : memref<1x128xi32, #tpu.memory_space<vmem>> -> memref<128xi32, #tpu.memory_space<vmem>>
        %dma_wait3A_101 = arith.constant 0 : i32
        %dma_wait3A_102 = arith.constant 0 : i32
        %dma_wait3A_103 = tpu.memref_slice %arg11[%dma_wait3A_101, %dma_wait3A_102] : memref<10240x128xf32, #tpu.memory_space<vmem_shared>> -> memref<10240x128xf32, #tpu.memory_space<vmem_shared>>
        tpu.wait_indirect_dma semaphore(%arg14 : memref<!tpu.dma_semaphore, #tpu.memory_space<semaphore_mem>>) src(%arg9 : memref<128x128xf32, #tpu.memory_space<vmem>>) dst(%dma_wait3A_103 : memref<10240x128xf32, #tpu.memory_space<vmem_shared>>)
        %dma_wait3A_104 = arith.constant 0 : i32
        %dma_wait3A_105 = tpu.memref_slice %arg8[%add3A_91, %dma_wait3A_104] : memref<40x128xi32, #tpu.memory_space<vmem>> -> memref<1x128xi32, #tpu.memory_space<vmem>>
        %dma_wait3A_106 = tpu.memref_squeeze %dma_wait3A_105 : memref<1x128xi32, #tpu.memory_space<vmem>> -> memref<128xi32, #tpu.memory_space<vmem>>
        %dma_wait3A_107 = arith.constant 0 : i32
        %dma_wait3A_108 = arith.constant 0 : i32
        %dma_wait3A_109 = tpu.memref_slice %arg11[%dma_wait3A_107, %dma_wait3A_108] : memref<10240x128xf32, #tpu.memory_space<vmem_shared>> -> memref<10240x128xf32, #tpu.memory_space<vmem_shared>>
        tpu.wait_indirect_dma semaphore(%arg15 : memref<!tpu.dma_semaphore, #tpu.memory_space<semaphore_mem>>) src(%arg10 : memref<128x128xf32, #tpu.memory_space<vmem>>) dst(%dma_wait3A_109 : memref<10240x128xf32, #tpu.memory_space<vmem_shared>>)
      }
      %scan3A_50 = arith.constant 20 : i32
    }
    %while3A_40 = arith.constant 1 : i32
    scf.for %while3A_42 = %while3A_38 to %while3A_34 step %while3A_40  : i32 {
      %mul3A_43 = arith.constant 40 : i32
      %mul3A_44 = arith.muli %while3A_42, %mul3A_43 : i32
      %add3A_45 = arith.addi %select_n3A_13, %mul3A_44 : i32
      "tpu.region"() ({
        %run_scoped3A = tpu.sem_alloc : memref<!tpu.dma_semaphore, #tpu.memory_space<semaphore_mem>>
        %dma_start3A = arith.constant 0 : i32
        %dma_start3A_51 = tpu.memref_slice %arg3[%add3A_45, %dma_start3A] : memref<2560x128xi32, #tpu.memory_space<hbm>> -> memref<40x128xi32, #tpu.memory_space<hbm>>
        %dma_start3A_52 = arith.constant 0 : i32
        %dma_start3A_53 = tpu.memref_slice %arg3[%add3A_45, %dma_start3A_52] : memref<2560x128xi32, #tpu.memory_space<hbm>> -> memref<40x128xi32, #tpu.memory_space<hbm>>
        tpu.enqueue_dma source(%dma_start3A_53 : memref<40x128xi32, #tpu.memory_space<hbm>>) target(%arg7 : memref<40x128xi32, #tpu.memory_space<vmem>>) target_semaphore(%run_scoped3A : memref<!tpu.dma_semaphore, #tpu.memory_space<semaphore_mem>>)
        %dma_wait3A = arith.constant 0 : i32
        %dma_wait3A_54 = tpu.memref_slice %arg3[%add3A_45, %dma_wait3A] : memref<2560x128xi32, #tpu.memory_space<hbm>> -> memref<40x128xi32, #tpu.memory_space<hbm>>
        %dma_wait3A_55 = arith.constant 0 : i32
        %dma_wait3A_56 = tpu.memref_slice %arg3[%add3A_45, %dma_wait3A_55] : memref<2560x128xi32, #tpu.memory_space<hbm>> -> memref<40x128xi32, #tpu.memory_space<hbm>>
        tpu.wait_dma2 semaphore(%run_scoped3A : memref<!tpu.dma_semaphore, #tpu.memory_space<semaphore_mem>>) src(%dma_wait3A_56 : memref<40x128xi32, #tpu.memory_space<hbm>>) dst(%arg7 : memref<40x128xi32, #tpu.memory_space<vmem>>)
        tpu.yield
      }) : () -> ()
      "tpu.region"() ({
        %run_scoped3A = tpu.sem_alloc : memref<!tpu.dma_semaphore, #tpu.memory_space<semaphore_mem>>
        %dma_start3A = arith.constant 0 : i32
        %dma_start3A_51 = tpu.memref_slice %arg4[%add3A_45, %dma_start3A] : memref<2560x128xi32, #tpu.memory_space<hbm>> -> memref<40x128xi32, #tpu.memory_space<hbm>>
        %dma_start3A_52 = arith.constant 0 : i32
        %dma_start3A_53 = tpu.memref_slice %arg4[%add3A_45, %dma_start3A_52] : memref<2560x128xi32, #tpu.memory_space<hbm>> -> memref<40x128xi32, #tpu.memory_space<hbm>>
        tpu.enqueue_dma source(%dma_start3A_53 : memref<40x128xi32, #tpu.memory_space<hbm>>) target(%arg8 : memref<40x128xi32, #tpu.memory_space<vmem>>) target_semaphore(%run_scoped3A : memref<!tpu.dma_semaphore, #tpu.memory_space<semaphore_mem>>)
        %dma_wait3A = arith.constant 0 : i32
        %dma_wait3A_54 = tpu.memref_slice %arg4[%add3A_45, %dma_wait3A] : memref<2560x128xi32, #tpu.memory_space<hbm>> -> memref<40x128xi32, #tpu.memory_space<hbm>>
        %dma_wait3A_55 = arith.constant 0 : i32
        %dma_wait3A_56 = tpu.memref_slice %arg4[%add3A_45, %dma_wait3A_55] : memref<2560x128xi32, #tpu.memory_space<hbm>> -> memref<40x128xi32, #tpu.memory_space<hbm>>
        tpu.wait_dma2 semaphore(%run_scoped3A : memref<!tpu.dma_semaphore, #tpu.memory_space<semaphore_mem>>) src(%dma_wait3A_56 : memref<40x128xi32, #tpu.memory_space<hbm>>) dst(%arg8 : memref<40x128xi32, #tpu.memory_space<vmem>>)
        tpu.yield
      }) : () -> ()
      %scan3A = arith.constant 0 : i32
      %scan3A_46 = arith.constant 0 : i32
      %scan3A_47 = arith.constant 20 : i32
      %scan3A_48 = arith.addi %scan3A_46, %scan3A_47 : i32
      %scan3A_49 = arith.constant 1 : i32
      scf.for %scan3A_51 = %scan3A_46 to %scan3A_48 step %scan3A_49  : i32 {
        %mul3A_52 = arith.constant 2 : i32
        %mul3A_53 = arith.muli %mul3A_52, %scan3A_51 : i32
        %dma_start3A = arith.constant 0 : i32
        %dma_start3A_54 = tpu.memref_slice %arg7[%mul3A_53, %dma_start3A] : memref<40x128xi32, #tpu.memory_space<vmem>> -> memref<1x128xi32, #tpu.memory_space<vmem>>
        %dma_start3A_55 = tpu.memref_squeeze %dma_start3A_54 : memref<1x128xi32, #tpu.memory_space<vmem>> -> memref<128xi32, #tpu.memory_space<vmem>>
        %dma_start3A_56 = arith.constant 0 : i32
        %dma_start3A_57 = arith.constant 0 : i32
        %dma_start3A_58 = tpu.memref_slice %arg2[%dma_start3A_56, %dma_start3A_57] : memref<10000x128xf32, #tpu.memory_space<hbm>> -> memref<10000x128xf32, #tpu.memory_space<hbm>>
        tpu.enqueue_indirect_dma source(%dma_start3A_58 : memref<10000x128xf32, #tpu.memory_space<hbm>>) target(%arg9 : memref<128x128xf32, #tpu.memory_space<vmem>>) offsets(%dma_start3A_55 : memref<128xi32, #tpu.memory_space<vmem>>) semaphore(%arg12 : memref<!tpu.dma_semaphore, #tpu.memory_space<semaphore_mem>>)
        %mul3A_59 = arith.constant 2 : i32
        %mul3A_60 = arith.muli %mul3A_59, %scan3A_51 : i32
        %add3A_61 = arith.constant 1 : i32
        %add3A_62 = arith.addi %mul3A_60, %add3A_61 : i32
        %dma_start3A_63 = arith.constant 0 : i32
        %dma_start3A_64 = tpu.memref_slice %arg7[%add3A_62, %dma_start3A_63] : memref<40x128xi32, #tpu.memory_space<vmem>> -> memref<1x128xi32, #tpu.memory_space<vmem>>
        %dma_start3A_65 = tpu.memref_squeeze %dma_start3A_64 : memref<1x128xi32, #tpu.memory_space<vmem>> -> memref<128xi32, #tpu.memory_space<vmem>>
        %dma_start3A_66 = arith.constant 0 : i32
        %dma_start3A_67 = arith.constant 0 : i32
        %dma_start3A_68 = tpu.memref_slice %arg2[%dma_start3A_66, %dma_start3A_67] : memref<10000x128xf32, #tpu.memory_space<hbm>> -> memref<10000x128xf32, #tpu.memory_space<hbm>>
        tpu.enqueue_indirect_dma source(%dma_start3A_68 : memref<10000x128xf32, #tpu.memory_space<hbm>>) target(%arg10 : memref<128x128xf32, #tpu.memory_space<vmem>>) offsets(%dma_start3A_65 : memref<128xi32, #tpu.memory_space<vmem>>) semaphore(%arg13 : memref<!tpu.dma_semaphore, #tpu.memory_space<semaphore_mem>>)
        %dma_wait3A = arith.constant 0 : i32
        %dma_wait3A_69 = tpu.memref_slice %arg7[%mul3A_53, %dma_wait3A] : memref<40x128xi32, #tpu.memory_space<vmem>> -> memref<1x128xi32, #tpu.memory_space<vmem>>
        %dma_wait3A_70 = tpu.memref_squeeze %dma_wait3A_69 : memref<1x128xi32, #tpu.memory_space<vmem>> -> memref<128xi32, #tpu.memory_space<vmem>>
        %dma_wait3A_71 = arith.constant 0 : i32
        %dma_wait3A_72 = arith.constant 0 : i32
        %dma_wait3A_73 = tpu.memref_slice %arg2[%dma_wait3A_71, %dma_wait3A_72] : memref<10000x128xf32, #tpu.memory_space<hbm>> -> memref<10000x128xf32, #tpu.memory_space<hbm>>
        tpu.wait_indirect_dma semaphore(%arg12 : memref<!tpu.dma_semaphore, #tpu.memory_space<semaphore_mem>>) src(%dma_wait3A_73 : memref<10000x128xf32, #tpu.memory_space<hbm>>) dst(%arg9 : memref<128x128xf32, #tpu.memory_space<vmem>>)
        %mul3A_74 = arith.constant 2 : i32
        %mul3A_75 = arith.muli %mul3A_74, %scan3A_51 : i32
        %dma_start3A_76 = arith.constant 0 : i32
        %dma_start3A_77 = tpu.memref_slice %arg8[%mul3A_75, %dma_start3A_76] : memref<40x128xi32, #tpu.memory_space<vmem>> -> memref<1x128xi32, #tpu.memory_space<vmem>>
        %dma_start3A_78 = tpu.memref_squeeze %dma_start3A_77 : memref<1x128xi32, #tpu.memory_space<vmem>> -> memref<128xi32, #tpu.memory_space<vmem>>
        %dma_start3A_79 = arith.constant 0 : i32
        %dma_start3A_80 = arith.constant 0 : i32
        %dma_start3A_81 = tpu.memref_slice %arg11[%dma_start3A_79, %dma_start3A_80] : memref<10240x128xf32, #tpu.memory_space<vmem_shared>> -> memref<10240x128xf32, #tpu.memory_space<vmem_shared>>
        tpu.enqueue_indirect_dma source(%arg9 : memref<128x128xf32, #tpu.memory_space<vmem>>) target(%dma_start3A_81 : memref<10240x128xf32, #tpu.memory_space<vmem_shared>>) offsets(%dma_start3A_78 : memref<128xi32, #tpu.memory_space<vmem>>) semaphore(%arg14 : memref<!tpu.dma_semaphore, #tpu.memory_space<semaphore_mem>>) {add = true}
        %dma_wait3A_82 = arith.constant 0 : i32
        %dma_wait3A_83 = tpu.memref_slice %arg7[%add3A_62, %dma_wait3A_82] : memref<40x128xi32, #tpu.memory_space<vmem>> -> memref<1x128xi32, #tpu.memory_space<vmem>>
        %dma_wait3A_84 = tpu.memref_squeeze %dma_wait3A_83 : memref<1x128xi32, #tpu.memory_space<vmem>> -> memref<128xi32, #tpu.memory_space<vmem>>
        %dma_wait3A_85 = arith.constant 0 : i32
        %dma_wait3A_86 = arith.constant 0 : i32
        %dma_wait3A_87 = tpu.memref_slice %arg2[%dma_wait3A_85, %dma_wait3A_86] : memref<10000x128xf32, #tpu.memory_space<hbm>> -> memref<10000x128xf32, #tpu.memory_space<hbm>>
        tpu.wait_indirect_dma semaphore(%arg13 : memref<!tpu.dma_semaphore, #tpu.memory_space<semaphore_mem>>) src(%dma_wait3A_87 : memref<10000x128xf32, #tpu.memory_space<hbm>>) dst(%arg10 : memref<128x128xf32, #tpu.memory_space<vmem>>)
        %mul3A_88 = arith.constant 2 : i32
        %mul3A_89 = arith.muli %mul3A_88, %scan3A_51 : i32
        %add3A_90 = arith.constant 1 : i32
        %add3A_91 = arith.addi %mul3A_89, %add3A_90 : i32
        %dma_start3A_92 = arith.constant 0 : i32
        %dma_start3A_93 = tpu.memref_slice %arg8[%add3A_91, %dma_start3A_92] : memref<40x128xi32, #tpu.memory_space<vmem>> -> memref<1x128xi32, #tpu.memory_space<vmem>>
        %dma_start3A_94 = tpu.memref_squeeze %dma_start3A_93 : memref<1x128xi32, #tpu.memory_space<vmem>> -> memref<128xi32, #tpu.memory_space<vmem>>
        %dma_start3A_95 = arith.constant 0 : i32
        %dma_start3A_96 = arith.constant 0 : i32
        %dma_start3A_97 = tpu.memref_slice %arg11[%dma_start3A_95, %dma_start3A_96] : memref<10240x128xf32, #tpu.memory_space<vmem_shared>> -> memref<10240x128xf32, #tpu.memory_space<vmem_shared>>
        tpu.enqueue_indirect_dma source(%arg10 : memref<128x128xf32, #tpu.memory_space<vmem>>) target(%dma_start3A_97 : memref<10240x128xf32, #tpu.memory_space<vmem_shared>>) offsets(%dma_start3A_94 : memref<128xi32, #tpu.memory_space<vmem>>) semaphore(%arg15 : memref<!tpu.dma_semaphore, #tpu.memory_space<semaphore_mem>>) {add = true}
        %dma_wait3A_98 = arith.constant 0 : i32
        %dma_wait3A_99 = tpu.memref_slice %arg8[%mul3A_75, %dma_wait3A_98] : memref<40x128xi32, #tpu.memory_space<vmem>> -> memref<1x128xi32, #tpu.memory_space<vmem>>
        %dma_wait3A_100 = tpu.memref_squeeze %dma_wait3A_99 : memref<1x128xi32, #tpu.memory_space<vmem>> -> memref<128xi32, #tpu.memory_space<vmem>>
        %dma_wait3A_101 = arith.constant 0 : i32
        %dma_wait3A_102 = arith.constant 0 : i32
        %dma_wait3A_103 = tpu.memref_slice %arg11[%dma_wait3A_101, %dma_wait3A_102] : memref<10240x128xf32, #tpu.memory_space<vmem_shared>> -> memref<10240x128xf32, #tpu.memory_space<vmem_shared>>
        tpu.wait_indirect_dma semaphore(%arg14 : memref<!tpu.dma_semaphore, #tpu.memory_space<semaphore_mem>>) src(%arg9 : memref<128x128xf32, #tpu.memory_space<vmem>>) dst(%dma_wait3A_103 : memref<10240x128xf32, #tpu.memory_space<vmem_shared>>)
        %dma_wait3A_104 = arith.constant 0 : i32
        %dma_wait3A_105 = tpu.memref_slice %arg8[%add3A_91, %dma_wait3A_104] : memref<40x128xi32, #tpu.memory_space<vmem>> -> memref<1x128xi32, #tpu.memory_space<vmem>>
        %dma_wait3A_106 = tpu.memref_squeeze %dma_wait3A_105 : memref<1x128xi32, #tpu.memory_space<vmem>> -> memref<128xi32, #tpu.memory_space<vmem>>
        %dma_wait3A_107 = arith.constant 0 : i32
        %dma_wait3A_108 = arith.constant 0 : i32
        %dma_wait3A_109 = tpu.memref_slice %arg11[%dma_wait3A_107, %dma_wait3A_108] : memref<10240x128xf32, #tpu.memory_space<vmem_shared>> -> memref<10240x128xf32, #tpu.memory_space<vmem_shared>>
        tpu.wait_indirect_dma semaphore(%arg15 : memref<!tpu.dma_semaphore, #tpu.memory_space<semaphore_mem>>) src(%arg10 : memref<128x128xf32, #tpu.memory_space<vmem>>) dst(%dma_wait3A_109 : memref<10240x128xf32, #tpu.memory_space<vmem_shared>>)
      }
      %scan3A_50 = arith.constant 20 : i32
    }
    %barrier3A_41 = arith.constant 0 : index
    tpu.barrier barrier_id(%barrier3A_41)
    "tpu.region"() ({
      %run_scoped3A = tpu.sem_alloc : memref<!tpu.dma_semaphore, #tpu.memory_space<semaphore_mem>>
      %dma_start3A = arith.constant 0 : i32
      %dma_start3A_42 = tpu.memref_slice %arg6[%arg0, %mul3A_2, %dma_start3A] : memref<2x10240x128xf32, #tpu.memory_space<hbm>> -> memref<1x640x128xf32, #tpu.memory_space<hbm>>
      %dma_start3A_43 = tpu.memref_squeeze %dma_start3A_42 : memref<1x640x128xf32, #tpu.memory_space<hbm>> -> memref<640x128xf32, #tpu.memory_space<hbm>>
      %dma_start3A_44 = arith.constant 0 : i32
      %dma_start3A_45 = tpu.memref_slice %arg11[%mul3A_2, %dma_start3A_44] : memref<10240x128xf32, #tpu.memory_space<vmem_shared>> -> memref<640x128xf32, #tpu.memory_space<vmem_shared>>
      tpu.enqueue_dma source(%dma_start3A_45 : memref<640x128xf32, #tpu.memory_space<vmem_shared>>) target(%dma_start3A_43 : memref<640x128xf32, #tpu.memory_space<hbm>>) target_semaphore(%run_scoped3A : memref<!tpu.dma_semaphore, #tpu.memory_space<semaphore_mem>>)
      %dma_wait3A = arith.constant 0 : i32
      %dma_wait3A_46 = tpu.memref_slice %arg6[%arg0, %mul3A_2, %dma_wait3A] : memref<2x10240x128xf32, #tpu.memory_space<hbm>> -> memref<1x640x128xf32, #tpu.memory_space<hbm>>
      %dma_wait3A_47 = tpu.memref_squeeze %dma_wait3A_46 : memref<1x640x128xf32, #tpu.memory_space<hbm>> -> memref<640x128xf32, #tpu.memory_space<hbm>>
      %dma_wait3A_48 = arith.constant 0 : i32
      %dma_wait3A_49 = tpu.memref_slice %arg11[%mul3A_2, %dma_wait3A_48] : memref<10240x128xf32, #tpu.memory_space<vmem_shared>> -> memref<640x128xf32, #tpu.memory_space<vmem_shared>>
      tpu.wait_dma2 semaphore(%run_scoped3A : memref<!tpu.dma_semaphore, #tpu.memory_space<semaphore_mem>>) src(%dma_wait3A_49 : memref<640x128xf32, #tpu.memory_space<vmem_shared>>) dst(%dma_wait3A_47 : memref<640x128xf32, #tpu.memory_space<hbm>>)
      tpu.yield
    }) : () -> ()
    return
  }
}

#map = affine_map<(d0, d1) -> (0, 0)>
#map1 = affine_map<(d0, d1) -> (0, 0, 0)>
module attributes {stable_mosaic.version = 14 : i64} {
  func.func @body(%arg0: i32, %arg1: i32, %arg2: memref<10000x128xf32, #tpu.memory_space<hbm>>, %arg3: memref<2560x128xi32, #tpu.memory_space<hbm>>, %arg4: memref<2560x128xi32, #tpu.memory_space<hbm>>, %arg5: memref<10240x128xf32, #tpu.memory_space<hbm>>, %arg6: memref<2x10240x128xf32, #tpu.memory_space<hbm>>, %arg7: memref<40x128xi32, #tpu.memory_space<vmem>>, %arg8: memref<40x128xi32, #tpu.memory_space<vmem>>, %arg9: memref<128x128xf32, #tpu.memory_space<vmem>>, %arg10: memref<128x128xf32, #tpu.memory_space<vmem>>, %arg11: memref<10240x128xf32, #tpu.memory_space<vmem_shared>>, %arg12: memref<!tpu.dma_semaphore, #tpu.memory_space<semaphore_mem>>, %arg13: memref<!tpu.dma_semaphore, #tpu.memory_space<semaphore_mem>>, %arg14: memref<!tpu.dma_semaphore, #tpu.memory_space<semaphore_mem>>, %arg15: memref<!tpu.dma_semaphore, #tpu.memory_space<semaphore_mem>>) attributes {dimension_semantics = [#tpu.dimension_semantics<core_parallel>, #tpu.dimension_semantics<subcore_parallel>], iteration_bounds = array<i64: 2, 16>, scalar_prefetch = 0 : i64, scratch_operands = 9 : i64, tpu.core_type = #tpu.core_type<sc_vector_subcore>, window_params = [{transform_indices = #map}, {transform_indices = #map}, {transform_indices = #map}, {transform_indices = #map}, {transform_indices = #map1}]} {
    %mul3A = arith.constant 16 : i32
    %mul3A_0 = arith.muli %arg0, %mul3A : i32
    %add3A = arith.addi %mul3A_0, %arg1 : i32
    %mul3A_1 = arith.constant 640 : i32
    %mul3A_2 = arith.muli %arg1, %mul3A_1 : i32
    "tpu.region"() ({
      %run_scoped3A = tpu.sem_alloc : memref<!tpu.dma_semaphore, #tpu.memory_space<semaphore_mem>>
      %dma_start3A = arith.constant 0 : i32
      %dma_start3A_42 = tpu.memref_slice %arg11[%mul3A_2, %dma_start3A] : memref<10240x128xf32, #tpu.memory_space<vmem_shared>> -> memref<640x128xf32, #tpu.memory_space<vmem_shared>>
      %dma_start3A_43 = arith.constant 0 : i32
      %dma_start3A_44 = tpu.memref_slice %arg5[%mul3A_2, %dma_start3A_43] : memref<10240x128xf32, #tpu.memory_space<hbm>> -> memref<640x128xf32, #tpu.memory_space<hbm>>
      tpu.enqueue_dma source(%dma_start3A_44 : memref<640x128xf32, #tpu.memory_space<hbm>>) target(%dma_start3A_42 : memref<640x128xf32, #tpu.memory_space<vmem_shared>>) target_semaphore(%run_scoped3A : memref<!tpu.dma_semaphore, #tpu.memory_space<semaphore_mem>>)
      %dma_wait3A = arith.constant 0 : i32
      %dma_wait3A_45 = tpu.memref_slice %arg11[%mul3A_2, %dma_wait3A] : memref<10240x128xf32, #tpu.memory_space<vmem_shared>> -> memref<640x128xf32, #tpu.memory_space<vmem_shared>>
      %dma_wait3A_46 = arith.constant 0 : i32
      %dma_wait3A_47 = tpu.memref_slice %arg5[%mul3A_2, %dma_wait3A_46] : memref<10240x128xf32, #tpu.memory_space<hbm>> -> memref<640x128xf32, #tpu.memory_space<hbm>>
      tpu.wait_dma2 semaphore(%run_scoped3A : memref<!tpu.dma_semaphore, #tpu.memory_space<semaphore_mem>>) src(%dma_wait3A_47 : memref<640x128xf32, #tpu.memory_space<hbm>>) dst(%dma_wait3A_45 : memref<640x128xf32, #tpu.memory_space<vmem_shared>>)
      tpu.yield
    }) : () -> ()
    %barrier3A = arith.constant 0 : index
    tpu.barrier barrier_id(%barrier3A)
    %eq3A = arith.constant 0 : i32
    %eq3A_3 = arith.cmpi eq, %arg0, %eq3A : i32
    %jit3A = arith.constant 0 : i32
    %jit3A_4 = arith.constant 160 : i32
    %select_n3A = arith.select %eq3A_3, %jit3A, %jit3A_4 : i32
    %eq3A_5 = arith.constant 0 : i32
    %eq3A_6 = arith.cmpi eq, %arg0, %eq3A_5 : i32
    %mul3A_7 = arith.constant 0 : i32
    %mul3A_8 = arith.muli %arg1, %mul3A_7 : i32
    %mul3A_9 = arith.constant 160 : i32
    %mul3A_10 = arith.muli %arg1, %mul3A_9 : i32
    %add3A_11 = arith.constant 0 : i32
    %add3A_12 = arith.addi %add3A_11, %mul3A_10 : i32
    %select_n3A_13 = arith.select %eq3A_6, %mul3A_8, %add3A_12 : i32
    %jit3A_14 = arith.constant 40 : i32
    %div3A = arith.divsi %select_n3A, %jit3A_14 : i32
    %sign3A = arith.constant 0 : i32
    %sign3A_15 = arith.cmpi sgt, %select_n3A, %sign3A : i32
    %sign3A_16 = arith.extui %sign3A_15 : i1 to i32
    %sign3A_17 = arith.constant 0 : i32
    %sign3A_18 = arith.cmpi slt, %select_n3A, %sign3A_17 : i32
    %sign3A_19 = arith.extui %sign3A_18 : i1 to i32
    %sign3A_20 = arith.subi %sign3A_16, %sign3A_19 : i32
    %sign3A_21 = arith.constant 0 : i32
    %sign3A_22 = arith.cmpi sgt, %jit3A_14, %sign3A_21 : i32
    %sign3A_23 = arith.extui %sign3A_22 : i1 to i32
    %sign3A_24 = arith.constant 0 : i32
    %sign3A_25 = arith.cmpi slt, %jit3A_14, %sign3A_24 : i32
    %sign3A_26 = arith.extui %sign3A_25 : i1 to i32
    %sign3A_27 = arith.subi %sign3A_23, %sign3A_26 : i32
    %ne3A = arith.cmpi ne, %sign3A_20, %sign3A_27 : i32
    %rem3A = arith.remsi %select_n3A, %jit3A_14 : i32
    %ne3A_28 = arith.constant 0 : i32
    %ne3A_29 = arith.cmpi ne, %rem3A, %ne3A_28 : i32
    %and3A = arith.andi %ne3A, %ne3A_29 : i1
    %sub3A = arith.constant 1 : i32
    %sub3A_30 = arith.subi %div3A, %sub3A : i32
    %select_n3A_31 = arith.select %and3A, %sub3A_30, %div3A : i32
    %while3A = arith.constant 0 : i32
    %while3A_32 = arith.constant 0 : i32
    %while3A_33 = arith.subi %select_n3A_31, %while3A_32 : i32
    %while3A_34 = arith.addi %while3A_32, %while3A_33 : i32
    %while3A_35 = arith.constant 1 : i32
    %while3A_36 = arith.divsi %while3A_33, %while3A_35 : i32
    %while3A_37 = arith.muli %while3A_36, %while3A_35 : i32
    %while3A_38 = arith.addi %while3A_32, %while3A_37 : i32
    %while3A_39 = arith.constant 1 : i32
    scf.for %while3A_42 = %while3A_32 to %while3A_38 step %while3A_39  : i32 {
      %mul3A_43 = arith.constant 40 : i32
      %mul3A_44 = arith.muli %while3A_42, %mul3A_43 : i32
      %add3A_45 = arith.addi %select_n3A_13, %mul3A_44 : i32
      "tpu.region"() ({
        %run_scoped3A = tpu.sem_alloc : memref<!tpu.dma_semaphore, #tpu.memory_space<semaphore_mem>>
        %dma_start3A = arith.constant 0 : i32
        %dma_start3A_51 = tpu.memref_slice %arg3[%add3A_45, %dma_start3A] : memref<2560x128xi32, #tpu.memory_space<hbm>> -> memref<40x128xi32, #tpu.memory_space<hbm>>
        %dma_start3A_52 = arith.constant 0 : i32
        %dma_start3A_53 = tpu.memref_slice %arg3[%add3A_45, %dma_start3A_52] : memref<2560x128xi32, #tpu.memory_space<hbm>> -> memref<40x128xi32, #tpu.memory_space<hbm>>
        tpu.enqueue_dma source(%dma_start3A_53 : memref<40x128xi32, #tpu.memory_space<hbm>>) target(%arg7 : memref<40x128xi32, #tpu.memory_space<vmem>>) target_semaphore(%run_scoped3A : memref<!tpu.dma_semaphore, #tpu.memory_space<semaphore_mem>>)
        %dma_wait3A = arith.constant 0 : i32
        %dma_wait3A_54 = tpu.memref_slice %arg3[%add3A_45, %dma_wait3A] : memref<2560x128xi32, #tpu.memory_space<hbm>> -> memref<40x128xi32, #tpu.memory_space<hbm>>
        %dma_wait3A_55 = arith.constant 0 : i32
        %dma_wait3A_56 = tpu.memref_slice %arg3[%add3A_45, %dma_wait3A_55] : memref<2560x128xi32, #tpu.memory_space<hbm>> -> memref<40x128xi32, #tpu.memory_space<hbm>>
        tpu.wait_dma2 semaphore(%run_scoped3A : memref<!tpu.dma_semaphore, #tpu.memory_space<semaphore_mem>>) src(%dma_wait3A_56 : memref<40x128xi32, #tpu.memory_space<hbm>>) dst(%arg7 : memref<40x128xi32, #tpu.memory_space<vmem>>)
        tpu.yield
      }) : () -> ()
      "tpu.region"() ({
        %run_scoped3A = tpu.sem_alloc : memref<!tpu.dma_semaphore, #tpu.memory_space<semaphore_mem>>
        %dma_start3A = arith.constant 0 : i32
        %dma_start3A_51 = tpu.memref_slice %arg4[%add3A_45, %dma_start3A] : memref<2560x128xi32, #tpu.memory_space<hbm>> -> memref<40x128xi32, #tpu.memory_space<hbm>>
        %dma_start3A_52 = arith.constant 0 : i32
        %dma_start3A_53 = tpu.memref_slice %arg4[%add3A_45, %dma_start3A_52] : memref<2560x128xi32, #tpu.memory_space<hbm>> -> memref<40x128xi32, #tpu.memory_space<hbm>>
        tpu.enqueue_dma source(%dma_start3A_53 : memref<40x128xi32, #tpu.memory_space<hbm>>) target(%arg8 : memref<40x128xi32, #tpu.memory_space<vmem>>) target_semaphore(%run_scoped3A : memref<!tpu.dma_semaphore, #tpu.memory_space<semaphore_mem>>)
        %dma_wait3A = arith.constant 0 : i32
        %dma_wait3A_54 = tpu.memref_slice %arg4[%add3A_45, %dma_wait3A] : memref<2560x128xi32, #tpu.memory_space<hbm>> -> memref<40x128xi32, #tpu.memory_space<hbm>>
        %dma_wait3A_55 = arith.constant 0 : i32
        %dma_wait3A_56 = tpu.memref_slice %arg4[%add3A_45, %dma_wait3A_55] : memref<2560x128xi32, #tpu.memory_space<hbm>> -> memref<40x128xi32, #tpu.memory_space<hbm>>
        tpu.wait_dma2 semaphore(%run_scoped3A : memref<!tpu.dma_semaphore, #tpu.memory_space<semaphore_mem>>) src(%dma_wait3A_56 : memref<40x128xi32, #tpu.memory_space<hbm>>) dst(%arg8 : memref<40x128xi32, #tpu.memory_space<vmem>>)
        tpu.yield
      }) : () -> ()
      %scan3A = arith.constant 0 : i32
      %scan3A_46 = arith.constant 0 : i32
      %scan3A_47 = arith.constant 20 : i32
      %scan3A_48 = arith.addi %scan3A_46, %scan3A_47 : i32
      %scan3A_49 = arith.constant 1 : i32
      scf.for %scan3A_51 = %scan3A_46 to %scan3A_48 step %scan3A_49  : i32 {
        %mul3A_52 = arith.constant 2 : i32
        %mul3A_53 = arith.muli %mul3A_52, %scan3A_51 : i32
        %dma_start3A = arith.constant 0 : i32
        %dma_start3A_54 = tpu.memref_slice %arg7[%mul3A_53, %dma_start3A] : memref<40x128xi32, #tpu.memory_space<vmem>> -> memref<1x128xi32, #tpu.memory_space<vmem>>
        %dma_start3A_55 = tpu.memref_squeeze %dma_start3A_54 : memref<1x128xi32, #tpu.memory_space<vmem>> -> memref<128xi32, #tpu.memory_space<vmem>>
        %dma_start3A_56 = arith.constant 0 : i32
        %dma_start3A_57 = arith.constant 0 : i32
        %dma_start3A_58 = tpu.memref_slice %arg2[%dma_start3A_56, %dma_start3A_57] : memref<10000x128xf32, #tpu.memory_space<hbm>> -> memref<10000x128xf32, #tpu.memory_space<hbm>>
        tpu.enqueue_indirect_dma source(%dma_start3A_58 : memref<10000x128xf32, #tpu.memory_space<hbm>>) target(%arg9 : memref<128x128xf32, #tpu.memory_space<vmem>>) offsets(%dma_start3A_55 : memref<128xi32, #tpu.memory_space<vmem>>) semaphore(%arg12 : memref<!tpu.dma_semaphore, #tpu.memory_space<semaphore_mem>>)
        %mul3A_59 = arith.constant 2 : i32
        %mul3A_60 = arith.muli %mul3A_59, %scan3A_51 : i32
        %add3A_61 = arith.constant 1 : i32
        %add3A_62 = arith.addi %mul3A_60, %add3A_61 : i32
        %dma_start3A_63 = arith.constant 0 : i32
        %dma_start3A_64 = tpu.memref_slice %arg7[%add3A_62, %dma_start3A_63] : memref<40x128xi32, #tpu.memory_space<vmem>> -> memref<1x128xi32, #tpu.memory_space<vmem>>
        %dma_start3A_65 = tpu.memref_squeeze %dma_start3A_64 : memref<1x128xi32, #tpu.memory_space<vmem>> -> memref<128xi32, #tpu.memory_space<vmem>>
        %dma_start3A_66 = arith.constant 0 : i32
        %dma_start3A_67 = arith.constant 0 : i32
        %dma_start3A_68 = tpu.memref_slice %arg2[%dma_start3A_66, %dma_start3A_67] : memref<10000x128xf32, #tpu.memory_space<hbm>> -> memref<10000x128xf32, #tpu.memory_space<hbm>>
        tpu.enqueue_indirect_dma source(%dma_start3A_68 : memref<10000x128xf32, #tpu.memory_space<hbm>>) target(%arg10 : memref<128x128xf32, #tpu.memory_space<vmem>>) offsets(%dma_start3A_65 : memref<128xi32, #tpu.memory_space<vmem>>) semaphore(%arg13 : memref<!tpu.dma_semaphore, #tpu.memory_space<semaphore_mem>>)
        %dma_wait3A = arith.constant 0 : i32
        %dma_wait3A_69 = tpu.memref_slice %arg7[%mul3A_53, %dma_wait3A] : memref<40x128xi32, #tpu.memory_space<vmem>> -> memref<1x128xi32, #tpu.memory_space<vmem>>
        %dma_wait3A_70 = tpu.memref_squeeze %dma_wait3A_69 : memref<1x128xi32, #tpu.memory_space<vmem>> -> memref<128xi32, #tpu.memory_space<vmem>>
        %dma_wait3A_71 = arith.constant 0 : i32
        %dma_wait3A_72 = arith.constant 0 : i32
        %dma_wait3A_73 = tpu.memref_slice %arg2[%dma_wait3A_71, %dma_wait3A_72] : memref<10000x128xf32, #tpu.memory_space<hbm>> -> memref<10000x128xf32, #tpu.memory_space<hbm>>
        tpu.wait_indirect_dma semaphore(%arg12 : memref<!tpu.dma_semaphore, #tpu.memory_space<semaphore_mem>>) src(%dma_wait3A_73 : memref<10000x128xf32, #tpu.memory_space<hbm>>) dst(%arg9 : memref<128x128xf32, #tpu.memory_space<vmem>>)
        %mul3A_74 = arith.constant 2 : i32
        %mul3A_75 = arith.muli %mul3A_74, %scan3A_51 : i32
        %dma_start3A_76 = arith.constant 0 : i32
        %dma_start3A_77 = tpu.memref_slice %arg8[%mul3A_75, %dma_start3A_76] : memref<40x128xi32, #tpu.memory_space<vmem>> -> memref<1x128xi32, #tpu.memory_space<vmem>>
        %dma_start3A_78 = tpu.memref_squeeze %dma_start3A_77 : memref<1x128xi32, #tpu.memory_space<vmem>> -> memref<128xi32, #tpu.memory_space<vmem>>
        %dma_start3A_79 = arith.constant 0 : i32
        %dma_start3A_80 = arith.constant 0 : i32
        %dma_start3A_81 = tpu.memref_slice %arg11[%dma_start3A_79, %dma_start3A_80] : memref<10240x128xf32, #tpu.memory_space<vmem_shared>> -> memref<10240x128xf32, #tpu.memory_space<vmem_shared>>
        tpu.enqueue_indirect_dma source(%arg9 : memref<128x128xf32, #tpu.memory_space<vmem>>) target(%dma_start3A_81 : memref<10240x128xf32, #tpu.memory_space<vmem_shared>>) offsets(%dma_start3A_78 : memref<128xi32, #tpu.memory_space<vmem>>) semaphore(%arg14 : memref<!tpu.dma_semaphore, #tpu.memory_space<semaphore_mem>>) {add = true}
        %dma_wait3A_82 = arith.constant 0 : i32
        %dma_wait3A_83 = tpu.memref_slice %arg7[%add3A_62, %dma_wait3A_82] : memref<40x128xi32, #tpu.memory_space<vmem>> -> memref<1x128xi32, #tpu.memory_space<vmem>>
        %dma_wait3A_84 = tpu.memref_squeeze %dma_wait3A_83 : memref<1x128xi32, #tpu.memory_space<vmem>> -> memref<128xi32, #tpu.memory_space<vmem>>
        %dma_wait3A_85 = arith.constant 0 : i32
        %dma_wait3A_86 = arith.constant 0 : i32
        %dma_wait3A_87 = tpu.memref_slice %arg2[%dma_wait3A_85, %dma_wait3A_86] : memref<10000x128xf32, #tpu.memory_space<hbm>> -> memref<10000x128xf32, #tpu.memory_space<hbm>>
        tpu.wait_indirect_dma semaphore(%arg13 : memref<!tpu.dma_semaphore, #tpu.memory_space<semaphore_mem>>) src(%dma_wait3A_87 : memref<10000x128xf32, #tpu.memory_space<hbm>>) dst(%arg10 : memref<128x128xf32, #tpu.memory_space<vmem>>)
        %mul3A_88 = arith.constant 2 : i32
        %mul3A_89 = arith.muli %mul3A_88, %scan3A_51 : i32
        %add3A_90 = arith.constant 1 : i32
        %add3A_91 = arith.addi %mul3A_89, %add3A_90 : i32
        %dma_start3A_92 = arith.constant 0 : i32
        %dma_start3A_93 = tpu.memref_slice %arg8[%add3A_91, %dma_start3A_92] : memref<40x128xi32, #tpu.memory_space<vmem>> -> memref<1x128xi32, #tpu.memory_space<vmem>>
        %dma_start3A_94 = tpu.memref_squeeze %dma_start3A_93 : memref<1x128xi32, #tpu.memory_space<vmem>> -> memref<128xi32, #tpu.memory_space<vmem>>
        %dma_start3A_95 = arith.constant 0 : i32
        %dma_start3A_96 = arith.constant 0 : i32
        %dma_start3A_97 = tpu.memref_slice %arg11[%dma_start3A_95, %dma_start3A_96] : memref<10240x128xf32, #tpu.memory_space<vmem_shared>> -> memref<10240x128xf32, #tpu.memory_space<vmem_shared>>
        tpu.enqueue_indirect_dma source(%arg10 : memref<128x128xf32, #tpu.memory_space<vmem>>) target(%dma_start3A_97 : memref<10240x128xf32, #tpu.memory_space<vmem_shared>>) offsets(%dma_start3A_94 : memref<128xi32, #tpu.memory_space<vmem>>) semaphore(%arg15 : memref<!tpu.dma_semaphore, #tpu.memory_space<semaphore_mem>>) {add = true}
        %dma_wait3A_98 = arith.constant 0 : i32
        %dma_wait3A_99 = tpu.memref_slice %arg8[%mul3A_75, %dma_wait3A_98] : memref<40x128xi32, #tpu.memory_space<vmem>> -> memref<1x128xi32, #tpu.memory_space<vmem>>
        %dma_wait3A_100 = tpu.memref_squeeze %dma_wait3A_99 : memref<1x128xi32, #tpu.memory_space<vmem>> -> memref<128xi32, #tpu.memory_space<vmem>>
        %dma_wait3A_101 = arith.constant 0 : i32
        %dma_wait3A_102 = arith.constant 0 : i32
        %dma_wait3A_103 = tpu.memref_slice %arg11[%dma_wait3A_101, %dma_wait3A_102] : memref<10240x128xf32, #tpu.memory_space<vmem_shared>> -> memref<10240x128xf32, #tpu.memory_space<vmem_shared>>
        tpu.wait_indirect_dma semaphore(%arg14 : memref<!tpu.dma_semaphore, #tpu.memory_space<semaphore_mem>>) src(%arg9 : memref<128x128xf32, #tpu.memory_space<vmem>>) dst(%dma_wait3A_103 : memref<10240x128xf32, #tpu.memory_space<vmem_shared>>)
        %dma_wait3A_104 = arith.constant 0 : i32
        %dma_wait3A_105 = tpu.memref_slice %arg8[%add3A_91, %dma_wait3A_104] : memref<40x128xi32, #tpu.memory_space<vmem>> -> memref<1x128xi32, #tpu.memory_space<vmem>>
        %dma_wait3A_106 = tpu.memref_squeeze %dma_wait3A_105 : memref<1x128xi32, #tpu.memory_space<vmem>> -> memref<128xi32, #tpu.memory_space<vmem>>
        %dma_wait3A_107 = arith.constant 0 : i32
        %dma_wait3A_108 = arith.constant 0 : i32
        %dma_wait3A_109 = tpu.memref_slice %arg11[%dma_wait3A_107, %dma_wait3A_108] : memref<10240x128xf32, #tpu.memory_space<vmem_shared>> -> memref<10240x128xf32, #tpu.memory_space<vmem_shared>>
        tpu.wait_indirect_dma semaphore(%arg15 : memref<!tpu.dma_semaphore, #tpu.memory_space<semaphore_mem>>) src(%arg10 : memref<128x128xf32, #tpu.memory_space<vmem>>) dst(%dma_wait3A_109 : memref<10240x128xf32, #tpu.memory_space<vmem_shared>>)
      }
      %scan3A_50 = arith.constant 20 : i32
    }
    %while3A_40 = arith.constant 1 : i32
    scf.for %while3A_42 = %while3A_38 to %while3A_34 step %while3A_40  : i32 {
      %mul3A_43 = arith.constant 40 : i32
      %mul3A_44 = arith.muli %while3A_42, %mul3A_43 : i32
      %add3A_45 = arith.addi %select_n3A_13, %mul3A_44 : i32
      "tpu.region"() ({
        %run_scoped3A = tpu.sem_alloc : memref<!tpu.dma_semaphore, #tpu.memory_space<semaphore_mem>>
        %dma_start3A = arith.constant 0 : i32
        %dma_start3A_51 = tpu.memref_slice %arg3[%add3A_45, %dma_start3A] : memref<2560x128xi32, #tpu.memory_space<hbm>> -> memref<40x128xi32, #tpu.memory_space<hbm>>
        %dma_start3A_52 = arith.constant 0 : i32
        %dma_start3A_53 = tpu.memref_slice %arg3[%add3A_45, %dma_start3A_52] : memref<2560x128xi32, #tpu.memory_space<hbm>> -> memref<40x128xi32, #tpu.memory_space<hbm>>
        tpu.enqueue_dma source(%dma_start3A_53 : memref<40x128xi32, #tpu.memory_space<hbm>>) target(%arg7 : memref<40x128xi32, #tpu.memory_space<vmem>>) target_semaphore(%run_scoped3A : memref<!tpu.dma_semaphore, #tpu.memory_space<semaphore_mem>>)
        %dma_wait3A = arith.constant 0 : i32
        %dma_wait3A_54 = tpu.memref_slice %arg3[%add3A_45, %dma_wait3A] : memref<2560x128xi32, #tpu.memory_space<hbm>> -> memref<40x128xi32, #tpu.memory_space<hbm>>
        %dma_wait3A_55 = arith.constant 0 : i32
        %dma_wait3A_56 = tpu.memref_slice %arg3[%add3A_45, %dma_wait3A_55] : memref<2560x128xi32, #tpu.memory_space<hbm>> -> memref<40x128xi32, #tpu.memory_space<hbm>>
        tpu.wait_dma2 semaphore(%run_scoped3A : memref<!tpu.dma_semaphore, #tpu.memory_space<semaphore_mem>>) src(%dma_wait3A_56 : memref<40x128xi32, #tpu.memory_space<hbm>>) dst(%arg7 : memref<40x128xi32, #tpu.memory_space<vmem>>)
        tpu.yield
      }) : () -> ()
      "tpu.region"() ({
        %run_scoped3A = tpu.sem_alloc : memref<!tpu.dma_semaphore, #tpu.memory_space<semaphore_mem>>
        %dma_start3A = arith.constant 0 : i32
        %dma_start3A_51 = tpu.memref_slice %arg4[%add3A_45, %dma_start3A] : memref<2560x128xi32, #tpu.memory_space<hbm>> -> memref<40x128xi32, #tpu.memory_space<hbm>>
        %dma_start3A_52 = arith.constant 0 : i32
        %dma_start3A_53 = tpu.memref_slice %arg4[%add3A_45, %dma_start3A_52] : memref<2560x128xi32, #tpu.memory_space<hbm>> -> memref<40x128xi32, #tpu.memory_space<hbm>>
        tpu.enqueue_dma source(%dma_start3A_53 : memref<40x128xi32, #tpu.memory_space<hbm>>) target(%arg8 : memref<40x128xi32, #tpu.memory_space<vmem>>) target_semaphore(%run_scoped3A : memref<!tpu.dma_semaphore, #tpu.memory_space<semaphore_mem>>)
        %dma_wait3A = arith.constant 0 : i32
        %dma_wait3A_54 = tpu.memref_slice %arg4[%add3A_45, %dma_wait3A] : memref<2560x128xi32, #tpu.memory_space<hbm>> -> memref<40x128xi32, #tpu.memory_space<hbm>>
        %dma_wait3A_55 = arith.constant 0 : i32
        %dma_wait3A_56 = tpu.memref_slice %arg4[%add3A_45, %dma_wait3A_55] : memref<2560x128xi32, #tpu.memory_space<hbm>> -> memref<40x128xi32, #tpu.memory_space<hbm>>
        tpu.wait_dma2 semaphore(%run_scoped3A : memref<!tpu.dma_semaphore, #tpu.memory_space<semaphore_mem>>) src(%dma_wait3A_56 : memref<40x128xi32, #tpu.memory_space<hbm>>) dst(%arg8 : memref<40x128xi32, #tpu.memory_space<vmem>>)
        tpu.yield
      }) : () -> ()
      %scan3A = arith.constant 0 : i32
      %scan3A_46 = arith.constant 0 : i32
      %scan3A_47 = arith.constant 20 : i32
      %scan3A_48 = arith.addi %scan3A_46, %scan3A_47 : i32
      %scan3A_49 = arith.constant 1 : i32
      scf.for %scan3A_51 = %scan3A_46 to %scan3A_48 step %scan3A_49  : i32 {
        %mul3A_52 = arith.constant 2 : i32
        %mul3A_53 = arith.muli %mul3A_52, %scan3A_51 : i32
        %dma_start3A = arith.constant 0 : i32
        %dma_start3A_54 = tpu.memref_slice %arg7[%mul3A_53, %dma_start3A] : memref<40x128xi32, #tpu.memory_space<vmem>> -> memref<1x128xi32, #tpu.memory_space<vmem>>
        %dma_start3A_55 = tpu.memref_squeeze %dma_start3A_54 : memref<1x128xi32, #tpu.memory_space<vmem>> -> memref<128xi32, #tpu.memory_space<vmem>>
        %dma_start3A_56 = arith.constant 0 : i32
        %dma_start3A_57 = arith.constant 0 : i32
        %dma_start3A_58 = tpu.memref_slice %arg2[%dma_start3A_56, %dma_start3A_57] : memref<10000x128xf32, #tpu.memory_space<hbm>> -> memref<10000x128xf32, #tpu.memory_space<hbm>>
        tpu.enqueue_indirect_dma source(%dma_start3A_58 : memref<10000x128xf32, #tpu.memory_space<hbm>>) target(%arg9 : memref<128x128xf32, #tpu.memory_space<vmem>>) offsets(%dma_start3A_55 : memref<128xi32, #tpu.memory_space<vmem>>) semaphore(%arg12 : memref<!tpu.dma_semaphore, #tpu.memory_space<semaphore_mem>>)
        %mul3A_59 = arith.constant 2 : i32
        %mul3A_60 = arith.muli %mul3A_59, %scan3A_51 : i32
        %add3A_61 = arith.constant 1 : i32
        %add3A_62 = arith.addi %mul3A_60, %add3A_61 : i32
        %dma_start3A_63 = arith.constant 0 : i32
        %dma_start3A_64 = tpu.memref_slice %arg7[%add3A_62, %dma_start3A_63] : memref<40x128xi32, #tpu.memory_space<vmem>> -> memref<1x128xi32, #tpu.memory_space<vmem>>
        %dma_start3A_65 = tpu.memref_squeeze %dma_start3A_64 : memref<1x128xi32, #tpu.memory_space<vmem>> -> memref<128xi32, #tpu.memory_space<vmem>>
        %dma_start3A_66 = arith.constant 0 : i32
        %dma_start3A_67 = arith.constant 0 : i32
        %dma_start3A_68 = tpu.memref_slice %arg2[%dma_start3A_66, %dma_start3A_67] : memref<10000x128xf32, #tpu.memory_space<hbm>> -> memref<10000x128xf32, #tpu.memory_space<hbm>>
        tpu.enqueue_indirect_dma source(%dma_start3A_68 : memref<10000x128xf32, #tpu.memory_space<hbm>>) target(%arg10 : memref<128x128xf32, #tpu.memory_space<vmem>>) offsets(%dma_start3A_65 : memref<128xi32, #tpu.memory_space<vmem>>) semaphore(%arg13 : memref<!tpu.dma_semaphore, #tpu.memory_space<semaphore_mem>>)
        %dma_wait3A = arith.constant 0 : i32
        %dma_wait3A_69 = tpu.memref_slice %arg7[%mul3A_53, %dma_wait3A] : memref<40x128xi32, #tpu.memory_space<vmem>> -> memref<1x128xi32, #tpu.memory_space<vmem>>
        %dma_wait3A_70 = tpu.memref_squeeze %dma_wait3A_69 : memref<1x128xi32, #tpu.memory_space<vmem>> -> memref<128xi32, #tpu.memory_space<vmem>>
        %dma_wait3A_71 = arith.constant 0 : i32
        %dma_wait3A_72 = arith.constant 0 : i32
        %dma_wait3A_73 = tpu.memref_slice %arg2[%dma_wait3A_71, %dma_wait3A_72] : memref<10000x128xf32, #tpu.memory_space<hbm>> -> memref<10000x128xf32, #tpu.memory_space<hbm>>
        tpu.wait_indirect_dma semaphore(%arg12 : memref<!tpu.dma_semaphore, #tpu.memory_space<semaphore_mem>>) src(%dma_wait3A_73 : memref<10000x128xf32, #tpu.memory_space<hbm>>) dst(%arg9 : memref<128x128xf32, #tpu.memory_space<vmem>>)
        %mul3A_74 = arith.constant 2 : i32
        %mul3A_75 = arith.muli %mul3A_74, %scan3A_51 : i32
        %dma_start3A_76 = arith.constant 0 : i32
        %dma_start3A_77 = tpu.memref_slice %arg8[%mul3A_75, %dma_start3A_76] : memref<40x128xi32, #tpu.memory_space<vmem>> -> memref<1x128xi32, #tpu.memory_space<vmem>>
        %dma_start3A_78 = tpu.memref_squeeze %dma_start3A_77 : memref<1x128xi32, #tpu.memory_space<vmem>> -> memref<128xi32, #tpu.memory_space<vmem>>
        %dma_start3A_79 = arith.constant 0 : i32
        %dma_start3A_80 = arith.constant 0 : i32
        %dma_start3A_81 = tpu.memref_slice %arg11[%dma_start3A_79, %dma_start3A_80] : memref<10240x128xf32, #tpu.memory_space<vmem_shared>> -> memref<10240x128xf32, #tpu.memory_space<vmem_shared>>
        tpu.enqueue_indirect_dma source(%arg9 : memref<128x128xf32, #tpu.memory_space<vmem>>) target(%dma_start3A_81 : memref<10240x128xf32, #tpu.memory_space<vmem_shared>>) offsets(%dma_start3A_78 : memref<128xi32, #tpu.memory_space<vmem>>) semaphore(%arg14 : memref<!tpu.dma_semaphore, #tpu.memory_space<semaphore_mem>>) {add = true}
        %dma_wait3A_82 = arith.constant 0 : i32
        %dma_wait3A_83 = tpu.memref_slice %arg7[%add3A_62, %dma_wait3A_82] : memref<40x128xi32, #tpu.memory_space<vmem>> -> memref<1x128xi32, #tpu.memory_space<vmem>>
        %dma_wait3A_84 = tpu.memref_squeeze %dma_wait3A_83 : memref<1x128xi32, #tpu.memory_space<vmem>> -> memref<128xi32, #tpu.memory_space<vmem>>
        %dma_wait3A_85 = arith.constant 0 : i32
        %dma_wait3A_86 = arith.constant 0 : i32
        %dma_wait3A_87 = tpu.memref_slice %arg2[%dma_wait3A_85, %dma_wait3A_86] : memref<10000x128xf32, #tpu.memory_space<hbm>> -> memref<10000x128xf32, #tpu.memory_space<hbm>>
        tpu.wait_indirect_dma semaphore(%arg13 : memref<!tpu.dma_semaphore, #tpu.memory_space<semaphore_mem>>) src(%dma_wait3A_87 : memref<10000x128xf32, #tpu.memory_space<hbm>>) dst(%arg10 : memref<128x128xf32, #tpu.memory_space<vmem>>)
        %mul3A_88 = arith.constant 2 : i32
        %mul3A_89 = arith.muli %mul3A_88, %scan3A_51 : i32
        %add3A_90 = arith.constant 1 : i32
        %add3A_91 = arith.addi %mul3A_89, %add3A_90 : i32
        %dma_start3A_92 = arith.constant 0 : i32
        %dma_start3A_93 = tpu.memref_slice %arg8[%add3A_91, %dma_start3A_92] : memref<40x128xi32, #tpu.memory_space<vmem>> -> memref<1x128xi32, #tpu.memory_space<vmem>>
        %dma_start3A_94 = tpu.memref_squeeze %dma_start3A_93 : memref<1x128xi32, #tpu.memory_space<vmem>> -> memref<128xi32, #tpu.memory_space<vmem>>
        %dma_start3A_95 = arith.constant 0 : i32
        %dma_start3A_96 = arith.constant 0 : i32
        %dma_start3A_97 = tpu.memref_slice %arg11[%dma_start3A_95, %dma_start3A_96] : memref<10240x128xf32, #tpu.memory_space<vmem_shared>> -> memref<10240x128xf32, #tpu.memory_space<vmem_shared>>
        tpu.enqueue_indirect_dma source(%arg10 : memref<128x128xf32, #tpu.memory_space<vmem>>) target(%dma_start3A_97 : memref<10240x128xf32, #tpu.memory_space<vmem_shared>>) offsets(%dma_start3A_94 : memref<128xi32, #tpu.memory_space<vmem>>) semaphore(%arg15 : memref<!tpu.dma_semaphore, #tpu.memory_space<semaphore_mem>>) {add = true}
        %dma_wait3A_98 = arith.constant 0 : i32
        %dma_wait3A_99 = tpu.memref_slice %arg8[%mul3A_75, %dma_wait3A_98] : memref<40x128xi32, #tpu.memory_space<vmem>> -> memref<1x128xi32, #tpu.memory_space<vmem>>
        %dma_wait3A_100 = tpu.memref_squeeze %dma_wait3A_99 : memref<1x128xi32, #tpu.memory_space<vmem>> -> memref<128xi32, #tpu.memory_space<vmem>>
        %dma_wait3A_101 = arith.constant 0 : i32
        %dma_wait3A_102 = arith.constant 0 : i32
        %dma_wait3A_103 = tpu.memref_slice %arg11[%dma_wait3A_101, %dma_wait3A_102] : memref<10240x128xf32, #tpu.memory_space<vmem_shared>> -> memref<10240x128xf32, #tpu.memory_space<vmem_shared>>
        tpu.wait_indirect_dma semaphore(%arg14 : memref<!tpu.dma_semaphore, #tpu.memory_space<semaphore_mem>>) src(%arg9 : memref<128x128xf32, #tpu.memory_space<vmem>>) dst(%dma_wait3A_103 : memref<10240x128xf32, #tpu.memory_space<vmem_shared>>)
        %dma_wait3A_104 = arith.constant 0 : i32
        %dma_wait3A_105 = tpu.memref_slice %arg8[%add3A_91, %dma_wait3A_104] : memref<40x128xi32, #tpu.memory_space<vmem>> -> memref<1x128xi32, #tpu.memory_space<vmem>>
        %dma_wait3A_106 = tpu.memref_squeeze %dma_wait3A_105 : memref<1x128xi32, #tpu.memory_space<vmem>> -> memref<128xi32, #tpu.memory_space<vmem>>
        %dma_wait3A_107 = arith.constant 0 : i32
        %dma_wait3A_108 = arith.constant 0 : i32
        %dma_wait3A_109 = tpu.memref_slice %arg11[%dma_wait3A_107, %dma_wait3A_108] : memref<10240x128xf32, #tpu.memory_space<vmem_shared>> -> memref<10240x128xf32, #tpu.memory_space<vmem_shared>>
        tpu.wait_indirect_dma semaphore(%arg15 : memref<!tpu.dma_semaphore, #tpu.memory_space<semaphore_mem>>) src(%arg10 : memref<128x128xf32, #tpu.memory_space<vmem>>) dst(%dma_wait3A_109 : memref<10240x128xf32, #tpu.memory_space<vmem_shared>>)
      }
      %scan3A_50 = arith.constant 20 : i32
    }
    %barrier3A_41 = arith.constant 0 : index
    tpu.barrier barrier_id(%barrier3A_41)
    "tpu.region"() ({
      %run_scoped3A = tpu.sem_alloc : memref<!tpu.dma_semaphore, #tpu.memory_space<semaphore_mem>>
      %dma_start3A = arith.constant 0 : i32
      %dma_start3A_42 = tpu.memref_slice %arg6[%arg0, %mul3A_2, %dma_start3A] : memref<2x10240x128xf32, #tpu.memory_space<hbm>> -> memref<1x640x128xf32, #tpu.memory_space<hbm>>
      %dma_start3A_43 = tpu.memref_squeeze %dma_start3A_42 : memref<1x640x128xf32, #tpu.memory_space<hbm>> -> memref<640x128xf32, #tpu.memory_space<hbm>>
      %dma_start3A_44 = arith.constant 0 : i32
      %dma_start3A_45 = tpu.memref_slice %arg11[%mul3A_2, %dma_start3A_44] : memref<10240x128xf32, #tpu.memory_space<vmem_shared>> -> memref<640x128xf32, #tpu.memory_space<vmem_shared>>
      tpu.enqueue_dma source(%dma_start3A_45 : memref<640x128xf32, #tpu.memory_space<vmem_shared>>) target(%dma_start3A_43 : memref<640x128xf32, #tpu.memory_space<hbm>>) target_semaphore(%run_scoped3A : memref<!tpu.dma_semaphore, #tpu.memory_space<semaphore_mem>>)
      %dma_wait3A = arith.constant 0 : i32
      %dma_wait3A_46 = tpu.memref_slice %arg6[%arg0, %mul3A_2, %dma_wait3A] : memref<2x10240x128xf32, #tpu.memory_space<hbm>> -> memref<1x640x128xf32, #tpu.memory_space<hbm>>
      %dma_wait3A_47 = tpu.memref_squeeze %dma_wait3A_46 : memref<1x640x128xf32, #tpu.memory_space<hbm>> -> memref<640x128xf32, #tpu.memory_space<hbm>>
      %dma_wait3A_48 = arith.constant 0 : i32
      %dma_wait3A_49 = tpu.memref_slice %arg11[%mul3A_2, %dma_wait3A_48] : memref<10240x128xf32, #tpu.memory_space<vmem_shared>> -> memref<640x128xf32, #tpu.memory_space<vmem_shared>>
      tpu.wait_dma2 semaphore(%run_scoped3A : memref<!tpu.dma_semaphore, #tpu.memory_space<semaphore_mem>>) src(%dma_wait3A_49 : memref<640x128xf32, #tpu.memory_space<vmem_shared>>) dst(%dma_wait3A_47 : memref<640x128xf32, #tpu.memory_space<hbm>>)
      tpu.yield
    }) : () -> ()
    return
  }
}

module attributes {stable_mosaic.version = 14 : i64} {
  func.func @_gru_body(%arg0: i32, %arg1: memref<2x1000x128xf32, #tpu.memory_space<vmem>>, %arg2: memref<1000x128xf32, #tpu.memory_space<vmem>>, %arg3: memref<2x1000x8xf32, #tpu.memory_space<vmem>>, %arg4: memref<4x128xf32, #tpu.memory_space<vmem>>, %arg5: memref<1x128xf32, #tpu.memory_space<vmem>>, %arg6: memref<128x384xf32, #tpu.memory_space<vmem>>, %arg7: memref<128x384xf32, #tpu.memory_space<vmem>>, %arg8: memref<1x384xf32, #tpu.memory_space<vmem>>, %arg9: memref<1x384xf32, #tpu.memory_space<vmem>>, %arg10: memref<1000x128xf32, #tpu.memory_space<vmem>>) attributes {dimension_semantics = [#tpu.dimension_semantics<arbitrary>], iteration_bounds = array<i64: 10>, scalar_prefetch = 0 : i64, scratch_operands = 0 : i64, tpu.core_type = #tpu.core_type<tc>, window_params = [{transform_indices = @transform_0, window_bounds = array<i64: 2, 1000, 128>}, {transform_indices = @transform_1, window_bounds = array<i64: 1000, 128>}, {transform_indices = @transform_2, window_bounds = array<i64: 2, 1000, 8>}, {pipeline_mode = #tpu.pipeline_mode<synchronous>, transform_indices = @transform_3, window_bounds = array<i64: 4, 128>}, {pipeline_mode = #tpu.pipeline_mode<synchronous>, transform_indices = @transform_4, window_bounds = array<i64: 1, 128>}, {pipeline_mode = #tpu.pipeline_mode<synchronous>, transform_indices = @transform_5, window_bounds = array<i64: 128, 384>}, {pipeline_mode = #tpu.pipeline_mode<synchronous>, transform_indices = @transform_6, window_bounds = array<i64: 128, 384>}, {pipeline_mode = #tpu.pipeline_mode<synchronous>, transform_indices = @transform_7, window_bounds = array<i64: 1, 384>}, {pipeline_mode = #tpu.pipeline_mode<synchronous>, transform_indices = @transform_8, window_bounds = array<i64: 1, 384>}, {transform_indices = @transform_9, window_bounds = array<i64: 1000, 128>}]} {
    %get3A = arith.constant 0 : index
    %get3A_0 = arith.constant 0 : index
    %get3A_1 = vector.load %arg2[%get3A, %get3A_0] : memref<1000x128xf32, #tpu.memory_space<vmem>>, vector<1000x128xf32>
    %get3A_2 = arith.constant 0 : index
    %get3A_3 = arith.constant 0 : index
    %get3A_4 = arith.constant 0 : index
    %get3A_5 = vector.load %arg3[%get3A_2, %get3A_3, %get3A_4] : memref<2x1000x8xf32, #tpu.memory_space<vmem>>, vector<1x1000x8xf32>
    %get3A_6 = vector.shape_cast %get3A_5 : vector<1x1000x8xf32> to vector<1000x8xf32>
    %get3A_7 = arith.constant 1 : index
    %get3A_8 = arith.constant 0 : index
    %get3A_9 = arith.constant 0 : index
    %get3A_10 = vector.load %arg3[%get3A_7, %get3A_8, %get3A_9] : memref<2x1000x8xf32, #tpu.memory_space<vmem>>, vector<1x1000x8xf32>
    %get3A_11 = vector.shape_cast %get3A_10 : vector<1x1000x8xf32> to vector<1000x8xf32>
    %add3A = arith.addf %get3A_6, %get3A_11 : vector<1000x8xf32>
    %slice3A = vector.extract_strided_slice %add3A {offsets = [0, 0], sizes = [1000, 4], strides = [1, 1]} : vector<1000x8xf32> to vector<1000x4xf32>
    %get3A_12 = arith.constant 0 : index
    %get3A_13 = arith.constant 0 : index
    %get3A_14 = vector.load %arg4[%get3A_12, %get3A_13] : memref<4x128xf32, #tpu.memory_space<vmem>>, vector<4x128xf32>
    %dot_general3A = arith.constant dense<0.000000e+00> : vector<1000x128xf32>
    %dot_general3A_15 = tpu.matmul %slice3A, %get3A_14, %dot_general3A {dimension_numbers = #tpu.dot_dimension_numbers<[1], [0], [0], [1], [0, 0, 1, 1], [], []>, transpose_lhs_hint = false} : vector<1000x4xf32>, vector<4x128xf32>, vector<1000x128xf32> -> vector<1000x128xf32>
    %get3A_16 = arith.constant 0 : index
    %get3A_17 = arith.constant 0 : index
    %get3A_18 = arith.constant 0 : index
    %get3A_19 = vector.load %arg1[%get3A_16, %get3A_17, %get3A_18] : memref<2x1000x128xf32, #tpu.memory_space<vmem>>, vector<1x1000x128xf32>
    %get3A_20 = vector.shape_cast %get3A_19 : vector<1x1000x128xf32> to vector<1000x128xf32>
    %get3A_21 = arith.constant 1 : index
    %get3A_22 = arith.constant 0 : index
    %get3A_23 = arith.constant 0 : index
    %get3A_24 = vector.load %arg1[%get3A_21, %get3A_22, %get3A_23] : memref<2x1000x128xf32, #tpu.memory_space<vmem>>, vector<1x1000x128xf32>
    %get3A_25 = vector.shape_cast %get3A_24 : vector<1x1000x128xf32> to vector<1000x128xf32>
    %add3A_26 = arith.addf %get3A_20, %get3A_25 : vector<1000x128xf32>
    %add3A_27 = arith.addf %add3A_26, %get3A_1 : vector<1000x128xf32>
    %add3A_28 = arith.addf %add3A_27, %dot_general3A_15 : vector<1000x128xf32>
    %slice3A_29 = vector.extract_strided_slice %add3A {offsets = [0, 4], sizes = [1000, 1], strides = [1, 1]} : vector<1000x8xf32> to vector<1000x1xf32>
    %add3A_30 = arith.constant 1.000000e+00 : f32
    %add3A_31 = vector.broadcast %add3A_30 : f32 to vector<1000x1xf32>
    %add3A_32 = arith.addf %slice3A_29, %add3A_31 : vector<1000x1xf32>
    %get3A_33 = arith.constant 0 : index
    %get3A_34 = arith.constant 0 : index
    %get3A_35 = vector.load %arg5[%get3A_33, %get3A_34] : memref<1x128xf32, #tpu.memory_space<vmem>>, vector<1x128xf32>
    %mul3A = vector.broadcast %add3A_32 : vector<1000x1xf32> to vector<1000x128xf32>
    %mul3A_36 = vector.broadcast %get3A_35 : vector<1x128xf32> to vector<1000x128xf32>
    %mul3A_37 = arith.mulf %mul3A, %mul3A_36 : vector<1000x128xf32>
    %add3A_38 = arith.addf %add3A_28, %mul3A_37 : vector<1000x128xf32>
    %get3A_39 = arith.constant 0 : index
    %get3A_40 = arith.constant 0 : index
    %get3A_41 = vector.load %arg6[%get3A_39, %get3A_40] : memref<128x384xf32, #tpu.memory_space<vmem>>, vector<128x384xf32>
    %dot_general3A_42 = arith.constant dense<0.000000e+00> : vector<1000x384xf32>
    %dot_general3A_43 = tpu.matmul %add3A_38, %get3A_41, %dot_general3A_42 {dimension_numbers = #tpu.dot_dimension_numbers<[1], [0], [0], [1], [0, 0, 1, 1], [], []>, transpose_lhs_hint = false} : vector<1000x128xf32>, vector<128x384xf32>, vector<1000x384xf32> -> vector<1000x384xf32>
    %get3A_44 = arith.constant 0 : index
    %get3A_45 = arith.constant 0 : index
    %get3A_46 = vector.load %arg8[%get3A_44, %get3A_45] : memref<1x384xf32, #tpu.memory_space<vmem>>, vector<1x384xf32>
    %add3A_47 = vector.broadcast %get3A_46 : vector<1x384xf32> to vector<1000x384xf32>
    %add3A_48 = arith.addf %dot_general3A_43, %add3A_47 : vector<1000x384xf32>
    %get3A_49 = arith.constant 0 : index
    %get3A_50 = arith.constant 0 : index
    %get3A_51 = vector.load %arg7[%get3A_49, %get3A_50] : memref<128x384xf32, #tpu.memory_space<vmem>>, vector<128x384xf32>
    %dot_general3A_52 = arith.constant dense<0.000000e+00> : vector<1000x384xf32>
    %dot_general3A_53 = tpu.matmul %get3A_1, %get3A_51, %dot_general3A_52 {dimension_numbers = #tpu.dot_dimension_numbers<[1], [0], [0], [1], [0, 0, 1, 1], [], []>, transpose_lhs_hint = false} : vector<1000x128xf32>, vector<128x384xf32>, vector<1000x384xf32> -> vector<1000x384xf32>
    %get3A_54 = arith.constant 0 : index
    %get3A_55 = arith.constant 0 : index
    %get3A_56 = vector.load %arg9[%get3A_54, %get3A_55] : memref<1x384xf32, #tpu.memory_space<vmem>>, vector<1x384xf32>
    %add3A_57 = vector.broadcast %get3A_56 : vector<1x384xf32> to vector<1000x384xf32>
    %add3A_58 = arith.addf %dot_general3A_53, %add3A_57 : vector<1000x384xf32>
    %slice3A_59 = vector.extract_strided_slice %add3A_48 {offsets = [0, 0], sizes = [1000, 128], strides = [1, 1]} : vector<1000x384xf32> to vector<1000x128xf32>
    %slice3A_60 = vector.extract_strided_slice %add3A_58 {offsets = [0, 0], sizes = [1000, 128], strides = [1, 1]} : vector<1000x384xf32> to vector<1000x128xf32>
    %add3A_61 = arith.addf %slice3A_59, %slice3A_60 : vector<1000x128xf32>
    %logistic3A = arith.negf %add3A_61 : vector<1000x128xf32>
    %logistic3A_62 = math.exp %logistic3A : vector<1000x128xf32>
    %logistic3A_63 = arith.constant 1.000000e+00 : f32
    %logistic3A_64 = vector.broadcast %logistic3A_63 : f32 to vector<1000x128xf32>
    %logistic3A_65 = arith.addf %logistic3A_64, %logistic3A_62 : vector<1000x128xf32>
    %logistic3A_66 = arith.divf %logistic3A_64, %logistic3A_65 : vector<1000x128xf32>
    %slice3A_67 = vector.extract_strided_slice %add3A_48 {offsets = [0, 128], sizes = [1000, 128], strides = [1, 1]} : vector<1000x384xf32> to vector<1000x128xf32>
    %slice3A_68 = vector.extract_strided_slice %add3A_58 {offsets = [0, 128], sizes = [1000, 128], strides = [1, 1]} : vector<1000x384xf32> to vector<1000x128xf32>
    %add3A_69 = arith.addf %slice3A_67, %slice3A_68 : vector<1000x128xf32>
    %logistic3A_70 = arith.negf %add3A_69 : vector<1000x128xf32>
    %logistic3A_71 = math.exp %logistic3A_70 : vector<1000x128xf32>
    %logistic3A_72 = arith.constant 1.000000e+00 : f32
    %logistic3A_73 = vector.broadcast %logistic3A_72 : f32 to vector<1000x128xf32>
    %logistic3A_74 = arith.addf %logistic3A_73, %logistic3A_71 : vector<1000x128xf32>
    %logistic3A_75 = arith.divf %logistic3A_73, %logistic3A_74 : vector<1000x128xf32>
    %slice3A_76 = vector.extract_strided_slice %add3A_48 {offsets = [0, 256], sizes = [1000, 128], strides = [1, 1]} : vector<1000x384xf32> to vector<1000x128xf32>
    %slice3A_77 = vector.extract_strided_slice %add3A_58 {offsets = [0, 256], sizes = [1000, 128], strides = [1, 1]} : vector<1000x384xf32> to vector<1000x128xf32>
    %mul3A_78 = arith.mulf %logistic3A_66, %slice3A_77 : vector<1000x128xf32>
    %add3A_79 = arith.addf %slice3A_76, %mul3A_78 : vector<1000x128xf32>
    %tanh3A = math.tanh %add3A_79 : vector<1000x128xf32>
    %sub3A = arith.constant 1.000000e+00 : f32
    %sub3A_80 = vector.broadcast %sub3A : f32 to vector<1000x128xf32>
    %sub3A_81 = arith.subf %sub3A_80, %logistic3A_75 : vector<1000x128xf32>
    %mul3A_82 = arith.mulf %sub3A_81, %tanh3A : vector<1000x128xf32>
    %mul3A_83 = arith.mulf %logistic3A_75, %get3A_1 : vector<1000x128xf32>
    %add3A_84 = arith.addf %mul3A_82, %mul3A_83 : vector<1000x128xf32>
    %max3A = arith.constant 0.000000e+00 : f32
    %max3A_85 = vector.broadcast %max3A : f32 to vector<1000x128xf32>
    %max3A_86 = arith.maximumf %add3A_84, %max3A_85 : vector<1000x128xf32>
    %swap3A = arith.constant 0 : index
    %swap3A_87 = arith.constant 0 : index
    %swap3A_88 = vector.load %arg10[%swap3A, %swap3A_87] : memref<1000x128xf32, #tpu.memory_space<vmem>>, vector<1000x128xf32>
    tpu.vector_store %arg10[%swap3A, %swap3A_87], %max3A_86 {strides = array<i32>} : memref<1000x128xf32, #tpu.memory_space<vmem>>, vector<1000x128xf32>,
    return
  }
  func.func @transform_0(%arg0: i32) -> (i32, i32, i32) {
    %c0_i32 = arith.constant 0 : i32
    %c0_i32_0 = arith.constant 0 : i32
    %c0_i32_1 = arith.constant 0 : i32
    return %c0_i32, %arg0, %c0_i32_0 : i32, i32, i32
  }
  func.func @transform_1(%arg0: i32) -> (i32, i32) {
    %c0_i32 = arith.constant 0 : i32
    %c0_i32_0 = arith.constant 0 : i32
    return %arg0, %c0_i32 : i32, i32
  }
  func.func @transform_2(%arg0: i32) -> (i32, i32, i32) {
    %c0_i32 = arith.constant 0 : i32
    %c0_i32_0 = arith.constant 0 : i32
    %c0_i32_1 = arith.constant 0 : i32
    return %c0_i32, %arg0, %c0_i32_0 : i32, i32, i32
  }
  func.func @transform_3(%arg0: i32) -> (i32, i32) {
    %c0_i32 = arith.constant 0 : i32
    %c0_i32_0 = arith.constant 0 : i32
    %c0_i32_1 = arith.constant 0 : i32
    return %c0_i32, %c0_i32_0 : i32, i32
  }
  func.func @transform_4(%arg0: i32) -> (i32, i32) {
    %c0_i32 = arith.constant 0 : i32
    %c0_i32_0 = arith.constant 0 : i32
    %c0_i32_1 = arith.constant 0 : i32
    return %c0_i32, %c0_i32_0 : i32, i32
  }
  func.func @transform_5(%arg0: i32) -> (i32, i32) {
    %c0_i32 = arith.constant 0 : i32
    %c0_i32_0 = arith.constant 0 : i32
    %c0_i32_1 = arith.constant 0 : i32
    return %c0_i32, %c0_i32_0 : i32, i32
  }
  func.func @transform_6(%arg0: i32) -> (i32, i32) {
    %c0_i32 = arith.constant 0 : i32
    %c0_i32_0 = arith.constant 0 : i32
    %c0_i32_1 = arith.constant 0 : i32
    return %c0_i32, %c0_i32_0 : i32, i32
  }
  func.func @transform_7(%arg0: i32) -> (i32, i32) {
    %c0_i32 = arith.constant 0 : i32
    %c0_i32_0 = arith.constant 0 : i32
    %c0_i32_1 = arith.constant 0 : i32
    return %c0_i32, %c0_i32_0 : i32, i32
  }
  func.func @transform_8(%arg0: i32) -> (i32, i32) {
    %c0_i32 = arith.constant 0 : i32
    %c0_i32_0 = arith.constant 0 : i32
    %c0_i32_1 = arith.constant 0 : i32
    return %c0_i32, %c0_i32_0 : i32, i32
  }
  func.func @transform_9(%arg0: i32) -> (i32, i32) {
    %c0_i32 = arith.constant 0 : i32
    %c0_i32_0 = arith.constant 0 : i32
    return %arg0, %c0_i32 : i32, i32
  }
}

module attributes {stable_mosaic.version = 14 : i64} {
  func.func @_moe_pool_body(%arg0: i32, %arg1: memref<1000x128xf32, #tpu.memory_space<vmem>>, %arg2: memref<1x1x1000xi32, #tpu.memory_space<vmem>>, %arg3: memref<128x4xf32, #tpu.memory_space<vmem>>, %arg4: memref<1x4xf32, #tpu.memory_space<vmem>>, %arg5: memref<4x128x128xf32, #tpu.memory_space<vmem>>, %arg6: memref<4x128xf32, #tpu.memory_space<vmem>>, %arg7: memref<32x128xf32, #tpu.memory_space<vmem>>) attributes {dimension_semantics = [#tpu.dimension_semantics<arbitrary>], iteration_bounds = array<i64: 10>, scalar_prefetch = 0 : i64, scratch_operands = 0 : i64, tpu.core_type = #tpu.core_type<tc>, window_params = [{transform_indices = @transform_0, window_bounds = array<i64: 1000, 128>}, {transform_indices = @transform_1, window_bounds = array<i64: 1, 1, 1000>}, {pipeline_mode = #tpu.pipeline_mode<synchronous>, transform_indices = @transform_2, window_bounds = array<i64: 128, 4>}, {pipeline_mode = #tpu.pipeline_mode<synchronous>, transform_indices = @transform_3, window_bounds = array<i64: 1, 4>}, {pipeline_mode = #tpu.pipeline_mode<synchronous>, transform_indices = @transform_4, window_bounds = array<i64: 4, 128, 128>}, {pipeline_mode = #tpu.pipeline_mode<synchronous>, transform_indices = @transform_5, window_bounds = array<i64: 4, 128>}, {pipeline_mode = #tpu.pipeline_mode<synchronous>, transform_indices = @transform_6, window_bounds = array<i64: 32, 128>}]} {
    %get3A = arith.constant 0 : index
    %get3A_0 = arith.constant 0 : index
    %get3A_1 = vector.load %arg1[%get3A, %get3A_0] : memref<1000x128xf32, #tpu.memory_space<vmem>>, vector<1000x128xf32>
    %get3A_2 = arith.constant 0 : index
    %get3A_3 = arith.constant 0 : index
    %get3A_4 = vector.load %arg3[%get3A_2, %get3A_3] : memref<128x4xf32, #tpu.memory_space<vmem>>, vector<128x4xf32>
    %dot_general3A = arith.constant dense<0.000000e+00> : vector<1000x4xf32>
    %dot_general3A_5 = tpu.matmul %get3A_1, %get3A_4, %dot_general3A {dimension_numbers = #tpu.dot_dimension_numbers<[1], [0], [0], [1], [0, 0, 1, 1], [], []>, transpose_lhs_hint = false} : vector<1000x128xf32>, vector<128x4xf32>, vector<1000x4xf32> -> vector<1000x4xf32>
    %get3A_6 = arith.constant 0 : index
    %get3A_7 = arith.constant 0 : index
    %get3A_8 = vector.load %arg4[%get3A_6, %get3A_7] : memref<1x4xf32, #tpu.memory_space<vmem>>, vector<1x4xf32>
    %add3A = vector.broadcast %get3A_8 : vector<1x4xf32> to vector<1000x4xf32>
    %add3A_9 = arith.addf %dot_general3A_5, %add3A : vector<1000x4xf32>
    %reduce_max3A = arith.constant dense<0xFF800000> : vector<1000xf32>
    %reduce_max3A_10 = vector.multi_reduction <maximumf>, %add3A_9, %reduce_max3A [1] : vector<1000x4xf32> to vector<1000xf32>
    %broadcast_in_dim3A = vector.shape_cast %reduce_max3A_10 : vector<1000xf32> to vector<1000x1xf32>
    %sub3A = vector.broadcast %broadcast_in_dim3A : vector<1000x1xf32> to vector<1000x4xf32>
    %sub3A_11 = arith.subf %add3A_9, %sub3A : vector<1000x4xf32>
    %exp3A = math.exp %sub3A_11 : vector<1000x4xf32>
    %reduce_sum3A = arith.constant dense<0.000000e+00> : vector<1000xf32>
    %reduce_sum3A_12 = vector.multi_reduction <add>, %exp3A, %reduce_sum3A [1] : vector<1000x4xf32> to vector<1000xf32>
    %broadcast_in_dim3A_13 = vector.shape_cast %reduce_sum3A_12 : vector<1000xf32> to vector<1000x1xf32>
    %div3A = vector.broadcast %broadcast_in_dim3A_13 : vector<1000x1xf32> to vector<1000x4xf32>
    %div3A_14 = arith.divf %exp3A, %div3A : vector<1000x4xf32>
    %broadcast_in_dim3A_15 = arith.constant 0.000000e+00 : f32
    %broadcast_in_dim3A_16 = vector.broadcast %broadcast_in_dim3A_15 : f32 to vector<1000x128xf32>
    %get3A_17 = arith.constant 0 : index
    %get3A_18 = arith.constant 0 : index
    %get3A_19 = arith.constant 0 : index
    %get3A_20 = vector.load %arg5[%get3A_17, %get3A_18, %get3A_19] : memref<4x128x128xf32, #tpu.memory_space<vmem>>, vector<1x128x128xf32>
    %get3A_21 = vector.shape_cast %get3A_20 : vector<1x128x128xf32> to vector<128x128xf32>
    %dot_general3A_22 = arith.constant dense<0.000000e+00> : vector<1000x128xf32>
    %dot_general3A_23 = tpu.matmul %get3A_1, %get3A_21, %dot_general3A_22 {dimension_numbers = #tpu.dot_dimension_numbers<[1], [0], [0], [1], [0, 0, 1, 1], [], []>, transpose_lhs_hint = false} : vector<1000x128xf32>, vector<128x128xf32>, vector<1000x128xf32> -> vector<1000x128xf32>
    %get3A_24 = arith.constant 0 : index
    %get3A_25 = arith.constant 0 : index
    %get3A_26 = vector.load %arg6[%get3A_24, %get3A_25] : memref<4x128xf32, #tpu.memory_space<vmem>>, vector<1x128xf32>
    %get3A_27 = vector.shape_cast %get3A_26 : vector<1x128xf32> to vector<128xf32>
    %broadcast_in_dim3A_28 = vector.shape_cast %get3A_27 : vector<128xf32> to vector<1x128xf32>
    %add3A_29 = vector.broadcast %broadcast_in_dim3A_28 : vector<1x128xf32> to vector<1000x128xf32>
    %add3A_30 = arith.addf %dot_general3A_23, %add3A_29 : vector<1000x128xf32>
    %slice3A = vector.extract_strided_slice %div3A_14 {offsets = [0, 0], sizes = [1000, 1], strides = [1, 1]} : vector<1000x4xf32> to vector<1000x1xf32>
    %max3A = arith.constant 0.000000e+00 : f32
    %max3A_31 = vector.broadcast %max3A : f32 to vector<1000x128xf32>
    %max3A_32 = arith.maximumf %add3A_30, %max3A_31 : vector<1000x128xf32>
    %mul3A = vector.broadcast %slice3A : vector<1000x1xf32> to vector<1000x128xf32>
    %mul3A_33 = arith.mulf %mul3A, %max3A_32 : vector<1000x128xf32>
    %add3A_34 = arith.addf %broadcast_in_dim3A_16, %mul3A_33 : vector<1000x128xf32>
    %get3A_35 = arith.constant 1 : index
    %get3A_36 = arith.constant 0 : index
    %get3A_37 = arith.constant 0 : index
    %get3A_38 = vector.load %arg5[%get3A_35, %get3A_36, %get3A_37] : memref<4x128x128xf32, #tpu.memory_space<vmem>>, vector<1x128x128xf32>
    %get3A_39 = vector.shape_cast %get3A_38 : vector<1x128x128xf32> to vector<128x128xf32>
    %dot_general3A_40 = arith.constant dense<0.000000e+00> : vector<1000x128xf32>
    %dot_general3A_41 = tpu.matmul %get3A_1, %get3A_39, %dot_general3A_40 {dimension_numbers = #tpu.dot_dimension_numbers<[1], [0], [0], [1], [0, 0, 1, 1], [], []>, transpose_lhs_hint = false} : vector<1000x128xf32>, vector<128x128xf32>, vector<1000x128xf32> -> vector<1000x128xf32>
    %get3A_42 = arith.constant 1 : index
    %get3A_43 = arith.constant 0 : index
    %get3A_44 = vector.load %arg6[%get3A_42, %get3A_43] : memref<4x128xf32, #tpu.memory_space<vmem>>, vector<1x128xf32>
    %get3A_45 = vector.shape_cast %get3A_44 : vector<1x128xf32> to vector<128xf32>
    %broadcast_in_dim3A_46 = vector.shape_cast %get3A_45 : vector<128xf32> to vector<1x128xf32>
    %add3A_47 = vector.broadcast %broadcast_in_dim3A_46 : vector<1x128xf32> to vector<1000x128xf32>
    %add3A_48 = arith.addf %dot_general3A_41, %add3A_47 : vector<1000x128xf32>
    %slice3A_49 = vector.extract_strided_slice %div3A_14 {offsets = [0, 1], sizes = [1000, 1], strides = [1, 1]} : vector<1000x4xf32> to vector<1000x1xf32>
    %max3A_50 = arith.constant 0.000000e+00 : f32
    %max3A_51 = vector.broadcast %max3A_50 : f32 to vector<1000x128xf32>
    %max3A_52 = arith.maximumf %add3A_48, %max3A_51 : vector<1000x128xf32>
    %mul3A_53 = vector.broadcast %slice3A_49 : vector<1000x1xf32> to vector<1000x128xf32>
    %mul3A_54 = arith.mulf %mul3A_53, %max3A_52 : vector<1000x128xf32>
    %add3A_55 = arith.addf %add3A_34, %mul3A_54 : vector<1000x128xf32>
    %get3A_56 = arith.constant 2 : index
    %get3A_57 = arith.constant 0 : index
    %get3A_58 = arith.constant 0 : index
    %get3A_59 = vector.load %arg5[%get3A_56, %get3A_57, %get3A_58] : memref<4x128x128xf32, #tpu.memory_space<vmem>>, vector<1x128x128xf32>
    %get3A_60 = vector.shape_cast %get3A_59 : vector<1x128x128xf32> to vector<128x128xf32>
    %dot_general3A_61 = arith.constant dense<0.000000e+00> : vector<1000x128xf32>
    %dot_general3A_62 = tpu.matmul %get3A_1, %get3A_60, %dot_general3A_61 {dimension_numbers = #tpu.dot_dimension_numbers<[1], [0], [0], [1], [0, 0, 1, 1], [], []>, transpose_lhs_hint = false} : vector<1000x128xf32>, vector<128x128xf32>, vector<1000x128xf32> -> vector<1000x128xf32>
    %get3A_63 = arith.constant 2 : index
    %get3A_64 = arith.constant 0 : index
    %get3A_65 = vector.load %arg6[%get3A_63, %get3A_64] : memref<4x128xf32, #tpu.memory_space<vmem>>, vector<1x128xf32>
    %get3A_66 = vector.shape_cast %get3A_65 : vector<1x128xf32> to vector<128xf32>
    %broadcast_in_dim3A_67 = vector.shape_cast %get3A_66 : vector<128xf32> to vector<1x128xf32>
    %add3A_68 = vector.broadcast %broadcast_in_dim3A_67 : vector<1x128xf32> to vector<1000x128xf32>
    %add3A_69 = arith.addf %dot_general3A_62, %add3A_68 : vector<1000x128xf32>
    %slice3A_70 = vector.extract_strided_slice %div3A_14 {offsets = [0, 2], sizes = [1000, 1], strides = [1, 1]} : vector<1000x4xf32> to vector<1000x1xf32>
    %max3A_71 = arith.constant 0.000000e+00 : f32
    %max3A_72 = vector.broadcast %max3A_71 : f32 to vector<1000x128xf32>
    %max3A_73 = arith.maximumf %add3A_69, %max3A_72 : vector<1000x128xf32>
    %mul3A_74 = vector.broadcast %slice3A_70 : vector<1000x1xf32> to vector<1000x128xf32>
    %mul3A_75 = arith.mulf %mul3A_74, %max3A_73 : vector<1000x128xf32>
    %add3A_76 = arith.addf %add3A_55, %mul3A_75 : vector<1000x128xf32>
    %get3A_77 = arith.constant 3 : index
    %get3A_78 = arith.constant 0 : index
    %get3A_79 = arith.constant 0 : index
    %get3A_80 = vector.load %arg5[%get3A_77, %get3A_78, %get3A_79] : memref<4x128x128xf32, #tpu.memory_space<vmem>>, vector<1x128x128xf32>
    %get3A_81 = vector.shape_cast %get3A_80 : vector<1x128x128xf32> to vector<128x128xf32>
    %dot_general3A_82 = arith.constant dense<0.000000e+00> : vector<1000x128xf32>
    %dot_general3A_83 = tpu.matmul %get3A_1, %get3A_81, %dot_general3A_82 {dimension_numbers = #tpu.dot_dimension_numbers<[1], [0], [0], [1], [0, 0, 1, 1], [], []>, transpose_lhs_hint = false} : vector<1000x128xf32>, vector<128x128xf32>, vector<1000x128xf32> -> vector<1000x128xf32>
    %get3A_84 = arith.constant 3 : index
    %get3A_85 = arith.constant 0 : index
    %get3A_86 = vector.load %arg6[%get3A_84, %get3A_85] : memref<4x128xf32, #tpu.memory_space<vmem>>, vector<1x128xf32>
    %get3A_87 = vector.shape_cast %get3A_86 : vector<1x128xf32> to vector<128xf32>
    %broadcast_in_dim3A_88 = vector.shape_cast %get3A_87 : vector<128xf32> to vector<1x128xf32>
    %add3A_89 = vector.broadcast %broadcast_in_dim3A_88 : vector<1x128xf32> to vector<1000x128xf32>
    %add3A_90 = arith.addf %dot_general3A_83, %add3A_89 : vector<1000x128xf32>
    %slice3A_91 = vector.extract_strided_slice %div3A_14 {offsets = [0, 3], sizes = [1000, 1], strides = [1, 1]} : vector<1000x4xf32> to vector<1000x1xf32>
    %max3A_92 = arith.constant 0.000000e+00 : f32
    %max3A_93 = vector.broadcast %max3A_92 : f32 to vector<1000x128xf32>
    %max3A_94 = arith.maximumf %add3A_90, %max3A_93 : vector<1000x128xf32>
    %mul3A_95 = vector.broadcast %slice3A_91 : vector<1000x1xf32> to vector<1000x128xf32>
    %mul3A_96 = arith.mulf %mul3A_95, %max3A_94 : vector<1000x128xf32>
    %add3A_97 = arith.addf %add3A_76, %mul3A_96 : vector<1000x128xf32>
    %get3A_98 = arith.constant 0 : index
    %get3A_99 = arith.constant 0 : index
    %get3A_100 = arith.constant 0 : index
    %get3A_101 = vector.load %arg2[%get3A_98, %get3A_99, %get3A_100] : memref<1x1x1000xi32, #tpu.memory_space<vmem>>, vector<1x1x1000xi32>
    %get3A_102 = vector.shape_cast %get3A_101 : vector<1x1x1000xi32> to vector<1000xi32>
    %iota3A = tpu.iota {dimensions = array<i32: 0>} : vector<16x1000xi32>
    %broadcast_in_dim3A_103 = vector.shape_cast %get3A_102 : vector<1000xi32> to vector<1x1000xi32>
    %eq3A = vector.broadcast %broadcast_in_dim3A_103 : vector<1x1000xi32> to vector<16x1000xi32>
    %eq3A_104 = arith.cmpi eq, %iota3A, %eq3A : vector<16x1000xi32>
    %convert_element_type3A = arith.extui %eq3A_104 : vector<16x1000xi1> to vector<16x1000xi32>
    %convert_element_type3A_105 = arith.sitofp %convert_element_type3A : vector<16x1000xi32> to vector<16x1000xf32>
    %dot_general3A_106 = arith.constant dense<0.000000e+00> : vector<16x128xf32>
    %dot_general3A_107 = tpu.matmul %convert_element_type3A_105, %add3A_97, %dot_general3A_106 {dimension_numbers = #tpu.dot_dimension_numbers<[1], [0], [0], [1], [0, 0, 1, 1], [], []>, transpose_lhs_hint = false} : vector<16x1000xf32>, vector<1000x128xf32>, vector<16x128xf32> -> vector<16x128xf32>
    %broadcast_in_dim3A_108 = arith.constant 1.000000e+00 : f32
    %broadcast_in_dim3A_109 = vector.broadcast %broadcast_in_dim3A_108 : f32 to vector<1000x128xf32>
    %dot_general3A_110 = arith.constant dense<0.000000e+00> : vector<16x128xf32>
    %dot_general3A_111 = tpu.matmul %convert_element_type3A_105, %broadcast_in_dim3A_109, %dot_general3A_110 {dimension_numbers = #tpu.dot_dimension_numbers<[1], [0], [0], [1], [0, 0, 1, 1], [], []>, transpose_lhs_hint = false} : vector<16x1000xf32>, vector<1000x128xf32>, vector<16x128xf32> -> vector<16x128xf32>
    %eq3A_112 = arith.constant 0 : i32
    %eq3A_113 = arith.cmpi eq, %arg0, %eq3A_112 : i32
    %convert_element_type3A_114 = arith.extui %eq3A_113 : i1 to i32
    %cond3A = arith.constant 0 : i32
    %cond3A_115 = arith.cmpi ne, %convert_element_type3A_114, %cond3A : i32
    scf.if %cond3A_115 {
      %broadcast_in_dim3A_129 = arith.constant 0.000000e+00 : f32
      %broadcast_in_dim3A_130 = vector.broadcast %broadcast_in_dim3A_129 : f32 to vector<32x128xf32>
      %swap3A_131 = arith.constant 0 : index
      %swap3A_132 = arith.constant 0 : index
      %swap3A_133 = vector.load %arg7[%swap3A_131, %swap3A_132] : memref<32x128xf32, #tpu.memory_space<vmem>>, vector<32x128xf32>
      tpu.vector_store %arg7[%swap3A_131, %swap3A_132], %broadcast_in_dim3A_130 {strides = array<i32>} : memref<32x128xf32, #tpu.memory_space<vmem>>, vector<32x128xf32>,
    } else {
    }
    %get3A_116 = arith.constant 0 : index
    %get3A_117 = arith.constant 0 : index
    %get3A_118 = vector.load %arg7[%get3A_116, %get3A_117] : memref<32x128xf32, #tpu.memory_space<vmem>>, vector<16x128xf32>
    %add3A_119 = arith.addf %get3A_118, %dot_general3A_107 : vector<16x128xf32>
    %swap3A = arith.constant 0 : index
    %swap3A_120 = arith.constant 0 : index
    %swap3A_121 = vector.load %arg7[%swap3A, %swap3A_120] : memref<32x128xf32, #tpu.memory_space<vmem>>, vector<16x128xf32>
    tpu.vector_store %arg7[%swap3A, %swap3A_120], %add3A_119 {strides = array<i32>} : memref<32x128xf32, #tpu.memory_space<vmem>>, vector<16x128xf32>,
    %get3A_122 = arith.constant 16 : index
    %get3A_123 = arith.constant 0 : index
    %get3A_124 = vector.load %arg7[%get3A_122, %get3A_123] : memref<32x128xf32, #tpu.memory_space<vmem>>, vector<16x128xf32>
    %add3A_125 = arith.addf %get3A_124, %dot_general3A_111 : vector<16x128xf32>
    %swap3A_126 = arith.constant 16 : index
    %swap3A_127 = arith.constant 0 : index
    %swap3A_128 = vector.load %arg7[%swap3A_126, %swap3A_127] : memref<32x128xf32, #tpu.memory_space<vmem>>, vector<16x128xf32>
    tpu.vector_store %arg7[%swap3A_126, %swap3A_127], %add3A_125 {strides = array<i32>} : memref<32x128xf32, #tpu.memory_space<vmem>>, vector<16x128xf32>,
    return
  }
  func.func @transform_0(%arg0: i32) -> (i32, i32) {
    %c0_i32 = arith.constant 0 : i32
    %c0_i32_0 = arith.constant 0 : i32
    return %arg0, %c0_i32 : i32, i32
  }
  func.func @transform_1(%arg0: i32) -> (i32, i32, i32) {
    %c0_i32 = arith.constant 0 : i32
    %c0_i32_0 = arith.constant 0 : i32
    %c0_i32_1 = arith.constant 0 : i32
    return %arg0, %c0_i32, %c0_i32_0 : i32, i32, i32
  }
  func.func @transform_2(%arg0: i32) -> (i32, i32) {
    %c0_i32 = arith.constant 0 : i32
    %c0_i32_0 = arith.constant 0 : i32
    %c0_i32_1 = arith.constant 0 : i32
    return %c0_i32, %c0_i32_0 : i32, i32
  }
  func.func @transform_3(%arg0: i32) -> (i32, i32) {
    %c0_i32 = arith.constant 0 : i32
    %c0_i32_0 = arith.constant 0 : i32
    %c0_i32_1 = arith.constant 0 : i32
    return %c0_i32, %c0_i32_0 : i32, i32
  }
  func.func @transform_4(%arg0: i32) -> (i32, i32, i32) {
    %c0_i32 = arith.constant 0 : i32
    %c0_i32_0 = arith.constant 0 : i32
    %c0_i32_1 = arith.constant 0 : i32
    %c0_i32_2 = arith.constant 0 : i32
    return %c0_i32, %c0_i32_0, %c0_i32_1 : i32, i32, i32
  }
  func.func @transform_5(%arg0: i32) -> (i32, i32) {
    %c0_i32 = arith.constant 0 : i32
    %c0_i32_0 = arith.constant 0 : i32
    %c0_i32_1 = arith.constant 0 : i32
    return %c0_i32, %c0_i32_0 : i32, i32
  }
  func.func @transform_6(%arg0: i32) -> (i32, i32) {
    %c0_i32 = arith.constant 0 : i32
    %c0_i32_0 = arith.constant 0 : i32
    %c0_i32_1 = arith.constant 0 : i32
    return %c0_i32, %c0_i32_0 : i32, i32
  }
}

module attributes {stable_mosaic.version = 14 : i64} {
  func.func @_final_body(%arg0: memref<32x128xf32, #tpu.memory_space<vmem>>, %arg1: memref<16x128xf32, #tpu.memory_space<vmem>>, %arg2: memref<1x128xf32, #tpu.memory_space<vmem>>, %arg3: memref<1x128xf32, #tpu.memory_space<vmem>>, %arg4: memref<128x128xf32, #tpu.memory_space<vmem>>, %arg5: memref<128x128xf32, #tpu.memory_space<vmem>>, %arg6: memref<1x128xf32, #tpu.memory_space<vmem>>, %arg7: memref<16x128xf32, #tpu.memory_space<vmem>>, %arg8: memref<16x128xf32, #tpu.memory_space<vmem>>) attributes {dimension_semantics = [], scalar_prefetch = 0 : i64, scratch_operands = 0 : i64, tpu.core_type = #tpu.core_type<tc>} {
    %get3A = arith.constant 0 : index
    %get3A_0 = arith.constant 0 : index
    %get3A_1 = vector.load %arg0[%get3A, %get3A_0] : memref<32x128xf32, #tpu.memory_space<vmem>>, vector<16x128xf32>
    %get3A_2 = arith.constant 16 : index
    %get3A_3 = arith.constant 0 : index
    %get3A_4 = vector.load %arg0[%get3A_2, %get3A_3] : memref<32x128xf32, #tpu.memory_space<vmem>>, vector<16x128xf32>
    %max3A = arith.constant 1.000000e+00 : f32
    %max3A_5 = vector.broadcast %max3A : f32 to vector<16x128xf32>
    %max3A_6 = arith.maximumf %get3A_4, %max3A_5 : vector<16x128xf32>
    %div3A = arith.divf %get3A_1, %max3A_6 : vector<16x128xf32>
    %get3A_7 = arith.constant 0 : index
    %get3A_8 = arith.constant 0 : index
    %get3A_9 = vector.load %arg1[%get3A_7, %get3A_8] : memref<16x128xf32, #tpu.memory_space<vmem>>, vector<16x1xf32>
    %get3A_10 = arith.constant 0 : index
    %get3A_11 = arith.constant 0 : index
    %get3A_12 = vector.load %arg2[%get3A_10, %get3A_11] : memref<1x128xf32, #tpu.memory_space<vmem>>, vector<1x128xf32>
    %mul3A = vector.broadcast %get3A_9 : vector<16x1xf32> to vector<16x128xf32>
    %mul3A_13 = vector.broadcast %get3A_12 : vector<1x128xf32> to vector<16x128xf32>
    %mul3A_14 = arith.mulf %mul3A, %mul3A_13 : vector<16x128xf32>
    %get3A_15 = arith.constant 0 : index
    %get3A_16 = arith.constant 0 : index
    %get3A_17 = vector.load %arg3[%get3A_15, %get3A_16] : memref<1x128xf32, #tpu.memory_space<vmem>>, vector<1x128xf32>
    %add3A = vector.broadcast %get3A_17 : vector<1x128xf32> to vector<16x128xf32>
    %add3A_18 = arith.addf %mul3A_14, %add3A : vector<16x128xf32>
    %get3A_19 = arith.constant 0 : index
    %get3A_20 = arith.constant 0 : index
    %get3A_21 = vector.load %arg4[%get3A_19, %get3A_20] : memref<128x128xf32, #tpu.memory_space<vmem>>, vector<128x128xf32>
    %dot_general3A = arith.constant dense<0.000000e+00> : vector<16x128xf32>
    %dot_general3A_22 = tpu.matmul %add3A_18, %get3A_21, %dot_general3A {dimension_numbers = #tpu.dot_dimension_numbers<[1], [0], [0], [1], [0, 0, 1, 1], [], []>, transpose_lhs_hint = false} : vector<16x128xf32>, vector<128x128xf32>, vector<16x128xf32> -> vector<16x128xf32>
    %get3A_23 = arith.constant 0 : index
    %get3A_24 = arith.constant 0 : index
    %get3A_25 = vector.load %arg5[%get3A_23, %get3A_24] : memref<128x128xf32, #tpu.memory_space<vmem>>, vector<128x128xf32>
    %dot_general3A_26 = arith.constant dense<0.000000e+00> : vector<16x128xf32>
    %dot_general3A_27 = tpu.matmul %div3A, %get3A_25, %dot_general3A_26 {dimension_numbers = #tpu.dot_dimension_numbers<[1], [0], [0], [1], [0, 0, 1, 1], [], []>, transpose_lhs_hint = false} : vector<16x128xf32>, vector<128x128xf32>, vector<16x128xf32> -> vector<16x128xf32>
    %add3A_28 = arith.addf %dot_general3A_22, %dot_general3A_27 : vector<16x128xf32>
    %get3A_29 = arith.constant 0 : index
    %get3A_30 = arith.constant 0 : index
    %get3A_31 = vector.load %arg6[%get3A_29, %get3A_30] : memref<1x128xf32, #tpu.memory_space<vmem>>, vector<1x128xf32>
    %add3A_32 = vector.broadcast %get3A_31 : vector<1x128xf32> to vector<16x128xf32>
    %add3A_33 = arith.addf %add3A_28, %add3A_32 : vector<16x128xf32>
    %swap3A = arith.constant 0 : index
    %swap3A_34 = arith.constant 0 : index
    %swap3A_35 = vector.load %arg7[%swap3A, %swap3A_34] : memref<16x128xf32, #tpu.memory_space<vmem>>, vector<16x128xf32>
    tpu.vector_store %arg7[%swap3A, %swap3A_34], %div3A {strides = array<i32>} : memref<16x128xf32, #tpu.memory_space<vmem>>, vector<16x128xf32>,
    %swap3A_36 = arith.constant 0 : index
    %swap3A_37 = arith.constant 0 : index
    %swap3A_38 = vector.load %arg8[%swap3A_36, %swap3A_37] : memref<16x128xf32, #tpu.memory_space<vmem>>, vector<16x128xf32>
    tpu.vector_store %arg8[%swap3A_36, %swap3A_37], %add3A_33 {strides = array<i32>} : memref<16x128xf32, #tpu.memory_space<vmem>>, vector<16x128xf32>,
    return
  }
}

</mosaic_0001>

<sc_bundles>
// kernel: kernel.12.cloned.1.call-start
scs
__scs_entry_jumppad:
0x0: {  	(pc) =	sbr.rel $0x88, $3  }
0x1: {  	(tag) =	ssettag $0x0;
	lr =	simm.s32 $0x1  }
0x2: {  	[smem:$0x3F88] =	sst lr;
	_ =	strace $0xD0000000  }
0x3: {  	_ = 	snop  }
0x4: {  	_ = 	snop  }
0x5: {  	_ = 	snop  }
0x6: {  	_ = 	snop  }
0x7: {  	_ = 	snop  }
__scs_overlays_trampoline_lowered:
0x8: {  	[smem:$0x3F97] =	sst s0  }
0x9: {  	[smem:$0x3F98] =	sst s1  }
0xa: {  	[smem:$0x3F99] =	sst s2  }
0xb: {  	[smem:$0x3F9A] =	sst s3  }
0xc: {  	[smem:$0x3F9B] =	sst s4  }
0xd: {  	[smem:$0x3F9C] =	sst s5  }
0xe: {  	[smem:$0x3F9D] =	sst s6  }
0xf: {  	[smem:$0x3F9E] =	sst s7  }
0x10: {  	[smem:$0x3F9F] =	sst s8  }
0x11: {  	[smem:$0x3FA0] =	sst s9;
	s0 =	simm.s32 @!p0 $0x0  }
0x12: {  	s1 =	sld [smem:$0x3F86];
	s0 =	simm.s32 @p0 $0x1  }
0x13: {  	[smem:$0x3FA1] =	sst s0;
	s0 =	simm.s32 @!p1 $0x0  }
0x14: {  	s2 =	sld [smem:$0x3F85];
	s0 =	simm.s32 @p1 $0x1  }
0x15: {  	[smem:$0x3FA2] =	sst s0;
	s0 =	simm.s32 @!p2 $0x0  }
0x16: {  	s3 =	sld [smem:$0x3FDB];
	s0 =	simm.s32 @p2 $0x1  }
0x17: {  	s4 =	simm.s32 $0x1BF5;
	[smem:$0x3FA4] =	sst s0  }
0x18: {  	s0 =	sld [smem:$0x3F87];
	_ =	swait.ge [sflag:s4], $0x0  }
0x19: {  	s7 =	sld [smem:$0x3F88]  }
0x1a: {  	s8 =	sadd.s32 $0xFFFFE003, lr  }
0x1b: {  	s9 =	sadd.s32 $0xFFFFFEF7, lr;
	s5 =	simm.s32 $0xFFFFFFFF;
	p2 =	slt.u32 s8, $0xFFFFF086  }
0x1c: {  	p1 =	slt.u32 s9, $0xF7A;
	s5 =	simm.s32 @!p2 $0x0  }
0x1d: {  	s5 =	simm.s32 @p1 $0x1;
	p0 =	seq.s32 s7, s2  }
0x1e: {  	s7 =	smul.u32 @!p0 $0xF7A, s2;
	p2 =	seq.s32 @!p0 s5, $0x0  }
0x1f: {  	s9 =	smul.u32 $0xF7A, s1;
	s8 =	simm.s32 @!p0 $0x1BF5;
	p2 =	por !p2, p0  }
0x20: {  	[sflag:s8] =	ssyncset.s32 @!p0 $0xFFFFF086;
	s6 =	sadd.s32 @!p0 s3, s7;
	s7 =	simm.s32 @!p0 $0x108  }
0x21: {  	s3 =	sadd.s32 s3, s9;
	s6 =	sadd.s32 @!p0 $0x88, s6;
	s7 =	simm.s32 @p2 $0x1082  }
0x22: {  	[simem:s7], [sflag:s8] =	dma.local @!p0 [hbm:s6], $0xF7A  }
0x23: {  	s9 =	sor.u32 $0xD0000000, s2;
	s6 =	simm.s32 $0x108;
	_ =	swait.ge @!p0 [sflag:s8], $0x0  }
0x24: {  	s3 =	sadd.s32 $0x88, s3;
	s6 =	simm.s32 @!p1 $0x1082;
	[sflag:s4] =	ssyncset.s32 $0xFFFFF086  }
0x25: {  	[simem:s6], [sflag:s4] =	dma.local [hbm:s3], $0xF7A  }
0x26: {  	[smem:$0x3F88] =	sst s1;
	(tag) =	ssettag s2;
	_ =	strace s9  }
0x27: {  	s1 =	sld [smem:$0x3F98]  }
0x28: {  	s2 =	sld [smem:$0x3F99]  }
0x29: {  	s4 =	sld [smem:$0x3F9B]  }
0x2a: {  	p0 =	seq.s32 s5, $0x0;
	s5 =	sld [smem:$0x3F9C]  }
0x2b: {  	s6 =	sld [smem:$0x3F9D]  }
0x2c: {  	s7 =	sld [smem:$0x3F9E]  }
0x2d: {  	s3 =	simm.s32 $0x108;
	s8 =	sld [smem:$0x3F9F]  }
0x2e: {  	s3 =	simm.s32 @!p0 $0x1082;
	s9 =	sld [smem:$0x3FA0]  }
0x2f: {  	lr =	sadd.s32 s0, s3;
	s0 =	sld [smem:$0x3F97]  }
0x30: {  	s3 =	sld [smem:$0x3F9A]  }
0x31: {  	[smem:$0x3FA3] =	sst s10  }
0x32: {  	s10 =	sld [smem:$0x3FA1];
	_ =	sdelay $0x3  }
0x33: {  	p0 =	seq.s32 s10, $0x1;
	s10 =	sld [smem:$0x3FA3];
	_ =	sdelay $0x3  }
0x34: {  	[smem:$0x3FA3] =	sst s10  }
0x35: {  	s10 =	sld [smem:$0x3FA2];
	_ =	sdelay $0x3  }
0x36: {  	p1 =	seq.s32 s10, $0x1;
	s10 =	sld [smem:$0x3FA3];
	_ =	sdelay $0x3  }
0x37: {  	[smem:$0x3FA3] =	sst s10  }
0x38: {  	s10 =	sld [smem:$0x3FA4]  }
0x39: {  	_ = 	snop;
	(pc) =	sbr.ind lr, $3  }
0x3a: {  	_ = 	snop  }
0x3b: {  	_ = 	snop  }
0x3c: {  	p2 =	seq.s32 s10, $0x1;
	s10 =	sld [smem:$0x3FA3]  }
0x3d: {  	_ =	shalt  }
0x3e: {  	_ =	shalt  }
0x3f: {  	_ =	shalt  }
0x40: {  	_ =	shalt  }
0x41: {  	_ =	shalt  }
0x42: {  	_ =	shalt  }
0x43: {  	_ =	shalt  }
0x44: {  	_ =	shalt  }
0x45: {  	_ =	shalt  }
0x46: {  	_ =	shalt  }
0x47: {  	_ =	shalt  }
0x48: {  	_ =	shalt  }
0x49: {  	_ =	shalt  }
0x4a: {  	_ =	shalt  }
0x4b: {  	_ =	shalt  }
0x4c: {  	_ =	shalt  }
0x4d: {  	_ =	shalt  }
0x4e: {  	_ =	shalt  }
0x4f: {  	_ =	shalt  }
0x50: {  	_ =	shalt  }
0x51: {  	_ =	shalt  }
0x52: {  	_ =	shalt  }
0x53: {  	_ =	shalt  }
0x54: {  	_ =	shalt  }
0x55: {  	_ =	shalt  }
0x56: {  	_ =	shalt  }
0x57: {  	_ =	shalt  }
0x58: {  	_ =	shalt  }
0x59: {  	_ =	shalt  }
0x5a: {  	_ =	shalt  }
0x5b: {  	_ =	shalt  }
0x5c: {  	_ =	shalt  }
0x5d: {  	_ =	shalt  }
0x5e: {  	_ =	shalt  }
0x5f: {  	_ =	shalt  }
0x60: {  	_ =	shalt  }
0x61: {  	_ =	shalt  }
0x62: {  	_ =	shalt  }
0x63: {  	_ =	shalt  }
0x64: {  	_ =	shalt  }
0x65: {  	_ =	shalt  }
0x66: {  	_ =	shalt  }
0x67: {  	_ =	shalt  }
0x68: {  	_ =	shalt  }
0x69: {  	_ =	shalt  }
0x6a: {  	_ =	shalt  }
0x6b: {  	_ =	shalt  }
0x6c: {  	_ =	shalt  }
0x6d: {  	_ =	shalt  }
0x6e: {  	_ =	shalt  }
0x6f: {  	_ =	shalt  }
0x70: {  	_ =	shalt  }
0x71: {  	_ =	shalt  }
0x72: {  	_ =	shalt  }
0x73: {  	_ =	shalt  }
0x74: {  	_ =	shalt  }
0x75: {  	_ =	shalt  }
0x76: {  	_ =	shalt  }
0x77: {  	_ =	shalt  }
0x78: {  	_ =	shalt  }
0x79: {  	_ =	shalt  }
0x7a: {  	_ =	shalt  }
0x7b: {  	_ =	shalt  }
0x7c: {  	_ =	shalt  }
0x7d: {  	_ =	shalt  }
0x7e: {  	_ =	shalt  }
0x7f: {  	_ =	shalt  }
0x80: {  	_ =	shalt  }
0x81: {  	_ =	shalt  }
0x82: {  	_ =	shalt  }
0x83: {  	_ =	shalt  }
0x84: {  	_ =	shalt  }
0x85: {  	_ =	shalt  }
0x86: {  	_ =	shalt  }
0x87: {  	_ =	shalt  }
.Lfunc_end0:
.L_simem_size_0:
called_computation.1_lowered:
.L_overlay_start_0:
0x88: {  	s2 =	sld [smem:$0x3FD9]  }
0x89: {  	s3 =	sld [smem:$0x3FFE];
	_ =	sdelay $0x1  }
0x8a: {  	s1 =	srdreg.scid  }
0x8b: {  	s0 =	sand.u32 $0x1, s1  }
0x8c: {  	s17 =	sshll.u32 s0, $0xA;
	s2 =	sadd.s32 s3, s2  }
0x8d: {  	s2 =	sadd.s32 s2, s17  }
0x8e: {  	[smem:$0x3FAF] =	sst s2  }
0x8f: {  	_ = 	snop  }
0x90: {  	s18 =	sld [smem:$0x3FC9];
	(tm) =	ssettm $0x1  }
0x91: {  	s19 =	sld [smem:$0x3FFB];
	_ =	sdelay $0x3  }
0x92: {  	_ =	strace s19  }
0x93: {  	s2 =	sld [smem:$0x3FFC];
	_ =	sdelay $0x3  }
0x94: {  	_ =	strace s2  }
0x95: {  	s2 =	sld [smem:$0x3FFD];
	_ =	sdelay $0x3  }
0x96: {  	_ =	strace s2  }
0x97: {  	_ =	strace $0x8FFFFFFF  }
0x98: {  	s20 =	sld [smem:$0x3FDB];
	_ =	sdelay $0x1  }
0x99: {  	s4 =	simm.s32 $_scs_section_size  }
0x9a: {  	s5 =	simm.s32 $_size__tile_overlayer_lowered;
	s6 =	simm.s32 $_tile_overlayer_lowered  }
0x9b: {  	s7 =	simm.s32 $0x1BFF;
	s21 =	sshll.u32 s6, $0x1;
	s4 =	sadd.s32 s4, s20  }
0x9c: {  	s22 =	simm.s32 $0x0;
	s5 =	sshll.u32 s5, $0x1;
	s6 =	sadd.s32 s21, s4  }
0x9d: {  	[timem:s22], [sflag:s7] =	dma.local [hbm:s6], s5  }
0x9e: {  	_ =	swait.ge [sflag:s7], s5  }
0x9f: {  	s5 =	ssub.s32 $0x0, s5;
	[sflag:s7] =	ssyncset.done $0x0  }
0xa0: {  	[sflag:s7] =	ssyncadd.s32 s5;
	_ =	sdelay $0x1  }
0xa1: {  	s23 =	simm.s32 $0x1B8B  }
0xa2: {  	_ =	swait.ge [sflag:s23], $0x1  }
0xa3: {  	[sflag:s23] =	ssyncset.done $0x0  }
0xa4: {  	[sflag:s23] =	ssyncadd.s32 $0xFFFFFFFF  }
0xa5: {  	s5 =	sld [smem:$0x0]  }
0xa6: {  	s6 =	sand.u32 $0xFFFFFFFE, s1  }
0xa7: {  	p0 =	sne.s32 s1, s6  }
0xa8: {  	s6 =	sshll.u32 @p0 s6, $0xE  }
0xa9: {  	s6 =	sadd.s32 @p0 $0x11B8D, s6;
	s7 =	sshll.u32 @p0 s5, $0x11  }
0xaa: {  	s6 =	sor.u32 @p0 s7, s6  }
0xab: {  	[sflag:s6] =	ssyncadd.remote.s32 @p0 $0x1;
	_ =	sdelay $0x1  }
0xac: {  	s6 =	simm.s32 @p0 $0x1B8D  }
0xad: {  	_ =	swait.eq @p0 [sflag:s6], $0x1  }
0xae: {  	[sflag:s6] =	ssyncadd.s32 @p0 $0xFFFFFFFF  }
0xaf: {  	s7 =	sshll.u32 @!p0 s1, $0xE  }
0xb0: {  	s7 =	sor.u32 @!p0 $0x4000, s7;
	s6 =	simm.s32 @!p0 $0x1B8D  }
0xb1: {  	s5 =	sshll.u32 @!p0 s5, $0x11;
	s7 =	sadd.s32 @!p0 $0x11B8D, s7;
	_ =	swait.eq @!p0 [sflag:s6], $0x1  }
0xb2: {  	s5 =	sor.u32 @!p0 s5, s7;
	[sflag:s6] =	ssyncadd.s32 @!p0 $0xFFFFFFFF  }
0xb3: {  	s25 =	simm.s32 $0x1B8E;
	s24 =	sld [smem:$0x3FFE];
	[sflag:s5] =	ssyncadd.remote.s32 @!p0 $0x1  }
0xb4: {  	s26 =	simm.s32 $execute0_lowered;
	[smem:$0x3FD2] =	sst s25  }
0xb5: {  	s6 =	sshll.u32 s26, $0x1;
	_ =	strace $0x80000049;
	[dreg:$0x1] =	wrdreg $0xFFFFFFFF  }
0xb6: {  	s28 =	simm.s32 $_size_execute0_lowered;
	s4 =	sadd.s32 s4, s6;
	[dreg:$0x0] =	wrdreg $0x0  }
0xb7: {  	s6 =	sshll.u32 s28, $0x1;
	[dreg:$0x2] =	wrdreg s4  }
0xb8: {  	[dreg:$0x3] =	wrdreg s6  }
0xb9: {  	[dreg:$0x4] =	wrdreg $0xC0  }
0xba: {  	_ =	task [dreg:s22], $0x5FFFF  }
0xbb: {  	[dreg:$0x1] =	wrdreg $0xFFFFFFFF  }
0xbc: {  	[dreg:$0x0] =	wrdreg $0x60  }
0xbd: {  	[dreg:$0x2] =	wrdreg s18  }
0xbe: {  	[dreg:$0x3] =	wrdreg s24  }
0xbf: {  	[dreg:$0x4] =	wrdreg $0xA8000  }
0xc0: {  	[dreg:$0x5] =	wrdreg $0xA  }
0xc1: {  	_ =	task.clear_ibuf [dreg:s22], $0x6FFFF;
	_ =	strace $0x90000049  }
0xc2: {  	s29 =	simm.s32 $0xA;
	_ =	strace $0x8000004B  }
0xc3: {  	_ =	swait.ge [sflag:s29], $0x1  }
0xc4: {  	[sflag:s29] =	ssyncadd.s32 $0xFFFFFFFF  }
0xc5: {  	_ =	strace $0x9000004B  }
0xc6: {  	_ =	sfence  }
0xc7: {  	s30 =	sld [smem:$0x0];
	_ =	sdelay $0x2  }
0xc8: {  	s31 =	sshll.u32 s1, $0xD;
	s1 =	sshrl.u32 s1, $0x2  }
0xc9: {  	s4 =	sand.u32 $0x4000, s31;
	s1 =	sadd.s32 s1, s30  }
0xca: {  	s0 =	sor.u32 s4, s0;
	s1 =	sshll.u32 s1, $0x11  }
0xcb: {  	s0 =	sor.u32 s1, s0  }
0xcc: {  	s0 =	sadd.s32 $0x8F2B, s0  }
0xcd: {  	[sflag:s0] =	ssyncadd.remote.s32 $0x1  }
0xce: {  	_ =	sfence.sel $0xFFFF  }
0xcf: {  	[dreg:$0x0] =	wrdreg $0xFFFFFFFF;
	(pc) =	sbr.abs _section_cstart, $3  }
0xd0: {  	[dreg:$0x1] =	wrdreg $0xFFFFFFFF  }
0xd1: {  	_ =	task.clear_ibuf [dreg:s22], $0x2FFFF;
	_ =	strace $0x9FFFFFFF  }
0xd2: {  	(tm) =	ssettm $0x7FFFFFFF  }
0xd3: {  	_ =	shalt  }
tec
execute0_lowered:
.L_overlay_start_1:
0x0: {  	(tag) =	ssettag $0x1  }
0x1: {  	s2 =	rddreg [dreg:$0x0]  }
0x2: {  	s7 =	rddreg [dreg:$0x1]  }
0x3: {  	s3 =	rddreg [dreg:$0x2]  }
0x4: {  	s0 =	rddreg [dreg:$0x3];
	s1 =	stileid.u32  }
0x5: {  	s5 =	srdreg.scid;
	s4 =	simm.s32 $0x0;
	s15 =	simm.s32 $0x80  }
0x6: {  	s16 =	simm.s32 $0x2800;
	s17 =	simm.s32 $0x6800;
	s18 =	simm.s32 $0x1  }
0x7: {  	s19 =	simm.s32 $0x2;
	s20 =	simm.s32 $0x3;
	s21 =	simm.s32 $0x4  }
0x8: {  	s8 =	smul.u32 $0x14000, s1;
	s9 =	sand.u32 $0x1, s5;
	[smem:$0x7FF] =	sst s4  }
0x9: {  	s5 =	sadd.s32 $0x79800, s7;
	s6 =	sadd.s32 $0x18000, s7;
	s12 =	smul.u32 $0x50000, s1  }
0xa: {  	s31 =	sshll.u32 s1, $0x6;
	s10 =	smul.u32 $0x140000, s9;
	_ =	strace $0x8000004A  }
0xb: {  	s28 =	ssub.s32 $0x2, s9;
	p0 =	seq.s32 s9, $0x1;
	s9 =	sor.u32 $0x1C05, s31  }
0xc: {  	s11 =	sshrl.u32 s8, $0x3;
	s29 =	sshrl.u32 s28, $0x1;
	s30 =	sshrl.u32 s12, $0x2  }
.Ltmp0:
0xd: {  	s8 =	sadd.s32 s8, s10;
	s11 =	sadd.s32 s11, s7;
	(pc) =	sbr.rel .LBB2_1-.Ltmp0, $4  }
0xe: {  	s14 =	ssub.s32 s28, s29;
	s12 =	sadd.s32 s30, s3;
	s8 =	sshrl.u32 s8, $0x3  }
0xf: {  	s12 =	sshrl.u32 s12, $0x3;
	s13 =	sadd.s32 s8, s7;
	s7 =	smul.u32 $0xA0, s1  }
0x10: {  	s8 =	sadd.s32 $0x83800, s11;
	s11 =	smax.u32 s14, $0x1;
	s14 =	simm.s32 $0x1400  }
0x11: {  	s10 =	sadd.s32 $0xAB800, s13;
	s13 =	simm.s32 $0x5;
	s7 =	simm.s32 @!p0 $0x0  }
.LBB2_5:
0x12: {  	s4 =	sadd.s32 $0x1, s4  }
0x13: {  	p1 =	sne.s32 s4, s11  }
.Ltmp1:
0x14: {  	[bflag:$0x0] =	sbarrier.arrive $0xFFFF;
	(pc) =	sbr.rel @!p1 .LBB2_6-.Ltmp1, $4  }
0x15: {  	[hbm:s10], [sflag:s9] =	dma.local [spmem:s12], $0x2800  }
0x16: {  	_ =	swait.ge [sflag:s13], $0x2800  }
0x17: {  	[sflag:s13] =	ssyncset.done $0x0  }
0x18: {  	[sflag:s13] =	ssyncadd.s32 $0xFFFFD800  }
.LBB2_1:
0x19: {  	[spmem:s12], [sflag:s9] =	dma.local [hbm:s8], $0x2800  }
.Ltmp2:
0x1a: {  	_ =	swait.ge [sflag:s13], $0x2800;
	(pc) =	sbr.rel @!p0 .LBB2_5-.Ltmp2, $4  }
0x1b: {  	[sflag:s13] =	ssyncset.done $0x0  }
0x1c: {  	[sflag:s13] =	ssyncadd.s32 $0xFFFFD800  }
0x1d: {  	[bflag:$0x0] =	sbarrier.arrive $0xFFFF  }
0x1e: {  	s22 =	simm.s32 $0x0  }
.LBB2_2:
0x1f: {  	s23 =	smul.u32 $0x28, s22;
	_ =	sdelay $0x1  }
0x20: {  	s23 =	sadd.s32 s7, s23  }
0x21: {  	s23 =	sshll.u32 s23, $0x4  }
0x22: {  	s25 =	simm.s32 $0x0;
	s24 =	sadd.s32 s5, s23  }
0x23: {  	[tilespmem:s25], [sflag:$0x5] =	stream.linear.gather [hbm4b:s24+s25], $0x1400, $0x38;
	[tilespmem:$0x1E800] =	vst v63  }
0x24: {  	_ =	swait.ge [sflag:s13], $0x1400  }
0x25: {  	[sflag:s13] =	ssyncset.done $0x0  }
0x26: {  	s23 =	sadd.s32 s6, s23;
	[sflag:s13] =	ssyncadd.s32 $0xFFFFEC00  }
0x27: {  	[tilespmem:s14], [sflag:$0x5] =	stream.linear.gather [hbm4b:s23+s25], $0x1400, $0x38;
	[tilespmem:$0x1E800] =	vst v63  }
0x28: {  	_ =	swait.ge [sflag:s13], $0x1400  }
0x29: {  	[sflag:s13] =	ssyncset.done $0x0  }
0x2a: {  	s28 =	simm.s32 $0x0;
	[sflag:s13] =	ssyncadd.s32 $0xFFFFEC00  }
0x2b: {  	[tilespmem:s16], [sflag:$0x1] =	stream.indirect.gather [hbm4b:s2+s15], $0x80, s28, s15, $0xb8;
	[tilespmem:$0x1E800] =	vst v63  }
0x2c: {  	s29 =	simm.s32 $0x80  }
0x2d: {  	[tilespmem:s17], [sflag:$0x2] =	stream.indirect.gather [hbm4b:s2+s15], $0x80, s29, s15, $0xb8;
	[tilespmem:$0x1E800] =	vst v63  }
0x2e: {  	_ =	swait.ge [sflag:s18], $0x4000  }
0x2f: {  	[sflag:s18] =	ssyncset.done $0x0  }
0x30: {  	s30 =	simm.s32 $0x1400;
	[sflag:s18] =	ssyncadd.s32 $0xFFFFC000  }
0x31: {  	[spmem:s3] =	stream.indirect.scatter.add.f32 [tilespmem:s16], [sflag:$0x3], $0x80, s30, s15, $0xb8;
	[tilespmem:$0x1E800] =	vst v63  }
0x32: {  	_ =	swait.ge [sflag:s19], $0x4000  }
0x33: {  	[sflag:s19] =	ssyncset.done $0x0  }
0x34: {  	s31 =	simm.s32 $0x1480;
	[sflag:s19] =	ssyncadd.s32 $0xFFFFC000  }
0x35: {  	[spmem:s3] =	stream.indirect.scatter.add.f32 [tilespmem:s17], [sflag:$0x4], $0x80, s31, s15, $0xb8;
	[tilespmem:$0x1E800] =	vst v63  }
0x36: {  	_ =	swait.ge [sflag:s20], $0x4000  }
0x37: {  	[sflag:s20] =	ssyncset.done $0x0  }
0x38: {  	[sflag:s20] =	ssyncadd.s32 $0xFFFFC000  }
0x39: {  	_ =	swait.ge [sflag:s21], $0x4000  }
0x3a: {  	s24 =	simm.s32 $0x800;
	s23 =	simm.s32 $0x400;
	[sflag:s21] =	ssyncset.done $0x0  }
.LBB2_3:
0x3b: {  	s25 =	sshra.s32 s23, $0x2  }
0x3c: {  	[sflag:s21] =	ssyncadd.s32 $0xFFFFC000;
	s23 =	smov.u32 s24;
	s26 =	sadd.s32 $0x400, s24  }
0x3d: {  	[tilespmem:s16], [sflag:$0x1] =	stream.indirect.gather [hbm4b:s2+s15], $0x80, s25, s15, $0xb8;
	[tilespmem:$0x1E800] =	vst v63  }
0x3e: {  	p1 =	sne.s32 s24, $0x4C00;
	s24 =	sadd.s32 $0x80, s25  }
0x3f: {  	[tilespmem:s17], [sflag:$0x2] =	stream.indirect.gather [hbm4b:s2+s15], $0x80, s24, s15, $0xb8;
	[tilespmem:$0x1E800] =	vst v63  }
0x40: {  	_ =	swait.ge [sflag:s18], $0x4000  }
0x41: {  	[sflag:s18] =	ssyncset.done $0x0  }
0x42: {  	s24 =	sadd.s32 $0x1400, s25;
	[sflag:s18] =	ssyncadd.s32 $0xFFFFC000  }
0x43: {  	[spmem:s3] =	stream.indirect.scatter.add.f32 [tilespmem:s16], [sflag:$0x3], $0x80, s24, s15, $0xb8;
	[tilespmem:$0x1E800] =	vst v63  }
0x44: {  	_ =	swait.ge [sflag:s19], $0x4000  }
0x45: {  	[sflag:s19] =	ssyncset.done $0x0  }
0x46: {  	s24 =	sadd.s32 $0x1480, s25;
	[sflag:s19] =	ssyncadd.s32 $0xFFFFC000  }
0x47: {  	[spmem:s3] =	stream.indirect.scatter.add.f32 [tilespmem:s17], [sflag:$0x4], $0x80, s24, s15, $0xb8;
	[tilespmem:$0x1E800] =	vst v63  }
.Ltmp3:
0x48: {  	_ =	swait.ge [sflag:s20], $0x4000;
	(pc) =	sbr.rel @p1 .LBB2_3-.Ltmp3, $4  }
0x49: {  	[sflag:s20] =	ssyncset.done $0x0  }
0x4a: {  	[sflag:s20] =	ssyncadd.s32 $0xFFFFC000  }
0x4b: {  	_ =	swait.ge [sflag:s21], $0x4000  }
0x4c: {  	s24 =	smov.u32 s26;
	[sflag:s21] =	ssyncset.done $0x0  }
0x4d: {  	s23 =	sshra.s32 s23, $0x2;
	[sflag:s21] =	ssyncadd.s32 $0xFFFFC000  }
0x4e: {  	[tilespmem:s16], [sflag:$0x1] =	stream.indirect.gather [hbm4b:s2+s15], $0x80, s23, s15, $0xb8;
	[tilespmem:$0x1E800] =	vst v63  }
0x4f: {  	s24 =	sadd.s32 $0x80, s23  }
0x50: {  	[tilespmem:s17], [sflag:$0x2] =	stream.indirect.gather [hbm4b:s2+s15], $0x80, s24, s15, $0xb8;
	[tilespmem:$0x1E800] =	vst v63  }
0x51: {  	_ =	swait.ge [sflag:s18], $0x4000  }
0x52: {  	[sflag:s18] =	ssyncset.done $0x0  }
0x53: {  	s31 =	sadd.s32 $0x1400, s23;
	[sflag:s18] =	ssyncadd.s32 $0xFFFFC000  }
0x54: {  	[spmem:s3] =	stream.indirect.scatter.add.f32 [tilespmem:s16], [sflag:$0x3], $0x80, s31, s15, $0xb8;
	[tilespmem:$0x1E800] =	vst v63  }
0x55: {  	_ =	swait.ge [sflag:s19], $0x4000  }
0x56: {  	[sflag:s19] =	ssyncset.done $0x0  }
0x57: {  	s22 =	sadd.s32 $0x1, s22;
	s23 =	sadd.s32 $0x1480, s23;
	[sflag:s19] =	ssyncadd.s32 $0xFFFFC000  }
0x58: {  	[spmem:s3] =	stream.indirect.scatter.add.f32 [tilespmem:s17], [sflag:$0x4], $0x80, s23, s15, $0xb8;
	[tilespmem:$0x1E800] =	vst v63  }
0x59: {  	p1 =	sne.s32 s22, $0x4;
	_ =	swait.ge [sflag:s20], $0x4000  }
.Ltmp4:
0x5a: {  	[sflag:s20] =	ssyncset.done $0x0;
	(pc) =	sbr.rel @p1 .LBB2_2-.Ltmp4, $4  }
.Ltmp5:
0x5b: {  	[sflag:s20] =	ssyncadd.s32 $0xFFFFC000;
	(pc) =	sbr.rel @!p1 .LBB2_5-.Ltmp5, $4  }
0x5c: {  	_ =	swait.ge [sflag:s21], $0x4000  }
0x5d: {  	[sflag:s21] =	ssyncset.done $0x0  }
0x5e: {  	[sflag:s21] =	ssyncadd.s32 $0xFFFFC000  }
0x5f: {  	_ = 	snop  }
.LBB2_6:
0x60: {  	_ =	sfence.sel $0x180000  }
0x61: {  	[bflag:$0x0] =	sbarrier.arrive $0xFFFF  }
0x62: {  	p0 =	sne.s32 s1, $0x0;
	_ =	strace $0x9000004A  }
0x63: {  	s0 =	sadd.s32 @!p0 $0x100000, s0;
	[bflag:$0x2] =	sbarrier.arrive $0xFFFF  }
0x64: {  	[sflag:s0] =	ssyncadd.tile.s32 @!p0 $0x1;
	_ =	shalt  }
.Lfunc_end2:
_tile_overlayer_lowered:
.L_overlay_start_2:
0x65: {  	(tag) =	ssettag $0x2  }
0x66: {  	s0 =	rddreg [dreg:$0x0];
	s2 =	stileid.u32  }
0x67: {  	s1 =	rddreg [dreg:$0x1];
	p0 =	sne.s32 s2, $0x0  }
0x68: {  	s3 =	rddreg [dreg:$0x2];
	[bflag:$0x3] =	sbarrier.arrive $0xFFFF;
	s2 =	simm.s32 @!p0 $0x1C05  }
0x69: {  	[timem:s3], [sflag:s2] =	dma.local @!p0 [hbm:s0], s1  }
0x6a: {  	s0 =	simm.s32 @!p0 $0x5  }
0x6b: {  	_ =	swait.ge @!p0 [sflag:s0], s1  }
0x6c: {  	s1 =	ssub.s32 @!p0 $0x0, s1;
	[sflag:s0] =	ssyncset.done @!p0 $0x0  }
0x6d: {  	[sflag:s0] =	ssyncadd.s32 @!p0 s1  }
0x6e: {  	[bflag:$0x3] =	sbarrier.arrive $0xFFFF  }
0x6f: {  	_ =	shalt  }

// kernel: kernel.15.cloned.1.call-start
scs
__scs_entry_jumppad:
0x0: {  	(pc) =	sbr.rel $0x88, $3  }
0x1: {  	(tag) =	ssettag $0x0;
	lr =	simm.s32 $0x1  }
0x2: {  	[smem:$0x3F88] =	sst lr;
	_ =	strace $0xD0000000  }
0x3: {  	_ = 	snop  }
0x4: {  	_ = 	snop  }
0x5: {  	_ = 	snop  }
0x6: {  	_ = 	snop  }
0x7: {  	_ = 	snop  }
__scs_overlays_trampoline_lowered:
0x8: {  	[smem:$0x3F97] =	sst s0  }
0x9: {  	[smem:$0x3F98] =	sst s1  }
0xa: {  	[smem:$0x3F99] =	sst s2  }
0xb: {  	[smem:$0x3F9A] =	sst s3  }
0xc: {  	[smem:$0x3F9B] =	sst s4  }
0xd: {  	[smem:$0x3F9C] =	sst s5  }
0xe: {  	[smem:$0x3F9D] =	sst s6  }
0xf: {  	[smem:$0x3F9E] =	sst s7  }
0x10: {  	[smem:$0x3F9F] =	sst s8  }
0x11: {  	[smem:$0x3FA0] =	sst s9;
	s0 =	simm.s32 @!p0 $0x0  }
0x12: {  	s1 =	sld [smem:$0x3F86];
	s0 =	simm.s32 @p0 $0x1  }
0x13: {  	[smem:$0x3FA1] =	sst s0;
	s0 =	simm.s32 @!p1 $0x0  }
0x14: {  	s2 =	sld [smem:$0x3F85];
	s0 =	simm.s32 @p1 $0x1  }
0x15: {  	[smem:$0x3FA2] =	sst s0;
	s0 =	simm.s32 @!p2 $0x0  }
0x16: {  	s3 =	sld [smem:$0x3FDB];
	s0 =	simm.s32 @p2 $0x1  }
0x17: {  	s4 =	simm.s32 $0x1BF5;
	[smem:$0x3FA4] =	sst s0  }
0x18: {  	s0 =	sld [smem:$0x3F87];
	_ =	swait.ge [sflag:s4], $0x0  }
0x19: {  	s7 =	sld [smem:$0x3F88]  }
0x1a: {  	s8 =	sadd.s32 $0xFFFFE003, lr  }
0x1b: {  	s9 =	sadd.s32 $0xFFFFFEF7, lr;
	s5 =	simm.s32 $0xFFFFFFFF;
	p2 =	slt.u32 s8, $0xFFFFF086  }
0x1c: {  	p1 =	slt.u32 s9, $0xF7A;
	s5 =	simm.s32 @!p2 $0x0  }
0x1d: {  	s5 =	simm.s32 @p1 $0x1;
	p0 =	seq.s32 s7, s2  }
0x1e: {  	s7 =	smul.u32 @!p0 $0xF7A, s2;
	p2 =	seq.s32 @!p0 s5, $0x0  }
0x1f: {  	s9 =	smul.u32 $0xF7A, s1;
	s8 =	simm.s32 @!p0 $0x1BF5;
	p2 =	por !p2, p0  }
0x20: {  	[sflag:s8] =	ssyncset.s32 @!p0 $0xFFFFF086;
	s6 =	sadd.s32 @!p0 s3, s7;
	s7 =	simm.s32 @!p0 $0x108  }
0x21: {  	s3 =	sadd.s32 s3, s9;
	s6 =	sadd.s32 @!p0 $0x88, s6;
	s7 =	simm.s32 @p2 $0x1082  }
0x22: {  	[simem:s7], [sflag:s8] =	dma.local @!p0 [hbm:s6], $0xF7A  }
0x23: {  	s9 =	sor.u32 $0xD0000000, s2;
	s6 =	simm.s32 $0x108;
	_ =	swait.ge @!p0 [sflag:s8], $0x0  }
0x24: {  	s3 =	sadd.s32 $0x88, s3;
	s6 =	simm.s32 @!p1 $0x1082;
	[sflag:s4] =	ssyncset.s32 $0xFFFFF086  }
0x25: {  	[simem:s6], [sflag:s4] =	dma.local [hbm:s3], $0xF7A  }
0x26: {  	[smem:$0x3F88] =	sst s1;
	(tag) =	ssettag s2;
	_ =	strace s9  }
0x27: {  	s1 =	sld [smem:$0x3F98]  }
0x28: {  	s2 =	sld [smem:$0x3F99]  }
0x29: {  	s4 =	sld [smem:$0x3F9B]  }
0x2a: {  	p0 =	seq.s32 s5, $0x0;
	s5 =	sld [smem:$0x3F9C]  }
0x2b: {  	s6 =	sld [smem:$0x3F9D]  }
0x2c: {  	s7 =	sld [smem:$0x3F9E]  }
0x2d: {  	s3 =	simm.s32 $0x108;
	s8 =	sld [smem:$0x3F9F]  }
0x2e: {  	s3 =	simm.s32 @!p0 $0x1082;
	s9 =	sld [smem:$0x3FA0]  }
0x2f: {  	lr =	sadd.s32 s0, s3;
	s0 =	sld [smem:$0x3F97]  }
0x30: {  	s3 =	sld [smem:$0x3F9A]  }
0x31: {  	[smem:$0x3FA3] =	sst s10  }
0x32: {  	s10 =	sld [smem:$0x3FA1];
	_ =	sdelay $0x3  }
0x33: {  	p0 =	seq.s32 s10, $0x1;
	s10 =	sld [smem:$0x3FA3];
	_ =	sdelay $0x3  }
0x34: {  	[smem:$0x3FA3] =	sst s10  }
0x35: {  	s10 =	sld [smem:$0x3FA2];
	_ =	sdelay $0x3  }
0x36: {  	p1 =	seq.s32 s10, $0x1;
	s10 =	sld [smem:$0x3FA3];
	_ =	sdelay $0x3  }
0x37: {  	[smem:$0x3FA3] =	sst s10  }
0x38: {  	s10 =	sld [smem:$0x3FA4]  }
0x39: {  	_ = 	snop;
	(pc) =	sbr.ind lr, $3  }
0x3a: {  	_ = 	snop  }
0x3b: {  	_ = 	snop  }
0x3c: {  	p2 =	seq.s32 s10, $0x1;
	s10 =	sld [smem:$0x3FA3]  }
0x3d: {  	_ =	shalt  }
0x3e: {  	_ =	shalt  }
0x3f: {  	_ =	shalt  }
0x40: {  	_ =	shalt  }
0x41: {  	_ =	shalt  }
0x42: {  	_ =	shalt  }
0x43: {  	_ =	shalt  }
0x44: {  	_ =	shalt  }
0x45: {  	_ =	shalt  }
0x46: {  	_ =	shalt  }
0x47: {  	_ =	shalt  }
0x48: {  	_ =	shalt  }
0x49: {  	_ =	shalt  }
0x4a: {  	_ =	shalt  }
0x4b: {  	_ =	shalt  }
0x4c: {  	_ =	shalt  }
0x4d: {  	_ =	shalt  }
0x4e: {  	_ =	shalt  }
0x4f: {  	_ =	shalt  }
0x50: {  	_ =	shalt  }
0x51: {  	_ =	shalt  }
0x52: {  	_ =	shalt  }
0x53: {  	_ =	shalt  }
0x54: {  	_ =	shalt  }
0x55: {  	_ =	shalt  }
0x56: {  	_ =	shalt  }
0x57: {  	_ =	shalt  }
0x58: {  	_ =	shalt  }
0x59: {  	_ =	shalt  }
0x5a: {  	_ =	shalt  }
0x5b: {  	_ =	shalt  }
0x5c: {  	_ =	shalt  }
0x5d: {  	_ =	shalt  }
0x5e: {  	_ =	shalt  }
0x5f: {  	_ =	shalt  }
0x60: {  	_ =	shalt  }
0x61: {  	_ =	shalt  }
0x62: {  	_ =	shalt  }
0x63: {  	_ =	shalt  }
0x64: {  	_ =	shalt  }
0x65: {  	_ =	shalt  }
0x66: {  	_ =	shalt  }
0x67: {  	_ =	shalt  }
0x68: {  	_ =	shalt  }
0x69: {  	_ =	shalt  }
0x6a: {  	_ =	shalt  }
0x6b: {  	_ =	shalt  }
0x6c: {  	_ =	shalt  }
0x6d: {  	_ =	shalt  }
0x6e: {  	_ =	shalt  }
0x6f: {  	_ =	shalt  }
0x70: {  	_ =	shalt  }
0x71: {  	_ =	shalt  }
0x72: {  	_ =	shalt  }
0x73: {  	_ =	shalt  }
0x74: {  	_ =	shalt  }
0x75: {  	_ =	shalt  }
0x76: {  	_ =	shalt  }
0x77: {  	_ =	shalt  }
0x78: {  	_ =	shalt  }
0x79: {  	_ =	shalt  }
0x7a: {  	_ =	shalt  }
0x7b: {  	_ =	shalt  }
0x7c: {  	_ =	shalt  }
0x7d: {  	_ =	shalt  }
0x7e: {  	_ =	shalt  }
0x7f: {  	_ =	shalt  }
0x80: {  	_ =	shalt  }
0x81: {  	_ =	shalt  }
0x82: {  	_ =	shalt  }
0x83: {  	_ =	shalt  }
0x84: {  	_ =	shalt  }
0x85: {  	_ =	shalt  }
0x86: {  	_ =	shalt  }
0x87: {  	_ =	shalt  }
.Lfunc_end0:
.L_simem_size_0:
called_computation.2_lowered:
.L_overlay_start_0:
0x88: {  	s2 =	sld [smem:$0x3FD9]  }
0x89: {  	s3 =	sld [smem:$0x3FFE];
	_ =	sdelay $0x1  }
0x8a: {  	s1 =	srdreg.scid  }
0x8b: {  	s0 =	sand.u32 $0x1, s1  }
0x8c: {  	s16 =	sshll.u32 s0, $0xA;
	s2 =	sadd.s32 s3, s2  }
0x8d: {  	s2 =	sadd.s32 s2, s16  }
0x8e: {  	[smem:$0x3FAF] =	sst s2  }
0x8f: {  	_ = 	snop  }
0x90: {  	(tm) =	ssettm $0x1  }
0x91: {  	s17 =	sld [smem:$0x3FFB];
	_ =	sdelay $0x3  }
0x92: {  	_ =	strace s17  }
0x93: {  	s2 =	sld [smem:$0x3FFC];
	_ =	sdelay $0x3  }
0x94: {  	_ =	strace s2  }
0x95: {  	s2 =	sld [smem:$0x3FFD];
	_ =	sdelay $0x3  }
0x96: {  	_ =	strace s2  }
0x97: {  	_ =	strace $0x8FFFFFFF  }
0x98: {  	s18 =	sld [smem:$0x3FDB];
	_ =	sdelay $0x1  }
0x99: {  	s19 =	simm.s32 $_scs_section_size  }
0x9a: {  	s4 =	simm.s32 $_size__tile_overlayer_lowered;
	s5 =	simm.s32 $_tile_overlayer_lowered  }
0x9b: {  	s22 =	simm.s32 $0x1BFF;
	s21 =	sshll.u32 s5, $0x1;
	s2 =	sadd.s32 s19, s18  }
0x9c: {  	s6 =	simm.s32 $0x0;
	s20 =	sshll.u32 s4, $0x1;
	s4 =	sadd.s32 s21, s2  }
0x9d: {  	[timem:s6], [sflag:s22] =	dma.local [hbm:s4], s20  }
0x9e: {  	_ =	swait.ge [sflag:s22], s20  }
0x9f: {  	s3 =	ssub.s32 $0x0, s20;
	[sflag:s22] =	ssyncset.done $0x0  }
0xa0: {  	[sflag:s22] =	ssyncadd.s32 s3;
	_ =	sdelay $0x1  }
0xa1: {  	s23 =	simm.s32 $0x1B8B  }
0xa2: {  	_ =	swait.ge [sflag:s23], $0x1  }
0xa3: {  	[sflag:s23] =	ssyncset.done $0x0  }
0xa4: {  	s25 =	simm.s32 $0x1B8E;
	s24 =	sld [smem:$0x3FFE];
	[sflag:s23] =	ssyncadd.s32 $0xFFFFFFFF  }
0xa5: {  	s26 =	simm.s32 $execute0_lowered;
	[smem:$0x3FD2] =	sst s25  }
0xa6: {  	s4 =	sshll.u32 s26, $0x1;
	_ =	strace $0x8000004C;
	[dreg:$0x1] =	wrdreg $0xFFFFFFFF  }
0xa7: {  	s28 =	simm.s32 $_size_execute0_lowered;
	s2 =	sadd.s32 s2, s4;
	[dreg:$0x0] =	wrdreg $0x0  }
0xa8: {  	s4 =	sshll.u32 s28, $0x1;
	[dreg:$0x2] =	wrdreg s2  }
0xa9: {  	[dreg:$0x3] =	wrdreg s4  }
0xaa: {  	[dreg:$0x4] =	wrdreg $0xC0  }
0xab: {  	_ =	task [dreg:s6], $0x5FFFF  }
0xac: {  	[dreg:$0x1] =	wrdreg $0xFFFFFFFF  }
0xad: {  	[dreg:$0x0] =	wrdreg $0x60  }
0xae: {  	[dreg:$0x2] =	wrdreg s24  }
0xaf: {  	[dreg:$0x3] =	wrdreg $0xA8000  }
0xb0: {  	[dreg:$0x4] =	wrdreg $0x9  }
0xb1: {  	_ =	task.clear_ibuf [dreg:s6], $0x5FFFF;
	_ =	strace $0x9000004C  }
0xb2: {  	s29 =	simm.s32 $0x9;
	_ =	strace $0x8000004E  }
0xb3: {  	_ =	swait.ge [sflag:s29], $0x1  }
0xb4: {  	[sflag:s29] =	ssyncadd.s32 $0xFFFFFFFF  }
0xb5: {  	_ =	strace $0x9000004E  }
0xb6: {  	_ =	sfence  }
0xb7: {  	s30 =	sld [smem:$0x0];
	_ =	sdelay $0x2  }
0xb8: {  	s31 =	sshll.u32 s1, $0xD;
	s1 =	sshrl.u32 s1, $0x2  }
0xb9: {  	s3 =	sand.u32 $0x4000, s31;
	s1 =	sadd.s32 s1, s30  }
0xba: {  	s0 =	sor.u32 s3, s0;
	s1 =	sshll.u32 s1, $0x11  }
0xbb: {  	s0 =	sor.u32 s1, s0  }
0xbc: {  	s0 =	sadd.s32 $0x8F2B, s0  }
0xbd: {  	[sflag:s0] =	ssyncadd.remote.s32 $0x1  }
0xbe: {  	_ =	sfence.sel $0xFFFF  }
0xbf: {  	[dreg:$0x0] =	wrdreg $0xFFFFFFFF;
	(pc) =	sbr.abs _section_cstart, $3  }
0xc0: {  	[dreg:$0x1] =	wrdreg $0xFFFFFFFF  }
0xc1: {  	_ =	task.clear_ibuf [dreg:s6], $0x2FFFF;
	_ =	strace $0x9FFFFFFF  }
0xc2: {  	(tm) =	ssettm $0x7FFFFFFF  }
0xc3: {  	_ =	shalt  }
tec
execute0_lowered:
.L_overlay_start_1:
0x0: {  	(tag) =	ssettag $0x1  }
0x1: {  	s7 =	rddreg [dreg:$0x0]  }
0x2: {  	s2 =	rddreg [dreg:$0x1]  }
0x3: {  	s0 =	rddreg [dreg:$0x2]  }
0x4: {  	s1 =	stileid.u32;
	s4 =	srdreg.scid  }
0x5: {  	s3 =	simm.s32 $0x0;
	s15 =	simm.s32 $0x80;
	s16 =	simm.s32 $0x2800  }
0x6: {  	s17 =	simm.s32 $0x6800;
	s18 =	simm.s32 $0x1;
	s19 =	simm.s32 $0x2  }
0x7: {  	s20 =	simm.s32 $0x3;
	s21 =	simm.s32 $0x4;
	s8 =	smul.u32 $0x14000, s1  }
0x8: {  	s9 =	sand.u32 $0x1, s4;
	[smem:$0x7FF] =	sst s3;
	s4 =	sadd.s32 $0xAB800, s7  }
0x9: {  	s5 =	sadd.s32 $0x79800, s7;
	s6 =	sadd.s32 $0x18000, s7;
	s12 =	smul.u32 $0x50000, s1  }
0xa: {  	s31 =	sshll.u32 s1, $0x6;
	s10 =	smul.u32 $0x140000, s9;
	_ =	strace $0x8000004D  }
0xb: {  	s28 =	ssub.s32 $0x2, s9;
	p0 =	seq.s32 s9, $0x1;
	s9 =	sor.u32 $0x1C05, s31  }
0xc: {  	s11 =	sshrl.u32 s8, $0x3;
	s29 =	sshrl.u32 s28, $0x1;
	s30 =	sshrl.u32 s12, $0x2  }
.Ltmp0:
0xd: {  	s8 =	sadd.s32 s8, s10;
	s11 =	sadd.s32 s11, s7;
	(pc) =	sbr.rel .LBB2_1-.Ltmp0, $4  }
0xe: {  	s14 =	ssub.s32 s28, s29;
	s12 =	sadd.s32 s30, s2;
	s8 =	sshrl.u32 s8, $0x3  }
0xf: {  	s12 =	sshrl.u32 s12, $0x3;
	s13 =	sadd.s32 s8, s7;
	s7 =	smul.u32 $0xA0, s1  }
0x10: {  	s8 =	sadd.s32 $0x83800, s11;
	s11 =	smax.u32 s14, $0x1;
	s14 =	simm.s32 $0x1400  }
0x11: {  	s10 =	sadd.s32 $0xD2A00, s13;
	s13 =	simm.s32 $0x5;
	s7 =	simm.s32 @!p0 $0x0  }
.LBB2_5:
0x12: {  	s3 =	sadd.s32 $0x1, s3  }
0x13: {  	p1 =	sne.s32 s3, s11  }
.Ltmp1:
0x14: {  	[bflag:$0x0] =	sbarrier.arrive $0xFFFF;
	(pc) =	sbr.rel @!p1 .LBB2_6-.Ltmp1, $4  }
0x15: {  	[hbm:s10], [sflag:s9] =	dma.local [spmem:s12], $0x2800  }
0x16: {  	_ =	swait.ge [sflag:s13], $0x2800  }
0x17: {  	[sflag:s13] =	ssyncset.done $0x0  }
0x18: {  	[sflag:s13] =	ssyncadd.s32 $0xFFFFD800  }
.LBB2_1:
0x19: {  	[spmem:s12], [sflag:s9] =	dma.local [hbm:s8], $0x2800  }
.Ltmp2:
0x1a: {  	_ =	swait.ge [sflag:s13], $0x2800;
	(pc) =	sbr.rel @!p0 .LBB2_5-.Ltmp2, $4  }
0x1b: {  	[sflag:s13] =	ssyncset.done $0x0  }
0x1c: {  	[sflag:s13] =	ssyncadd.s32 $0xFFFFD800  }
0x1d: {  	[bflag:$0x0] =	sbarrier.arrive $0xFFFF  }
0x1e: {  	s22 =	simm.s32 $0x0  }
.LBB2_2:
0x1f: {  	s23 =	smul.u32 $0x28, s22;
	_ =	sdelay $0x1  }
0x20: {  	s23 =	sadd.s32 s7, s23  }
0x21: {  	s23 =	sshll.u32 s23, $0x4  }
0x22: {  	s25 =	simm.s32 $0x0;
	s24 =	sadd.s32 s5, s23  }
0x23: {  	[tilespmem:s25], [sflag:$0x5] =	stream.linear.gather [hbm4b:s24+s25], $0x1400, $0x38;
	[tilespmem:$0x1E800] =	vst v63  }
0x24: {  	_ =	swait.ge [sflag:s13], $0x1400  }
0x25: {  	[sflag:s13] =	ssyncset.done $0x0  }
0x26: {  	s23 =	sadd.s32 s6, s23;
	[sflag:s13] =	ssyncadd.s32 $0xFFFFEC00  }
0x27: {  	[tilespmem:s14], [sflag:$0x5] =	stream.linear.gather [hbm4b:s23+s25], $0x1400, $0x38;
	[tilespmem:$0x1E800] =	vst v63  }
0x28: {  	_ =	swait.ge [sflag:s13], $0x1400  }
0x29: {  	[sflag:s13] =	ssyncset.done $0x0  }
0x2a: {  	s28 =	simm.s32 $0x0;
	[sflag:s13] =	ssyncadd.s32 $0xFFFFEC00  }
0x2b: {  	[tilespmem:s16], [sflag:$0x1] =	stream.indirect.gather [hbm4b:s4+s15], $0x80, s28, s15, $0xb8;
	[tilespmem:$0x1E800] =	vst v63  }
0x2c: {  	s29 =	simm.s32 $0x80  }
0x2d: {  	[tilespmem:s17], [sflag:$0x2] =	stream.indirect.gather [hbm4b:s4+s15], $0x80, s29, s15, $0xb8;
	[tilespmem:$0x1E800] =	vst v63  }
0x2e: {  	_ =	swait.ge [sflag:s18], $0x4000  }
0x2f: {  	[sflag:s18] =	ssyncset.done $0x0  }
0x30: {  	s30 =	simm.s32 $0x1400;
	[sflag:s18] =	ssyncadd.s32 $0xFFFFC000  }
0x31: {  	[spmem:s2] =	stream.indirect.scatter.add.f32 [tilespmem:s16], [sflag:$0x3], $0x80, s30, s15, $0xb8;
	[tilespmem:$0x1E800] =	vst v63  }
0x32: {  	_ =	swait.ge [sflag:s19], $0x4000  }
0x33: {  	[sflag:s19] =	ssyncset.done $0x0  }
0x34: {  	s31 =	simm.s32 $0x1480;
	[sflag:s19] =	ssyncadd.s32 $0xFFFFC000  }
0x35: {  	[spmem:s2] =	stream.indirect.scatter.add.f32 [tilespmem:s17], [sflag:$0x4], $0x80, s31, s15, $0xb8;
	[tilespmem:$0x1E800] =	vst v63  }
0x36: {  	_ =	swait.ge [sflag:s20], $0x4000  }
0x37: {  	[sflag:s20] =	ssyncset.done $0x0  }
0x38: {  	[sflag:s20] =	ssyncadd.s32 $0xFFFFC000  }
0x39: {  	_ =	swait.ge [sflag:s21], $0x4000  }
0x3a: {  	s24 =	simm.s32 $0x800;
	s23 =	simm.s32 $0x400;
	[sflag:s21] =	ssyncset.done $0x0  }
.LBB2_3:
0x3b: {  	s25 =	sshra.s32 s23, $0x2  }
0x3c: {  	[sflag:s21] =	ssyncadd.s32 $0xFFFFC000;
	s23 =	smov.u32 s24;
	s26 =	sadd.s32 $0x400, s24  }
0x3d: {  	[tilespmem:s16], [sflag:$0x1] =	stream.indirect.gather [hbm4b:s4+s15], $0x80, s25, s15, $0xb8;
	[tilespmem:$0x1E800] =	vst v63  }
0x3e: {  	p1 =	sne.s32 s24, $0x4C00;
	s24 =	sadd.s32 $0x80, s25  }
0x3f: {  	[tilespmem:s17], [sflag:$0x2] =	stream.indirect.gather [hbm4b:s4+s15], $0x80, s24, s15, $0xb8;
	[tilespmem:$0x1E800] =	vst v63  }
0x40: {  	_ =	swait.ge [sflag:s18], $0x4000  }
0x41: {  	[sflag:s18] =	ssyncset.done $0x0  }
0x42: {  	s24 =	sadd.s32 $0x1400, s25;
	[sflag:s18] =	ssyncadd.s32 $0xFFFFC000  }
0x43: {  	[spmem:s2] =	stream.indirect.scatter.add.f32 [tilespmem:s16], [sflag:$0x3], $0x80, s24, s15, $0xb8;
	[tilespmem:$0x1E800] =	vst v63  }
0x44: {  	_ =	swait.ge [sflag:s19], $0x4000  }
0x45: {  	[sflag:s19] =	ssyncset.done $0x0  }
0x46: {  	s24 =	sadd.s32 $0x1480, s25;
	[sflag:s19] =	ssyncadd.s32 $0xFFFFC000  }
0x47: {  	[spmem:s2] =	stream.indirect.scatter.add.f32 [tilespmem:s17], [sflag:$0x4], $0x80, s24, s15, $0xb8;
	[tilespmem:$0x1E800] =	vst v63  }
.Ltmp3:
0x48: {  	_ =	swait.ge [sflag:s20], $0x4000;
	(pc) =	sbr.rel @p1 .LBB2_3-.Ltmp3, $4  }
0x49: {  	[sflag:s20] =	ssyncset.done $0x0  }
0x4a: {  	[sflag:s20] =	ssyncadd.s32 $0xFFFFC000  }
0x4b: {  	_ =	swait.ge [sflag:s21], $0x4000  }
0x4c: {  	s24 =	smov.u32 s26;
	[sflag:s21] =	ssyncset.done $0x0  }
0x4d: {  	s23 =	sshra.s32 s23, $0x2;
	[sflag:s21] =	ssyncadd.s32 $0xFFFFC000  }
0x4e: {  	[tilespmem:s16], [sflag:$0x1] =	stream.indirect.gather [hbm4b:s4+s15], $0x80, s23, s15, $0xb8;
	[tilespmem:$0x1E800] =	vst v63  }
0x4f: {  	s24 =	sadd.s32 $0x80, s23  }
0x50: {  	[tilespmem:s17], [sflag:$0x2] =	stream.indirect.gather [hbm4b:s4+s15], $0x80, s24, s15, $0xb8;
	[tilespmem:$0x1E800] =	vst v63  }
0x51: {  	_ =	swait.ge [sflag:s18], $0x4000  }
0x52: {  	[sflag:s18] =	ssyncset.done $0x0  }
0x53: {  	s31 =	sadd.s32 $0x1400, s23;
	[sflag:s18] =	ssyncadd.s32 $0xFFFFC000  }
0x54: {  	[spmem:s2] =	stream.indirect.scatter.add.f32 [tilespmem:s16], [sflag:$0x3], $0x80, s31, s15, $0xb8;
	[tilespmem:$0x1E800] =	vst v63  }
0x55: {  	_ =	swait.ge [sflag:s19], $0x4000  }
0x56: {  	[sflag:s19] =	ssyncset.done $0x0  }
0x57: {  	s22 =	sadd.s32 $0x1, s22;
	s23 =	sadd.s32 $0x1480, s23;
	[sflag:s19] =	ssyncadd.s32 $0xFFFFC000  }
0x58: {  	[spmem:s2] =	stream.indirect.scatter.add.f32 [tilespmem:s17], [sflag:$0x4], $0x80, s23, s15, $0xb8;
	[tilespmem:$0x1E800] =	vst v63  }
0x59: {  	p1 =	sne.s32 s22, $0x4;
	_ =	swait.ge [sflag:s20], $0x4000  }
.Ltmp4:
0x5a: {  	[sflag:s20] =	ssyncset.done $0x0;
	(pc) =	sbr.rel @p1 .LBB2_2-.Ltmp4, $4  }
.Ltmp5:
0x5b: {  	[sflag:s20] =	ssyncadd.s32 $0xFFFFC000;
	(pc) =	sbr.rel @!p1 .LBB2_5-.Ltmp5, $4  }
0x5c: {  	_ =	swait.ge [sflag:s21], $0x4000  }
0x5d: {  	[sflag:s21] =	ssyncset.done $0x0  }
0x5e: {  	[sflag:s21] =	ssyncadd.s32 $0xFFFFC000  }
0x5f: {  	_ = 	snop  }
.LBB2_6:
0x60: {  	_ =	sfence.sel $0x180000  }
0x61: {  	[bflag:$0x0] =	sbarrier.arrive $0xFFFF  }
0x62: {  	p0 =	sne.s32 s1, $0x0;
	_ =	strace $0x9000004D  }
0x63: {  	s0 =	sadd.s32 @!p0 $0x100000, s0;
	[bflag:$0x2] =	sbarrier.arrive $0xFFFF  }
0x64: {  	[sflag:s0] =	ssyncadd.tile.s32 @!p0 $0x1;
	_ =	shalt  }
.Lfunc_end2:
_tile_overlayer_lowered:
.L_overlay_start_2:
0x65: {  	(tag) =	ssettag $0x2  }
0x66: {  	s0 =	rddreg [dreg:$0x0];
	s2 =	stileid.u32  }
0x67: {  	s1 =	rddreg [dreg:$0x1];
	p0 =	sne.s32 s2, $0x0  }
0x68: {  	s3 =	rddreg [dreg:$0x2];
	[bflag:$0x3] =	sbarrier.arrive $0xFFFF;
	s2 =	simm.s32 @!p0 $0x1C05  }
0x69: {  	[timem:s3], [sflag:s2] =	dma.local @!p0 [hbm:s0], s1  }
0x6a: {  	s0 =	simm.s32 @!p0 $0x5  }
0x6b: {  	_ =	swait.ge @!p0 [sflag:s0], s1  }
0x6c: {  	s1 =	ssub.s32 @!p0 $0x0, s1;
	[sflag:s0] =	ssyncset.done @!p0 $0x0  }
0x6d: {  	[sflag:s0] =	ssyncadd.s32 @!p0 s1  }
0x6e: {  	[bflag:$0x3] =	sbarrier.arrive $0xFFFF  }
0x6f: {  	_ =	shalt  }

// kernel: kernel.9.cloned.1.call-start
scs
__scs_entry_jumppad:
0x0: {  	(pc) =	sbr.rel $0x88, $3  }
0x1: {  	(tag) =	ssettag $0x0;
	lr =	simm.s32 $0x1  }
0x2: {  	[smem:$0x3F88] =	sst lr;
	_ =	strace $0xD0000000  }
0x3: {  	_ = 	snop  }
0x4: {  	_ = 	snop  }
0x5: {  	_ = 	snop  }
0x6: {  	_ = 	snop  }
0x7: {  	_ = 	snop  }
__scs_overlays_trampoline_lowered:
0x8: {  	[smem:$0x3F97] =	sst s0  }
0x9: {  	[smem:$0x3F98] =	sst s1  }
0xa: {  	[smem:$0x3F99] =	sst s2  }
0xb: {  	[smem:$0x3F9A] =	sst s3  }
0xc: {  	[smem:$0x3F9B] =	sst s4  }
0xd: {  	[smem:$0x3F9C] =	sst s5  }
0xe: {  	[smem:$0x3F9D] =	sst s6  }
0xf: {  	[smem:$0x3F9E] =	sst s7  }
0x10: {  	[smem:$0x3F9F] =	sst s8  }
0x11: {  	[smem:$0x3FA0] =	sst s9;
	s0 =	simm.s32 @!p0 $0x0  }
0x12: {  	s1 =	sld [smem:$0x3F86];
	s0 =	simm.s32 @p0 $0x1  }
0x13: {  	[smem:$0x3FA1] =	sst s0;
	s0 =	simm.s32 @!p1 $0x0  }
0x14: {  	s2 =	sld [smem:$0x3F85];
	s0 =	simm.s32 @p1 $0x1  }
0x15: {  	[smem:$0x3FA2] =	sst s0;
	s0 =	simm.s32 @!p2 $0x0  }
0x16: {  	s3 =	sld [smem:$0x3FDB];
	s0 =	simm.s32 @p2 $0x1  }
0x17: {  	s4 =	simm.s32 $0x1BF5;
	[smem:$0x3FA4] =	sst s0  }
0x18: {  	s0 =	sld [smem:$0x3F87];
	_ =	swait.ge [sflag:s4], $0x0  }
0x19: {  	s7 =	sld [smem:$0x3F88]  }
0x1a: {  	s8 =	sadd.s32 $0xFFFFE003, lr  }
0x1b: {  	s9 =	sadd.s32 $0xFFFFFEF7, lr;
	s5 =	simm.s32 $0xFFFFFFFF;
	p2 =	slt.u32 s8, $0xFFFFF086  }
0x1c: {  	p1 =	slt.u32 s9, $0xF7A;
	s5 =	simm.s32 @!p2 $0x0  }
0x1d: {  	s5 =	simm.s32 @p1 $0x1;
	p0 =	seq.s32 s7, s2  }
0x1e: {  	s7 =	smul.u32 @!p0 $0xF7A, s2;
	p2 =	seq.s32 @!p0 s5, $0x0  }
0x1f: {  	s9 =	smul.u32 $0xF7A, s1;
	s8 =	simm.s32 @!p0 $0x1BF5;
	p2 =	por !p2, p0  }
0x20: {  	[sflag:s8] =	ssyncset.s32 @!p0 $0xFFFFF086;
	s6 =	sadd.s32 @!p0 s3, s7;
	s7 =	simm.s32 @!p0 $0x108  }
0x21: {  	s3 =	sadd.s32 s3, s9;
	s6 =	sadd.s32 @!p0 $0x88, s6;
	s7 =	simm.s32 @p2 $0x1082  }
0x22: {  	[simem:s7], [sflag:s8] =	dma.local @!p0 [hbm:s6], $0xF7A  }
0x23: {  	s9 =	sor.u32 $0xD0000000, s2;
	s6 =	simm.s32 $0x108;
	_ =	swait.ge @!p0 [sflag:s8], $0x0  }
0x24: {  	s3 =	sadd.s32 $0x88, s3;
	s6 =	simm.s32 @!p1 $0x1082;
	[sflag:s4] =	ssyncset.s32 $0xFFFFF086  }
0x25: {  	[simem:s6], [sflag:s4] =	dma.local [hbm:s3], $0xF7A  }
0x26: {  	[smem:$0x3F88] =	sst s1;
	(tag) =	ssettag s2;
	_ =	strace s9  }
0x27: {  	s1 =	sld [smem:$0x3F98]  }
0x28: {  	s2 =	sld [smem:$0x3F99]  }
0x29: {  	s4 =	sld [smem:$0x3F9B]  }
0x2a: {  	p0 =	seq.s32 s5, $0x0;
	s5 =	sld [smem:$0x3F9C]  }
0x2b: {  	s6 =	sld [smem:$0x3F9D]  }
0x2c: {  	s7 =	sld [smem:$0x3F9E]  }
0x2d: {  	s3 =	simm.s32 $0x108;
	s8 =	sld [smem:$0x3F9F]  }
0x2e: {  	s3 =	simm.s32 @!p0 $0x1082;
	s9 =	sld [smem:$0x3FA0]  }
0x2f: {  	lr =	sadd.s32 s0, s3;
	s0 =	sld [smem:$0x3F97]  }
0x30: {  	s3 =	sld [smem:$0x3F9A]  }
0x31: {  	[smem:$0x3FA3] =	sst s10  }
0x32: {  	s10 =	sld [smem:$0x3FA1];
	_ =	sdelay $0x3  }
0x33: {  	p0 =	seq.s32 s10, $0x1;
	s10 =	sld [smem:$0x3FA3];
	_ =	sdelay $0x3  }
0x34: {  	[smem:$0x3FA3] =	sst s10  }
0x35: {  	s10 =	sld [smem:$0x3FA2];
	_ =	sdelay $0x3  }
0x36: {  	p1 =	seq.s32 s10, $0x1;
	s10 =	sld [smem:$0x3FA3];
	_ =	sdelay $0x3  }
0x37: {  	[smem:$0x3FA3] =	sst s10  }
0x38: {  	s10 =	sld [smem:$0x3FA4]  }
0x39: {  	_ = 	snop;
	(pc) =	sbr.ind lr, $3  }
0x3a: {  	_ = 	snop  }
0x3b: {  	_ = 	snop  }
0x3c: {  	p2 =	seq.s32 s10, $0x1;
	s10 =	sld [smem:$0x3FA3]  }
0x3d: {  	_ =	shalt  }
0x3e: {  	_ =	shalt  }
0x3f: {  	_ =	shalt  }
0x40: {  	_ =	shalt  }
0x41: {  	_ =	shalt  }
0x42: {  	_ =	shalt  }
0x43: {  	_ =	shalt  }
0x44: {  	_ =	shalt  }
0x45: {  	_ =	shalt  }
0x46: {  	_ =	shalt  }
0x47: {  	_ =	shalt  }
0x48: {  	_ =	shalt  }
0x49: {  	_ =	shalt  }
0x4a: {  	_ =	shalt  }
0x4b: {  	_ =	shalt  }
0x4c: {  	_ =	shalt  }
0x4d: {  	_ =	shalt  }
0x4e: {  	_ =	shalt  }
0x4f: {  	_ =	shalt  }
0x50: {  	_ =	shalt  }
0x51: {  	_ =	shalt  }
0x52: {  	_ =	shalt  }
0x53: {  	_ =	shalt  }
0x54: {  	_ =	shalt  }
0x55: {  	_ =	shalt  }
0x56: {  	_ =	shalt  }
0x57: {  	_ =	shalt  }
0x58: {  	_ =	shalt  }
0x59: {  	_ =	shalt  }
0x5a: {  	_ =	shalt  }
0x5b: {  	_ =	shalt  }
0x5c: {  	_ =	shalt  }
0x5d: {  	_ =	shalt  }
0x5e: {  	_ =	shalt  }
0x5f: {  	_ =	shalt  }
0x60: {  	_ =	shalt  }
0x61: {  	_ =	shalt  }
0x62: {  	_ =	shalt  }
0x63: {  	_ =	shalt  }
0x64: {  	_ =	shalt  }
0x65: {  	_ =	shalt  }
0x66: {  	_ =	shalt  }
0x67: {  	_ =	shalt  }
0x68: {  	_ =	shalt  }
0x69: {  	_ =	shalt  }
0x6a: {  	_ =	shalt  }
0x6b: {  	_ =	shalt  }
0x6c: {  	_ =	shalt  }
0x6d: {  	_ =	shalt  }
0x6e: {  	_ =	shalt  }
0x6f: {  	_ =	shalt  }
0x70: {  	_ =	shalt  }
0x71: {  	_ =	shalt  }
0x72: {  	_ =	shalt  }
0x73: {  	_ =	shalt  }
0x74: {  	_ =	shalt  }
0x75: {  	_ =	shalt  }
0x76: {  	_ =	shalt  }
0x77: {  	_ =	shalt  }
0x78: {  	_ =	shalt  }
0x79: {  	_ =	shalt  }
0x7a: {  	_ =	shalt  }
0x7b: {  	_ =	shalt  }
0x7c: {  	_ =	shalt  }
0x7d: {  	_ =	shalt  }
0x7e: {  	_ =	shalt  }
0x7f: {  	_ =	shalt  }
0x80: {  	_ =	shalt  }
0x81: {  	_ =	shalt  }
0x82: {  	_ =	shalt  }
0x83: {  	_ =	shalt  }
0x84: {  	_ =	shalt  }
0x85: {  	_ =	shalt  }
0x86: {  	_ =	shalt  }
0x87: {  	_ =	shalt  }
.Lfunc_end0:
.L_simem_size_0:
called_computation_lowered:
.L_overlay_start_0:
0x88: {  	s2 =	sld [smem:$0x3FD9]  }
0x89: {  	s3 =	sld [smem:$0x3FFE];
	_ =	sdelay $0x1  }
0x8a: {  	s1 =	srdreg.scid  }
0x8b: {  	s0 =	sand.u32 $0x1, s1  }
0x8c: {  	s14 =	sshll.u32 s0, $0xA;
	s2 =	sadd.s32 s3, s2  }
0x8d: {  	s2 =	sadd.s32 s2, s14  }
0x8e: {  	[smem:$0x3FAF] =	sst s2  }
0x8f: {  	_ = 	snop  }
0x90: {  	s2 =	sld [smem:$0x3FD0];
	_ =	sdelay $0x2  }
0x91: {  	s15 =	simm.s32 $0xB;
	s4 =	simm.s32 $0x10  }
0x92: {  	[smem:s4], [sflag:s15] =	dma.local [hbm:s2], $0x1  }
0x93: {  	_ =	swait.eq [sflag:s15], $0x1  }
0x94: {  	[sflag:s15] =	ssyncset.done $0x0  }
0x95: {  	[sflag:s15] =	ssyncadd.s32 $0xFFFFFFFF  }
0x96: {  	s16 =	sld [smem:$0x11];
	(tm) =	ssettm $0x1  }
0x97: {  	s17 =	sld [smem:$0x3FFB];
	_ =	sdelay $0x3  }
0x98: {  	_ =	strace s17  }
0x99: {  	s3 =	sld [smem:$0x3FFC];
	_ =	sdelay $0x3  }
0x9a: {  	_ =	strace s3  }
0x9b: {  	s3 =	sld [smem:$0x3FFD];
	_ =	sdelay $0x3  }
0x9c: {  	_ =	strace s3  }
0x9d: {  	_ =	strace $0x8FFFFFFF  }
0x9e: {  	s18 =	sld [smem:$0x3FDB];
	_ =	sdelay $0x1  }
0x9f: {  	s19 =	simm.s32 $_scs_section_size  }
0xa0: {  	s5 =	simm.s32 $_size__tile_overlayer_lowered;
	s6 =	simm.s32 $_tile_overlayer_lowered  }
0xa1: {  	s22 =	simm.s32 $0x1BFF;
	s21 =	sshll.u32 s6, $0x1;
	s3 =	sadd.s32 s19, s18  }
0xa2: {  	s7 =	simm.s32 $0x0;
	s20 =	sshll.u32 s5, $0x1;
	s5 =	sadd.s32 s21, s3  }
0xa3: {  	[timem:s7], [sflag:s22] =	dma.local [hbm:s5], s20  }
0xa4: {  	_ =	swait.ge [sflag:s22], s20  }
0xa5: {  	s4 =	ssub.s32 $0x0, s20;
	[sflag:s22] =	ssyncset.done $0x0  }
0xa6: {  	[sflag:s22] =	ssyncadd.s32 s4;
	_ =	sdelay $0x1  }
0xa7: {  	s23 =	simm.s32 $0x1B8B  }
0xa8: {  	_ =	swait.ge [sflag:s23], $0x1  }
0xa9: {  	[sflag:s23] =	ssyncset.done $0x0  }
0xaa: {  	s25 =	simm.s32 $0x1B8E;
	s24 =	sld [smem:$0x3FFE];
	[sflag:s23] =	ssyncadd.s32 $0xFFFFFFFF  }
0xab: {  	s26 =	simm.s32 $execute0_lowered;
	[smem:$0x3FD2] =	sst s25  }
0xac: {  	s5 =	sshll.u32 s26, $0x1;
	_ =	strace $0x80000046;
	[dreg:$0x1] =	wrdreg $0xFFFFFFFF  }
0xad: {  	s28 =	simm.s32 $_size_execute0_lowered;
	s3 =	sadd.s32 s3, s5;
	[dreg:$0x0] =	wrdreg $0x0  }
0xae: {  	s5 =	sshll.u32 s28, $0x1;
	[dreg:$0x2] =	wrdreg s3  }
0xaf: {  	[dreg:$0x3] =	wrdreg s5  }
0xb0: {  	[dreg:$0x4] =	wrdreg $0xC0  }
0xb1: {  	_ =	task [dreg:s7], $0x5FFFF  }
0xb2: {  	[dreg:$0x1] =	wrdreg $0xFFFFFFFF  }
0xb3: {  	[dreg:$0x0] =	wrdreg $0x60  }
0xb4: {  	[dreg:$0x2] =	wrdreg s24  }
0xb5: {  	[dreg:$0x3] =	wrdreg s16  }
0xb6: {  	[dreg:$0x4] =	wrdreg $0x148800  }
0xb7: {  	[dreg:$0x5] =	wrdreg $0x9  }
0xb8: {  	_ =	task.clear_ibuf [dreg:s7], $0x6FFFF;
	_ =	strace $0x90000046  }
0xb9: {  	s29 =	simm.s32 $0x9;
	_ =	strace $0x80000048  }
0xba: {  	_ =	swait.ge [sflag:s29], $0x1  }
0xbb: {  	[sflag:s29] =	ssyncadd.s32 $0xFFFFFFFF  }
0xbc: {  	_ =	strace $0x90000048  }
0xbd: {  	_ =	sfence  }
0xbe: {  	s30 =	sld [smem:$0x0];
	_ =	sdelay $0x2  }
0xbf: {  	s31 =	sshll.u32 s1, $0xD;
	s1 =	sshrl.u32 s1, $0x2  }
0xc0: {  	s3 =	sand.u32 $0x4000, s31;
	s1 =	sadd.s32 s1, s30  }
0xc1: {  	s0 =	sor.u32 s3, s0;
	s1 =	sshll.u32 s1, $0x11  }
0xc2: {  	s0 =	sor.u32 s1, s0  }
0xc3: {  	s0 =	sadd.s32 $0x8F2B, s0  }
0xc4: {  	[sflag:s0] =	ssyncadd.remote.s32 $0x1  }
0xc5: {  	_ =	sfence.sel $0xFFFF  }
0xc6: {  	[dreg:$0x0] =	wrdreg $0xFFFFFFFF;
	(pc) =	sbr.abs _section_cstart, $3  }
0xc7: {  	[dreg:$0x1] =	wrdreg $0xFFFFFFFF  }
0xc8: {  	_ =	task.clear_ibuf [dreg:s7], $0x2FFFF;
	_ =	strace $0x9FFFFFFF  }
0xc9: {  	(tm) =	ssettm $0x7FFFFFFF  }
tec
execute0_lowered:
.L_overlay_start_1:
0x0: {  	(tag) =	ssettag $0x1  }
0x1: {  	v1 =	vlaneseq.u32  }
0x2: {  	v0 =	vshrl.u32 v1, $0x3  }
0x3: {  	vm0 =	vcmask $0x3F20;
	v1 =	vand.u32 $0x7, v1;
	v3 =	vor.u32 $0x2, v0  }
0x4: {  	v4 =	vor.u32 $0x4, v0;
	v5 =	vor.u32 $0x6, v0;
	v7 =	vor.u32 $0xA, v0  }
0x5: {  	s6 =	rddreg [dreg:$0x0];
	v8 =	vor.u32 $0xC, v0;
	v9 =	vor.u32 $0xE, v0;
	v10 =	vor.u32 $0x10, v0  }
0x6: {  	s0 =	rddreg [dreg:$0x1];
	v11 =	vor.u32 $0x12, v0;
	v12 =	vor.u32 $0x14, v0;
	v13 =	vor.u32 $0x16, v0  }
0x7: {  	s3 =	rddreg [dreg:$0x2];
	v14 =	vor.u32 $0x18, v0;
	v15 =	vor.u32 $0x1A, v0;
	v16 =	vor.u32 $0x1C, v0  }
0x8: {  	s1 =	srdreg.scid;
	s2 =	rddreg [dreg:$0x3];
	v17 =	vor.u32 $0x1E, v0;
	v18 =	vor.u32 $0x20, v0;
	v19 =	vor.u32 $0x22, v0  }
0x9: {  	s4 =	simm.s32 $0x0;
	s15 =	simm.s32 $0x14480;
	s16 =	simm.s32 $0x80;
	v20 =	vor.u32 $0x24, v0;
	v21 =	vor.u32 $0x26, v0;
	v22 =	vor.u32 $0x28, v0  }
0xa: {  	s17 =	simm.s32 $0x14500;
	s18 =	simm.s32 $0x4480;
	s5 =	sand.u32 $0x1, s1;
	v23 =	vor.u32 $0x2A, v0;
	v24 =	vor.u32 $0x2C, v0;
	v25 =	vor.u32 $0x2E, v0  }
0xb: {  	s19 =	simm.s32 $0x14580;
	s1 =	stileid.u32;
	s7 =	smul.u32 $0x28000, s5;
	v26 =	vor.u32 $0x30, v0;
	v27 =	vor.u32 $0x32, v0;
	v28 =	vor.u32 $0x34, v0  }
0xc: {  	s20 =	simm.s32 $0x8480;
	s21 =	simm.s32 $0x14600;
	s8 =	smul.u32 $0x2800, s1;
	v29 =	vor.u32 $0x36, v0;
	v30 =	vor.u32 $0x38, v0;
	v31 =	vor.u32 $0x3A, v0  }
0xd: {  	s22 =	simm.s32 $0xC480;
	s23 =	simm.s32 $0x14680;
	s9 =	smul.u32 $0x1400, s1;
	v33 =	vor.u32 $0x3C, v0;
	v32 =	vor.u32 $0x3E, v0;
	v35 =	vor.u32 $0x40, v0  }
0xe: {  	s24 =	simm.s32 $0x10480;
	[smem:$0x7FF] =	sst s4;
	s25 =	smul.u32 $0x14000, s5;
	v34 =	vor.u32 $0x42, v0;
	v36 =	vor.u32 $0x44, v0;
	v37 =	vor.u32 $0x46, v0  }
0xf: {  	_ =	strace $0x80000047;
	s28 =	ssub.s32 $0x2, s5;
	s13 =	smul.u32 $0x5000, s1;
	v39 =	vor.u32 $0x48, v0;
	v38 =	vor.u32 $0x4A, v0;
	v41 =	vor.u32 $0x4C, v0  }
0x10: {  	s5 =	sadd.s32 $0x72000, s6;
	s31 =	sshll.u32 s1, $0x6;
	v40 =	vor.u32 $0x4E, v0;
	v42 =	vor.u32 $0x50, v0;
	v43 =	vor.u32 $0x52, v0;
	s12 =	sshrl.u32 s28, $0x1  }
0x11: {  	v45 =	vor.u32 $0x54, v0;
	v44 =	vor.u32 $0x56, v0;
	v47 =	vor.u32 $0x58, v0;
	s7 =	sadd.s32 s8, s7;
	s26 =	sadd.s32 s9, s25;
	s12 =	ssub.s32 s28, s12  }
0x12: {  	v46 =	vor.u32 $0x5A, v0;
	v48 =	vor.u32 $0x5C, v0;
	v49 =	vor.u32 $0x5E, v0;
	s29 =	sshrl.u32 s13, $0x2;
	s30 =	sshrl.u32 s9, $0x3;
	s25 =	simm.s32 $0x0  }
0x13: {  	v51 =	vor.u32 $0x60, v0;
	v50 =	vor.u32 $0x62, v0;
	v53 =	vor.u32 $0x64, v0;
	s10 =	sadd.s32 s7, s6;
	s7 =	sshrl.u32 s7, $0x3;
	s13 =	sadd.s32 s29, s3  }
0x14: {  	v52 =	vor.u32 $0x66, v0;
	v55 =	vor.u32 $0x68, v0;
	v54 =	vor.u32 $0x6A, v0;
	s9 =	smax.u32 s12, $0x1;
	s11 =	sadd.s32 s7, s6;
	s7 =	sshrl.u32 s26, $0x3  }
0x15: {  	v57 =	vor.u32 $0x6C, v0;
	v56 =	vor.u32 $0x6E, v0;
	v2 =	vor.u32 $0x78, v0;
	s10 =	sadd.s32 $0x22000, s10;
	s12 =	sshrl.u32 s13, $0x3;
	s13 =	simm.s32 $0x1  }
0x16: {  	v59 =	vor.u32 $0x70, v0;
	v58 =	vor.u32 $0x72, v0;
	v62 =	vor.u32 $0x7A, v0;
	[tilespmem:$0x1FFE0] =	vst v2;
	s14 =	sadd.s32 s7, s6;
	s6 =	sadd.s32 s5, s30;
	s7 =	sor.u32 $0x1C01, s31  }
0x17: {  	v6 =	vor.u32 $0x8, v0;
	v60 =	vor.u32 $0x74, v0;
	v61 =	vor.u32 $0x76, v0;
	[tilespmem:$0x1FFF0] =	vst v62;
	s11 =	sadd.s32 $0xE000, s11;
	s8 =	sadd.s32 $0x74800, s14;
	s14 =	simm.s32 $0x480  }
.LBB2_1:
0x18: {  	[spmem:s12], [sflag:s7] =	dma.local [hbm:s6], $0x280  }
0x19: {  	_ =	swait.ge [sflag:s13], $0x280  }
0x1a: {  	[sflag:s13] =	ssyncset.done $0x0  }
0x1b: {  	[sflag:s13] =	ssyncadd.s32 $0xFFFFFD80  }
0x1c: {  	[tilespmem:s14], [sflag:$0x1] =	stream.linear.gather [hbm4b:s5+s4], $0x14000, $0x38;
	[tilespmem:$0x15C80] =	vst v63  }
0x1d: {  	_ =	swait.ge [sflag:s13], $0x14000  }
0x1e: {  	[sflag:s13] =	ssyncset.done $0x0  }
0x1f: {  	[sflag:s13] =	ssyncadd.s32 $0xFFFEC000  }
0x20: {  	[tilespmem:s15], [sflag:$0x1] =	stream.linear.gather [hbm4b:s0+s4], $0x280, $0x38;
	[tilespmem:$0x15C80] =	vst v63  }
0x21: {  	_ =	swait.ge [sflag:s13], $0x280  }
0x22: {  	[sflag:s13] =	ssyncset.done $0x0  }
0x23: {  	[sflag:s13] =	ssyncadd.s32 $0xFFFFFD80  }
0x24: {  	s26 =	smov.u32 s10;
	s28 =	simm.s32 $0x0;
	[bflag:$0x0] =	sbarrier.arrive $0xFFFF  }
.LBB2_2:
0x25: {  	s29 =	sadd.s32 s28, s11  }
0x26: {  	[tilespmem:s4], [sflag:$0x1] =	stream.linear.gather [hbm4b:s29+s4], $0x80, $0x38;
	[tilespmem:$0x15C80] =	vst v63  }
0x27: {  	_ =	swait.ge [sflag:s13], $0x80  }
0x28: {  	[sflag:s13] =	ssyncset.done $0x0  }
0x29: {  	[sflag:s13] =	ssyncadd.s32 $0xFFFFFF80  }
0x2a: {  	[tilespmem:s16], [sflag:$0x1] =	stream.linear.gather [hbm4b:s26+s4], $0x400, $0x38;
	[tilespmem:$0x15C80] =	vst v63  }
0x2b: {  	_ =	swait.ge [sflag:s13], $0x400  }
0x2c: {  	[sflag:s13] =	ssyncset.done $0x0  }
0x2d: {  	[sflag:s13] =	ssyncadd.s32 $0xFFFFFC00  }
0x2e: {  	v63 =	vld.idx.msk [tilespmem:v0+s4+$0x0], $0xffff;
	_ =	sdelay $0x4  }
0x2f: {  	v63 =	vshll.u32 v63, $0x3  }
0x30: {  	v2 =	vld [tilespmem:$0x80];
	v63 =	vor.u32 v1, v63;
	_ =	sdelay $0x4  }
0x31: {  	[tilespmem:v63+s14+$0x0] =	vst.idx.add.f32.msk $0xff, v2  }
0x32: {  	[tilespmem:v63+s14+$0x0] =	vst.idx.add.f32.msk vm0, v2  }
0x33: {  	v2 =	vld.idx.msk [tilespmem:v3+s4+$0x0], $0xffff;
	_ =	sdelay $0x4  }
0x34: {  	v2 =	vshll.u32 v2, $0x3  }
0x35: {  	v63 =	vld [tilespmem:$0x90];
	v2 =	vor.u32 v1, v2;
	_ =	sdelay $0x4  }
0x36: {  	[tilespmem:v2+s14+$0x0] =	vst.idx.add.f32.msk $0xff, v63  }
0x37: {  	[tilespmem:v2+s14+$0x0] =	vst.idx.add.f32.msk vm0, v63  }
0x38: {  	v2 =	vld.idx.msk [tilespmem:v4+s4+$0x0], $0xffff;
	_ =	sdelay $0x4  }
0x39: {  	v2 =	vshll.u32 v2, $0x3  }
0x3a: {  	v63 =	vld [tilespmem:$0xA0];
	v2 =	vor.u32 v1, v2;
	_ =	sdelay $0x4  }
0x3b: {  	[tilespmem:v2+s14+$0x0] =	vst.idx.add.f32.msk $0xff, v63  }
0x3c: {  	[tilespmem:v2+s14+$0x0] =	vst.idx.add.f32.msk vm0, v63  }
0x3d: {  	v2 =	vld.idx.msk [tilespmem:v5+s4+$0x0], $0xffff;
	_ =	sdelay $0x4  }
0x3e: {  	v2 =	vshll.u32 v2, $0x3  }
0x3f: {  	v63 =	vld [tilespmem:$0xB0];
	v2 =	vor.u32 v1, v2;
	_ =	sdelay $0x4  }
0x40: {  	[tilespmem:v2+s14+$0x0] =	vst.idx.add.f32.msk $0xff, v63  }
0x41: {  	[tilespmem:v2+s14+$0x0] =	vst.idx.add.f32.msk vm0, v63  }
0x42: {  	v2 =	vld.idx.msk [tilespmem:v6+s4+$0x0], $0xffff;
	_ =	sdelay $0x4  }
0x43: {  	v2 =	vshll.u32 v2, $0x3  }
0x44: {  	v63 =	vld [tilespmem:$0xC0];
	v2 =	vor.u32 v1, v2;
	_ =	sdelay $0x4  }
0x45: {  	[tilespmem:v2+s14+$0x0] =	vst.idx.add.f32.msk $0xff, v63  }
0x46: {  	[tilespmem:v2+s14+$0x0] =	vst.idx.add.f32.msk vm0, v63  }
0x47: {  	v2 =	vld.idx.msk [tilespmem:v7+s4+$0x0], $0xffff;
	_ =	sdelay $0x4  }
0x48: {  	v2 =	vshll.u32 v2, $0x3  }
0x49: {  	v63 =	vld [tilespmem:$0xD0];
	v2 =	vor.u32 v1, v2;
	_ =	sdelay $0x4  }
0x4a: {  	[tilespmem:v2+s14+$0x0] =	vst.idx.add.f32.msk $0xff, v63  }
0x4b: {  	[tilespmem:v2+s14+$0x0] =	vst.idx.add.f32.msk vm0, v63  }
0x4c: {  	v2 =	vld.idx.msk [tilespmem:v8+s4+$0x0], $0xffff;
	_ =	sdelay $0x4  }
0x4d: {  	v2 =	vshll.u32 v2, $0x3  }
0x4e: {  	v63 =	vld [tilespmem:$0xE0];
	v2 =	vor.u32 v1, v2;
	_ =	sdelay $0x4  }
0x4f: {  	[tilespmem:v2+s14+$0x0] =	vst.idx.add.f32.msk $0xff, v63  }
0x50: {  	[tilespmem:v2+s14+$0x0] =	vst.idx.add.f32.msk vm0, v63  }
0x51: {  	v2 =	vld.idx.msk [tilespmem:v9+s4+$0x0], $0xffff;
	_ =	sdelay $0x4  }
0x52: {  	v2 =	vshll.u32 v2, $0x3  }
0x53: {  	v63 =	vld [tilespmem:$0xF0];
	v2 =	vor.u32 v1, v2;
	_ =	sdelay $0x4  }
0x54: {  	[tilespmem:v2+s14+$0x0] =	vst.idx.add.f32.msk $0xff, v63  }
0x55: {  	[tilespmem:v2+s14+$0x0] =	vst.idx.add.f32.msk vm0, v63  }
0x56: {  	v2 =	vld.idx.msk [tilespmem:v10+s4+$0x0], $0xffff;
	_ =	sdelay $0x4  }
0x57: {  	v2 =	vshll.u32 v2, $0x3  }
0x58: {  	v63 =	vld [tilespmem:$0x100];
	v2 =	vor.u32 v1, v2;
	_ =	sdelay $0x4  }
0x59: {  	[tilespmem:v2+s14+$0x0] =	vst.idx.add.f32.msk $0xff, v63  }
0x5a: {  	[tilespmem:v2+s14+$0x0] =	vst.idx.add.f32.msk vm0, v63  }
0x5b: {  	v2 =	vld.idx.msk [tilespmem:v11+s4+$0x0], $0xffff;
	_ =	sdelay $0x4  }
0x5c: {  	v2 =	vshll.u32 v2, $0x3  }
0x5d: {  	v63 =	vld [tilespmem:$0x110];
	v2 =	vor.u32 v1, v2;
	_ =	sdelay $0x4  }
0x5e: {  	[tilespmem:v2+s14+$0x0] =	vst.idx.add.f32.msk $0xff, v63  }
0x5f: {  	[tilespmem:v2+s14+$0x0] =	vst.idx.add.f32.msk vm0, v63  }
0x60: {  	v2 =	vld.idx.msk [tilespmem:v12+s4+$0x0], $0xffff;
	_ =	sdelay $0x4  }
0x61: {  	v2 =	vshll.u32 v2, $0x3  }
0x62: {  	v63 =	vld [tilespmem:$0x120];
	v2 =	vor.u32 v1, v2;
	_ =	sdelay $0x4  }
0x63: {  	[tilespmem:v2+s14+$0x0] =	vst.idx.add.f32.msk $0xff, v63  }
0x64: {  	[tilespmem:v2+s14+$0x0] =	vst.idx.add.f32.msk vm0, v63  }
0x65: {  	v2 =	vld.idx.msk [tilespmem:v13+s4+$0x0], $0xffff;
	_ =	sdelay $0x4  }
0x66: {  	v2 =	vshll.u32 v2, $0x3  }
0x67: {  	v63 =	vld [tilespmem:$0x130];
	v2 =	vor.u32 v1, v2;
	_ =	sdelay $0x4  }
0x68: {  	[tilespmem:v2+s14+$0x0] =	vst.idx.add.f32.msk $0xff, v63  }
0x69: {  	[tilespmem:v2+s14+$0x0] =	vst.idx.add.f32.msk vm0, v63  }
0x6a: {  	v2 =	vld.idx.msk [tilespmem:v14+s4+$0x0], $0xffff;
	_ =	sdelay $0x4  }
0x6b: {  	v2 =	vshll.u32 v2, $0x3  }
0x6c: {  	v63 =	vld [tilespmem:$0x140];
	v2 =	vor.u32 v1, v2;
	_ =	sdelay $0x4  }
0x6d: {  	[tilespmem:v2+s14+$0x0] =	vst.idx.add.f32.msk $0xff, v63  }
0x6e: {  	[tilespmem:v2+s14+$0x0] =	vst.idx.add.f32.msk vm0, v63  }
0x6f: {  	v2 =	vld.idx.msk [tilespmem:v15+s4+$0x0], $0xffff;
	_ =	sdelay $0x4  }
0x70: {  	v2 =	vshll.u32 v2, $0x3  }
0x71: {  	v63 =	vld [tilespmem:$0x150];
	v2 =	vor.u32 v1, v2;
	_ =	sdelay $0x4  }
0x72: {  	[tilespmem:v2+s14+$0x0] =	vst.idx.add.f32.msk $0xff, v63  }
0x73: {  	[tilespmem:v2+s14+$0x0] =	vst.idx.add.f32.msk vm0, v63  }
0x74: {  	v2 =	vld.idx.msk [tilespmem:v16+s4+$0x0], $0xffff;
	_ =	sdelay $0x4  }
0x75: {  	v2 =	vshll.u32 v2, $0x3  }
0x76: {  	v63 =	vld [tilespmem:$0x160];
	v2 =	vor.u32 v1, v2;
	_ =	sdelay $0x4  }
0x77: {  	[tilespmem:v2+s14+$0x0] =	vst.idx.add.f32.msk $0xff, v63  }
0x78: {  	[tilespmem:v2+s14+$0x0] =	vst.idx.add.f32.msk vm0, v63  }
0x79: {  	v2 =	vld.idx.msk [tilespmem:v17+s4+$0x0], $0xffff;
	_ =	sdelay $0x4  }
0x7a: {  	v2 =	vshll.u32 v2, $0x3  }
0x7b: {  	v63 =	vld [tilespmem:$0x170];
	v2 =	vor.u32 v1, v2;
	_ =	sdelay $0x4  }
0x7c: {  	[tilespmem:v2+s14+$0x0] =	vst.idx.add.f32.msk $0xff, v63  }
0x7d: {  	[tilespmem:v2+s14+$0x0] =	vst.idx.add.f32.msk vm0, v63  }
0x7e: {  	v2 =	vld.idx.msk [tilespmem:v18+s4+$0x0], $0xffff;
	_ =	sdelay $0x4  }
0x7f: {  	v2 =	vshll.u32 v2, $0x3  }
0x80: {  	v63 =	vld [tilespmem:$0x180];
	v2 =	vor.u32 v1, v2;
	_ =	sdelay $0x4  }
0x81: {  	[tilespmem:v2+s14+$0x0] =	vst.idx.add.f32.msk $0xff, v63  }
0x82: {  	[tilespmem:v2+s14+$0x0] =	vst.idx.add.f32.msk vm0, v63  }
0x83: {  	v2 =	vld.idx.msk [tilespmem:v19+s4+$0x0], $0xffff;
	_ =	sdelay $0x4  }
0x84: {  	v2 =	vshll.u32 v2, $0x3  }
0x85: {  	v63 =	vld [tilespmem:$0x190];
	v2 =	vor.u32 v1, v2;
	_ =	sdelay $0x4  }
0x86: {  	[tilespmem:v2+s14+$0x0] =	vst.idx.add.f32.msk $0xff, v63  }
0x87: {  	[tilespmem:v2+s14+$0x0] =	vst.idx.add.f32.msk vm0, v63  }
0x88: {  	v2 =	vld.idx.msk [tilespmem:v20+s4+$0x0], $0xffff;
	_ =	sdelay $0x4  }
0x89: {  	v2 =	vshll.u32 v2, $0x3  }
0x8a: {  	v63 =	vld [tilespmem:$0x1A0];
	v2 =	vor.u32 v1, v2;
	_ =	sdelay $0x4  }
0x8b: {  	[tilespmem:v2+s14+$0x0] =	vst.idx.add.f32.msk $0xff, v63  }
0x8c: {  	[tilespmem:v2+s14+$0x0] =	vst.idx.add.f32.msk vm0, v63  }
0x8d: {  	v2 =	vld.idx.msk [tilespmem:v21+s4+$0x0], $0xffff;
	_ =	sdelay $0x4  }
0x8e: {  	v2 =	vshll.u32 v2, $0x3  }
0x8f: {  	v63 =	vld [tilespmem:$0x1B0];
	v2 =	vor.u32 v1, v2;
	_ =	sdelay $0x4  }
0x90: {  	[tilespmem:v2+s14+$0x0] =	vst.idx.add.f32.msk $0xff, v63  }
0x91: {  	[tilespmem:v2+s14+$0x0] =	vst.idx.add.f32.msk vm0, v63  }
0x92: {  	v2 =	vld.idx.msk [tilespmem:v22+s4+$0x0], $0xffff;
	_ =	sdelay $0x4  }
0x93: {  	v2 =	vshll.u32 v2, $0x3  }
0x94: {  	v63 =	vld [tilespmem:$0x1C0];
	v2 =	vor.u32 v1, v2;
	_ =	sdelay $0x4  }
0x95: {  	[tilespmem:v2+s14+$0x0] =	vst.idx.add.f32.msk $0xff, v63  }
0x96: {  	[tilespmem:v2+s14+$0x0] =	vst.idx.add.f32.msk vm0, v63  }
0x97: {  	v2 =	vld.idx.msk [tilespmem:v23+s4+$0x0], $0xffff;
	_ =	sdelay $0x4  }
0x98: {  	v2 =	vshll.u32 v2, $0x3  }
0x99: {  	v63 =	vld [tilespmem:$0x1D0];
	v2 =	vor.u32 v1, v2;
	_ =	sdelay $0x4  }
0x9a: {  	[tilespmem:v2+s14+$0x0] =	vst.idx.add.f32.msk $0xff, v63  }
0x9b: {  	[tilespmem:v2+s14+$0x0] =	vst.idx.add.f32.msk vm0, v63  }
0x9c: {  	v2 =	vld.idx.msk [tilespmem:v24+s4+$0x0], $0xffff;
	_ =	sdelay $0x4  }
0x9d: {  	v2 =	vshll.u32 v2, $0x3  }
0x9e: {  	v63 =	vld [tilespmem:$0x1E0];
	v2 =	vor.u32 v1, v2;
	_ =	sdelay $0x4  }
0x9f: {  	[tilespmem:v2+s14+$0x0] =	vst.idx.add.f32.msk $0xff, v63  }
0xa0: {  	[tilespmem:v2+s14+$0x0] =	vst.idx.add.f32.msk vm0, v63  }
0xa1: {  	v2 =	vld.idx.msk [tilespmem:v25+s4+$0x0], $0xffff;
	_ =	sdelay $0x4  }
0xa2: {  	v2 =	vshll.u32 v2, $0x3  }
0xa3: {  	v63 =	vld [tilespmem:$0x1F0];
	v2 =	vor.u32 v1, v2;
	_ =	sdelay $0x4  }
0xa4: {  	[tilespmem:v2+s14+$0x0] =	vst.idx.add.f32.msk $0xff, v63  }
0xa5: {  	[tilespmem:v2+s14+$0x0] =	vst.idx.add.f32.msk vm0, v63  }
0xa6: {  	v2 =	vld.idx.msk [tilespmem:v26+s4+$0x0], $0xffff;
	_ =	sdelay $0x4  }
0xa7: {  	v2 =	vshll.u32 v2, $0x3  }
0xa8: {  	v63 =	vld [tilespmem:$0x200];
	v2 =	vor.u32 v1, v2;
	_ =	sdelay $0x4  }
0xa9: {  	[tilespmem:v2+s14+$0x0] =	vst.idx.add.f32.msk $0xff, v63  }
0xaa: {  	[tilespmem:v2+s14+$0x0] =	vst.idx.add.f32.msk vm0, v63  }
0xab: {  	v2 =	vld.idx.msk [tilespmem:v27+s4+$0x0], $0xffff;
	_ =	sdelay $0x4  }
0xac: {  	v2 =	vshll.u32 v2, $0x3  }
0xad: {  	v63 =	vld [tilespmem:$0x210];
	v2 =	vor.u32 v1, v2;
	_ =	sdelay $0x4  }
0xae: {  	[tilespmem:v2+s14+$0x0] =	vst.idx.add.f32.msk $0xff, v63  }
0xaf: {  	[tilespmem:v2+s14+$0x0] =	vst.idx.add.f32.msk vm0, v63  }
0xb0: {  	v2 =	vld.idx.msk [tilespmem:v28+s4+$0x0], $0xffff;
	_ =	sdelay $0x4  }
0xb1: {  	v2 =	vshll.u32 v2, $0x3  }
0xb2: {  	v63 =	vld [tilespmem:$0x220];
	v2 =	vor.u32 v1, v2;
	_ =	sdelay $0x4  }
0xb3: {  	[tilespmem:v2+s14+$0x0] =	vst.idx.add.f32.msk $0xff, v63  }
0xb4: {  	[tilespmem:v2+s14+$0x0] =	vst.idx.add.f32.msk vm0, v63  }
0xb5: {  	v2 =	vld.idx.msk [tilespmem:v29+s4+$0x0], $0xffff;
	_ =	sdelay $0x4  }
0xb6: {  	v2 =	vshll.u32 v2, $0x3  }
0xb7: {  	v63 =	vld [tilespmem:$0x230];
	v2 =	vor.u32 v1, v2;
	_ =	sdelay $0x4  }
0xb8: {  	[tilespmem:v2+s14+$0x0] =	vst.idx.add.f32.msk $0xff, v63  }
0xb9: {  	[tilespmem:v2+s14+$0x0] =	vst.idx.add.f32.msk vm0, v63  }
0xba: {  	v2 =	vld.idx.msk [tilespmem:v30+s4+$0x0], $0xffff;
	_ =	sdelay $0x4  }
0xbb: {  	v2 =	vshll.u32 v2, $0x3  }
0xbc: {  	v63 =	vld [tilespmem:$0x240];
	v2 =	vor.u32 v1, v2;
	_ =	sdelay $0x4  }
0xbd: {  	[tilespmem:v2+s14+$0x0] =	vst.idx.add.f32.msk $0xff, v63  }
0xbe: {  	[tilespmem:v2+s14+$0x0] =	vst.idx.add.f32.msk vm0, v63  }
0xbf: {  	v2 =	vld.idx.msk [tilespmem:v31+s4+$0x0], $0xffff;
	_ =	sdelay $0x4  }
0xc0: {  	v2 =	vshll.u32 v2, $0x3  }
0xc1: {  	v63 =	vld [tilespmem:$0x250];
	v2 =	vor.u32 v1, v2;
	_ =	sdelay $0x4  }
0xc2: {  	[tilespmem:v2+s14+$0x0] =	vst.idx.add.f32.msk $0xff, v63  }
0xc3: {  	[tilespmem:v2+s14+$0x0] =	vst.idx.add.f32.msk vm0, v63  }
0xc4: {  	v2 =	vld.idx.msk [tilespmem:v33+s4+$0x0], $0xffff;
	_ =	sdelay $0x4  }
0xc5: {  	v2 =	vshll.u32 v2, $0x3  }
0xc6: {  	v63 =	vld [tilespmem:$0x260];
	v2 =	vor.u32 v1, v2;
	_ =	sdelay $0x4  }
0xc7: {  	[tilespmem:v2+s14+$0x0] =	vst.idx.add.f32.msk $0xff, v63  }
0xc8: {  	[tilespmem:v2+s14+$0x0] =	vst.idx.add.f32.msk vm0, v63  }
0xc9: {  	v2 =	vld.idx.msk [tilespmem:v32+s4+$0x0], $0xffff;
	_ =	sdelay $0x4  }
0xca: {  	v2 =	vshll.u32 v2, $0x3  }
0xcb: {  	v63 =	vld [tilespmem:$0x270];
	v2 =	vor.u32 v1, v2;
	_ =	sdelay $0x4  }
0xcc: {  	[tilespmem:v2+s14+$0x0] =	vst.idx.add.f32.msk $0xff, v63  }
0xcd: {  	[tilespmem:v2+s14+$0x0] =	vst.idx.add.f32.msk vm0, v63  }
0xce: {  	v2 =	vld.idx.msk [tilespmem:v35+s4+$0x0], $0xffff;
	_ =	sdelay $0x4  }
0xcf: {  	v2 =	vshll.u32 v2, $0x3  }
0xd0: {  	v63 =	vld [tilespmem:$0x280];
	v2 =	vor.u32 v1, v2;
	_ =	sdelay $0x4  }
0xd1: {  	[tilespmem:v2+s14+$0x0] =	vst.idx.add.f32.msk $0xff, v63  }
0xd2: {  	[tilespmem:v2+s14+$0x0] =	vst.idx.add.f32.msk vm0, v63  }
0xd3: {  	v2 =	vld.idx.msk [tilespmem:v34+s4+$0x0], $0xffff;
	_ =	sdelay $0x4  }
0xd4: {  	v2 =	vshll.u32 v2, $0x3  }
0xd5: {  	v63 =	vld [tilespmem:$0x290];
	v2 =	vor.u32 v1, v2;
	_ =	sdelay $0x4  }
0xd6: {  	[tilespmem:v2+s14+$0x0] =	vst.idx.add.f32.msk $0xff, v63  }
0xd7: {  	[tilespmem:v2+s14+$0x0] =	vst.idx.add.f32.msk vm0, v63  }
0xd8: {  	v2 =	vld.idx.msk [tilespmem:v36+s4+$0x0], $0xffff;
	_ =	sdelay $0x4  }
0xd9: {  	v2 =	vshll.u32 v2, $0x3  }
0xda: {  	v63 =	vld [tilespmem:$0x2A0];
	v2 =	vor.u32 v1, v2;
	_ =	sdelay $0x4  }
0xdb: {  	[tilespmem:v2+s14+$0x0] =	vst.idx.add.f32.msk $0xff, v63  }
0xdc: {  	[tilespmem:v2+s14+$0x0] =	vst.idx.add.f32.msk vm0, v63  }
0xdd: {  	v2 =	vld.idx.msk [tilespmem:v37+s4+$0x0], $0xffff;
	_ =	sdelay $0x4  }
0xde: {  	v2 =	vshll.u32 v2, $0x3  }
0xdf: {  	v63 =	vld [tilespmem:$0x2B0];
	v2 =	vor.u32 v1, v2;
	_ =	sdelay $0x4  }
0xe0: {  	[tilespmem:v2+s14+$0x0] =	vst.idx.add.f32.msk $0xff, v63  }
0xe1: {  	[tilespmem:v2+s14+$0x0] =	vst.idx.add.f32.msk vm0, v63  }
0xe2: {  	v2 =	vld.idx.msk [tilespmem:v39+s4+$0x0], $0xffff;
	_ =	sdelay $0x4  }
0xe3: {  	v2 =	vshll.u32 v2, $0x3  }
0xe4: {  	v63 =	vld [tilespmem:$0x2C0];
	v2 =	vor.u32 v1, v2;
	_ =	sdelay $0x4  }
0xe5: {  	[tilespmem:v2+s14+$0x0] =	vst.idx.add.f32.msk $0xff, v63  }
0xe6: {  	[tilespmem:v2+s14+$0x0] =	vst.idx.add.f32.msk vm0, v63  }
0xe7: {  	v2 =	vld.idx.msk [tilespmem:v38+s4+$0x0], $0xffff;
	_ =	sdelay $0x4  }
0xe8: {  	v2 =	vshll.u32 v2, $0x3  }
0xe9: {  	v63 =	vld [tilespmem:$0x2D0];
	v2 =	vor.u32 v1, v2;
	_ =	sdelay $0x4  }
0xea: {  	[tilespmem:v2+s14+$0x0] =	vst.idx.add.f32.msk $0xff, v63  }
0xeb: {  	[tilespmem:v2+s14+$0x0] =	vst.idx.add.f32.msk vm0, v63  }
0xec: {  	v2 =	vld.idx.msk [tilespmem:v41+s4+$0x0], $0xffff;
	_ =	sdelay $0x4  }
0xed: {  	v2 =	vshll.u32 v2, $0x3  }
0xee: {  	v63 =	vld [tilespmem:$0x2E0];
	v2 =	vor.u32 v1, v2;
	_ =	sdelay $0x4  }
0xef: {  	[tilespmem:v2+s14+$0x0] =	vst.idx.add.f32.msk $0xff, v63  }
0xf0: {  	[tilespmem:v2+s14+$0x0] =	vst.idx.add.f32.msk vm0, v63  }
0xf1: {  	v2 =	vld.idx.msk [tilespmem:v40+s4+$0x0], $0xffff;
	_ =	sdelay $0x4  }
0xf2: {  	v2 =	vshll.u32 v2, $0x3  }
0xf3: {  	v63 =	vld [tilespmem:$0x2F0];
	v2 =	vor.u32 v1, v2;
	_ =	sdelay $0x4  }
0xf4: {  	[tilespmem:v2+s14+$0x0] =	vst.idx.add.f32.msk $0xff, v63  }
0xf5: {  	[tilespmem:v2+s14+$0x0] =	vst.idx.add.f32.msk vm0, v63  }
0xf6: {  	v2 =	vld.idx.msk [tilespmem:v42+s4+$0x0], $0xffff;
	_ =	sdelay $0x4  }
0xf7: {  	v2 =	vshll.u32 v2, $0x3  }
0xf8: {  	v63 =	vld [tilespmem:$0x300];
	v2 =	vor.u32 v1, v2;
	_ =	sdelay $0x4  }
0xf9: {  	[tilespmem:v2+s14+$0x0] =	vst.idx.add.f32.msk $0xff, v63  }
0xfa: {  	[tilespmem:v2+s14+$0x0] =	vst.idx.add.f32.msk vm0, v63  }
0xfb: {  	v2 =	vld.idx.msk [tilespmem:v43+s4+$0x0], $0xffff;
	_ =	sdelay $0x4  }
0xfc: {  	v2 =	vshll.u32 v2, $0x3  }
0xfd: {  	v63 =	vld [tilespmem:$0x310];
	v2 =	vor.u32 v1, v2;
	_ =	sdelay $0x4  }
0xfe: {  	[tilespmem:v2+s14+$0x0] =	vst.idx.add.f32.msk $0xff, v63  }
0xff: {  	[tilespmem:v2+s14+$0x0] =	vst.idx.add.f32.msk vm0, v63  }
0x100: {  	v2 =	vld.idx.msk [tilespmem:v45+s4+$0x0], $0xffff;
	_ =	sdelay $0x4  }
0x101: {  	v2 =	vshll.u32 v2, $0x3  }
0x102: {  	v63 =	vld [tilespmem:$0x320];
	v2 =	vor.u32 v1, v2;
	_ =	sdelay $0x4  }
0x103: {  	[tilespmem:v2+s14+$0x0] =	vst.idx.add.f32.msk $0xff, v63  }
0x104: {  	[tilespmem:v2+s14+$0x0] =	vst.idx.add.f32.msk vm0, v63  }
0x105: {  	v2 =	vld.idx.msk [tilespmem:v44+s4+$0x0], $0xffff;
	_ =	sdelay $0x4  }
0x106: {  	v2 =	vshll.u32 v2, $0x3  }
0x107: {  	v63 =	vld [tilespmem:$0x330];
	v2 =	vor.u32 v1, v2;
	_ =	sdelay $0x4  }
0x108: {  	[tilespmem:v2+s14+$0x0] =	vst.idx.add.f32.msk $0xff, v63  }
0x109: {  	[tilespmem:v2+s14+$0x0] =	vst.idx.add.f32.msk vm0, v63  }
0x10a: {  	v2 =	vld.idx.msk [tilespmem:v47+s4+$0x0], $0xffff;
	_ =	sdelay $0x4  }
0x10b: {  	v2 =	vshll.u32 v2, $0x3  }
0x10c: {  	v63 =	vld [tilespmem:$0x340];
	v2 =	vor.u32 v1, v2;
	_ =	sdelay $0x4  }
0x10d: {  	[tilespmem:v2+s14+$0x0] =	vst.idx.add.f32.msk $0xff, v63  }
0x10e: {  	[tilespmem:v2+s14+$0x0] =	vst.idx.add.f32.msk vm0, v63  }
0x10f: {  	v2 =	vld.idx.msk [tilespmem:v46+s4+$0x0], $0xffff;
	_ =	sdelay $0x4  }
0x110: {  	v2 =	vshll.u32 v2, $0x3  }
0x111: {  	v63 =	vld [tilespmem:$0x350];
	v2 =	vor.u32 v1, v2;
	_ =	sdelay $0x4  }
0x112: {  	[tilespmem:v2+s14+$0x0] =	vst.idx.add.f32.msk $0xff, v63  }
0x113: {  	[tilespmem:v2+s14+$0x0] =	vst.idx.add.f32.msk vm0, v63  }
0x114: {  	v2 =	vld.idx.msk [tilespmem:v48+s4+$0x0], $0xffff;
	_ =	sdelay $0x4  }
0x115: {  	v2 =	vshll.u32 v2, $0x3  }
0x116: {  	v63 =	vld [tilespmem:$0x360];
	v2 =	vor.u32 v1, v2;
	_ =	sdelay $0x4  }
0x117: {  	[tilespmem:v2+s14+$0x0] =	vst.idx.add.f32.msk $0xff, v63  }
0x118: {  	[tilespmem:v2+s14+$0x0] =	vst.idx.add.f32.msk vm0, v63  }
0x119: {  	v2 =	vld.idx.msk [tilespmem:v49+s4+$0x0], $0xffff;
	_ =	sdelay $0x4  }
0x11a: {  	v2 =	vshll.u32 v2, $0x3  }
0x11b: {  	v63 =	vld [tilespmem:$0x370];
	v2 =	vor.u32 v1, v2;
	_ =	sdelay $0x4  }
0x11c: {  	[tilespmem:v2+s14+$0x0] =	vst.idx.add.f32.msk $0xff, v63  }
0x11d: {  	[tilespmem:v2+s14+$0x0] =	vst.idx.add.f32.msk vm0, v63  }
0x11e: {  	v2 =	vld.idx.msk [tilespmem:v51+s4+$0x0], $0xffff;
	_ =	sdelay $0x4  }
0x11f: {  	v2 =	vshll.u32 v2, $0x3  }
0x120: {  	v63 =	vld [tilespmem:$0x380];
	v2 =	vor.u32 v1, v2;
	_ =	sdelay $0x4  }
0x121: {  	[tilespmem:v2+s14+$0x0] =	vst.idx.add.f32.msk $0xff, v63  }
0x122: {  	[tilespmem:v2+s14+$0x0] =	vst.idx.add.f32.msk vm0, v63  }
0x123: {  	v2 =	vld.idx.msk [tilespmem:v50+s4+$0x0], $0xffff;
	_ =	sdelay $0x4  }
0x124: {  	v2 =	vshll.u32 v2, $0x3  }
0x125: {  	v63 =	vld [tilespmem:$0x390];
	v2 =	vor.u32 v1, v2;
	_ =	sdelay $0x4  }
0x126: {  	[tilespmem:v2+s14+$0x0] =	vst.idx.add.f32.msk $0xff, v63  }
0x127: {  	[tilespmem:v2+s14+$0x0] =	vst.idx.add.f32.msk vm0, v63  }
0x128: {  	v2 =	vld.idx.msk [tilespmem:v53+s4+$0x0], $0xffff;
	_ =	sdelay $0x4  }
0x129: {  	v2 =	vshll.u32 v2, $0x3  }
0x12a: {  	v63 =	vld [tilespmem:$0x3A0];
	v2 =	vor.u32 v1, v2;
	_ =	sdelay $0x4  }
0x12b: {  	[tilespmem:v2+s14+$0x0] =	vst.idx.add.f32.msk $0xff, v63  }
0x12c: {  	[tilespmem:v2+s14+$0x0] =	vst.idx.add.f32.msk vm0, v63  }
0x12d: {  	v2 =	vld.idx.msk [tilespmem:v52+s4+$0x0], $0xffff;
	_ =	sdelay $0x4  }
0x12e: {  	v2 =	vshll.u32 v2, $0x3  }
0x12f: {  	v63 =	vld [tilespmem:$0x3B0];
	v2 =	vor.u32 v1, v2;
	_ =	sdelay $0x4  }
0x130: {  	[tilespmem:v2+s14+$0x0] =	vst.idx.add.f32.msk $0xff, v63  }
0x131: {  	[tilespmem:v2+s14+$0x0] =	vst.idx.add.f32.msk vm0, v63  }
0x132: {  	v2 =	vld.idx.msk [tilespmem:v55+s4+$0x0], $0xffff;
	_ =	sdelay $0x4  }
0x133: {  	v2 =	vshll.u32 v2, $0x3  }
0x134: {  	v63 =	vld [tilespmem:$0x3C0];
	v2 =	vor.u32 v1, v2;
	_ =	sdelay $0x4  }
0x135: {  	[tilespmem:v2+s14+$0x0] =	vst.idx.add.f32.msk $0xff, v63  }
0x136: {  	[tilespmem:v2+s14+$0x0] =	vst.idx.add.f32.msk vm0, v63  }
0x137: {  	v2 =	vld.idx.msk [tilespmem:v54+s4+$0x0], $0xffff;
	_ =	sdelay $0x4  }
0x138: {  	v2 =	vshll.u32 v2, $0x3  }
0x139: {  	v63 =	vld [tilespmem:$0x3D0];
	v2 =	vor.u32 v1, v2;
	_ =	sdelay $0x4  }
0x13a: {  	[tilespmem:v2+s14+$0x0] =	vst.idx.add.f32.msk $0xff, v63  }
0x13b: {  	[tilespmem:v2+s14+$0x0] =	vst.idx.add.f32.msk vm0, v63  }
0x13c: {  	v2 =	vld.idx.msk [tilespmem:v57+s4+$0x0], $0xffff;
	_ =	sdelay $0x4  }
0x13d: {  	v2 =	vshll.u32 v2, $0x3  }
0x13e: {  	v63 =	vld [tilespmem:$0x3E0];
	v2 =	vor.u32 v1, v2;
	_ =	sdelay $0x4  }
0x13f: {  	[tilespmem:v2+s14+$0x0] =	vst.idx.add.f32.msk $0xff, v63  }
0x140: {  	[tilespmem:v2+s14+$0x0] =	vst.idx.add.f32.msk vm0, v63  }
0x141: {  	v2 =	vld.idx.msk [tilespmem:v56+s4+$0x0], $0xffff;
	_ =	sdelay $0x4  }
0x142: {  	v2 =	vshll.u32 v2, $0x3  }
0x143: {  	v63 =	vld [tilespmem:$0x3F0];
	v2 =	vor.u32 v1, v2;
	_ =	sdelay $0x4  }
0x144: {  	[tilespmem:v2+s14+$0x0] =	vst.idx.add.f32.msk $0xff, v63  }
0x145: {  	[tilespmem:v2+s14+$0x0] =	vst.idx.add.f32.msk vm0, v63  }
0x146: {  	v2 =	vld.idx.msk [tilespmem:v59+s4+$0x0], $0xffff;
	_ =	sdelay $0x4  }
0x147: {  	v2 =	vshll.u32 v2, $0x3  }
0x148: {  	v63 =	vld [tilespmem:$0x400];
	v2 =	vor.u32 v1, v2;
	_ =	sdelay $0x4  }
0x149: {  	[tilespmem:v2+s14+$0x0] =	vst.idx.add.f32.msk $0xff, v63  }
0x14a: {  	[tilespmem:v2+s14+$0x0] =	vst.idx.add.f32.msk vm0, v63  }
0x14b: {  	v2 =	vld.idx.msk [tilespmem:v58+s4+$0x0], $0xffff;
	_ =	sdelay $0x4  }
0x14c: {  	v2 =	vshll.u32 v2, $0x3  }
0x14d: {  	v63 =	vld [tilespmem:$0x410];
	v2 =	vor.u32 v1, v2;
	_ =	sdelay $0x4  }
0x14e: {  	[tilespmem:v2+s14+$0x0] =	vst.idx.add.f32.msk $0xff, v63  }
0x14f: {  	[tilespmem:v2+s14+$0x0] =	vst.idx.add.f32.msk vm0, v63  }
0x150: {  	v2 =	vld.idx.msk [tilespmem:v60+s4+$0x0], $0xffff;
	_ =	sdelay $0x4  }
0x151: {  	v2 =	vshll.u32 v2, $0x3  }
0x152: {  	v63 =	vld [tilespmem:$0x420];
	v2 =	vor.u32 v1, v2;
	_ =	sdelay $0x4  }
0x153: {  	[tilespmem:v2+s14+$0x0] =	vst.idx.add.f32.msk $0xff, v63  }
0x154: {  	[tilespmem:v2+s14+$0x0] =	vst.idx.add.f32.msk vm0, v63  }
0x155: {  	v2 =	vld.idx.msk [tilespmem:v61+s4+$0x0], $0xffff;
	_ =	sdelay $0x4  }
0x156: {  	v2 =	vshll.u32 v2, $0x3  }
0x157: {  	v63 =	vld [tilespmem:$0x430];
	v2 =	vor.u32 v1, v2;
	_ =	sdelay $0x4  }
0x158: {  	[tilespmem:v2+s14+$0x0] =	vst.idx.add.f32.msk $0xff, v63  }
0x159: {  	[tilespmem:v2+s14+$0x0] =	vst.idx.add.f32.msk vm0, v63  }
0x15a: {  	v2 =	vld [tilespmem:$0x1FFE0];
	_ =	sdelay $0x7  }
0x15b: {  	v2 =	vld.idx.msk [tilespmem:v2+s4+$0x0], $0xffff;
	_ =	sdelay $0x4  }
0x15c: {  	v2 =	vshll.u32 v2, $0x3  }
0x15d: {  	v63 =	vld [tilespmem:$0x440];
	v2 =	vor.u32 v1, v2;
	_ =	sdelay $0x4  }
0x15e: {  	[tilespmem:v2+s14+$0x0] =	vst.idx.add.f32.msk $0xff, v63  }
0x15f: {  	[tilespmem:v2+s14+$0x0] =	vst.idx.add.f32.msk vm0, v63  }
0x160: {  	v2 =	vld.idx.msk [tilespmem:v62+s4+$0x0], $0xffff;
	v62 =	vmov v61;
	v61 =	vmov v60  }
0x161: {  	v60 =	vmovc v59;
	v59 =	vmovc v58;
	v58 =	vmov v57;
	v57 =	vmov v56;
	v56 =	vmov v55  }
0x162: {  	v55 =	vmovc v54;
	v54 =	vmovc v53;
	v53 =	vmov v52;
	v52 =	vmov v51;
	v51 =	vmov v50  }
0x163: {  	v50 =	vmovc v49;
	v49 =	vmovc v48;
	v48 =	vmov v47;
	v47 =	vmov v46;
	v46 =	vmov v45  }
0x164: {  	v45 =	vmovc v44;
	v44 =	vmovc v43;
	v43 =	vmov v42;
	v42 =	vmov v41;
	v41 =	vmov v40  }
0x165: {  	v40 =	vmovc v39;
	v39 =	vmovc v38;
	v38 =	vmov v37;
	v37 =	vmov v36;
	v36 =	vmov v35  }
0x166: {  	v35 =	vmovc v34;
	v34 =	vmovc v33;
	v33 =	vmov v32;
	v32 =	vmov v31;
	v31 =	vmov v30  }
0x167: {  	v30 =	vmovc v29;
	v29 =	vmovc v28;
	v28 =	vmov v27;
	v27 =	vmov v26;
	v26 =	vmov v25  }
0x168: {  	v25 =	vmovc v24;
	v24 =	vmovc v23;
	v23 =	vmov v22;
	v22 =	vmov v21;
	v21 =	vmov v20  }
0x169: {  	v20 =	vmovc v19;
	v19 =	vmovc v18;
	v18 =	vmov v17;
	v17 =	vmov v16;
	v2 =	vshll.u32 v2, $0x3  }
0x16a: {  	v63 =	vld [tilespmem:$0x450];
	v16 =	vmovc v15;
	v15 =	vmovc v14;
	v14 =	vmov v13;
	v13 =	vmov v12;
	v2 =	vor.u32 v1, v2  }
0x16b: {  	v12 =	vmovc v11;
	v11 =	vmovc v10;
	v10 =	vmov v9;
	v9 =	vmov v8;
	v8 =	vmov v7  }
0x16c: {  	v7 =	vmovc v6;
	v6 =	vmovc v5;
	v5 =	vmov v4;
	v4 =	vmov v3;
	v3 =	vor.u32 $0x7C, v0;
	_ =	sdelay $0x2  }
0x16d: {  	[tilespmem:v2+s14+$0x0] =	vst.idx.add.f32.msk $0xff, v63  }
0x16e: {  	[tilespmem:v2+s14+$0x0] =	vst.idx.add.f32.msk vm0, v63  }
0x16f: {  	v2 =	vld.idx.msk [tilespmem:v3+s4+$0x0], $0xffff;
	_ =	sdelay $0x4  }
0x170: {  	v2 =	vshll.u32 v2, $0x3  }
0x171: {  	v3 =	vld [tilespmem:$0x460];
	v2 =	vor.u32 v1, v2;
	_ =	sdelay $0x1  }
0x172: {  	v63 =	vor.u32 $0x7E, v0;
	_ =	sdelay $0x2  }
0x173: {  	[tilespmem:v2+s14+$0x0] =	vst.idx.add.f32.msk $0xff, v3  }
0x174: {  	[tilespmem:v2+s14+$0x0] =	vst.idx.add.f32.msk vm0, v3  }
0x175: {  	v2 =	vld.idx.msk [tilespmem:v63+s4+$0x0], $0xffff;
	_ =	sdelay $0x4  }
0x176: {  	v2 =	vshll.u32 v2, $0x3  }
0x177: {  	v3 =	vld [tilespmem:$0x470];
	v2 =	vor.u32 v1, v2;
	_ =	sdelay $0x4  }
0x178: {  	[tilespmem:v2+s14+$0x0] =	vst.idx.add.f32.msk $0xff, v3  }
0x179: {  	[tilespmem:v2+s14+$0x0] =	vst.idx.add.f32.msk vm0, v3;
	v3 =	vmovc v4;
	v4 =	vmov v5;
	v5 =	vmov v6;
	v6 =	vmov v7  }
0x17a: {  	v7 =	vmovc v8;
	v8 =	vmovc v9;
	v9 =	vmov v10;
	v10 =	vmov v11;
	v11 =	vmov v12  }
0x17b: {  	v12 =	vmovc v13;
	v13 =	vmovc v14;
	v14 =	vmov v15;
	v15 =	vmov v16;
	v16 =	vmov v17  }
0x17c: {  	v17 =	vmovc v18;
	v18 =	vmovc v19;
	v19 =	vmov v20;
	v20 =	vmov v21;
	v21 =	vmov v22  }
0x17d: {  	v22 =	vmovc v23;
	v23 =	vmovc v24;
	v24 =	vmov v25;
	v25 =	vmov v26;
	v26 =	vmov v27  }
0x17e: {  	v27 =	vmovc v28;
	v28 =	vmovc v29;
	v29 =	vmov v30;
	v30 =	vmov v31;
	v31 =	vmov v32  }
0x17f: {  	p0 =	sne.s32 s28, $0x4F0;
	v32 =	vmovc v33;
	v33 =	vmovc v34;
	v34 =	vmov v35;
	v35 =	vmov v36;
	v36 =	vmov v37  }
.Ltmp0:
0x180: {  	v37 =	vmovc v38;
	v38 =	vmovc v39;
	v39 =	vmov v40;
	v40 =	vmov v41;
	v41 =	vmov v42;
	(pc) =	sbr.rel @p0 .LBB2_2-.Ltmp0, $4  }
0x181: {  	v42 =	vmovc v43;
	v43 =	vmovc v44;
	v44 =	vmov v45;
	v45 =	vmov v46;
	v46 =	vmov v47  }
0x182: {  	v47 =	vmovc v48;
	v48 =	vmovc v49;
	v49 =	vmov v50;
	v50 =	vmov v51;
	v51 =	vmov v52  }
0x183: {  	v52 =	vmovc v53;
	v53 =	vmovc v54;
	v54 =	vmov v55;
	v55 =	vmov v56;
	v56 =	vmov v57  }
0x184: {  	s28 =	sadd.s32 $0x10, s28;
	s26 =	sadd.s32 $0x80, s26;
	v57 =	vmovc v58;
	v58 =	vmovc v59;
	v59 =	vmov v60;
	v60 =	vmov v61;
	v61 =	vmov v62;
	v62 =	vld [tilespmem:$0x1FFF0]  }
0x185: {  	[bflag:$0x0] =	sbarrier.arrive $0xFFFF  }
0x186: {  	[spmem:s3] =	stream.indirect.scatter.add.f32 [tilespmem:s14], [sflag:$0x1], $0x80, s15, s16, $0xb8;
	[tilespmem:$0x15C80] =	vst v63  }
0x187: {  	_ =	swait.ge [sflag:s13], $0x4000  }
0x188: {  	[sflag:s13] =	ssyncset.done $0x0  }
0x189: {  	[sflag:s13] =	ssyncadd.s32 $0xFFFFC000  }
0x18a: {  	[spmem:s3] =	stream.indirect.scatter.add.f32 [tilespmem:s18], [sflag:$0x1], $0x80, s17, s16, $0xb8;
	[tilespmem:$0x15C80] =	vst v63  }
0x18b: {  	_ =	swait.ge [sflag:s13], $0x4000  }
0x18c: {  	[sflag:s13] =	ssyncset.done $0x0  }
0x18d: {  	[sflag:s13] =	ssyncadd.s32 $0xFFFFC000  }
0x18e: {  	[spmem:s3] =	stream.indirect.scatter.add.f32 [tilespmem:s20], [sflag:$0x1], $0x80, s19, s16, $0xb8;
	[tilespmem:$0x15C80] =	vst v63  }
0x18f: {  	_ =	swait.ge [sflag:s13], $0x4000  }
0x190: {  	[sflag:s13] =	ssyncset.done $0x0  }
0x191: {  	[sflag:s13] =	ssyncadd.s32 $0xFFFFC000  }
0x192: {  	[spmem:s3] =	stream.indirect.scatter.add.f32 [tilespmem:s22], [sflag:$0x1], $0x80, s21, s16, $0xb8;
	[tilespmem:$0x15C80] =	vst v63  }
0x193: {  	_ =	swait.ge [sflag:s13], $0x4000  }
0x194: {  	[sflag:s13] =	ssyncset.done $0x0  }
0x195: {  	[sflag:s13] =	ssyncadd.s32 $0xFFFFC000  }
0x196: {  	[spmem:s3] =	stream.indirect.scatter.add.f32 [tilespmem:s24], [sflag:$0x1], $0x80, s23, s16, $0xb8;
	[tilespmem:$0x15C80] =	vst v63  }
0x197: {  	_ =	swait.ge [sflag:s13], $0x4000  }
0x198: {  	s25 =	sadd.s32 $0x1, s25;
	[sflag:s13] =	ssyncset.done $0x0  }
0x199: {  	p0 =	sne.s32 s25, s9;
	[sflag:s13] =	ssyncadd.s32 $0xFFFFC000  }
.Ltmp1:
0x19a: {  	[bflag:$0x0] =	sbarrier.arrive $0xFFFF;
	(pc) =	sbr.rel @p0 .LBB2_1-.Ltmp1, $4  }
0x19b: {  	[hbm:s8], [sflag:s7] =	dma.local [spmem:s12], $0x280  }
0x19c: {  	_ =	swait.ge [sflag:s13], $0x280  }
0x19d: {  	[sflag:s13] =	ssyncset.done $0x0  }
0x19e: {  	[sflag:s13] =	ssyncadd.s32 $0xFFFFFD80  }
0x19f: {  	_ =	sfence.sel $0x180000  }
0x1a0: {  	[bflag:$0x0] =	sbarrier.arrive $0xFFFF  }
0x1a1: {  	p0 =	sne.s32 s1, $0x0;
	_ =	strace $0x90000047  }
0x1a2: {  	s0 =	sadd.s32 @!p0 $0x100000, s2;
	[bflag:$0x2] =	sbarrier.arrive $0xFFFF  }
0x1a3: {  	[sflag:s0] =	ssyncadd.tile.s32 @!p0 $0x1;
	_ =	shalt  }
.Lfunc_end2:
_tile_overlayer_lowered:
.L_overlay_start_2:
0x1a4: {  	(tag) =	ssettag $0x2  }
0x1a5: {  	s0 =	rddreg [dreg:$0x0];
	s2 =	stileid.u32  }
0x1a6: {  	s1 =	rddreg [dreg:$0x1];
	p0 =	sne.s32 s2, $0x0  }
0x1a7: {  	s3 =	rddreg [dreg:$0x2];
	[bflag:$0x3] =	sbarrier.arrive $0xFFFF;
	s2 =	simm.s32 @!p0 $0x1C01  }
0x1a8: {  	[timem:s3], [sflag:s2] =	dma.local @!p0 [hbm:s0], s1  }
0x1a9: {  	s0 =	simm.s32 @!p0 $0x1  }
0x1aa: {  	_ =	swait.ge @!p0 [sflag:s0], s1  }
0x1ab: {  	s1 =	ssub.s32 @!p0 $0x0, s1;
	[sflag:s0] =	ssyncset.done @!p0 $0x0  }
0x1ac: {  	[sflag:s0] =	ssyncadd.s32 @!p0 s1  }
0x1ad: {  	[bflag:$0x3] =	sbarrier.arrive $0xFFFF  }
0x1ae: {  	_ =	shalt  }

</sc_bundles>
